<compile_context>
chip_gen: v7x
topology: tpu7x:2x2x1
jax: 0.10.2.dev20260603
libtpu: 0.0.44.dev20260713+nightly
codegen_flags: <defaults>
</compile_context>

<pallas_src>
import functools

import jax
import jax.numpy as jnp
from jax import lax
from jax.experimental import pallas as pl
from jax.experimental.pallas import tpu as pltpu
from jax.experimental.pallas import tpu_sc as plsc

N_HEADS = 4
N_OUT = 4
KC = 128
NC = 2
NS = 16
NW = NC * NS


def _edge_pass_body(cpw, cols, t_hbm, y_hbm, src_hbm, dst_hbm, c_hbm,
                    z_hbm, ones_hbm, out_hbm, ttab, y_vA, y_vB, m_v,
                    isrcA, isrcB, idstA, idstB, c_v, acc,
                    semYA, semYB, semIA, semIB):
  cid = lax.axis_index("c")
  sid = lax.axis_index("s")
  w = sid * NC + cid

  pltpu.sync_copy(t_hbm, ttab)
  pltpu.sync_copy(c_hbm, c_v)
  pltpu.sync_copy(ones_hbm, m_v)

  @pl.when(sid == 0)
  def _():
    pltpu.sync_copy(z_hbm, acc)

  plsc.subcore_barrier()

  iota = lax.iota(jnp.int32, 16)
  fh = [jnp.full((16,), h, jnp.int32) for h in range(N_HEADS)]
  csp = [c_v[h, :] for h in range(N_HEADS)]

  def fetch_idx(isrc, idst, semI, k):
    eb = (w * cpw + k) * KC
    pltpu.async_copy(src_hbm.at[pl.ds(eb, KC)], isrc, semI)
    pltpu.async_copy(dst_hbm.at[pl.ds(eb, KC)], idst, semI)

  def wait_idx(isrc, idst, semI, k):
    eb = (w * cpw + k) * KC
    pltpu.make_async_copy(src_hbm.at[pl.ds(eb, KC)], isrc, semI).wait()
    pltpu.make_async_copy(dst_hbm.at[pl.ds(eb, KC)], idst, semI).wait()

  def compute_scatter(y_v, isrc, idst):
    for g in range(KC // 16):
      s16 = isrc[pl.ds(g * 16, 16)]
      d16 = idst[pl.ds(g * 16, 16)]
      rows = iota + (g * 16)
      ts = [plsc.load_gather(ttab, [s16, fh[h]]) for h in range(N_HEADS)]
      td = [plsc.load_gather(ttab, [d16, fh[h]]) for h in range(N_HEADS)]
      d = [ts[h] - td[h] + csp[h] for h in range(N_HEADS)]
      mx = jnp.maximum(jnp.maximum(d[0], d[1]), jnp.maximum(d[2], d[3]))
      e = [jnp.exp(d[h] - mx) for h in range(N_HEADS)]
      ssum = (e[0] + e[1]) + (e[2] + e[3])
      q = [e[h] / ssum for h in range(N_HEADS)]
      for o in range(N_OUT):
        mo = q[0] * plsc.load_gather(
            y_v, [rows, jnp.full((16,), o, jnp.int32)])
        for h in range(1, N_HEADS):
          mo = mo + q[h] * plsc.load_gather(
              y_v, [rows, jnp.full((16,), h * N_OUT + o, jnp.int32)])
        plsc.store_scatter(m_v, [rows, jnp.full((16,), o, jnp.int32)], mo)
    pltpu.sync_copy(m_v, acc.at[idst], add=True)

  bufs = ((y_vA, isrcA, idstA, semYA, semIA),
          (y_vB, isrcB, idstB, semYB, semIB))

  fetch_idx(isrcA, idstA, semIA, 0)
  wait_idx(isrcA, idstA, semIA, 0)
  pltpu.async_copy(y_hbm.at[isrcA], y_vA, semYA)
  fetch_idx(isrcB, idstB, semIB, 1)

  def step(kk, carry):
    for half in range(2):
      k = 2 * kk + half
      y_v, isrc, idst, semY, semI = bufs[half]
      y_n, isrc_n, idst_n, semY_n, semI_n = bufs[1 - half]
      wait_idx(isrc_n, idst_n, semI_n, jnp.minimum(k + 1, cpw - 1))
      pltpu.async_copy(y_hbm.at[isrc_n], y_n, semY_n)
      pltpu.make_async_copy(y_hbm.at[isrc], y_v, semY).wait()
      compute_scatter(y_v, isrc, idst)
      fetch_idx(isrc, idst, semI, jnp.minimum(k + 2, cpw - 1))
    return carry

  lax.fori_loop(0, cpw // 2, step, 0)
  pltpu.make_async_copy(y_hbm.at[isrcA], y_vA, semYA).wait()
  wait_idx(isrcB, idstB, semIB, cpw - 1)

  plsc.subcore_barrier()

  @pl.when(sid == 0)
  def _():
    pltpu.sync_copy(acc, out_hbm.at[cid])


@functools.partial(jax.jit, static_argnames=("cpw", "first", "nt"))
def _edge_pass(t_pad, y_pad, src_p, dst_p, c_pad, cpw, first, nt):
  cols = 8
  mesh = plsc.VectorSubcoreMesh(
      core_axis_name="c", subcore_axis_name="s", num_cores=NC,
      num_subcores=NS)
  zeros = jnp.zeros((nt, cols), jnp.float32)
  ones = jnp.zeros((KC, cols), jnp.float32)
  if first:
    ones = ones.at[:, N_OUT:].set(1.0)
  body = functools.partial(_edge_pass_body, cpw, cols)
  return pl.kernel(
      body,
      out_type=jax.ShapeDtypeStruct((NC, nt, cols), jnp.float32),
      mesh=mesh,
      scratch_types=[
          pltpu.VMEM((nt, N_HEADS), jnp.float32),
          pltpu.VMEM((KC, N_HEADS * N_OUT), jnp.float32),
          pltpu.VMEM((KC, N_HEADS * N_OUT), jnp.float32),
          pltpu.VMEM((KC, cols), jnp.float32),
          pltpu.VMEM((KC,), jnp.int32),
          pltpu.VMEM((KC,), jnp.int32),
          pltpu.VMEM((KC,), jnp.int32),
          pltpu.VMEM((KC,), jnp.int32),
          pltpu.VMEM((N_HEADS, 16), jnp.float32),
          pltpu.VMEM_SHARED((nt, cols), jnp.float32),
          pltpu.SemaphoreType.DMA,
          pltpu.SemaphoreType.DMA,
          pltpu.SemaphoreType.DMA,
          pltpu.SemaphoreType.DMA,
      ],
      compiler_params=pltpu.CompilerParams(
          needs_layout_passes=False, use_tc_tiling_on_sc=False),
  )(t_pad, y_pad, src_p, dst_p, c_pad, zeros, ones)


def _bn(x, gamma, beta, eps=1e-5):
  mu = x.mean(axis=0)
  var = x.var(axis=0)
  return (x - mu) / jnp.sqrt(var + eps) * gamma + beta


def kernel(x, edge_index, params):
  n, _ = x.shape
  e = edge_index.shape[1]
  src0, dst0 = edge_index[0], edge_index[1]
  mask = src0 != dst0
  loop = jnp.arange(n, dtype=src0.dtype)
  src = jnp.concatenate([src0, loop])
  dst = jnp.concatenate([jnp.where(mask, dst0, n), loop])

  ep_raw = e + n
  ep = ((ep_raw + 2 * NW * KC - 1) // (2 * NW * KC)) * (2 * NW * KC)
  nt = ((n + 1 + 15) // 16) * 16
  npad = ep - ep_raw
  pad_idx = n + (jnp.arange(npad, dtype=jnp.int32) % (nt - n))
  src_p = jnp.concatenate([src, pad_idx]).astype(jnp.int32)
  dst_p = jnp.concatenate([dst, pad_idx]).astype(jnp.int32)
  cpw = ep // (NW * KC)

  convs, bns, lins = params["convs"], params["bns"], params["lins"]

  cnt = None

  def feast(h, conv, first):
    nonlocal cnt
    W, u, c, b = conv
    t = h @ u
    y = h @ W
    t_pad = jnp.zeros((nt, N_HEADS), jnp.float32).at[:n].set(t)
    y_pad = jnp.zeros((nt, N_HEADS * N_OUT), jnp.float32).at[:n].set(y)
    c_pad = jnp.broadcast_to(c[:, None], (N_HEADS, 16)).astype(jnp.float32)
    out2 = _edge_pass(t_pad, y_pad, src_p, dst_p, c_pad,
                      cpw=cpw, first=first, nt=nt)
    ssum = out2[0] + out2[1]
    if first:
      cnt = jnp.maximum(ssum[:n, N_OUT], 1.0)
    s = ssum[:n, :N_OUT] / cnt[:, None] + b
    return jax.nn.relu(s)

  h = feast(x, convs[0], True)
  for i in range(1, 4):
    h = feast(h, convs[i], False)
  h = _bn(h, *bns[0])
  for blk in range(1, 5):
    r = h
    for i in range(4):
      h = feast(h, convs[4 * blk + i], False)
    h = r + _bn(h, *bns[blk])
  z = h
  for i, (W, b) in enumerate(lins):
    z = z @ W.T + b
    if i < 3:
      z = jax.nn.relu(z)
  return jax.nn.sigmoid(z)

# --- scband reference (transcript-rebuilt; emitter-appended) ---
"""Pipeline reference for scband-twenty-conv-14242111553632 (READ-ONLY COPY).

The authoritative reference and input builder live on the scoring server;
editing this copy changes nothing except your own understanding.
"""

import jax, jax.numpy as jnp
import numpy as np

HEADS = 4


def _init_params(key, n_features):
    # 20 FeaStConv layers: block1 = (n_features->4, 4->4, 4->4, 4->4); blocks 2-5 = 4x (4->4)
    dims = [(n_features, 4)] + [(4, 4)] * 3
    for _ in range(4):
        dims += [(4, 4)] * 4
    keys = jax.random.split(key, 64)
    ki = 0
    convs = []
    for (i, o) in dims:
        W = jax.random.normal(keys[ki], (i, HEADS * o), dtype=jnp.float32) * np.sqrt(2.0 / i); ki += 1
        u = jax.random.normal(keys[ki], (i, HEADS), dtype=jnp.float32) * np.sqrt(2.0 / i); ki += 1
        c = jnp.zeros((HEADS,), dtype=jnp.float32)
        b = jnp.zeros((o,), dtype=jnp.float32)
        convs.append((W, u, c, b))
    bns = [(jnp.ones((4,), dtype=jnp.float32), jnp.zeros((4,), dtype=jnp.float32)) for _ in range(5)]
    lins = []
    for (i, o) in [(4, 64), (64, 64), (64, 16), (16, 1)]:
        W = jax.random.normal(keys[ki], (o, i), dtype=jnp.float32) * np.sqrt(1.0 / i); ki += 1
        b = jnp.zeros((o,), dtype=jnp.float32)
        lins.append((W, b))
    return {"convs": convs, "bns": bns, "lins": lins}


def setup_inputs(seed: int = 0) -> dict:
    key = jax.random.key(seed)
    k1, k2, k3 = jax.random.split(key, 3)
    N, E, F = 10000, 320000, 128
    x = jax.random.normal(k1, (N, F), dtype=jnp.float32)
    edge_index = jax.random.randint(k2, (2, E), 0, N, dtype=jnp.int32)
    params = _init_params(k3, F)
    return {"x": x, "edge_index": edge_index, "params": params}


def _process_edges(edge_index, n):
    # PyG FeaStConv default: remove_self_loops then add_self_loops
    src, dst = edge_index[0], edge_index[1]
    mask = src != dst
    loop = jnp.arange(n, dtype=src.dtype)
    dst = jnp.where(mask, dst, jnp.asarray(n, dtype=dst.dtype))
    return jnp.concatenate([src, loop]), jnp.concatenate([dst, loop])


def _feast(x, src, dst, n, W, u, c, b):
    out_ch = W.shape[1] // HEADS
    # q_h = softmax_h(u_h^T (x_j - x_i) + c_h)
    q = jax.nn.softmax((x[src] - x[dst]) @ u + c, axis=1)  # [E, H]
    xj = (x[src] @ W).reshape(-1, HEADS, out_ch)            # [E, H, O]
    m = (xj * q[:, :, None]).sum(axis=1)                    # [E, O]
    s = jax.ops.segment_sum(m, dst, num_segments=n + 1)[:n]
    cnt = jax.ops.segment_sum(jnp.ones((m.shape[0],), x.dtype), dst, num_segments=n + 1)[:n]
    return s / jnp.maximum(cnt, 1.0)[:, None] + b


def _bn(x, gamma, beta, eps=1e-5):
    mu = x.mean(axis=0)
    var = x.var(axis=0)
    return (x - mu) / jnp.sqrt(var + eps) * gamma + beta


def _block(x, src, dst, n, convs, bn):
    for p in convs:
        x = jax.nn.relu(_feast(x, src, dst, n, *p))
    return _bn(x, *bn)


def reference(x, edge_index, params):
    n = x.shape[0]
    src, dst = _process_edges(edge_index, n)
    convs, bns, lins = params["convs"], params["bns"], params["lins"]
    x1 = _block(x, src, dst, n, convs[0:4], bns[0])
    x2 = x1 + _block(x1, src, dst, n, convs[4:8], bns[1])
    x3 = x2 + _block(x2, src, dst, n, convs[8:12], bns[2])
    x4 = x3 + _block(x3, src, dst, n, convs[12:16], bns[3])
    x5 = x4 + _block(x4, src, dst, n, convs[16:20], bns[4])
    z = x5
    for i, (W, b) in enumerate(lins):
        z = z @ W.T + b
        if i < 3:
            z = jax.nn.relu(z)
    return jax.nn.sigmoid(z)

if __name__ == "__main__":
    import jax
    _d = setup_inputs()
    print(jax.jit(kernel)(*tuple(_d.values())))

</pallas_src>

<mosaic_0001>
#map = affine_map<(d0, d1) -> (0, 0)>
#map1 = affine_map<(d0, d1) -> (0)>
#map2 = affine_map<(d0, d1) -> (0, 0, 0)>
module attributes {stable_mosaic.version = 14 : i64} {
  func.func @_edge_pass_body(%arg0: i32, %arg1: i32, %arg2: memref<10016x4xf32, #tpu.memory_space<hbm>>, %arg3: memref<10016x16xf32, #tpu.memory_space<hbm>>, %arg4: memref<335872xi32, #tpu.memory_space<hbm>>, %arg5: memref<335872xi32, #tpu.memory_space<hbm>>, %arg6: memref<4x16xf32, #tpu.memory_space<hbm>>, %arg7: memref<10016x8xf32, #tpu.memory_space<hbm>>, %arg8: memref<128x8xf32, #tpu.memory_space<hbm>>, %arg9: memref<2x10016x8xf32, #tpu.memory_space<hbm>>, %arg10: memref<10016x4xf32, #tpu.memory_space<vmem>>, %arg11: memref<128x16xf32, #tpu.memory_space<vmem>>, %arg12: memref<128x16xf32, #tpu.memory_space<vmem>>, %arg13: memref<128x8xf32, #tpu.memory_space<vmem>>, %arg14: memref<128xi32, #tpu.memory_space<vmem>>, %arg15: memref<128xi32, #tpu.memory_space<vmem>>, %arg16: memref<128xi32, #tpu.memory_space<vmem>>, %arg17: memref<128xi32, #tpu.memory_space<vmem>>, %arg18: memref<4x16xf32, #tpu.memory_space<vmem>>, %arg19: memref<10016x8xf32, #tpu.memory_space<vmem_shared>>, %arg20: memref<!tpu.dma_semaphore, #tpu.memory_space<semaphore_mem>>, %arg21: memref<!tpu.dma_semaphore, #tpu.memory_space<semaphore_mem>>, %arg22: memref<!tpu.dma_semaphore, #tpu.memory_space<semaphore_mem>>, %arg23: memref<!tpu.dma_semaphore, #tpu.memory_space<semaphore_mem>>) attributes {dimension_semantics = [#tpu.dimension_semantics<core_parallel>, #tpu.dimension_semantics<subcore_parallel>], iteration_bounds = array<i64: 2, 16>, scalar_prefetch = 0 : i64, scratch_operands = 14 : i64, tpu.core_type = #tpu.core_type<sc_vector_subcore>, window_params = [{transform_indices = #map}, {transform_indices = #map}, {transform_indices = #map1}, {transform_indices = #map1}, {transform_indices = #map}, {transform_indices = #map}, {transform_indices = #map}, {transform_indices = #map2}]} {
    %mul3A = arith.constant 2 : i32
    %mul3A_0 = arith.muli %arg1, %mul3A : i32
    %add3A = arith.addi %mul3A_0, %arg0 : i32
    "tpu.region"() ({
      %run_scoped3A = tpu.sem_alloc : memref<!tpu.dma_semaphore, #tpu.memory_space<semaphore_mem>>
      tpu.enqueue_dma source(%arg2 : memref<10016x4xf32, #tpu.memory_space<hbm>>) target(%arg10 : memref<10016x4xf32, #tpu.memory_space<vmem>>) target_semaphore(%run_scoped3A : memref<!tpu.dma_semaphore, #tpu.memory_space<semaphore_mem>>)
      tpu.wait_dma2 semaphore(%run_scoped3A : memref<!tpu.dma_semaphore, #tpu.memory_space<semaphore_mem>>) src(%arg2 : memref<10016x4xf32, #tpu.memory_space<hbm>>) dst(%arg10 : memref<10016x4xf32, #tpu.memory_space<vmem>>)
      tpu.yield
    }) : () -> ()
    "tpu.region"() ({
      %run_scoped3A = tpu.sem_alloc : memref<!tpu.dma_semaphore, #tpu.memory_space<semaphore_mem>>
      tpu.enqueue_dma source(%arg6 : memref<4x16xf32, #tpu.memory_space<hbm>>) target(%arg18 : memref<4x16xf32, #tpu.memory_space<vmem>>) target_semaphore(%run_scoped3A : memref<!tpu.dma_semaphore, #tpu.memory_space<semaphore_mem>>)
      tpu.wait_dma2 semaphore(%run_scoped3A : memref<!tpu.dma_semaphore, #tpu.memory_space<semaphore_mem>>) src(%arg6 : memref<4x16xf32, #tpu.memory_space<hbm>>) dst(%arg18 : memref<4x16xf32, #tpu.memory_space<vmem>>)
      tpu.yield
    }) : () -> ()
    "tpu.region"() ({
      %run_scoped3A = tpu.sem_alloc : memref<!tpu.dma_semaphore, #tpu.memory_space<semaphore_mem>>
      tpu.enqueue_dma source(%arg8 : memref<128x8xf32, #tpu.memory_space<hbm>>) target(%arg13 : memref<128x8xf32, #tpu.memory_space<vmem>>) target_semaphore(%run_scoped3A : memref<!tpu.dma_semaphore, #tpu.memory_space<semaphore_mem>>)
      tpu.wait_dma2 semaphore(%run_scoped3A : memref<!tpu.dma_semaphore, #tpu.memory_space<semaphore_mem>>) src(%arg8 : memref<128x8xf32, #tpu.memory_space<hbm>>) dst(%arg13 : memref<128x8xf32, #tpu.memory_space<vmem>>)
      tpu.yield
    }) : () -> ()
    %eq3A = arith.constant 0 : i32
    %eq3A_1 = arith.cmpi eq, %arg1, %eq3A : i32
    %convert_element_type3A = arith.extui %eq3A_1 : i1 to i32
    %cond3A = arith.constant 0 : i32
    %cond3A_2 = arith.cmpi ne, %convert_element_type3A, %cond3A : i32
    scf.if %cond3A_2 {
      "tpu.region"() ({
        %run_scoped3A = tpu.sem_alloc : memref<!tpu.dma_semaphore, #tpu.memory_space<semaphore_mem>>
        tpu.enqueue_dma source(%arg7 : memref<10016x8xf32, #tpu.memory_space<hbm>>) target(%arg19 : memref<10016x8xf32, #tpu.memory_space<vmem_shared>>) target_semaphore(%run_scoped3A : memref<!tpu.dma_semaphore, #tpu.memory_space<semaphore_mem>>)
        tpu.wait_dma2 semaphore(%run_scoped3A : memref<!tpu.dma_semaphore, #tpu.memory_space<semaphore_mem>>) src(%arg7 : memref<10016x8xf32, #tpu.memory_space<hbm>>) dst(%arg19 : memref<10016x8xf32, #tpu.memory_space<vmem_shared>>)
        tpu.yield
      }) : () -> ()
    } else {
    }
    %barrier3A = arith.constant 0 : index
    tpu.barrier barrier_id(%barrier3A)
    %iota3A = tpu.iota {dimensions = array<i32: 0>} : vector<16xi32>
    %broadcast_in_dim3A = arith.constant 0 : i32
    %broadcast_in_dim3A_3 = vector.broadcast %broadcast_in_dim3A : i32 to vector<16xi32>
    %broadcast_in_dim3A_4 = arith.constant 1 : i32
    %broadcast_in_dim3A_5 = vector.broadcast %broadcast_in_dim3A_4 : i32 to vector<16xi32>
    %broadcast_in_dim3A_6 = arith.constant 2 : i32
    %broadcast_in_dim3A_7 = vector.broadcast %broadcast_in_dim3A_6 : i32 to vector<16xi32>
    %broadcast_in_dim3A_8 = arith.constant 3 : i32
    %broadcast_in_dim3A_9 = vector.broadcast %broadcast_in_dim3A_8 : i32 to vector<16xi32>
    %get3A = arith.constant 0 : i32
    %get3A_10 = arith.index_cast %get3A : i32 to index
    %get3A_11 = arith.constant 0 : index
    %get3A_12 = tpu.vector_load %arg18[%get3A_10, %get3A_11] {strides = array<i32>} : memref<4x16xf32, #tpu.memory_space<vmem>>, vector<16xf32>,
    %get3A_13 = arith.constant 1 : i32
    %get3A_14 = arith.index_cast %get3A_13 : i32 to index
    %get3A_15 = arith.constant 0 : index
    %get3A_16 = tpu.vector_load %arg18[%get3A_14, %get3A_15] {strides = array<i32>} : memref<4x16xf32, #tpu.memory_space<vmem>>, vector<16xf32>,
    %get3A_17 = arith.constant 2 : i32
    %get3A_18 = arith.index_cast %get3A_17 : i32 to index
    %get3A_19 = arith.constant 0 : index
    %get3A_20 = tpu.vector_load %arg18[%get3A_18, %get3A_19] {strides = array<i32>} : memref<4x16xf32, #tpu.memory_space<vmem>>, vector<16xf32>,
    %get3A_21 = arith.constant 3 : i32
    %get3A_22 = arith.index_cast %get3A_21 : i32 to index
    %get3A_23 = arith.constant 0 : index
    %get3A_24 = tpu.vector_load %arg18[%get3A_22, %get3A_23] {strides = array<i32>} : memref<4x16xf32, #tpu.memory_space<vmem>>, vector<16xf32>,
    %mul3A_25 = arith.constant 82 : i32
    %mul3A_26 = arith.muli %add3A, %mul3A_25 : i32
    %add3A_27 = arith.constant 0 : i32
    %add3A_28 = arith.addi %mul3A_26, %add3A_27 : i32
    %mul3A_29 = arith.constant 128 : i32
    %mul3A_30 = arith.muli %add3A_28, %mul3A_29 : i32
    %dma_start3A = tpu.memref_slice %arg4[%mul3A_30] : memref<335872xi32, #tpu.memory_space<hbm>> -> memref<128xi32, #tpu.memory_space<hbm>>
    %dma_start3A_31 = tpu.memref_slice %arg4[%mul3A_30] : memref<335872xi32, #tpu.memory_space<hbm>> -> memref<128xi32, #tpu.memory_space<hbm>>
    tpu.enqueue_dma source(%dma_start3A_31 : memref<128xi32, #tpu.memory_space<hbm>>) target(%arg14 : memref<128xi32, #tpu.memory_space<vmem>>) target_semaphore(%arg22 : memref<!tpu.dma_semaphore, #tpu.memory_space<semaphore_mem>>)
    %dma_start3A_32 = tpu.memref_slice %arg5[%mul3A_30] : memref<335872xi32, #tpu.memory_space<hbm>> -> memref<128xi32, #tpu.memory_space<hbm>>
    %dma_start3A_33 = tpu.memref_slice %arg5[%mul3A_30] : memref<335872xi32, #tpu.memory_space<hbm>> -> memref<128xi32, #tpu.memory_space<hbm>>
    tpu.enqueue_dma source(%dma_start3A_33 : memref<128xi32, #tpu.memory_space<hbm>>) target(%arg16 : memref<128xi32, #tpu.memory_space<vmem>>) target_semaphore(%arg22 : memref<!tpu.dma_semaphore, #tpu.memory_space<semaphore_mem>>)
    %mul3A_34 = arith.constant 82 : i32
    %mul3A_35 = arith.muli %add3A, %mul3A_34 : i32
    %add3A_36 = arith.constant 0 : i32
    %add3A_37 = arith.addi %mul3A_35, %add3A_36 : i32
    %mul3A_38 = arith.constant 128 : i32
    %mul3A_39 = arith.muli %add3A_37, %mul3A_38 : i32
    %dma_wait3A = tpu.memref_slice %arg4[%mul3A_39] : memref<335872xi32, #tpu.memory_space<hbm>> -> memref<128xi32, #tpu.memory_space<hbm>>
    %dma_wait3A_40 = tpu.memref_slice %arg4[%mul3A_39] : memref<335872xi32, #tpu.memory_space<hbm>> -> memref<128xi32, #tpu.memory_space<hbm>>
    tpu.wait_dma2 semaphore(%arg22 : memref<!tpu.dma_semaphore, #tpu.memory_space<semaphore_mem>>) src(%dma_wait3A_40 : memref<128xi32, #tpu.memory_space<hbm>>) dst(%arg14 : memref<128xi32, #tpu.memory_space<vmem>>)
    %dma_wait3A_41 = tpu.memref_slice %arg5[%mul3A_39] : memref<335872xi32, #tpu.memory_space<hbm>> -> memref<128xi32, #tpu.memory_space<hbm>>
    %dma_wait3A_42 = tpu.memref_slice %arg5[%mul3A_39] : memref<335872xi32, #tpu.memory_space<hbm>> -> memref<128xi32, #tpu.memory_space<hbm>>
    tpu.wait_dma2 semaphore(%arg22 : memref<!tpu.dma_semaphore, #tpu.memory_space<semaphore_mem>>) src(%dma_wait3A_42 : memref<128xi32, #tpu.memory_space<hbm>>) dst(%arg16 : memref<128xi32, #tpu.memory_space<vmem>>)
    %dma_start3A_43 = arith.constant 0 : i32
    %dma_start3A_44 = arith.constant 0 : i32
    %dma_start3A_45 = tpu.memref_slice %arg3[%dma_start3A_43, %dma_start3A_44] : memref<10016x16xf32, #tpu.memory_space<hbm>> -> memref<10016x16xf32, #tpu.memory_space<hbm>>
    tpu.enqueue_indirect_dma source(%dma_start3A_45 : memref<10016x16xf32, #tpu.memory_space<hbm>>) target(%arg11 : memref<128x16xf32, #tpu.memory_space<vmem>>) offsets(%arg14 : memref<128xi32, #tpu.memory_space<vmem>>) semaphore(%arg20 : memref<!tpu.dma_semaphore, #tpu.memory_space<semaphore_mem>>)
    %mul3A_46 = arith.constant 82 : i32
    %mul3A_47 = arith.muli %add3A, %mul3A_46 : i32
    %add3A_48 = arith.constant 1 : i32
    %add3A_49 = arith.addi %mul3A_47, %add3A_48 : i32
    %mul3A_50 = arith.constant 128 : i32
    %mul3A_51 = arith.muli %add3A_49, %mul3A_50 : i32
    %dma_start3A_52 = tpu.memref_slice %arg4[%mul3A_51] : memref<335872xi32, #tpu.memory_space<hbm>> -> memref<128xi32, #tpu.memory_space<hbm>>
    %dma_start3A_53 = tpu.memref_slice %arg4[%mul3A_51] : memref<335872xi32, #tpu.memory_space<hbm>> -> memref<128xi32, #tpu.memory_space<hbm>>
    tpu.enqueue_dma source(%dma_start3A_53 : memref<128xi32, #tpu.memory_space<hbm>>) target(%arg15 : memref<128xi32, #tpu.memory_space<vmem>>) target_semaphore(%arg23 : memref<!tpu.dma_semaphore, #tpu.memory_space<semaphore_mem>>)
    %dma_start3A_54 = tpu.memref_slice %arg5[%mul3A_51] : memref<335872xi32, #tpu.memory_space<hbm>> -> memref<128xi32, #tpu.memory_space<hbm>>
    %dma_start3A_55 = tpu.memref_slice %arg5[%mul3A_51] : memref<335872xi32, #tpu.memory_space<hbm>> -> memref<128xi32, #tpu.memory_space<hbm>>
    tpu.enqueue_dma source(%dma_start3A_55 : memref<128xi32, #tpu.memory_space<hbm>>) target(%arg17 : memref<128xi32, #tpu.memory_space<vmem>>) target_semaphore(%arg23 : memref<!tpu.dma_semaphore, #tpu.memory_space<semaphore_mem>>)
    %scan3A = arith.constant 0 : i32
    %scan3A_56 = arith.constant 0 : i32
    %scan3A_57 = arith.constant 41 : i32
    %scan3A_58 = arith.addi %scan3A_56, %scan3A_57 : i32
    %scan3A_59 = arith.constant 1 : i32
    scf.for %scan3A_80 = %scan3A_56 to %scan3A_58 step %scan3A_59  : i32 {
      %mul3A_81 = arith.constant 2 : i32
      %mul3A_82 = arith.muli %mul3A_81, %scan3A_80 : i32
      %add3A_83 = arith.constant 0 : i32
      %add3A_84 = arith.addi %mul3A_82, %add3A_83 : i32
      %add3A_85 = arith.constant 1 : i32
      %add3A_86 = arith.addi %add3A_84, %add3A_85 : i32
      %min3A = arith.constant 81 : i32
      %min3A_87 = arith.minsi %add3A_86, %min3A : i32
      %mul3A_88 = arith.constant 82 : i32
      %mul3A_89 = arith.muli %add3A, %mul3A_88 : i32
      %add3A_90 = arith.addi %mul3A_89, %min3A_87 : i32
      %mul3A_91 = arith.constant 128 : i32
      %mul3A_92 = arith.muli %add3A_90, %mul3A_91 : i32
      %dma_wait3A_93 = tpu.memref_slice %arg4[%mul3A_92] : memref<335872xi32, #tpu.memory_space<hbm>> -> memref<128xi32, #tpu.memory_space<hbm>>
      %dma_wait3A_94 = tpu.memref_slice %arg4[%mul3A_92] : memref<335872xi32, #tpu.memory_space<hbm>> -> memref<128xi32, #tpu.memory_space<hbm>>
      tpu.wait_dma2 semaphore(%arg23 : memref<!tpu.dma_semaphore, #tpu.memory_space<semaphore_mem>>) src(%dma_wait3A_94 : memref<128xi32, #tpu.memory_space<hbm>>) dst(%arg15 : memref<128xi32, #tpu.memory_space<vmem>>)
      %dma_wait3A_95 = tpu.memref_slice %arg5[%mul3A_92] : memref<335872xi32, #tpu.memory_space<hbm>> -> memref<128xi32, #tpu.memory_space<hbm>>
      %dma_wait3A_96 = tpu.memref_slice %arg5[%mul3A_92] : memref<335872xi32, #tpu.memory_space<hbm>> -> memref<128xi32, #tpu.memory_space<hbm>>
      tpu.wait_dma2 semaphore(%arg23 : memref<!tpu.dma_semaphore, #tpu.memory_space<semaphore_mem>>) src(%dma_wait3A_96 : memref<128xi32, #tpu.memory_space<hbm>>) dst(%arg17 : memref<128xi32, #tpu.memory_space<vmem>>)
      %dma_start3A_97 = arith.constant 0 : i32
      %dma_start3A_98 = arith.constant 0 : i32
      %dma_start3A_99 = tpu.memref_slice %arg3[%dma_start3A_97, %dma_start3A_98] : memref<10016x16xf32, #tpu.memory_space<hbm>> -> memref<10016x16xf32, #tpu.memory_space<hbm>>
      tpu.enqueue_indirect_dma source(%dma_start3A_99 : memref<10016x16xf32, #tpu.memory_space<hbm>>) target(%arg12 : memref<128x16xf32, #tpu.memory_space<vmem>>) offsets(%arg15 : memref<128xi32, #tpu.memory_space<vmem>>) semaphore(%arg21 : memref<!tpu.dma_semaphore, #tpu.memory_space<semaphore_mem>>)
      %dma_wait3A_100 = arith.constant 0 : i32
      %dma_wait3A_101 = arith.constant 0 : i32
      %dma_wait3A_102 = tpu.memref_slice %arg3[%dma_wait3A_100, %dma_wait3A_101] : memref<10016x16xf32, #tpu.memory_space<hbm>> -> memref<10016x16xf32, #tpu.memory_space<hbm>>
      tpu.wait_indirect_dma semaphore(%arg20 : memref<!tpu.dma_semaphore, #tpu.memory_space<semaphore_mem>>) src(%dma_wait3A_102 : memref<10016x16xf32, #tpu.memory_space<hbm>>) dst(%arg11 : memref<128x16xf32, #tpu.memory_space<vmem>>)
      %get3A_103 = arith.constant 0 : index
      %get3A_104 = tpu.vector_load %arg14[%get3A_103] {strides = array<i32>} : memref<128xi32, #tpu.memory_space<vmem>>, vector<16xi32>,
      %get3A_105 = arith.constant 0 : index
      %get3A_106 = tpu.vector_load %arg16[%get3A_105] {strides = array<i32>} : memref<128xi32, #tpu.memory_space<vmem>>, vector<16xi32>,
      %add3A_107 = arith.constant 0 : i32
      %add3A_108 = vector.broadcast %add3A_107 : i32 to vector<16xi32>
      %add3A_109 = arith.addi %iota3A, %add3A_108 : vector<16xi32>
      %gather3A = tpu.vector_load_idx %arg10[%get3A_104, %broadcast_in_dim3A_3] : memref<10016x4xf32, #tpu.memory_space<vmem>>[vector<16xi32>, vector<16xi32>], vector<16xf32>,
      %gather3A_110 = tpu.vector_load_idx %arg10[%get3A_104, %broadcast_in_dim3A_5] : memref<10016x4xf32, #tpu.memory_space<vmem>>[vector<16xi32>, vector<16xi32>], vector<16xf32>,
      %gather3A_111 = tpu.vector_load_idx %arg10[%get3A_104, %broadcast_in_dim3A_7] : memref<10016x4xf32, #tpu.memory_space<vmem>>[vector<16xi32>, vector<16xi32>], vector<16xf32>,
      %gather3A_112 = tpu.vector_load_idx %arg10[%get3A_104, %broadcast_in_dim3A_9] : memref<10016x4xf32, #tpu.memory_space<vmem>>[vector<16xi32>, vector<16xi32>], vector<16xf32>,
      %gather3A_113 = tpu.vector_load_idx %arg10[%get3A_106, %broadcast_in_dim3A_3] : memref<10016x4xf32, #tpu.memory_space<vmem>>[vector<16xi32>, vector<16xi32>], vector<16xf32>,
      %gather3A_114 = tpu.vector_load_idx %arg10[%get3A_106, %broadcast_in_dim3A_5] : memref<10016x4xf32, #tpu.memory_space<vmem>>[vector<16xi32>, vector<16xi32>], vector<16xf32>,
      %gather3A_115 = tpu.vector_load_idx %arg10[%get3A_106, %broadcast_in_dim3A_7] : memref<10016x4xf32, #tpu.memory_space<vmem>>[vector<16xi32>, vector<16xi32>], vector<16xf32>,
      %gather3A_116 = tpu.vector_load_idx %arg10[%get3A_106, %broadcast_in_dim3A_9] : memref<10016x4xf32, #tpu.memory_space<vmem>>[vector<16xi32>, vector<16xi32>], vector<16xf32>,
      %sub3A = arith.subf %gather3A, %gather3A_113 : vector<16xf32>
      %add3A_117 = arith.addf %sub3A, %get3A_12 : vector<16xf32>
      %sub3A_118 = arith.subf %gather3A_110, %gather3A_114 : vector<16xf32>
      %add3A_119 = arith.addf %sub3A_118, %get3A_16 : vector<16xf32>
      %sub3A_120 = arith.subf %gather3A_111, %gather3A_115 : vector<16xf32>
      %add3A_121 = arith.addf %sub3A_120, %get3A_20 : vector<16xf32>
      %sub3A_122 = arith.subf %gather3A_112, %gather3A_116 : vector<16xf32>
      %add3A_123 = arith.addf %sub3A_122, %get3A_24 : vector<16xf32>
      %max3A = arith.maximumf %add3A_117, %add3A_119 : vector<16xf32>
      %max3A_124 = arith.maximumf %add3A_121, %add3A_123 : vector<16xf32>
      %max3A_125 = arith.maximumf %max3A, %max3A_124 : vector<16xf32>
      %sub3A_126 = arith.subf %add3A_117, %max3A_125 : vector<16xf32>
      %exp3A = math.exp %sub3A_126 : vector<16xf32>
      %sub3A_127 = arith.subf %add3A_119, %max3A_125 : vector<16xf32>
      %exp3A_128 = math.exp %sub3A_127 : vector<16xf32>
      %sub3A_129 = arith.subf %add3A_121, %max3A_125 : vector<16xf32>
      %exp3A_130 = math.exp %sub3A_129 : vector<16xf32>
      %sub3A_131 = arith.subf %add3A_123, %max3A_125 : vector<16xf32>
      %exp3A_132 = math.exp %sub3A_131 : vector<16xf32>
      %add3A_133 = arith.addf %exp3A, %exp3A_128 : vector<16xf32>
      %add3A_134 = arith.addf %exp3A_130, %exp3A_132 : vector<16xf32>
      %add3A_135 = arith.addf %add3A_133, %add3A_134 : vector<16xf32>
      %div3A = arith.divf %exp3A, %add3A_135 : vector<16xf32>
      %div3A_136 = arith.divf %exp3A_128, %add3A_135 : vector<16xf32>
      %div3A_137 = arith.divf %exp3A_130, %add3A_135 : vector<16xf32>
      %div3A_138 = arith.divf %exp3A_132, %add3A_135 : vector<16xf32>
      %broadcast_in_dim3A_139 = arith.constant 0 : i32
      %broadcast_in_dim3A_140 = vector.broadcast %broadcast_in_dim3A_139 : i32 to vector<16xi32>
      %gather3A_141 = tpu.vector_load_idx %arg11[%add3A_109, %broadcast_in_dim3A_140] : memref<128x16xf32, #tpu.memory_space<vmem>>[vector<16xi32>, vector<16xi32>], vector<16xf32>,
      %mul3A_142 = arith.mulf %div3A, %gather3A_141 : vector<16xf32>
      %broadcast_in_dim3A_143 = arith.constant 4 : i32
      %broadcast_in_dim3A_144 = vector.broadcast %broadcast_in_dim3A_143 : i32 to vector<16xi32>
      %gather3A_145 = tpu.vector_load_idx %arg11[%add3A_109, %broadcast_in_dim3A_144] : memref<128x16xf32, #tpu.memory_space<vmem>>[vector<16xi32>, vector<16xi32>], vector<16xf32>,
      %mul3A_146 = arith.mulf %div3A_136, %gather3A_145 : vector<16xf32>
      %add3A_147 = arith.addf %mul3A_142, %mul3A_146 : vector<16xf32>
      %broadcast_in_dim3A_148 = arith.constant 8 : i32
      %broadcast_in_dim3A_149 = vector.broadcast %broadcast_in_dim3A_148 : i32 to vector<16xi32>
      %gather3A_150 = tpu.vector_load_idx %arg11[%add3A_109, %broadcast_in_dim3A_149] : memref<128x16xf32, #tpu.memory_space<vmem>>[vector<16xi32>, vector<16xi32>], vector<16xf32>,
      %mul3A_151 = arith.mulf %div3A_137, %gather3A_150 : vector<16xf32>
      %add3A_152 = arith.addf %add3A_147, %mul3A_151 : vector<16xf32>
      %broadcast_in_dim3A_153 = arith.constant 12 : i32
      %broadcast_in_dim3A_154 = vector.broadcast %broadcast_in_dim3A_153 : i32 to vector<16xi32>
      %gather3A_155 = tpu.vector_load_idx %arg11[%add3A_109, %broadcast_in_dim3A_154] : memref<128x16xf32, #tpu.memory_space<vmem>>[vector<16xi32>, vector<16xi32>], vector<16xf32>,
      %mul3A_156 = arith.mulf %div3A_138, %gather3A_155 : vector<16xf32>
      %add3A_157 = arith.addf %add3A_152, %mul3A_156 : vector<16xf32>
      %broadcast_in_dim3A_158 = arith.constant 0 : i32
      %broadcast_in_dim3A_159 = vector.broadcast %broadcast_in_dim3A_158 : i32 to vector<16xi32>
      tpu.vector_store_idx %arg13[%add3A_109, %broadcast_in_dim3A_159], %add3A_157 : memref<128x8xf32, #tpu.memory_space<vmem>>[vector<16xi32>, vector<16xi32>], vector<16xf32>,
      %broadcast_in_dim3A_160 = arith.constant 1 : i32
      %broadcast_in_dim3A_161 = vector.broadcast %broadcast_in_dim3A_160 : i32 to vector<16xi32>
      %gather3A_162 = tpu.vector_load_idx %arg11[%add3A_109, %broadcast_in_dim3A_161] : memref<128x16xf32, #tpu.memory_space<vmem>>[vector<16xi32>, vector<16xi32>], vector<16xf32>,
      %mul3A_163 = arith.mulf %div3A, %gather3A_162 : vector<16xf32>
      %broadcast_in_dim3A_164 = arith.constant 5 : i32
      %broadcast_in_dim3A_165 = vector.broadcast %broadcast_in_dim3A_164 : i32 to vector<16xi32>
      %gather3A_166 = tpu.vector_load_idx %arg11[%add3A_109, %broadcast_in_dim3A_165] : memref<128x16xf32, #tpu.memory_space<vmem>>[vector<16xi32>, vector<16xi32>], vector<16xf32>,
      %mul3A_167 = arith.mulf %div3A_136, %gather3A_166 : vector<16xf32>
      %add3A_168 = arith.addf %mul3A_163, %mul3A_167 : vector<16xf32>
      %broadcast_in_dim3A_169 = arith.constant 9 : i32
      %broadcast_in_dim3A_170 = vector.broadcast %broadcast_in_dim3A_169 : i32 to vector<16xi32>
      %gather3A_171 = tpu.vector_load_idx %arg11[%add3A_109, %broadcast_in_dim3A_170] : memref<128x16xf32, #tpu.memory_space<vmem>>[vector<16xi32>, vector<16xi32>], vector<16xf32>,
      %mul3A_172 = arith.mulf %div3A_137, %gather3A_171 : vector<16xf32>
      %add3A_173 = arith.addf %add3A_168, %mul3A_172 : vector<16xf32>
      %broadcast_in_dim3A_174 = arith.constant 13 : i32
      %broadcast_in_dim3A_175 = vector.broadcast %broadcast_in_dim3A_174 : i32 to vector<16xi32>
      %gather3A_176 = tpu.vector_load_idx %arg11[%add3A_109, %broadcast_in_dim3A_175] : memref<128x16xf32, #tpu.memory_space<vmem>>[vector<16xi32>, vector<16xi32>], vector<16xf32>,
      %mul3A_177 = arith.mulf %div3A_138, %gather3A_176 : vector<16xf32>
      %add3A_178 = arith.addf %add3A_173, %mul3A_177 : vector<16xf32>
      %broadcast_in_dim3A_179 = arith.constant 1 : i32
      %broadcast_in_dim3A_180 = vector.broadcast %broadcast_in_dim3A_179 : i32 to vector<16xi32>
      tpu.vector_store_idx %arg13[%add3A_109, %broadcast_in_dim3A_180], %add3A_178 : memref<128x8xf32, #tpu.memory_space<vmem>>[vector<16xi32>, vector<16xi32>], vector<16xf32>,
      %broadcast_in_dim3A_181 = arith.constant 2 : i32
      %broadcast_in_dim3A_182 = vector.broadcast %broadcast_in_dim3A_181 : i32 to vector<16xi32>
      %gather3A_183 = tpu.vector_load_idx %arg11[%add3A_109, %broadcast_in_dim3A_182] : memref<128x16xf32, #tpu.memory_space<vmem>>[vector<16xi32>, vector<16xi32>], vector<16xf32>,
      %mul3A_184 = arith.mulf %div3A, %gather3A_183 : vector<16xf32>
      %broadcast_in_dim3A_185 = arith.constant 6 : i32
      %broadcast_in_dim3A_186 = vector.broadcast %broadcast_in_dim3A_185 : i32 to vector<16xi32>
      %gather3A_187 = tpu.vector_load_idx %arg11[%add3A_109, %broadcast_in_dim3A_186] : memref<128x16xf32, #tpu.memory_space<vmem>>[vector<16xi32>, vector<16xi32>], vector<16xf32>,
      %mul3A_188 = arith.mulf %div3A_136, %gather3A_187 : vector<16xf32>
      %add3A_189 = arith.addf %mul3A_184, %mul3A_188 : vector<16xf32>
      %broadcast_in_dim3A_190 = arith.constant 10 : i32
      %broadcast_in_dim3A_191 = vector.broadcast %broadcast_in_dim3A_190 : i32 to vector<16xi32>
      %gather3A_192 = tpu.vector_load_idx %arg11[%add3A_109, %broadcast_in_dim3A_191] : memref<128x16xf32, #tpu.memory_space<vmem>>[vector<16xi32>, vector<16xi32>], vector<16xf32>,
      %mul3A_193 = arith.mulf %div3A_137, %gather3A_192 : vector<16xf32>
      %add3A_194 = arith.addf %add3A_189, %mul3A_193 : vector<16xf32>
      %broadcast_in_dim3A_195 = arith.constant 14 : i32
      %broadcast_in_dim3A_196 = vector.broadcast %broadcast_in_dim3A_195 : i32 to vector<16xi32>
      %gather3A_197 = tpu.vector_load_idx %arg11[%add3A_109, %broadcast_in_dim3A_196] : memref<128x16xf32, #tpu.memory_space<vmem>>[vector<16xi32>, vector<16xi32>], vector<16xf32>,
      %mul3A_198 = arith.mulf %div3A_138, %gather3A_197 : vector<16xf32>
      %add3A_199 = arith.addf %add3A_194, %mul3A_198 : vector<16xf32>
      %broadcast_in_dim3A_200 = arith.constant 2 : i32
      %broadcast_in_dim3A_201 = vector.broadcast %broadcast_in_dim3A_200 : i32 to vector<16xi32>
      tpu.vector_store_idx %arg13[%add3A_109, %broadcast_in_dim3A_201], %add3A_199 : memref<128x8xf32, #tpu.memory_space<vmem>>[vector<16xi32>, vector<16xi32>], vector<16xf32>,
      %broadcast_in_dim3A_202 = arith.constant 3 : i32
      %broadcast_in_dim3A_203 = vector.broadcast %broadcast_in_dim3A_202 : i32 to vector<16xi32>
      %gather3A_204 = tpu.vector_load_idx %arg11[%add3A_109, %broadcast_in_dim3A_203] : memref<128x16xf32, #tpu.memory_space<vmem>>[vector<16xi32>, vector<16xi32>], vector<16xf32>,
      %mul3A_205 = arith.mulf %div3A, %gather3A_204 : vector<16xf32>
      %broadcast_in_dim3A_206 = arith.constant 7 : i32
      %broadcast_in_dim3A_207 = vector.broadcast %broadcast_in_dim3A_206 : i32 to vector<16xi32>
      %gather3A_208 = tpu.vector_load_idx %arg11[%add3A_109, %broadcast_in_dim3A_207] : memref<128x16xf32, #tpu.memory_space<vmem>>[vector<16xi32>, vector<16xi32>], vector<16xf32>,
      %mul3A_209 = arith.mulf %div3A_136, %gather3A_208 : vector<16xf32>
      %add3A_210 = arith.addf %mul3A_205, %mul3A_209 : vector<16xf32>
      %broadcast_in_dim3A_211 = arith.constant 11 : i32
      %broadcast_in_dim3A_212 = vector.broadcast %broadcast_in_dim3A_211 : i32 to vector<16xi32>
      %gather3A_213 = tpu.vector_load_idx %arg11[%add3A_109, %broadcast_in_dim3A_212] : memref<128x16xf32, #tpu.memory_space<vmem>>[vector<16xi32>, vector<16xi32>], vector<16xf32>,
      %mul3A_214 = arith.mulf %div3A_137, %gather3A_213 : vector<16xf32>
      %add3A_215 = arith.addf %add3A_210, %mul3A_214 : vector<16xf32>
      %broadcast_in_dim3A_216 = arith.constant 15 : i32
      %broadcast_in_dim3A_217 = vector.broadcast %broadcast_in_dim3A_216 : i32 to vector<16xi32>
      %gather3A_218 = tpu.vector_load_idx %arg11[%add3A_109, %broadcast_in_dim3A_217] : memref<128x16xf32, #tpu.memory_space<vmem>>[vector<16xi32>, vector<16xi32>], vector<16xf32>,
      %mul3A_219 = arith.mulf %div3A_138, %gather3A_218 : vector<16xf32>
      %add3A_220 = arith.addf %add3A_215, %mul3A_219 : vector<16xf32>
      %broadcast_in_dim3A_221 = arith.constant 3 : i32
      %broadcast_in_dim3A_222 = vector.broadcast %broadcast_in_dim3A_221 : i32 to vector<16xi32>
      tpu.vector_store_idx %arg13[%add3A_109, %broadcast_in_dim3A_222], %add3A_220 : memref<128x8xf32, #tpu.memory_space<vmem>>[vector<16xi32>, vector<16xi32>], vector<16xf32>,
      %get3A_223 = arith.constant 16 : index
      %get3A_224 = tpu.vector_load %arg14[%get3A_223] {strides = array<i32>} : memref<128xi32, #tpu.memory_space<vmem>>, vector<16xi32>,
      %get3A_225 = arith.constant 16 : index
      %get3A_226 = tpu.vector_load %arg16[%get3A_225] {strides = array<i32>} : memref<128xi32, #tpu.memory_space<vmem>>, vector<16xi32>,
      %add3A_227 = arith.constant 16 : i32
      %add3A_228 = vector.broadcast %add3A_227 : i32 to vector<16xi32>
      %add3A_229 = arith.addi %iota3A, %add3A_228 : vector<16xi32>
      %gather3A_230 = tpu.vector_load_idx %arg10[%get3A_224, %broadcast_in_dim3A_3] : memref<10016x4xf32, #tpu.memory_space<vmem>>[vector<16xi32>, vector<16xi32>], vector<16xf32>,
      %gather3A_231 = tpu.vector_load_idx %arg10[%get3A_224, %broadcast_in_dim3A_5] : memref<10016x4xf32, #tpu.memory_space<vmem>>[vector<16xi32>, vector<16xi32>], vector<16xf32>,
      %gather3A_232 = tpu.vector_load_idx %arg10[%get3A_224, %broadcast_in_dim3A_7] : memref<10016x4xf32, #tpu.memory_space<vmem>>[vector<16xi32>, vector<16xi32>], vector<16xf32>,
      %gather3A_233 = tpu.vector_load_idx %arg10[%get3A_224, %broadcast_in_dim3A_9] : memref<10016x4xf32, #tpu.memory_space<vmem>>[vector<16xi32>, vector<16xi32>], vector<16xf32>,
      %gather3A_234 = tpu.vector_load_idx %arg10[%get3A_226, %broadcast_in_dim3A_3] : memref<10016x4xf32, #tpu.memory_space<vmem>>[vector<16xi32>, vector<16xi32>], vector<16xf32>,
      %gather3A_235 = tpu.vector_load_idx %arg10[%get3A_226, %broadcast_in_dim3A_5] : memref<10016x4xf32, #tpu.memory_space<vmem>>[vector<16xi32>, vector<16xi32>], vector<16xf32>,
      %gather3A_236 = tpu.vector_load_idx %arg10[%get3A_226, %broadcast_in_dim3A_7] : memref<10016x4xf32, #tpu.memory_space<vmem>>[vector<16xi32>, vector<16xi32>], vector<16xf32>,
      %gather3A_237 = tpu.vector_load_idx %arg10[%get3A_226, %broadcast_in_dim3A_9] : memref<10016x4xf32, #tpu.memory_space<vmem>>[vector<16xi32>, vector<16xi32>], vector<16xf32>,
      %sub3A_238 = arith.subf %gather3A_230, %gather3A_234 : vector<16xf32>
      %add3A_239 = arith.addf %sub3A_238, %get3A_12 : vector<16xf32>
      %sub3A_240 = arith.subf %gather3A_231, %gather3A_235 : vector<16xf32>
      %add3A_241 = arith.addf %sub3A_240, %get3A_16 : vector<16xf32>
      %sub3A_242 = arith.subf %gather3A_232, %gather3A_236 : vector<16xf32>
      %add3A_243 = arith.addf %sub3A_242, %get3A_20 : vector<16xf32>
      %sub3A_244 = arith.subf %gather3A_233, %gather3A_237 : vector<16xf32>
      %add3A_245 = arith.addf %sub3A_244, %get3A_24 : vector<16xf32>
      %max3A_246 = arith.maximumf %add3A_239, %add3A_241 : vector<16xf32>
      %max3A_247 = arith.maximumf %add3A_243, %add3A_245 : vector<16xf32>
      %max3A_248 = arith.maximumf %max3A_246, %max3A_247 : vector<16xf32>
      %sub3A_249 = arith.subf %add3A_239, %max3A_248 : vector<16xf32>
      %exp3A_250 = math.exp %sub3A_249 : vector<16xf32>
      %sub3A_251 = arith.subf %add3A_241, %max3A_248 : vector<16xf32>
      %exp3A_252 = math.exp %sub3A_251 : vector<16xf32>
      %sub3A_253 = arith.subf %add3A_243, %max3A_248 : vector<16xf32>
      %exp3A_254 = math.exp %sub3A_253 : vector<16xf32>
      %sub3A_255 = arith.subf %add3A_245, %max3A_248 : vector<16xf32>
      %exp3A_256 = math.exp %sub3A_255 : vector<16xf32>
      %add3A_257 = arith.addf %exp3A_250, %exp3A_252 : vector<16xf32>
      %add3A_258 = arith.addf %exp3A_254, %exp3A_256 : vector<16xf32>
      %add3A_259 = arith.addf %add3A_257, %add3A_258 : vector<16xf32>
      %div3A_260 = arith.divf %exp3A_250, %add3A_259 : vector<16xf32>
      %div3A_261 = arith.divf %exp3A_252, %add3A_259 : vector<16xf32>
      %div3A_262 = arith.divf %exp3A_254, %add3A_259 : vector<16xf32>
      %div3A_263 = arith.divf %exp3A_256, %add3A_259 : vector<16xf32>
      %broadcast_in_dim3A_264 = arith.constant 0 : i32
      %broadcast_in_dim3A_265 = vector.broadcast %broadcast_in_dim3A_264 : i32 to vector<16xi32>
      %gather3A_266 = tpu.vector_load_idx %arg11[%add3A_229, %broadcast_in_dim3A_265] : memref<128x16xf32, #tpu.memory_space<vmem>>[vector<16xi32>, vector<16xi32>], vector<16xf32>,
      %mul3A_267 = arith.mulf %div3A_260, %gather3A_266 : vector<16xf32>
      %broadcast_in_dim3A_268 = arith.constant 4 : i32
      %broadcast_in_dim3A_269 = vector.broadcast %broadcast_in_dim3A_268 : i32 to vector<16xi32>
      %gather3A_270 = tpu.vector_load_idx %arg11[%add3A_229, %broadcast_in_dim3A_269] : memref<128x16xf32, #tpu.memory_space<vmem>>[vector<16xi32>, vector<16xi32>], vector<16xf32>,
      %mul3A_271 = arith.mulf %div3A_261, %gather3A_270 : vector<16xf32>
      %add3A_272 = arith.addf %mul3A_267, %mul3A_271 : vector<16xf32>
      %broadcast_in_dim3A_273 = arith.constant 8 : i32
      %broadcast_in_dim3A_274 = vector.broadcast %broadcast_in_dim3A_273 : i32 to vector<16xi32>
      %gather3A_275 = tpu.vector_load_idx %arg11[%add3A_229, %broadcast_in_dim3A_274] : memref<128x16xf32, #tpu.memory_space<vmem>>[vector<16xi32>, vector<16xi32>], vector<16xf32>,
      %mul3A_276 = arith.mulf %div3A_262, %gather3A_275 : vector<16xf32>
      %add3A_277 = arith.addf %add3A_272, %mul3A_276 : vector<16xf32>
      %broadcast_in_dim3A_278 = arith.constant 12 : i32
      %broadcast_in_dim3A_279 = vector.broadcast %broadcast_in_dim3A_278 : i32 to vector<16xi32>
      %gather3A_280 = tpu.vector_load_idx %arg11[%add3A_229, %broadcast_in_dim3A_279] : memref<128x16xf32, #tpu.memory_space<vmem>>[vector<16xi32>, vector<16xi32>], vector<16xf32>,
      %mul3A_281 = arith.mulf %div3A_263, %gather3A_280 : vector<16xf32>
      %add3A_282 = arith.addf %add3A_277, %mul3A_281 : vector<16xf32>
      %broadcast_in_dim3A_283 = arith.constant 0 : i32
      %broadcast_in_dim3A_284 = vector.broadcast %broadcast_in_dim3A_283 : i32 to vector<16xi32>
      tpu.vector_store_idx %arg13[%add3A_229, %broadcast_in_dim3A_284], %add3A_282 : memref<128x8xf32, #tpu.memory_space<vmem>>[vector<16xi32>, vector<16xi32>], vector<16xf32>,
      %broadcast_in_dim3A_285 = arith.constant 1 : i32
      %broadcast_in_dim3A_286 = vector.broadcast %broadcast_in_dim3A_285 : i32 to vector<16xi32>
      %gather3A_287 = tpu.vector_load_idx %arg11[%add3A_229, %broadcast_in_dim3A_286] : memref<128x16xf32, #tpu.memory_space<vmem>>[vector<16xi32>, vector<16xi32>], vector<16xf32>,
      %mul3A_288 = arith.mulf %div3A_260, %gather3A_287 : vector<16xf32>
      %broadcast_in_dim3A_289 = arith.constant 5 : i32
      %broadcast_in_dim3A_290 = vector.broadcast %broadcast_in_dim3A_289 : i32 to vector<16xi32>
      %gather3A_291 = tpu.vector_load_idx %arg11[%add3A_229, %broadcast_in_dim3A_290] : memref<128x16xf32, #tpu.memory_space<vmem>>[vector<16xi32>, vector<16xi32>], vector<16xf32>,
      %mul3A_292 = arith.mulf %div3A_261, %gather3A_291 : vector<16xf32>
      %add3A_293 = arith.addf %mul3A_288, %mul3A_292 : vector<16xf32>
      %broadcast_in_dim3A_294 = arith.constant 9 : i32
      %broadcast_in_dim3A_295 = vector.broadcast %broadcast_in_dim3A_294 : i32 to vector<16xi32>
      %gather3A_296 = tpu.vector_load_idx %arg11[%add3A_229, %broadcast_in_dim3A_295] : memref<128x16xf32, #tpu.memory_space<vmem>>[vector<16xi32>, vector<16xi32>], vector<16xf32>,
      %mul3A_297 = arith.mulf %div3A_262, %gather3A_296 : vector<16xf32>
      %add3A_298 = arith.addf %add3A_293, %mul3A_297 : vector<16xf32>
      %broadcast_in_dim3A_299 = arith.constant 13 : i32
      %broadcast_in_dim3A_300 = vector.broadcast %broadcast_in_dim3A_299 : i32 to vector<16xi32>
      %gather3A_301 = tpu.vector_load_idx %arg11[%add3A_229, %broadcast_in_dim3A_300] : memref<128x16xf32, #tpu.memory_space<vmem>>[vector<16xi32>, vector<16xi32>], vector<16xf32>,
      %mul3A_302 = arith.mulf %div3A_263, %gather3A_301 : vector<16xf32>
      %add3A_303 = arith.addf %add3A_298, %mul3A_302 : vector<16xf32>
      %broadcast_in_dim3A_304 = arith.constant 1 : i32
      %broadcast_in_dim3A_305 = vector.broadcast %broadcast_in_dim3A_304 : i32 to vector<16xi32>
      tpu.vector_store_idx %arg13[%add3A_229, %broadcast_in_dim3A_305], %add3A_303 : memref<128x8xf32, #tpu.memory_space<vmem>>[vector<16xi32>, vector<16xi32>], vector<16xf32>,
      %broadcast_in_dim3A_306 = arith.constant 2 : i32
      %broadcast_in_dim3A_307 = vector.broadcast %broadcast_in_dim3A_306 : i32 to vector<16xi32>
      %gather3A_308 = tpu.vector_load_idx %arg11[%add3A_229, %broadcast_in_dim3A_307] : memref<128x16xf32, #tpu.memory_space<vmem>>[vector<16xi32>, vector<16xi32>], vector<16xf32>,
      %mul3A_309 = arith.mulf %div3A_260, %gather3A_308 : vector<16xf32>
      %broadcast_in_dim3A_310 = arith.constant 6 : i32
      %broadcast_in_dim3A_311 = vector.broadcast %broadcast_in_dim3A_310 : i32 to vector<16xi32>
      %gather3A_312 = tpu.vector_load_idx %arg11[%add3A_229, %broadcast_in_dim3A_311] : memref<128x16xf32, #tpu.memory_space<vmem>>[vector<16xi32>, vector<16xi32>], vector<16xf32>,
      %mul3A_313 = arith.mulf %div3A_261, %gather3A_312 : vector<16xf32>
      %add3A_314 = arith.addf %mul3A_309, %mul3A_313 : vector<16xf32>
      %broadcast_in_dim3A_315 = arith.constant 10 : i32
      %broadcast_in_dim3A_316 = vector.broadcast %broadcast_in_dim3A_315 : i32 to vector<16xi32>
      %gather3A_317 = tpu.vector_load_idx %arg11[%add3A_229, %broadcast_in_dim3A_316] : memref<128x16xf32, #tpu.memory_space<vmem>>[vector<16xi32>, vector<16xi32>], vector<16xf32>,
      %mul3A_318 = arith.mulf %div3A_262, %gather3A_317 : vector<16xf32>
      %add3A_319 = arith.addf %add3A_314, %mul3A_318 : vector<16xf32>
      %broadcast_in_dim3A_320 = arith.constant 14 : i32
      %broadcast_in_dim3A_321 = vector.broadcast %broadcast_in_dim3A_320 : i32 to vector<16xi32>
      %gather3A_322 = tpu.vector_load_idx %arg11[%add3A_229, %broadcast_in_dim3A_321] : memref<128x16xf32, #tpu.memory_space<vmem>>[vector<16xi32>, vector<16xi32>], vector<16xf32>,
      %mul3A_323 = arith.mulf %div3A_263, %gather3A_322 : vector<16xf32>
      %add3A_324 = arith.addf %add3A_319, %mul3A_323 : vector<16xf32>
      %broadcast_in_dim3A_325 = arith.constant 2 : i32
      %broadcast_in_dim3A_326 = vector.broadcast %broadcast_in_dim3A_325 : i32 to vector<16xi32>
      tpu.vector_store_idx %arg13[%add3A_229, %broadcast_in_dim3A_326], %add3A_324 : memref<128x8xf32, #tpu.memory_space<vmem>>[vector<16xi32>, vector<16xi32>], vector<16xf32>,
      %broadcast_in_dim3A_327 = arith.constant 3 : i32
      %broadcast_in_dim3A_328 = vector.broadcast %broadcast_in_dim3A_327 : i32 to vector<16xi32>
      %gather3A_329 = tpu.vector_load_idx %arg11[%add3A_229, %broadcast_in_dim3A_328] : memref<128x16xf32, #tpu.memory_space<vmem>>[vector<16xi32>, vector<16xi32>], vector<16xf32>,
      %mul3A_330 = arith.mulf %div3A_260, %gather3A_329 : vector<16xf32>
      %broadcast_in_dim3A_331 = arith.constant 7 : i32
      %broadcast_in_dim3A_332 = vector.broadcast %broadcast_in_dim3A_331 : i32 to vector<16xi32>
      %gather3A_333 = tpu.vector_load_idx %arg11[%add3A_229, %broadcast_in_dim3A_332] : memref<128x16xf32, #tpu.memory_space<vmem>>[vector<16xi32>, vector<16xi32>], vector<16xf32>,
      %mul3A_334 = arith.mulf %div3A_261, %gather3A_333 : vector<16xf32>
      %add3A_335 = arith.addf %mul3A_330, %mul3A_334 : vector<16xf32>
      %broadcast_in_dim3A_336 = arith.constant 11 : i32
      %broadcast_in_dim3A_337 = vector.broadcast %broadcast_in_dim3A_336 : i32 to vector<16xi32>
      %gather3A_338 = tpu.vector_load_idx %arg11[%add3A_229, %broadcast_in_dim3A_337] : memref<128x16xf32, #tpu.memory_space<vmem>>[vector<16xi32>, vector<16xi32>], vector<16xf32>,
      %mul3A_339 = arith.mulf %div3A_262, %gather3A_338 : vector<16xf32>
      %add3A_340 = arith.addf %add3A_335, %mul3A_339 : vector<16xf32>
      %broadcast_in_dim3A_341 = arith.constant 15 : i32
      %broadcast_in_dim3A_342 = vector.broadcast %broadcast_in_dim3A_341 : i32 to vector<16xi32>
      %gather3A_343 = tpu.vector_load_idx %arg11[%add3A_229, %broadcast_in_dim3A_342] : memref<128x16xf32, #tpu.memory_space<vmem>>[vector<16xi32>, vector<16xi32>], vector<16xf32>,
      %mul3A_344 = arith.mulf %div3A_263, %gather3A_343 : vector<16xf32>
      %add3A_345 = arith.addf %add3A_340, %mul3A_344 : vector<16xf32>
      %broadcast_in_dim3A_346 = arith.constant 3 : i32
      %broadcast_in_dim3A_347 = vector.broadcast %broadcast_in_dim3A_346 : i32 to vector<16xi32>
      tpu.vector_store_idx %arg13[%add3A_229, %broadcast_in_dim3A_347], %add3A_345 : memref<128x8xf32, #tpu.memory_space<vmem>>[vector<16xi32>, vector<16xi32>], vector<16xf32>,
      %get3A_348 = arith.constant 32 : index
      %get3A_349 = tpu.vector_load %arg14[%get3A_348] {strides = array<i32>} : memref<128xi32, #tpu.memory_space<vmem>>, vector<16xi32>,
      %get3A_350 = arith.constant 32 : index
      %get3A_351 = tpu.vector_load %arg16[%get3A_350] {strides = array<i32>} : memref<128xi32, #tpu.memory_space<vmem>>, vector<16xi32>,
      %add3A_352 = arith.constant 32 : i32
      %add3A_353 = vector.broadcast %add3A_352 : i32 to vector<16xi32>
      %add3A_354 = arith.addi %iota3A, %add3A_353 : vector<16xi32>
      %gather3A_355 = tpu.vector_load_idx %arg10[%get3A_349, %broadcast_in_dim3A_3] : memref<10016x4xf32, #tpu.memory_space<vmem>>[vector<16xi32>, vector<16xi32>], vector<16xf32>,
      %gather3A_356 = tpu.vector_load_idx %arg10[%get3A_349, %broadcast_in_dim3A_5] : memref<10016x4xf32, #tpu.memory_space<vmem>>[vector<16xi32>, vector<16xi32>], vector<16xf32>,
      %gather3A_357 = tpu.vector_load_idx %arg10[%get3A_349, %broadcast_in_dim3A_7] : memref<10016x4xf32, #tpu.memory_space<vmem>>[vector<16xi32>, vector<16xi32>], vector<16xf32>,
      %gather3A_358 = tpu.vector_load_idx %arg10[%get3A_349, %broadcast_in_dim3A_9] : memref<10016x4xf32, #tpu.memory_space<vmem>>[vector<16xi32>, vector<16xi32>], vector<16xf32>,
      %gather3A_359 = tpu.vector_load_idx %arg10[%get3A_351, %broadcast_in_dim3A_3] : memref<10016x4xf32, #tpu.memory_space<vmem>>[vector<16xi32>, vector<16xi32>], vector<16xf32>,
      %gather3A_360 = tpu.vector_load_idx %arg10[%get3A_351, %broadcast_in_dim3A_5] : memref<10016x4xf32, #tpu.memory_space<vmem>>[vector<16xi32>, vector<16xi32>], vector<16xf32>,
      %gather3A_361 = tpu.vector_load_idx %arg10[%get3A_351, %broadcast_in_dim3A_7] : memref<10016x4xf32, #tpu.memory_space<vmem>>[vector<16xi32>, vector<16xi32>], vector<16xf32>,
      %gather3A_362 = tpu.vector_load_idx %arg10[%get3A_351, %broadcast_in_dim3A_9] : memref<10016x4xf32, #tpu.memory_space<vmem>>[vector<16xi32>, vector<16xi32>], vector<16xf32>,
      %sub3A_363 = arith.subf %gather3A_355, %gather3A_359 : vector<16xf32>
      %add3A_364 = arith.addf %sub3A_363, %get3A_12 : vector<16xf32>
      %sub3A_365 = arith.subf %gather3A_356, %gather3A_360 : vector<16xf32>
      %add3A_366 = arith.addf %sub3A_365, %get3A_16 : vector<16xf32>
      %sub3A_367 = arith.subf %gather3A_357, %gather3A_361 : vector<16xf32>
      %add3A_368 = arith.addf %sub3A_367, %get3A_20 : vector<16xf32>
      %sub3A_369 = arith.subf %gather3A_358, %gather3A_362 : vector<16xf32>
      %add3A_370 = arith.addf %sub3A_369, %get3A_24 : vector<16xf32>
      %max3A_371 = arith.maximumf %add3A_364, %add3A_366 : vector<16xf32>
      %max3A_372 = arith.maximumf %add3A_368, %add3A_370 : vector<16xf32>
      %max3A_373 = arith.maximumf %max3A_371, %max3A_372 : vector<16xf32>
      %sub3A_374 = arith.subf %add3A_364, %max3A_373 : vector<16xf32>
      %exp3A_375 = math.exp %sub3A_374 : vector<16xf32>
      %sub3A_376 = arith.subf %add3A_366, %max3A_373 : vector<16xf32>
      %exp3A_377 = math.exp %sub3A_376 : vector<16xf32>
      %sub3A_378 = arith.subf %add3A_368, %max3A_373 : vector<16xf32>
      %exp3A_379 = math.exp %sub3A_378 : vector<16xf32>
      %sub3A_380 = arith.subf %add3A_370, %max3A_373 : vector<16xf32>
      %exp3A_381 = math.exp %sub3A_380 : vector<16xf32>
      %add3A_382 = arith.addf %exp3A_375, %exp3A_377 : vector<16xf32>
      %add3A_383 = arith.addf %exp3A_379, %exp3A_381 : vector<16xf32>
      %add3A_384 = arith.addf %add3A_382, %add3A_383 : vector<16xf32>
      %div3A_385 = arith.divf %exp3A_375, %add3A_384 : vector<16xf32>
      %div3A_386 = arith.divf %exp3A_377, %add3A_384 : vector<16xf32>
      %div3A_387 = arith.divf %exp3A_379, %add3A_384 : vector<16xf32>
      %div3A_388 = arith.divf %exp3A_381, %add3A_384 : vector<16xf32>
      %broadcast_in_dim3A_389 = arith.constant 0 : i32
      %broadcast_in_dim3A_390 = vector.broadcast %broadcast_in_dim3A_389 : i32 to vector<16xi32>
      %gather3A_391 = tpu.vector_load_idx %arg11[%add3A_354, %broadcast_in_dim3A_390] : memref<128x16xf32, #tpu.memory_space<vmem>>[vector<16xi32>, vector<16xi32>], vector<16xf32>,
      %mul3A_392 = arith.mulf %div3A_385, %gather3A_391 : vector<16xf32>
      %broadcast_in_dim3A_393 = arith.constant 4 : i32
      %broadcast_in_dim3A_394 = vector.broadcast %broadcast_in_dim3A_393 : i32 to vector<16xi32>
      %gather3A_395 = tpu.vector_load_idx %arg11[%add3A_354, %broadcast_in_dim3A_394] : memref<128x16xf32, #tpu.memory_space<vmem>>[vector<16xi32>, vector<16xi32>], vector<16xf32>,
      %mul3A_396 = arith.mulf %div3A_386, %gather3A_395 : vector<16xf32>
      %add3A_397 = arith.addf %mul3A_392, %mul3A_396 : vector<16xf32>
      %broadcast_in_dim3A_398 = arith.constant 8 : i32
      %broadcast_in_dim3A_399 = vector.broadcast %broadcast_in_dim3A_398 : i32 to vector<16xi32>
      %gather3A_400 = tpu.vector_load_idx %arg11[%add3A_354, %broadcast_in_dim3A_399] : memref<128x16xf32, #tpu.memory_space<vmem>>[vector<16xi32>, vector<16xi32>], vector<16xf32>,
      %mul3A_401 = arith.mulf %div3A_387, %gather3A_400 : vector<16xf32>
      %add3A_402 = arith.addf %add3A_397, %mul3A_401 : vector<16xf32>
      %broadcast_in_dim3A_403 = arith.constant 12 : i32
      %broadcast_in_dim3A_404 = vector.broadcast %broadcast_in_dim3A_403 : i32 to vector<16xi32>
      %gather3A_405 = tpu.vector_load_idx %arg11[%add3A_354, %broadcast_in_dim3A_404] : memref<128x16xf32, #tpu.memory_space<vmem>>[vector<16xi32>, vector<16xi32>], vector<16xf32>,
      %mul3A_406 = arith.mulf %div3A_388, %gather3A_405 : vector<16xf32>
      %add3A_407 = arith.addf %add3A_402, %mul3A_406 : vector<16xf32>
      %broadcast_in_dim3A_408 = arith.constant 0 : i32
      %broadcast_in_dim3A_409 = vector.broadcast %broadcast_in_dim3A_408 : i32 to vector<16xi32>
      tpu.vector_store_idx %arg13[%add3A_354, %broadcast_in_dim3A_409], %add3A_407 : memref<128x8xf32, #tpu.memory_space<vmem>>[vector<16xi32>, vector<16xi32>], vector<16xf32>,
      %broadcast_in_dim3A_410 = arith.constant 1 : i32
      %broadcast_in_dim3A_411 = vector.broadcast %broadcast_in_dim3A_410 : i32 to vector<16xi32>
      %gather3A_412 = tpu.vector_load_idx %arg11[%add3A_354, %broadcast_in_dim3A_411] : memref<128x16xf32, #tpu.memory_space<vmem>>[vector<16xi32>, vector<16xi32>], vector<16xf32>,
      %mul3A_413 = arith.mulf %div3A_385, %gather3A_412 : vector<16xf32>
      %broadcast_in_dim3A_414 = arith.constant 5 : i32
      %broadcast_in_dim3A_415 = vector.broadcast %broadcast_in_dim3A_414 : i32 to vector<16xi32>
      %gather3A_416 = tpu.vector_load_idx %arg11[%add3A_354, %broadcast_in_dim3A_415] : memref<128x16xf32, #tpu.memory_space<vmem>>[vector<16xi32>, vector<16xi32>], vector<16xf32>,
      %mul3A_417 = arith.mulf %div3A_386, %gather3A_416 : vector<16xf32>
      %add3A_418 = arith.addf %mul3A_413, %mul3A_417 : vector<16xf32>
      %broadcast_in_dim3A_419 = arith.constant 9 : i32
      %broadcast_in_dim3A_420 = vector.broadcast %broadcast_in_dim3A_419 : i32 to vector<16xi32>
      %gather3A_421 = tpu.vector_load_idx %arg11[%add3A_354, %broadcast_in_dim3A_420] : memref<128x16xf32, #tpu.memory_space<vmem>>[vector<16xi32>, vector<16xi32>], vector<16xf32>,
      %mul3A_422 = arith.mulf %div3A_387, %gather3A_421 : vector<16xf32>
      %add3A_423 = arith.addf %add3A_418, %mul3A_422 : vector<16xf32>
      %broadcast_in_dim3A_424 = arith.constant 13 : i32
      %broadcast_in_dim3A_425 = vector.broadcast %broadcast_in_dim3A_424 : i32 to vector<16xi32>
      %gather3A_426 = tpu.vector_load_idx %arg11[%add3A_354, %broadcast_in_dim3A_425] : memref<128x16xf32, #tpu.memory_space<vmem>>[vector<16xi32>, vector<16xi32>], vector<16xf32>,
      %mul3A_427 = arith.mulf %div3A_388, %gather3A_426 : vector<16xf32>
      %add3A_428 = arith.addf %add3A_423, %mul3A_427 : vector<16xf32>
      %broadcast_in_dim3A_429 = arith.constant 1 : i32
      %broadcast_in_dim3A_430 = vector.broadcast %broadcast_in_dim3A_429 : i32 to vector<16xi32>
      tpu.vector_store_idx %arg13[%add3A_354, %broadcast_in_dim3A_430], %add3A_428 : memref<128x8xf32, #tpu.memory_space<vmem>>[vector<16xi32>, vector<16xi32>], vector<16xf32>,
      %broadcast_in_dim3A_431 = arith.constant 2 : i32
      %broadcast_in_dim3A_432 = vector.broadcast %broadcast_in_dim3A_431 : i32 to vector<16xi32>
      %gather3A_433 = tpu.vector_load_idx %arg11[%add3A_354, %broadcast_in_dim3A_432] : memref<128x16xf32, #tpu.memory_space<vmem>>[vector<16xi32>, vector<16xi32>], vector<16xf32>,
      %mul3A_434 = arith.mulf %div3A_385, %gather3A_433 : vector<16xf32>
      %broadcast_in_dim3A_435 = arith.constant 6 : i32
      %broadcast_in_dim3A_436 = vector.broadcast %broadcast_in_dim3A_435 : i32 to vector<16xi32>
      %gather3A_437 = tpu.vector_load_idx %arg11[%add3A_354, %broadcast_in_dim3A_436] : memref<128x16xf32, #tpu.memory_space<vmem>>[vector<16xi32>, vector<16xi32>], vector<16xf32>,
      %mul3A_438 = arith.mulf %div3A_386, %gather3A_437 : vector<16xf32>
      %add3A_439 = arith.addf %mul3A_434, %mul3A_438 : vector<16xf32>
      %broadcast_in_dim3A_440 = arith.constant 10 : i32
      %broadcast_in_dim3A_441 = vector.broadcast %broadcast_in_dim3A_440 : i32 to vector<16xi32>
      %gather3A_442 = tpu.vector_load_idx %arg11[%add3A_354, %broadcast_in_dim3A_441] : memref<128x16xf32, #tpu.memory_space<vmem>>[vector<16xi32>, vector<16xi32>], vector<16xf32>,
      %mul3A_443 = arith.mulf %div3A_387, %gather3A_442 : vector<16xf32>
      %add3A_444 = arith.addf %add3A_439, %mul3A_443 : vector<16xf32>
      %broadcast_in_dim3A_445 = arith.constant 14 : i32
      %broadcast_in_dim3A_446 = vector.broadcast %broadcast_in_dim3A_445 : i32 to vector<16xi32>
      %gather3A_447 = tpu.vector_load_idx %arg11[%add3A_354, %broadcast_in_dim3A_446] : memref<128x16xf32, #tpu.memory_space<vmem>>[vector<16xi32>, vector<16xi32>], vector<16xf32>,
      %mul3A_448 = arith.mulf %div3A_388, %gather3A_447 : vector<16xf32>
      %add3A_449 = arith.addf %add3A_444, %mul3A_448 : vector<16xf32>
      %broadcast_in_dim3A_450 = arith.constant 2 : i32
      %broadcast_in_dim3A_451 = vector.broadcast %broadcast_in_dim3A_450 : i32 to vector<16xi32>
      tpu.vector_store_idx %arg13[%add3A_354, %broadcast_in_dim3A_451], %add3A_449 : memref<128x8xf32, #tpu.memory_space<vmem>>[vector<16xi32>, vector<16xi32>], vector<16xf32>,
      %broadcast_in_dim3A_452 = arith.constant 3 : i32
      %broadcast_in_dim3A_453 = vector.broadcast %broadcast_in_dim3A_452 : i32 to vector<16xi32>
      %gather3A_454 = tpu.vector_load_idx %arg11[%add3A_354, %broadcast_in_dim3A_453] : memref<128x16xf32, #tpu.memory_space<vmem>>[vector<16xi32>, vector<16xi32>], vector<16xf32>,
      %mul3A_455 = arith.mulf %div3A_385, %gather3A_454 : vector<16xf32>
      %broadcast_in_dim3A_456 = arith.constant 7 : i32
      %broadcast_in_dim3A_457 = vector.broadcast %broadcast_in_dim3A_456 : i32 to vector<16xi32>
      %gather3A_458 = tpu.vector_load_idx %arg11[%add3A_354, %broadcast_in_dim3A_457] : memref<128x16xf32, #tpu.memory_space<vmem>>[vector<16xi32>, vector<16xi32>], vector<16xf32>,
      %mul3A_459 = arith.mulf %div3A_386, %gather3A_458 : vector<16xf32>
      %add3A_460 = arith.addf %mul3A_455, %mul3A_459 : vector<16xf32>
      %broadcast_in_dim3A_461 = arith.constant 11 : i32
      %broadcast_in_dim3A_462 = vector.broadcast %broadcast_in_dim3A_461 : i32 to vector<16xi32>
      %gather3A_463 = tpu.vector_load_idx %arg11[%add3A_354, %broadcast_in_dim3A_462] : memref<128x16xf32, #tpu.memory_space<vmem>>[vector<16xi32>, vector<16xi32>], vector<16xf32>,
      %mul3A_464 = arith.mulf %div3A_387, %gather3A_463 : vector<16xf32>
      %add3A_465 = arith.addf %add3A_460, %mul3A_464 : vector<16xf32>
      %broadcast_in_dim3A_466 = arith.constant 15 : i32
      %broadcast_in_dim3A_467 = vector.broadcast %broadcast_in_dim3A_466 : i32 to vector<16xi32>
      %gather3A_468 = tpu.vector_load_idx %arg11[%add3A_354, %broadcast_in_dim3A_467] : memref<128x16xf32, #tpu.memory_space<vmem>>[vector<16xi32>, vector<16xi32>], vector<16xf32>,
      %mul3A_469 = arith.mulf %div3A_388, %gather3A_468 : vector<16xf32>
      %add3A_470 = arith.addf %add3A_465, %mul3A_469 : vector<16xf32>
      %broadcast_in_dim3A_471 = arith.constant 3 : i32
      %broadcast_in_dim3A_472 = vector.broadcast %broadcast_in_dim3A_471 : i32 to vector<16xi32>
      tpu.vector_store_idx %arg13[%add3A_354, %broadcast_in_dim3A_472], %add3A_470 : memref<128x8xf32, #tpu.memory_space<vmem>>[vector<16xi32>, vector<16xi32>], vector<16xf32>,
      %get3A_473 = arith.constant 48 : index
      %get3A_474 = tpu.vector_load %arg14[%get3A_473] {strides = array<i32>} : memref<128xi32, #tpu.memory_space<vmem>>, vector<16xi32>,
      %get3A_475 = arith.constant 48 : index
      %get3A_476 = tpu.vector_load %arg16[%get3A_475] {strides = array<i32>} : memref<128xi32, #tpu.memory_space<vmem>>, vector<16xi32>,
      %add3A_477 = arith.constant 48 : i32
      %add3A_478 = vector.broadcast %add3A_477 : i32 to vector<16xi32>
      %add3A_479 = arith.addi %iota3A, %add3A_478 : vector<16xi32>
      %gather3A_480 = tpu.vector_load_idx %arg10[%get3A_474, %broadcast_in_dim3A_3] : memref<10016x4xf32, #tpu.memory_space<vmem>>[vector<16xi32>, vector<16xi32>], vector<16xf32>,
      %gather3A_481 = tpu.vector_load_idx %arg10[%get3A_474, %broadcast_in_dim3A_5] : memref<10016x4xf32, #tpu.memory_space<vmem>>[vector<16xi32>, vector<16xi32>], vector<16xf32>,
      %gather3A_482 = tpu.vector_load_idx %arg10[%get3A_474, %broadcast_in_dim3A_7] : memref<10016x4xf32, #tpu.memory_space<vmem>>[vector<16xi32>, vector<16xi32>], vector<16xf32>,
      %gather3A_483 = tpu.vector_load_idx %arg10[%get3A_474, %broadcast_in_dim3A_9] : memref<10016x4xf32, #tpu.memory_space<vmem>>[vector<16xi32>, vector<16xi32>], vector<16xf32>,
      %gather3A_484 = tpu.vector_load_idx %arg10[%get3A_476, %broadcast_in_dim3A_3] : memref<10016x4xf32, #tpu.memory_space<vmem>>[vector<16xi32>, vector<16xi32>], vector<16xf32>,
      %gather3A_485 = tpu.vector_load_idx %arg10[%get3A_476, %broadcast_in_dim3A_5] : memref<10016x4xf32, #tpu.memory_space<vmem>>[vector<16xi32>, vector<16xi32>], vector<16xf32>,
      %gather3A_486 = tpu.vector_load_idx %arg10[%get3A_476, %broadcast_in_dim3A_7] : memref<10016x4xf32, #tpu.memory_space<vmem>>[vector<16xi32>, vector<16xi32>], vector<16xf32>,
      %gather3A_487 = tpu.vector_load_idx %arg10[%get3A_476, %broadcast_in_dim3A_9] : memref<10016x4xf32, #tpu.memory_space<vmem>>[vector<16xi32>, vector<16xi32>], vector<16xf32>,
      %sub3A_488 = arith.subf %gather3A_480, %gather3A_484 : vector<16xf32>
      %add3A_489 = arith.addf %sub3A_488, %get3A_12 : vector<16xf32>
      %sub3A_490 = arith.subf %gather3A_481, %gather3A_485 : vector<16xf32>
      %add3A_491 = arith.addf %sub3A_490, %get3A_16 : vector<16xf32>
      %sub3A_492 = arith.subf %gather3A_482, %gather3A_486 : vector<16xf32>
      %add3A_493 = arith.addf %sub3A_492, %get3A_20 : vector<16xf32>
      %sub3A_494 = arith.subf %gather3A_483, %gather3A_487 : vector<16xf32>
      %add3A_495 = arith.addf %sub3A_494, %get3A_24 : vector<16xf32>
      %max3A_496 = arith.maximumf %add3A_489, %add3A_491 : vector<16xf32>
      %max3A_497 = arith.maximumf %add3A_493, %add3A_495 : vector<16xf32>
      %max3A_498 = arith.maximumf %max3A_496, %max3A_497 : vector<16xf32>
      %sub3A_499 = arith.subf %add3A_489, %max3A_498 : vector<16xf32>
      %exp3A_500 = math.exp %sub3A_499 : vector<16xf32>
      %sub3A_501 = arith.subf %add3A_491, %max3A_498 : vector<16xf32>
      %exp3A_502 = math.exp %sub3A_501 : vector<16xf32>
      %sub3A_503 = arith.subf %add3A_493, %max3A_498 : vector<16xf32>
      %exp3A_504 = math.exp %sub3A_503 : vector<16xf32>
      %sub3A_505 = arith.subf %add3A_495, %max3A_498 : vector<16xf32>
      %exp3A_506 = math.exp %sub3A_505 : vector<16xf32>
      %add3A_507 = arith.addf %exp3A_500, %exp3A_502 : vector<16xf32>
      %add3A_508 = arith.addf %exp3A_504, %exp3A_506 : vector<16xf32>
      %add3A_509 = arith.addf %add3A_507, %add3A_508 : vector<16xf32>
      %div3A_510 = arith.divf %exp3A_500, %add3A_509 : vector<16xf32>
      %div3A_511 = arith.divf %exp3A_502, %add3A_509 : vector<16xf32>
      %div3A_512 = arith.divf %exp3A_504, %add3A_509 : vector<16xf32>
      %div3A_513 = arith.divf %exp3A_506, %add3A_509 : vector<16xf32>
      %broadcast_in_dim3A_514 = arith.constant 0 : i32
      %broadcast_in_dim3A_515 = vector.broadcast %broadcast_in_dim3A_514 : i32 to vector<16xi32>
      %gather3A_516 = tpu.vector_load_idx %arg11[%add3A_479, %broadcast_in_dim3A_515] : memref<128x16xf32, #tpu.memory_space<vmem>>[vector<16xi32>, vector<16xi32>], vector<16xf32>,
      %mul3A_517 = arith.mulf %div3A_510, %gather3A_516 : vector<16xf32>
      %broadcast_in_dim3A_518 = arith.constant 4 : i32
      %broadcast_in_dim3A_519 = vector.broadcast %broadcast_in_dim3A_518 : i32 to vector<16xi32>
      %gather3A_520 = tpu.vector_load_idx %arg11[%add3A_479, %broadcast_in_dim3A_519] : memref<128x16xf32, #tpu.memory_space<vmem>>[vector<16xi32>, vector<16xi32>], vector<16xf32>,
      %mul3A_521 = arith.mulf %div3A_511, %gather3A_520 : vector<16xf32>
      %add3A_522 = arith.addf %mul3A_517, %mul3A_521 : vector<16xf32>
      %broadcast_in_dim3A_523 = arith.constant 8 : i32
      %broadcast_in_dim3A_524 = vector.broadcast %broadcast_in_dim3A_523 : i32 to vector<16xi32>
      %gather3A_525 = tpu.vector_load_idx %arg11[%add3A_479, %broadcast_in_dim3A_524] : memref<128x16xf32, #tpu.memory_space<vmem>>[vector<16xi32>, vector<16xi32>], vector<16xf32>,
      %mul3A_526 = arith.mulf %div3A_512, %gather3A_525 : vector<16xf32>
      %add3A_527 = arith.addf %add3A_522, %mul3A_526 : vector<16xf32>
      %broadcast_in_dim3A_528 = arith.constant 12 : i32
      %broadcast_in_dim3A_529 = vector.broadcast %broadcast_in_dim3A_528 : i32 to vector<16xi32>
      %gather3A_530 = tpu.vector_load_idx %arg11[%add3A_479, %broadcast_in_dim3A_529] : memref<128x16xf32, #tpu.memory_space<vmem>>[vector<16xi32>, vector<16xi32>], vector<16xf32>,
      %mul3A_531 = arith.mulf %div3A_513, %gather3A_530 : vector<16xf32>
      %add3A_532 = arith.addf %add3A_527, %mul3A_531 : vector<16xf32>
      %broadcast_in_dim3A_533 = arith.constant 0 : i32
      %broadcast_in_dim3A_534 = vector.broadcast %broadcast_in_dim3A_533 : i32 to vector<16xi32>
      tpu.vector_store_idx %arg13[%add3A_479, %broadcast_in_dim3A_534], %add3A_532 : memref<128x8xf32, #tpu.memory_space<vmem>>[vector<16xi32>, vector<16xi32>], vector<16xf32>,
      %broadcast_in_dim3A_535 = arith.constant 1 : i32
      %broadcast_in_dim3A_536 = vector.broadcast %broadcast_in_dim3A_535 : i32 to vector<16xi32>
      %gather3A_537 = tpu.vector_load_idx %arg11[%add3A_479, %broadcast_in_dim3A_536] : memref<128x16xf32, #tpu.memory_space<vmem>>[vector<16xi32>, vector<16xi32>], vector<16xf32>,
      %mul3A_538 = arith.mulf %div3A_510, %gather3A_537 : vector<16xf32>
      %broadcast_in_dim3A_539 = arith.constant 5 : i32
      %broadcast_in_dim3A_540 = vector.broadcast %broadcast_in_dim3A_539 : i32 to vector<16xi32>
      %gather3A_541 = tpu.vector_load_idx %arg11[%add3A_479, %broadcast_in_dim3A_540] : memref<128x16xf32, #tpu.memory_space<vmem>>[vector<16xi32>, vector<16xi32>], vector<16xf32>,
      %mul3A_542 = arith.mulf %div3A_511, %gather3A_541 : vector<16xf32>
      %add3A_543 = arith.addf %mul3A_538, %mul3A_542 : vector<16xf32>
      %broadcast_in_dim3A_544 = arith.constant 9 : i32
      %broadcast_in_dim3A_545 = vector.broadcast %broadcast_in_dim3A_544 : i32 to vector<16xi32>
      %gather3A_546 = tpu.vector_load_idx %arg11[%add3A_479, %broadcast_in_dim3A_545] : memref<128x16xf32, #tpu.memory_space<vmem>>[vector<16xi32>, vector<16xi32>], vector<16xf32>,
      %mul3A_547 = arith.mulf %div3A_512, %gather3A_546 : vector<16xf32>
      %add3A_548 = arith.addf %add3A_543, %mul3A_547 : vector<16xf32>
      %broadcast_in_dim3A_549 = arith.constant 13 : i32
      %broadcast_in_dim3A_550 = vector.broadcast %broadcast_in_dim3A_549 : i32 to vector<16xi32>
      %gather3A_551 = tpu.vector_load_idx %arg11[%add3A_479, %broadcast_in_dim3A_550] : memref<128x16xf32, #tpu.memory_space<vmem>>[vector<16xi32>, vector<16xi32>], vector<16xf32>,
      %mul3A_552 = arith.mulf %div3A_513, %gather3A_551 : vector<16xf32>
      %add3A_553 = arith.addf %add3A_548, %mul3A_552 : vector<16xf32>
      %broadcast_in_dim3A_554 = arith.constant 1 : i32
      %broadcast_in_dim3A_555 = vector.broadcast %broadcast_in_dim3A_554 : i32 to vector<16xi32>
      tpu.vector_store_idx %arg13[%add3A_479, %broadcast_in_dim3A_555], %add3A_553 : memref<128x8xf32, #tpu.memory_space<vmem>>[vector<16xi32>, vector<16xi32>], vector<16xf32>,
      %broadcast_in_dim3A_556 = arith.constant 2 : i32
      %broadcast_in_dim3A_557 = vector.broadcast %broadcast_in_dim3A_556 : i32 to vector<16xi32>
      %gather3A_558 = tpu.vector_load_idx %arg11[%add3A_479, %broadcast_in_dim3A_557] : memref<128x16xf32, #tpu.memory_space<vmem>>[vector<16xi32>, vector<16xi32>], vector<16xf32>,
      %mul3A_559 = arith.mulf %div3A_510, %gather3A_558 : vector<16xf32>
      %broadcast_in_dim3A_560 = arith.constant 6 : i32
      %broadcast_in_dim3A_561 = vector.broadcast %broadcast_in_dim3A_560 : i32 to vector<16xi32>
      %gather3A_562 = tpu.vector_load_idx %arg11[%add3A_479, %broadcast_in_dim3A_561] : memref<128x16xf32, #tpu.memory_space<vmem>>[vector<16xi32>, vector<16xi32>], vector<16xf32>,
      %mul3A_563 = arith.mulf %div3A_511, %gather3A_562 : vector<16xf32>
      %add3A_564 = arith.addf %mul3A_559, %mul3A_563 : vector<16xf32>
      %broadcast_in_dim3A_565 = arith.constant 10 : i32
      %broadcast_in_dim3A_566 = vector.broadcast %broadcast_in_dim3A_565 : i32 to vector<16xi32>
      %gather3A_567 = tpu.vector_load_idx %arg11[%add3A_479, %broadcast_in_dim3A_566] : memref<128x16xf32, #tpu.memory_space<vmem>>[vector<16xi32>, vector<16xi32>], vector<16xf32>,
      %mul3A_568 = arith.mulf %div3A_512, %gather3A_567 : vector<16xf32>
      %add3A_569 = arith.addf %add3A_564, %mul3A_568 : vector<16xf32>
      %broadcast_in_dim3A_570 = arith.constant 14 : i32
      %broadcast_in_dim3A_571 = vector.broadcast %broadcast_in_dim3A_570 : i32 to vector<16xi32>
      %gather3A_572 = tpu.vector_load_idx %arg11[%add3A_479, %broadcast_in_dim3A_571] : memref<128x16xf32, #tpu.memory_space<vmem>>[vector<16xi32>, vector<16xi32>], vector<16xf32>,
      %mul3A_573 = arith.mulf %div3A_513, %gather3A_572 : vector<16xf32>
      %add3A_574 = arith.addf %add3A_569, %mul3A_573 : vector<16xf32>
      %broadcast_in_dim3A_575 = arith.constant 2 : i32
      %broadcast_in_dim3A_576 = vector.broadcast %broadcast_in_dim3A_575 : i32 to vector<16xi32>
      tpu.vector_store_idx %arg13[%add3A_479, %broadcast_in_dim3A_576], %add3A_574 : memref<128x8xf32, #tpu.memory_space<vmem>>[vector<16xi32>, vector<16xi32>], vector<16xf32>,
      %broadcast_in_dim3A_577 = arith.constant 3 : i32
      %broadcast_in_dim3A_578 = vector.broadcast %broadcast_in_dim3A_577 : i32 to vector<16xi32>
      %gather3A_579 = tpu.vector_load_idx %arg11[%add3A_479, %broadcast_in_dim3A_578] : memref<128x16xf32, #tpu.memory_space<vmem>>[vector<16xi32>, vector<16xi32>], vector<16xf32>,
      %mul3A_580 = arith.mulf %div3A_510, %gather3A_579 : vector<16xf32>
      %broadcast_in_dim3A_581 = arith.constant 7 : i32
      %broadcast_in_dim3A_582 = vector.broadcast %broadcast_in_dim3A_581 : i32 to vector<16xi32>
      %gather3A_583 = tpu.vector_load_idx %arg11[%add3A_479, %broadcast_in_dim3A_582] : memref<128x16xf32, #tpu.memory_space<vmem>>[vector<16xi32>, vector<16xi32>], vector<16xf32>,
      %mul3A_584 = arith.mulf %div3A_511, %gather3A_583 : vector<16xf32>
      %add3A_585 = arith.addf %mul3A_580, %mul3A_584 : vector<16xf32>
      %broadcast_in_dim3A_586 = arith.constant 11 : i32
      %broadcast_in_dim3A_587 = vector.broadcast %broadcast_in_dim3A_586 : i32 to vector<16xi32>
      %gather3A_588 = tpu.vector_load_idx %arg11[%add3A_479, %broadcast_in_dim3A_587] : memref<128x16xf32, #tpu.memory_space<vmem>>[vector<16xi32>, vector<16xi32>], vector<16xf32>,
      %mul3A_589 = arith.mulf %div3A_512, %gather3A_588 : vector<16xf32>
      %add3A_590 = arith.addf %add3A_585, %mul3A_589 : vector<16xf32>
      %broadcast_in_dim3A_591 = arith.constant 15 : i32
      %broadcast_in_dim3A_592 = vector.broadcast %broadcast_in_dim3A_591 : i32 to vector<16xi32>
      %gather3A_593 = tpu.vector_load_idx %arg11[%add3A_479, %broadcast_in_dim3A_592] : memref<128x16xf32, #tpu.memory_space<vmem>>[vector<16xi32>, vector<16xi32>], vector<16xf32>,
      %mul3A_594 = arith.mulf %div3A_513, %gather3A_593 : vector<16xf32>
      %add3A_595 = arith.addf %add3A_590, %mul3A_594 : vector<16xf32>
      %broadcast_in_dim3A_596 = arith.constant 3 : i32
      %broadcast_in_dim3A_597 = vector.broadcast %broadcast_in_dim3A_596 : i32 to vector<16xi32>
      tpu.vector_store_idx %arg13[%add3A_479, %broadcast_in_dim3A_597], %add3A_595 : memref<128x8xf32, #tpu.memory_space<vmem>>[vector<16xi32>, vector<16xi32>], vector<16xf32>,
      %get3A_598 = arith.constant 64 : index
      %get3A_599 = tpu.vector_load %arg14[%get3A_598] {strides = array<i32>} : memref<128xi32, #tpu.memory_space<vmem>>, vector<16xi32>,
      %get3A_600 = arith.constant 64 : index
      %get3A_601 = tpu.vector_load %arg16[%get3A_600] {strides = array<i32>} : memref<128xi32, #tpu.memory_space<vmem>>, vector<16xi32>,
      %add3A_602 = arith.constant 64 : i32
      %add3A_603 = vector.broadcast %add3A_602 : i32 to vector<16xi32>
      %add3A_604 = arith.addi %iota3A, %add3A_603 : vector<16xi32>
      %gather3A_605 = tpu.vector_load_idx %arg10[%get3A_599, %broadcast_in_dim3A_3] : memref<10016x4xf32, #tpu.memory_space<vmem>>[vector<16xi32>, vector<16xi32>], vector<16xf32>,
      %gather3A_606 = tpu.vector_load_idx %arg10[%get3A_599, %broadcast_in_dim3A_5] : memref<10016x4xf32, #tpu.memory_space<vmem>>[vector<16xi32>, vector<16xi32>], vector<16xf32>,
      %gather3A_607 = tpu.vector_load_idx %arg10[%get3A_599, %broadcast_in_dim3A_7] : memref<10016x4xf32, #tpu.memory_space<vmem>>[vector<16xi32>, vector<16xi32>], vector<16xf32>,
      %gather3A_608 = tpu.vector_load_idx %arg10[%get3A_599, %broadcast_in_dim3A_9] : memref<10016x4xf32, #tpu.memory_space<vmem>>[vector<16xi32>, vector<16xi32>], vector<16xf32>,
      %gather3A_609 = tpu.vector_load_idx %arg10[%get3A_601, %broadcast_in_dim3A_3] : memref<10016x4xf32, #tpu.memory_space<vmem>>[vector<16xi32>, vector<16xi32>], vector<16xf32>,
      %gather3A_610 = tpu.vector_load_idx %arg10[%get3A_601, %broadcast_in_dim3A_5] : memref<10016x4xf32, #tpu.memory_space<vmem>>[vector<16xi32>, vector<16xi32>], vector<16xf32>,
      %gather3A_611 = tpu.vector_load_idx %arg10[%get3A_601, %broadcast_in_dim3A_7] : memref<10016x4xf32, #tpu.memory_space<vmem>>[vector<16xi32>, vector<16xi32>], vector<16xf32>,
      %gather3A_612 = tpu.vector_load_idx %arg10[%get3A_601, %broadcast_in_dim3A_9] : memref<10016x4xf32, #tpu.memory_space<vmem>>[vector<16xi32>, vector<16xi32>], vector<16xf32>,
      %sub3A_613 = arith.subf %gather3A_605, %gather3A_609 : vector<16xf32>
      %add3A_614 = arith.addf %sub3A_613, %get3A_12 : vector<16xf32>
      %sub3A_615 = arith.subf %gather3A_606, %gather3A_610 : vector<16xf32>
      %add3A_616 = arith.addf %sub3A_615, %get3A_16 : vector<16xf32>
      %sub3A_617 = arith.subf %gather3A_607, %gather3A_611 : vector<16xf32>
      %add3A_618 = arith.addf %sub3A_617, %get3A_20 : vector<16xf32>
      %sub3A_619 = arith.subf %gather3A_608, %gather3A_612 : vector<16xf32>
      %add3A_620 = arith.addf %sub3A_619, %get3A_24 : vector<16xf32>
      %max3A_621 = arith.maximumf %add3A_614, %add3A_616 : vector<16xf32>
      %max3A_622 = arith.maximumf %add3A_618, %add3A_620 : vector<16xf32>
      %max3A_623 = arith.maximumf %max3A_621, %max3A_622 : vector<16xf32>
      %sub3A_624 = arith.subf %add3A_614, %max3A_623 : vector<16xf32>
      %exp3A_625 = math.exp %sub3A_624 : vector<16xf32>
      %sub3A_626 = arith.subf %add3A_616, %max3A_623 : vector<16xf32>
      %exp3A_627 = math.exp %sub3A_626 : vector<16xf32>
      %sub3A_628 = arith.subf %add3A_618, %max3A_623 : vector<16xf32>
      %exp3A_629 = math.exp %sub3A_628 : vector<16xf32>
      %sub3A_630 = arith.subf %add3A_620, %max3A_623 : vector<16xf32>
      %exp3A_631 = math.exp %sub3A_630 : vector<16xf32>
      %add3A_632 = arith.addf %exp3A_625, %exp3A_627 : vector<16xf32>
      %add3A_633 = arith.addf %exp3A_629, %exp3A_631 : vector<16xf32>
      %add3A_634 = arith.addf %add3A_632, %add3A_633 : vector<16xf32>
      %div3A_635 = arith.divf %exp3A_625, %add3A_634 : vector<16xf32>
      %div3A_636 = arith.divf %exp3A_627, %add3A_634 : vector<16xf32>
      %div3A_637 = arith.divf %exp3A_629, %add3A_634 : vector<16xf32>
      %div3A_638 = arith.divf %exp3A_631, %add3A_634 : vector<16xf32>
      %broadcast_in_dim3A_639 = arith.constant 0 : i32
      %broadcast_in_dim3A_640 = vector.broadcast %broadcast_in_dim3A_639 : i32 to vector<16xi32>
      %gather3A_641 = tpu.vector_load_idx %arg11[%add3A_604, %broadcast_in_dim3A_640] : memref<128x16xf32, #tpu.memory_space<vmem>>[vector<16xi32>, vector<16xi32>], vector<16xf32>,
      %mul3A_642 = arith.mulf %div3A_635, %gather3A_641 : vector<16xf32>
      %broadcast_in_dim3A_643 = arith.constant 4 : i32
      %broadcast_in_dim3A_644 = vector.broadcast %broadcast_in_dim3A_643 : i32 to vector<16xi32>
      %gather3A_645 = tpu.vector_load_idx %arg11[%add3A_604, %broadcast_in_dim3A_644] : memref<128x16xf32, #tpu.memory_space<vmem>>[vector<16xi32>, vector<16xi32>], vector<16xf32>,
      %mul3A_646 = arith.mulf %div3A_636, %gather3A_645 : vector<16xf32>
      %add3A_647 = arith.addf %mul3A_642, %mul3A_646 : vector<16xf32>
      %broadcast_in_dim3A_648 = arith.constant 8 : i32
      %broadcast_in_dim3A_649 = vector.broadcast %broadcast_in_dim3A_648 : i32 to vector<16xi32>
      %gather3A_650 = tpu.vector_load_idx %arg11[%add3A_604, %broadcast_in_dim3A_649] : memref<128x16xf32, #tpu.memory_space<vmem>>[vector<16xi32>, vector<16xi32>], vector<16xf32>,
      %mul3A_651 = arith.mulf %div3A_637, %gather3A_650 : vector<16xf32>
      %add3A_652 = arith.addf %add3A_647, %mul3A_651 : vector<16xf32>
      %broadcast_in_dim3A_653 = arith.constant 12 : i32
      %broadcast_in_dim3A_654 = vector.broadcast %broadcast_in_dim3A_653 : i32 to vector<16xi32>
      %gather3A_655 = tpu.vector_load_idx %arg11[%add3A_604, %broadcast_in_dim3A_654] : memref<128x16xf32, #tpu.memory_space<vmem>>[vector<16xi32>, vector<16xi32>], vector<16xf32>,
      %mul3A_656 = arith.mulf %div3A_638, %gather3A_655 : vector<16xf32>
      %add3A_657 = arith.addf %add3A_652, %mul3A_656 : vector<16xf32>
      %broadcast_in_dim3A_658 = arith.constant 0 : i32
      %broadcast_in_dim3A_659 = vector.broadcast %broadcast_in_dim3A_658 : i32 to vector<16xi32>
      tpu.vector_store_idx %arg13[%add3A_604, %broadcast_in_dim3A_659], %add3A_657 : memref<128x8xf32, #tpu.memory_space<vmem>>[vector<16xi32>, vector<16xi32>], vector<16xf32>,
      %broadcast_in_dim3A_660 = arith.constant 1 : i32
      %broadcast_in_dim3A_661 = vector.broadcast %broadcast_in_dim3A_660 : i32 to vector<16xi32>
      %gather3A_662 = tpu.vector_load_idx %arg11[%add3A_604, %broadcast_in_dim3A_661] : memref<128x16xf32, #tpu.memory_space<vmem>>[vector<16xi32>, vector<16xi32>], vector<16xf32>,
      %mul3A_663 = arith.mulf %div3A_635, %gather3A_662 : vector<16xf32>
      %broadcast_in_dim3A_664 = arith.constant 5 : i32
      %broadcast_in_dim3A_665 = vector.broadcast %broadcast_in_dim3A_664 : i32 to vector<16xi32>
      %gather3A_666 = tpu.vector_load_idx %arg11[%add3A_604, %broadcast_in_dim3A_665] : memref<128x16xf32, #tpu.memory_space<vmem>>[vector<16xi32>, vector<16xi32>], vector<16xf32>,
      %mul3A_667 = arith.mulf %div3A_636, %gather3A_666 : vector<16xf32>
      %add3A_668 = arith.addf %mul3A_663, %mul3A_667 : vector<16xf32>
      %broadcast_in_dim3A_669 = arith.constant 9 : i32
      %broadcast_in_dim3A_670 = vector.broadcast %broadcast_in_dim3A_669 : i32 to vector<16xi32>
      %gather3A_671 = tpu.vector_load_idx %arg11[%add3A_604, %broadcast_in_dim3A_670] : memref<128x16xf32, #tpu.memory_space<vmem>>[vector<16xi32>, vector<16xi32>], vector<16xf32>,
      %mul3A_672 = arith.mulf %div3A_637, %gather3A_671 : vector<16xf32>
      %add3A_673 = arith.addf %add3A_668, %mul3A_672 : vector<16xf32>
      %broadcast_in_dim3A_674 = arith.constant 13 : i32
      %broadcast_in_dim3A_675 = vector.broadcast %broadcast_in_dim3A_674 : i32 to vector<16xi32>
      %gather3A_676 = tpu.vector_load_idx %arg11[%add3A_604, %broadcast_in_dim3A_675] : memref<128x16xf32, #tpu.memory_space<vmem>>[vector<16xi32>, vector<16xi32>], vector<16xf32>,
      %mul3A_677 = arith.mulf %div3A_638, %gather3A_676 : vector<16xf32>
      %add3A_678 = arith.addf %add3A_673, %mul3A_677 : vector<16xf32>
      %broadcast_in_dim3A_679 = arith.constant 1 : i32
      %broadcast_in_dim3A_680 = vector.broadcast %broadcast_in_dim3A_679 : i32 to vector<16xi32>
      tpu.vector_store_idx %arg13[%add3A_604, %broadcast_in_dim3A_680], %add3A_678 : memref<128x8xf32, #tpu.memory_space<vmem>>[vector<16xi32>, vector<16xi32>], vector<16xf32>,
      %broadcast_in_dim3A_681 = arith.constant 2 : i32
      %broadcast_in_dim3A_682 = vector.broadcast %broadcast_in_dim3A_681 : i32 to vector<16xi32>
      %gather3A_683 = tpu.vector_load_idx %arg11[%add3A_604, %broadcast_in_dim3A_682] : memref<128x16xf32, #tpu.memory_space<vmem>>[vector<16xi32>, vector<16xi32>], vector<16xf32>,
      %mul3A_684 = arith.mulf %div3A_635, %gather3A_683 : vector<16xf32>
      %broadcast_in_dim3A_685 = arith.constant 6 : i32
      %broadcast_in_dim3A_686 = vector.broadcast %broadcast_in_dim3A_685 : i32 to vector<16xi32>
      %gather3A_687 = tpu.vector_load_idx %arg11[%add3A_604, %broadcast_in_dim3A_686] : memref<128x16xf32, #tpu.memory_space<vmem>>[vector<16xi32>, vector<16xi32>], vector<16xf32>,
      %mul3A_688 = arith.mulf %div3A_636, %gather3A_687 : vector<16xf32>
      %add3A_689 = arith.addf %mul3A_684, %mul3A_688 : vector<16xf32>
      %broadcast_in_dim3A_690 = arith.constant 10 : i32
      %broadcast_in_dim3A_691 = vector.broadcast %broadcast_in_dim3A_690 : i32 to vector<16xi32>
      %gather3A_692 = tpu.vector_load_idx %arg11[%add3A_604, %broadcast_in_dim3A_691] : memref<128x16xf32, #tpu.memory_space<vmem>>[vector<16xi32>, vector<16xi32>], vector<16xf32>,
      %mul3A_693 = arith.mulf %div3A_637, %gather3A_692 : vector<16xf32>
      %add3A_694 = arith.addf %add3A_689, %mul3A_693 : vector<16xf32>
      %broadcast_in_dim3A_695 = arith.constant 14 : i32
      %broadcast_in_dim3A_696 = vector.broadcast %broadcast_in_dim3A_695 : i32 to vector<16xi32>
      %gather3A_697 = tpu.vector_load_idx %arg11[%add3A_604, %broadcast_in_dim3A_696] : memref<128x16xf32, #tpu.memory_space<vmem>>[vector<16xi32>, vector<16xi32>], vector<16xf32>,
      %mul3A_698 = arith.mulf %div3A_638, %gather3A_697 : vector<16xf32>
      %add3A_699 = arith.addf %add3A_694, %mul3A_698 : vector<16xf32>
      %broadcast_in_dim3A_700 = arith.constant 2 : i32
      %broadcast_in_dim3A_701 = vector.broadcast %broadcast_in_dim3A_700 : i32 to vector<16xi32>
      tpu.vector_store_idx %arg13[%add3A_604, %broadcast_in_dim3A_701], %add3A_699 : memref<128x8xf32, #tpu.memory_space<vmem>>[vector<16xi32>, vector<16xi32>], vector<16xf32>,
      %broadcast_in_dim3A_702 = arith.constant 3 : i32
      %broadcast_in_dim3A_703 = vector.broadcast %broadcast_in_dim3A_702 : i32 to vector<16xi32>
      %gather3A_704 = tpu.vector_load_idx %arg11[%add3A_604, %broadcast_in_dim3A_703] : memref<128x16xf32, #tpu.memory_space<vmem>>[vector<16xi32>, vector<16xi32>], vector<16xf32>,
      %mul3A_705 = arith.mulf %div3A_635, %gather3A_704 : vector<16xf32>
      %broadcast_in_dim3A_706 = arith.constant 7 : i32
      %broadcast_in_dim3A_707 = vector.broadcast %broadcast_in_dim3A_706 : i32 to vector<16xi32>
      %gather3A_708 = tpu.vector_load_idx %arg11[%add3A_604, %broadcast_in_dim3A_707] : memref<128x16xf32, #tpu.memory_space<vmem>>[vector<16xi32>, vector<16xi32>], vector<16xf32>,
      %mul3A_709 = arith.mulf %div3A_636, %gather3A_708 : vector<16xf32>
      %add3A_710 = arith.addf %mul3A_705, %mul3A_709 : vector<16xf32>
      %broadcast_in_dim3A_711 = arith.constant 11 : i32
      %broadcast_in_dim3A_712 = vector.broadcast %broadcast_in_dim3A_711 : i32 to vector<16xi32>
      %gather3A_713 = tpu.vector_load_idx %arg11[%add3A_604, %broadcast_in_dim3A_712] : memref<128x16xf32, #tpu.memory_space<vmem>>[vector<16xi32>, vector<16xi32>], vector<16xf32>,
      %mul3A_714 = arith.mulf %div3A_637, %gather3A_713 : vector<16xf32>
      %add3A_715 = arith.addf %add3A_710, %mul3A_714 : vector<16xf32>
      %broadcast_in_dim3A_716 = arith.constant 15 : i32
      %broadcast_in_dim3A_717 = vector.broadcast %broadcast_in_dim3A_716 : i32 to vector<16xi32>
      %gather3A_718 = tpu.vector_load_idx %arg11[%add3A_604, %broadcast_in_dim3A_717] : memref<128x16xf32, #tpu.memory_space<vmem>>[vector<16xi32>, vector<16xi32>], vector<16xf32>,
      %mul3A_719 = arith.mulf %div3A_638, %gather3A_718 : vector<16xf32>
      %add3A_720 = arith.addf %add3A_715, %mul3A_719 : vector<16xf32>
      %broadcast_in_dim3A_721 = arith.constant 3 : i32
      %broadcast_in_dim3A_722 = vector.broadcast %broadcast_in_dim3A_721 : i32 to vector<16xi32>
      tpu.vector_store_idx %arg13[%add3A_604, %broadcast_in_dim3A_722], %add3A_720 : memref<128x8xf32, #tpu.memory_space<vmem>>[vector<16xi32>, vector<16xi32>], vector<16xf32>,
      %get3A_723 = arith.constant 80 : index
      %get3A_724 = tpu.vector_load %arg14[%get3A_723] {strides = array<i32>} : memref<128xi32, #tpu.memory_space<vmem>>, vector<16xi32>,
      %get3A_725 = arith.constant 80 : index
      %get3A_726 = tpu.vector_load %arg16[%get3A_725] {strides = array<i32>} : memref<128xi32, #tpu.memory_space<vmem>>, vector<16xi32>,
      %add3A_727 = arith.constant 80 : i32
      %add3A_728 = vector.broadcast %add3A_727 : i32 to vector<16xi32>
      %add3A_729 = arith.addi %iota3A, %add3A_728 : vector<16xi32>
      %gather3A_730 = tpu.vector_load_idx %arg10[%get3A_724, %broadcast_in_dim3A_3] : memref<10016x4xf32, #tpu.memory_space<vmem>>[vector<16xi32>, vector<16xi32>], vector<16xf32>,
      %gather3A_731 = tpu.vector_load_idx %arg10[%get3A_724, %broadcast_in_dim3A_5] : memref<10016x4xf32, #tpu.memory_space<vmem>>[vector<16xi32>, vector<16xi32>], vector<16xf32>,
      %gather3A_732 = tpu.vector_load_idx %arg10[%get3A_724, %broadcast_in_dim3A_7] : memref<10016x4xf32, #tpu.memory_space<vmem>>[vector<16xi32>, vector<16xi32>], vector<16xf32>,
      %gather3A_733 = tpu.vector_load_idx %arg10[%get3A_724, %broadcast_in_dim3A_9] : memref<10016x4xf32, #tpu.memory_space<vmem>>[vector<16xi32>, vector<16xi32>], vector<16xf32>,
      %gather3A_734 = tpu.vector_load_idx %arg10[%get3A_726, %broadcast_in_dim3A_3] : memref<10016x4xf32, #tpu.memory_space<vmem>>[vector<16xi32>, vector<16xi32>], vector<16xf32>,
      %gather3A_735 = tpu.vector_load_idx %arg10[%get3A_726, %broadcast_in_dim3A_5] : memref<10016x4xf32, #tpu.memory_space<vmem>>[vector<16xi32>, vector<16xi32>], vector<16xf32>,
      %gather3A_736 = tpu.vector_load_idx %arg10[%get3A_726, %broadcast_in_dim3A_7] : memref<10016x4xf32, #tpu.memory_space<vmem>>[vector<16xi32>, vector<16xi32>], vector<16xf32>,
      %gather3A_737 = tpu.vector_load_idx %arg10[%get3A_726, %broadcast_in_dim3A_9] : memref<10016x4xf32, #tpu.memory_space<vmem>>[vector<16xi32>, vector<16xi32>], vector<16xf32>,
      %sub3A_738 = arith.subf %gather3A_730, %gather3A_734 : vector<16xf32>
      %add3A_739 = arith.addf %sub3A_738, %get3A_12 : vector<16xf32>
      %sub3A_740 = arith.subf %gather3A_731, %gather3A_735 : vector<16xf32>
      %add3A_741 = arith.addf %sub3A_740, %get3A_16 : vector<16xf32>
      %sub3A_742 = arith.subf %gather3A_732, %gather3A_736 : vector<16xf32>
      %add3A_743 = arith.addf %sub3A_742, %get3A_20 : vector<16xf32>
      %sub3A_744 = arith.subf %gather3A_733, %gather3A_737 : vector<16xf32>
      %add3A_745 = arith.addf %sub3A_744, %get3A_24 : vector<16xf32>
      %max3A_746 = arith.maximumf %add3A_739, %add3A_741 : vector<16xf32>
      %max3A_747 = arith.maximumf %add3A_743, %add3A_745 : vector<16xf32>
      %max3A_748 = arith.maximumf %max3A_746, %max3A_747 : vector<16xf32>
      %sub3A_749 = arith.subf %add3A_739, %max3A_748 : vector<16xf32>
      %exp3A_750 = math.exp %sub3A_749 : vector<16xf32>
      %sub3A_751 = arith.subf %add3A_741, %max3A_748 : vector<16xf32>
      %exp3A_752 = math.exp %sub3A_751 : vector<16xf32>
      %sub3A_753 = arith.subf %add3A_743, %max3A_748 : vector<16xf32>
      %exp3A_754 = math.exp %sub3A_753 : vector<16xf32>
      %sub3A_755 = arith.subf %add3A_745, %max3A_748 : vector<16xf32>
      %exp3A_756 = math.exp %sub3A_755 : vector<16xf32>
      %add3A_757 = arith.addf %exp3A_750, %exp3A_752 : vector<16xf32>
      %add3A_758 = arith.addf %exp3A_754, %exp3A_756 : vector<16xf32>
      %add3A_759 = arith.addf %add3A_757, %add3A_758 : vector<16xf32>
      %div3A_760 = arith.divf %exp3A_750, %add3A_759 : vector<16xf32>
      %div3A_761 = arith.divf %exp3A_752, %add3A_759 : vector<16xf32>
      %div3A_762 = arith.divf %exp3A_754, %add3A_759 : vector<16xf32>
      %div3A_763 = arith.divf %exp3A_756, %add3A_759 : vector<16xf32>
      %broadcast_in_dim3A_764 = arith.constant 0 : i32
      %broadcast_in_dim3A_765 = vector.broadcast %broadcast_in_dim3A_764 : i32 to vector<16xi32>
      %gather3A_766 = tpu.vector_load_idx %arg11[%add3A_729, %broadcast_in_dim3A_765] : memref<128x16xf32, #tpu.memory_space<vmem>>[vector<16xi32>, vector<16xi32>], vector<16xf32>,
      %mul3A_767 = arith.mulf %div3A_760, %gather3A_766 : vector<16xf32>
      %broadcast_in_dim3A_768 = arith.constant 4 : i32
      %broadcast_in_dim3A_769 = vector.broadcast %broadcast_in_dim3A_768 : i32 to vector<16xi32>
      %gather3A_770 = tpu.vector_load_idx %arg11[%add3A_729, %broadcast_in_dim3A_769] : memref<128x16xf32, #tpu.memory_space<vmem>>[vector<16xi32>, vector<16xi32>], vector<16xf32>,
      %mul3A_771 = arith.mulf %div3A_761, %gather3A_770 : vector<16xf32>
      %add3A_772 = arith.addf %mul3A_767, %mul3A_771 : vector<16xf32>
      %broadcast_in_dim3A_773 = arith.constant 8 : i32
      %broadcast_in_dim3A_774 = vector.broadcast %broadcast_in_dim3A_773 : i32 to vector<16xi32>
      %gather3A_775 = tpu.vector_load_idx %arg11[%add3A_729, %broadcast_in_dim3A_774] : memref<128x16xf32, #tpu.memory_space<vmem>>[vector<16xi32>, vector<16xi32>], vector<16xf32>,
      %mul3A_776 = arith.mulf %div3A_762, %gather3A_775 : vector<16xf32>
      %add3A_777 = arith.addf %add3A_772, %mul3A_776 : vector<16xf32>
      %broadcast_in_dim3A_778 = arith.constant 12 : i32
      %broadcast_in_dim3A_779 = vector.broadcast %broadcast_in_dim3A_778 : i32 to vector<16xi32>
      %gather3A_780 = tpu.vector_load_idx %arg11[%add3A_729, %broadcast_in_dim3A_779] : memref<128x16xf32, #tpu.memory_space<vmem>>[vector<16xi32>, vector<16xi32>], vector<16xf32>,
      %mul3A_781 = arith.mulf %div3A_763, %gather3A_780 : vector<16xf32>
      %add3A_782 = arith.addf %add3A_777, %mul3A_781 : vector<16xf32>
      %broadcast_in_dim3A_783 = arith.constant 0 : i32
      %broadcast_in_dim3A_784 = vector.broadcast %broadcast_in_dim3A_783 : i32 to vector<16xi32>
      tpu.vector_store_idx %arg13[%add3A_729, %broadcast_in_dim3A_784], %add3A_782 : memref<128x8xf32, #tpu.memory_space<vmem>>[vector<16xi32>, vector<16xi32>], vector<16xf32>,
      %broadcast_in_dim3A_785 = arith.constant 1 : i32
      %broadcast_in_dim3A_786 = vector.broadcast %broadcast_in_dim3A_785 : i32 to vector<16xi32>
      %gather3A_787 = tpu.vector_load_idx %arg11[%add3A_729, %broadcast_in_dim3A_786] : memref<128x16xf32, #tpu.memory_space<vmem>>[vector<16xi32>, vector<16xi32>], vector<16xf32>,
      %mul3A_788 = arith.mulf %div3A_760, %gather3A_787 : vector<16xf32>
      %broadcast_in_dim3A_789 = arith.constant 5 : i32
      %broadcast_in_dim3A_790 = vector.broadcast %broadcast_in_dim3A_789 : i32 to vector<16xi32>
      %gather3A_791 = tpu.vector_load_idx %arg11[%add3A_729, %broadcast_in_dim3A_790] : memref<128x16xf32, #tpu.memory_space<vmem>>[vector<16xi32>, vector<16xi32>], vector<16xf32>,
      %mul3A_792 = arith.mulf %div3A_761, %gather3A_791 : vector<16xf32>
      %add3A_793 = arith.addf %mul3A_788, %mul3A_792 : vector<16xf32>
      %broadcast_in_dim3A_794 = arith.constant 9 : i32
      %broadcast_in_dim3A_795 = vector.broadcast %broadcast_in_dim3A_794 : i32 to vector<16xi32>
      %gather3A_796 = tpu.vector_load_idx %arg11[%add3A_729, %broadcast_in_dim3A_795] : memref<128x16xf32, #tpu.memory_space<vmem>>[vector<16xi32>, vector<16xi32>], vector<16xf32>,
      %mul3A_797 = arith.mulf %div3A_762, %gather3A_796 : vector<16xf32>
      %add3A_798 = arith.addf %add3A_793, %mul3A_797 : vector<16xf32>
      %broadcast_in_dim3A_799 = arith.constant 13 : i32
      %broadcast_in_dim3A_800 = vector.broadcast %broadcast_in_dim3A_799 : i32 to vector<16xi32>
      %gather3A_801 = tpu.vector_load_idx %arg11[%add3A_729, %broadcast_in_dim3A_800] : memref<128x16xf32, #tpu.memory_space<vmem>>[vector<16xi32>, vector<16xi32>], vector<16xf32>,
      %mul3A_802 = arith.mulf %div3A_763, %gather3A_801 : vector<16xf32>
      %add3A_803 = arith.addf %add3A_798, %mul3A_802 : vector<16xf32>
      %broadcast_in_dim3A_804 = arith.constant 1 : i32
      %broadcast_in_dim3A_805 = vector.broadcast %broadcast_in_dim3A_804 : i32 to vector<16xi32>
      tpu.vector_store_idx %arg13[%add3A_729, %broadcast_in_dim3A_805], %add3A_803 : memref<128x8xf32, #tpu.memory_space<vmem>>[vector<16xi32>, vector<16xi32>], vector<16xf32>,
      %broadcast_in_dim3A_806 = arith.constant 2 : i32
      %broadcast_in_dim3A_807 = vector.broadcast %broadcast_in_dim3A_806 : i32 to vector<16xi32>
      %gather3A_808 = tpu.vector_load_idx %arg11[%add3A_729, %broadcast_in_dim3A_807] : memref<128x16xf32, #tpu.memory_space<vmem>>[vector<16xi32>, vector<16xi32>], vector<16xf32>,
      %mul3A_809 = arith.mulf %div3A_760, %gather3A_808 : vector<16xf32>
      %broadcast_in_dim3A_810 = arith.constant 6 : i32
      %broadcast_in_dim3A_811 = vector.broadcast %broadcast_in_dim3A_810 : i32 to vector<16xi32>
      %gather3A_812 = tpu.vector_load_idx %arg11[%add3A_729, %broadcast_in_dim3A_811] : memref<128x16xf32, #tpu.memory_space<vmem>>[vector<16xi32>, vector<16xi32>], vector<16xf32>,
      %mul3A_813 = arith.mulf %div3A_761, %gather3A_812 : vector<16xf32>
      %add3A_814 = arith.addf %mul3A_809, %mul3A_813 : vector<16xf32>
      %broadcast_in_dim3A_815 = arith.constant 10 : i32
      %broadcast_in_dim3A_816 = vector.broadcast %broadcast_in_dim3A_815 : i32 to vector<16xi32>
      %gather3A_817 = tpu.vector_load_idx %arg11[%add3A_729, %broadcast_in_dim3A_816] : memref<128x16xf32, #tpu.memory_space<vmem>>[vector<16xi32>, vector<16xi32>], vector<16xf32>,
      %mul3A_818 = arith.mulf %div3A_762, %gather3A_817 : vector<16xf32>
      %add3A_819 = arith.addf %add3A_814, %mul3A_818 : vector<16xf32>
      %broadcast_in_dim3A_820 = arith.constant 14 : i32
      %broadcast_in_dim3A_821 = vector.broadcast %broadcast_in_dim3A_820 : i32 to vector<16xi32>
      %gather3A_822 = tpu.vector_load_idx %arg11[%add3A_729, %broadcast_in_dim3A_821] : memref<128x16xf32, #tpu.memory_space<vmem>>[vector<16xi32>, vector<16xi32>], vector<16xf32>,
      %mul3A_823 = arith.mulf %div3A_763, %gather3A_822 : vector<16xf32>
      %add3A_824 = arith.addf %add3A_819, %mul3A_823 : vector<16xf32>
      %broadcast_in_dim3A_825 = arith.constant 2 : i32
      %broadcast_in_dim3A_826 = vector.broadcast %broadcast_in_dim3A_825 : i32 to vector<16xi32>
      tpu.vector_store_idx %arg13[%add3A_729, %broadcast_in_dim3A_826], %add3A_824 : memref<128x8xf32, #tpu.memory_space<vmem>>[vector<16xi32>, vector<16xi32>], vector<16xf32>,
      %broadcast_in_dim3A_827 = arith.constant 3 : i32
      %broadcast_in_dim3A_828 = vector.broadcast %broadcast_in_dim3A_827 : i32 to vector<16xi32>
      %gather3A_829 = tpu.vector_load_idx %arg11[%add3A_729, %broadcast_in_dim3A_828] : memref<128x16xf32, #tpu.memory_space<vmem>>[vector<16xi32>, vector<16xi32>], vector<16xf32>,
      %mul3A_830 = arith.mulf %div3A_760, %gather3A_829 : vector<16xf32>
      %broadcast_in_dim3A_831 = arith.constant 7 : i32
      %broadcast_in_dim3A_832 = vector.broadcast %broadcast_in_dim3A_831 : i32 to vector<16xi32>
      %gather3A_833 = tpu.vector_load_idx %arg11[%add3A_729, %broadcast_in_dim3A_832] : memref<128x16xf32, #tpu.memory_space<vmem>>[vector<16xi32>, vector<16xi32>], vector<16xf32>,
      %mul3A_834 = arith.mulf %div3A_761, %gather3A_833 : vector<16xf32>
      %add3A_835 = arith.addf %mul3A_830, %mul3A_834 : vector<16xf32>
      %broadcast_in_dim3A_836 = arith.constant 11 : i32
      %broadcast_in_dim3A_837 = vector.broadcast %broadcast_in_dim3A_836 : i32 to vector<16xi32>
      %gather3A_838 = tpu.vector_load_idx %arg11[%add3A_729, %broadcast_in_dim3A_837] : memref<128x16xf32, #tpu.memory_space<vmem>>[vector<16xi32>, vector<16xi32>], vector<16xf32>,
      %mul3A_839 = arith.mulf %div3A_762, %gather3A_838 : vector<16xf32>
      %add3A_840 = arith.addf %add3A_835, %mul3A_839 : vector<16xf32>
      %broadcast_in_dim3A_841 = arith.constant 15 : i32
      %broadcast_in_dim3A_842 = vector.broadcast %broadcast_in_dim3A_841 : i32 to vector<16xi32>
      %gather3A_843 = tpu.vector_load_idx %arg11[%add3A_729, %broadcast_in_dim3A_842] : memref<128x16xf32, #tpu.memory_space<vmem>>[vector<16xi32>, vector<16xi32>], vector<16xf32>,
      %mul3A_844 = arith.mulf %div3A_763, %gather3A_843 : vector<16xf32>
      %add3A_845 = arith.addf %add3A_840, %mul3A_844 : vector<16xf32>
      %broadcast_in_dim3A_846 = arith.constant 3 : i32
      %broadcast_in_dim3A_847 = vector.broadcast %broadcast_in_dim3A_846 : i32 to vector<16xi32>
      tpu.vector_store_idx %arg13[%add3A_729, %broadcast_in_dim3A_847], %add3A_845 : memref<128x8xf32, #tpu.memory_space<vmem>>[vector<16xi32>, vector<16xi32>], vector<16xf32>,
      %get3A_848 = arith.constant 96 : index
      %get3A_849 = tpu.vector_load %arg14[%get3A_848] {strides = array<i32>} : memref<128xi32, #tpu.memory_space<vmem>>, vector<16xi32>,
      %get3A_850 = arith.constant 96 : index
      %get3A_851 = tpu.vector_load %arg16[%get3A_850] {strides = array<i32>} : memref<128xi32, #tpu.memory_space<vmem>>, vector<16xi32>,
      %add3A_852 = arith.constant 96 : i32
      %add3A_853 = vector.broadcast %add3A_852 : i32 to vector<16xi32>
      %add3A_854 = arith.addi %iota3A, %add3A_853 : vector<16xi32>
      %gather3A_855 = tpu.vector_load_idx %arg10[%get3A_849, %broadcast_in_dim3A_3] : memref<10016x4xf32, #tpu.memory_space<vmem>>[vector<16xi32>, vector<16xi32>], vector<16xf32>,
      %gather3A_856 = tpu.vector_load_idx %arg10[%get3A_849, %broadcast_in_dim3A_5] : memref<10016x4xf32, #tpu.memory_space<vmem>>[vector<16xi32>, vector<16xi32>], vector<16xf32>,
      %gather3A_857 = tpu.vector_load_idx %arg10[%get3A_849, %broadcast_in_dim3A_7] : memref<10016x4xf32, #tpu.memory_space<vmem>>[vector<16xi32>, vector<16xi32>], vector<16xf32>,
      %gather3A_858 = tpu.vector_load_idx %arg10[%get3A_849, %broadcast_in_dim3A_9] : memref<10016x4xf32, #tpu.memory_space<vmem>>[vector<16xi32>, vector<16xi32>], vector<16xf32>,
      %gather3A_859 = tpu.vector_load_idx %arg10[%get3A_851, %broadcast_in_dim3A_3] : memref<10016x4xf32, #tpu.memory_space<vmem>>[vector<16xi32>, vector<16xi32>], vector<16xf32>,
      %gather3A_860 = tpu.vector_load_idx %arg10[%get3A_851, %broadcast_in_dim3A_5] : memref<10016x4xf32, #tpu.memory_space<vmem>>[vector<16xi32>, vector<16xi32>], vector<16xf32>,
      %gather3A_861 = tpu.vector_load_idx %arg10[%get3A_851, %broadcast_in_dim3A_7] : memref<10016x4xf32, #tpu.memory_space<vmem>>[vector<16xi32>, vector<16xi32>], vector<16xf32>,
      %gather3A_862 = tpu.vector_load_idx %arg10[%get3A_851, %broadcast_in_dim3A_9] : memref<10016x4xf32, #tpu.memory_space<vmem>>[vector<16xi32>, vector<16xi32>], vector<16xf32>,
      %sub3A_863 = arith.subf %gather3A_855, %gather3A_859 : vector<16xf32>
      %add3A_864 = arith.addf %sub3A_863, %get3A_12 : vector<16xf32>
      %sub3A_865 = arith.subf %gather3A_856, %gather3A_860 : vector<16xf32>
      %add3A_866 = arith.addf %sub3A_865, %get3A_16 : vector<16xf32>
      %sub3A_867 = arith.subf %gather3A_857, %gather3A_861 : vector<16xf32>
      %add3A_868 = arith.addf %sub3A_867, %get3A_20 : vector<16xf32>
      %sub3A_869 = arith.subf %gather3A_858, %gather3A_862 : vector<16xf32>
      %add3A_870 = arith.addf %sub3A_869, %get3A_24 : vector<16xf32>
      %max3A_871 = arith.maximumf %add3A_864, %add3A_866 : vector<16xf32>
      %max3A_872 = arith.maximumf %add3A_868, %add3A_870 : vector<16xf32>
      %max3A_873 = arith.maximumf %max3A_871, %max3A_872 : vector<16xf32>
      %sub3A_874 = arith.subf %add3A_864, %max3A_873 : vector<16xf32>
      %exp3A_875 = math.exp %sub3A_874 : vector<16xf32>
      %sub3A_876 = arith.subf %add3A_866, %max3A_873 : vector<16xf32>
      %exp3A_877 = math.exp %sub3A_876 : vector<16xf32>
      %sub3A_878 = arith.subf %add3A_868, %max3A_873 : vector<16xf32>
      %exp3A_879 = math.exp %sub3A_878 : vector<16xf32>
      %sub3A_880 = arith.subf %add3A_870, %max3A_873 : vector<16xf32>
      %exp3A_881 = math.exp %sub3A_880 : vector<16xf32>
      %add3A_882 = arith.addf %exp3A_875, %exp3A_877 : vector<16xf32>
      %add3A_883 = arith.addf %exp3A_879, %exp3A_881 : vector<16xf32>
      %add3A_884 = arith.addf %add3A_882, %add3A_883 : vector<16xf32>
      %div3A_885 = arith.divf %exp3A_875, %add3A_884 : vector<16xf32>
      %div3A_886 = arith.divf %exp3A_877, %add3A_884 : vector<16xf32>
      %div3A_887 = arith.divf %exp3A_879, %add3A_884 : vector<16xf32>
      %div3A_888 = arith.divf %exp3A_881, %add3A_884 : vector<16xf32>
      %broadcast_in_dim3A_889 = arith.constant 0 : i32
      %broadcast_in_dim3A_890 = vector.broadcast %broadcast_in_dim3A_889 : i32 to vector<16xi32>
      %gather3A_891 = tpu.vector_load_idx %arg11[%add3A_854, %broadcast_in_dim3A_890] : memref<128x16xf32, #tpu.memory_space<vmem>>[vector<16xi32>, vector<16xi32>], vector<16xf32>,
      %mul3A_892 = arith.mulf %div3A_885, %gather3A_891 : vector<16xf32>
      %broadcast_in_dim3A_893 = arith.constant 4 : i32
      %broadcast_in_dim3A_894 = vector.broadcast %broadcast_in_dim3A_893 : i32 to vector<16xi32>
      %gather3A_895 = tpu.vector_load_idx %arg11[%add3A_854, %broadcast_in_dim3A_894] : memref<128x16xf32, #tpu.memory_space<vmem>>[vector<16xi32>, vector<16xi32>], vector<16xf32>,
      %mul3A_896 = arith.mulf %div3A_886, %gather3A_895 : vector<16xf32>
      %add3A_897 = arith.addf %mul3A_892, %mul3A_896 : vector<16xf32>
      %broadcast_in_dim3A_898 = arith.constant 8 : i32
      %broadcast_in_dim3A_899 = vector.broadcast %broadcast_in_dim3A_898 : i32 to vector<16xi32>
      %gather3A_900 = tpu.vector_load_idx %arg11[%add3A_854, %broadcast_in_dim3A_899] : memref<128x16xf32, #tpu.memory_space<vmem>>[vector<16xi32>, vector<16xi32>], vector<16xf32>,
      %mul3A_901 = arith.mulf %div3A_887, %gather3A_900 : vector<16xf32>
      %add3A_902 = arith.addf %add3A_897, %mul3A_901 : vector<16xf32>
      %broadcast_in_dim3A_903 = arith.constant 12 : i32
      %broadcast_in_dim3A_904 = vector.broadcast %broadcast_in_dim3A_903 : i32 to vector<16xi32>
      %gather3A_905 = tpu.vector_load_idx %arg11[%add3A_854, %broadcast_in_dim3A_904] : memref<128x16xf32, #tpu.memory_space<vmem>>[vector<16xi32>, vector<16xi32>], vector<16xf32>,
      %mul3A_906 = arith.mulf %div3A_888, %gather3A_905 : vector<16xf32>
      %add3A_907 = arith.addf %add3A_902, %mul3A_906 : vector<16xf32>
      %broadcast_in_dim3A_908 = arith.constant 0 : i32
      %broadcast_in_dim3A_909 = vector.broadcast %broadcast_in_dim3A_908 : i32 to vector<16xi32>
      tpu.vector_store_idx %arg13[%add3A_854, %broadcast_in_dim3A_909], %add3A_907 : memref<128x8xf32, #tpu.memory_space<vmem>>[vector<16xi32>, vector<16xi32>], vector<16xf32>,
      %broadcast_in_dim3A_910 = arith.constant 1 : i32
      %broadcast_in_dim3A_911 = vector.broadcast %broadcast_in_dim3A_910 : i32 to vector<16xi32>
      %gather3A_912 = tpu.vector_load_idx %arg11[%add3A_854, %broadcast_in_dim3A_911] : memref<128x16xf32, #tpu.memory_space<vmem>>[vector<16xi32>, vector<16xi32>], vector<16xf32>,
      %mul3A_913 = arith.mulf %div3A_885, %gather3A_912 : vector<16xf32>
      %broadcast_in_dim3A_914 = arith.constant 5 : i32
      %broadcast_in_dim3A_915 = vector.broadcast %broadcast_in_dim3A_914 : i32 to vector<16xi32>
      %gather3A_916 = tpu.vector_load_idx %arg11[%add3A_854, %broadcast_in_dim3A_915] : memref<128x16xf32, #tpu.memory_space<vmem>>[vector<16xi32>, vector<16xi32>], vector<16xf32>,
      %mul3A_917 = arith.mulf %div3A_886, %gather3A_916 : vector<16xf32>
      %add3A_918 = arith.addf %mul3A_913, %mul3A_917 : vector<16xf32>
      %broadcast_in_dim3A_919 = arith.constant 9 : i32
      %broadcast_in_dim3A_920 = vector.broadcast %broadcast_in_dim3A_919 : i32 to vector<16xi32>
      %gather3A_921 = tpu.vector_load_idx %arg11[%add3A_854, %broadcast_in_dim3A_920] : memref<128x16xf32, #tpu.memory_space<vmem>>[vector<16xi32>, vector<16xi32>], vector<16xf32>,
      %mul3A_922 = arith.mulf %div3A_887, %gather3A_921 : vector<16xf32>
      %add3A_923 = arith.addf %add3A_918, %mul3A_922 : vector<16xf32>
      %broadcast_in_dim3A_924 = arith.constant 13 : i32
      %broadcast_in_dim3A_925 = vector.broadcast %broadcast_in_dim3A_924 : i32 to vector<16xi32>
      %gather3A_926 = tpu.vector_load_idx %arg11[%add3A_854, %broadcast_in_dim3A_925] : memref<128x16xf32, #tpu.memory_space<vmem>>[vector<16xi32>, vector<16xi32>], vector<16xf32>,
      %mul3A_927 = arith.mulf %div3A_888, %gather3A_926 : vector<16xf32>
      %add3A_928 = arith.addf %add3A_923, %mul3A_927 : vector<16xf32>
      %broadcast_in_dim3A_929 = arith.constant 1 : i32
      %broadcast_in_dim3A_930 = vector.broadcast %broadcast_in_dim3A_929 : i32 to vector<16xi32>
      tpu.vector_store_idx %arg13[%add3A_854, %broadcast_in_dim3A_930], %add3A_928 : memref<128x8xf32, #tpu.memory_space<vmem>>[vector<16xi32>, vector<16xi32>], vector<16xf32>,
      %broadcast_in_dim3A_931 = arith.constant 2 : i32
      %broadcast_in_dim3A_932 = vector.broadcast %broadcast_in_dim3A_931 : i32 to vector<16xi32>
      %gather3A_933 = tpu.vector_load_idx %arg11[%add3A_854, %broadcast_in_dim3A_932] : memref<128x16xf32, #tpu.memory_space<vmem>>[vector<16xi32>, vector<16xi32>], vector<16xf32>,
      %mul3A_934 = arith.mulf %div3A_885, %gather3A_933 : vector<16xf32>
      %broadcast_in_dim3A_935 = arith.constant 6 : i32
      %broadcast_in_dim3A_936 = vector.broadcast %broadcast_in_dim3A_935 : i32 to vector<16xi32>
      %gather3A_937 = tpu.vector_load_idx %arg11[%add3A_854, %broadcast_in_dim3A_936] : memref<128x16xf32, #tpu.memory_space<vmem>>[vector<16xi32>, vector<16xi32>], vector<16xf32>,
      %mul3A_938 = arith.mulf %div3A_886, %gather3A_937 : vector<16xf32>
      %add3A_939 = arith.addf %mul3A_934, %mul3A_938 : vector<16xf32>
      %broadcast_in_dim3A_940 = arith.constant 10 : i32
      %broadcast_in_dim3A_941 = vector.broadcast %broadcast_in_dim3A_940 : i32 to vector<16xi32>
      %gather3A_942 = tpu.vector_load_idx %arg11[%add3A_854, %broadcast_in_dim3A_941] : memref<128x16xf32, #tpu.memory_space<vmem>>[vector<16xi32>, vector<16xi32>], vector<16xf32>,
      %mul3A_943 = arith.mulf %div3A_887, %gather3A_942 : vector<16xf32>
      %add3A_944 = arith.addf %add3A_939, %mul3A_943 : vector<16xf32>
      %broadcast_in_dim3A_945 = arith.constant 14 : i32
      %broadcast_in_dim3A_946 = vector.broadcast %broadcast_in_dim3A_945 : i32 to vector<16xi32>
      %gather3A_947 = tpu.vector_load_idx %arg11[%add3A_854, %broadcast_in_dim3A_946] : memref<128x16xf32, #tpu.memory_space<vmem>>[vector<16xi32>, vector<16xi32>], vector<16xf32>,
      %mul3A_948 = arith.mulf %div3A_888, %gather3A_947 : vector<16xf32>
      %add3A_949 = arith.addf %add3A_944, %mul3A_948 : vector<16xf32>
      %broadcast_in_dim3A_950 = arith.constant 2 : i32
      %broadcast_in_dim3A_951 = vector.broadcast %broadcast_in_dim3A_950 : i32 to vector<16xi32>
      tpu.vector_store_idx %arg13[%add3A_854, %broadcast_in_dim3A_951], %add3A_949 : memref<128x8xf32, #tpu.memory_space<vmem>>[vector<16xi32>, vector<16xi32>], vector<16xf32>,
      %broadcast_in_dim3A_952 = arith.constant 3 : i32
      %broadcast_in_dim3A_953 = vector.broadcast %broadcast_in_dim3A_952 : i32 to vector<16xi32>
      %gather3A_954 = tpu.vector_load_idx %arg11[%add3A_854, %broadcast_in_dim3A_953] : memref<128x16xf32, #tpu.memory_space<vmem>>[vector<16xi32>, vector<16xi32>], vector<16xf32>,
      %mul3A_955 = arith.mulf %div3A_885, %gather3A_954 : vector<16xf32>
      %broadcast_in_dim3A_956 = arith.constant 7 : i32
      %broadcast_in_dim3A_957 = vector.broadcast %broadcast_in_dim3A_956 : i32 to vector<16xi32>
      %gather3A_958 = tpu.vector_load_idx %arg11[%add3A_854, %broadcast_in_dim3A_957] : memref<128x16xf32, #tpu.memory_space<vmem>>[vector<16xi32>, vector<16xi32>], vector<16xf32>,
      %mul3A_959 = arith.mulf %div3A_886, %gather3A_958 : vector<16xf32>
      %add3A_960 = arith.addf %mul3A_955, %mul3A_959 : vector<16xf32>
      %broadcast_in_dim3A_961 = arith.constant 11 : i32
      %broadcast_in_dim3A_962 = vector.broadcast %broadcast_in_dim3A_961 : i32 to vector<16xi32>
      %gather3A_963 = tpu.vector_load_idx %arg11[%add3A_854, %broadcast_in_dim3A_962] : memref<128x16xf32, #tpu.memory_space<vmem>>[vector<16xi32>, vector<16xi32>], vector<16xf32>,
      %mul3A_964 = arith.mulf %div3A_887, %gather3A_963 : vector<16xf32>
      %add3A_965 = arith.addf %add3A_960, %mul3A_964 : vector<16xf32>
      %broadcast_in_dim3A_966 = arith.constant 15 : i32
      %broadcast_in_dim3A_967 = vector.broadcast %broadcast_in_dim3A_966 : i32 to vector<16xi32>
      %gather3A_968 = tpu.vector_load_idx %arg11[%add3A_854, %broadcast_in_dim3A_967] : memref<128x16xf32, #tpu.memory_space<vmem>>[vector<16xi32>, vector<16xi32>], vector<16xf32>,
      %mul3A_969 = arith.mulf %div3A_888, %gather3A_968 : vector<16xf32>
      %add3A_970 = arith.addf %add3A_965, %mul3A_969 : vector<16xf32>
      %broadcast_in_dim3A_971 = arith.constant 3 : i32
      %broadcast_in_dim3A_972 = vector.broadcast %broadcast_in_dim3A_971 : i32 to vector<16xi32>
      tpu.vector_store_idx %arg13[%add3A_854, %broadcast_in_dim3A_972], %add3A_970 : memref<128x8xf32, #tpu.memory_space<vmem>>[vector<16xi32>, vector<16xi32>], vector<16xf32>,
      %get3A_973 = arith.constant 112 : index
      %get3A_974 = tpu.vector_load %arg14[%get3A_973] {strides = array<i32>} : memref<128xi32, #tpu.memory_space<vmem>>, vector<16xi32>,
      %get3A_975 = arith.constant 112 : index
      %get3A_976 = tpu.vector_load %arg16[%get3A_975] {strides = array<i32>} : memref<128xi32, #tpu.memory_space<vmem>>, vector<16xi32>,
      %add3A_977 = arith.constant 112 : i32
      %add3A_978 = vector.broadcast %add3A_977 : i32 to vector<16xi32>
      %add3A_979 = arith.addi %iota3A, %add3A_978 : vector<16xi32>
      %gather3A_980 = tpu.vector_load_idx %arg10[%get3A_974, %broadcast_in_dim3A_3] : memref<10016x4xf32, #tpu.memory_space<vmem>>[vector<16xi32>, vector<16xi32>], vector<16xf32>,
      %gather3A_981 = tpu.vector_load_idx %arg10[%get3A_974, %broadcast_in_dim3A_5] : memref<10016x4xf32, #tpu.memory_space<vmem>>[vector<16xi32>, vector<16xi32>], vector<16xf32>,
      %gather3A_982 = tpu.vector_load_idx %arg10[%get3A_974, %broadcast_in_dim3A_7] : memref<10016x4xf32, #tpu.memory_space<vmem>>[vector<16xi32>, vector<16xi32>], vector<16xf32>,
      %gather3A_983 = tpu.vector_load_idx %arg10[%get3A_974, %broadcast_in_dim3A_9] : memref<10016x4xf32, #tpu.memory_space<vmem>>[vector<16xi32>, vector<16xi32>], vector<16xf32>,
      %gather3A_984 = tpu.vector_load_idx %arg10[%get3A_976, %broadcast_in_dim3A_3] : memref<10016x4xf32, #tpu.memory_space<vmem>>[vector<16xi32>, vector<16xi32>], vector<16xf32>,
      %gather3A_985 = tpu.vector_load_idx %arg10[%get3A_976, %broadcast_in_dim3A_5] : memref<10016x4xf32, #tpu.memory_space<vmem>>[vector<16xi32>, vector<16xi32>], vector<16xf32>,
      %gather3A_986 = tpu.vector_load_idx %arg10[%get3A_976, %broadcast_in_dim3A_7] : memref<10016x4xf32, #tpu.memory_space<vmem>>[vector<16xi32>, vector<16xi32>], vector<16xf32>,
      %gather3A_987 = tpu.vector_load_idx %arg10[%get3A_976, %broadcast_in_dim3A_9] : memref<10016x4xf32, #tpu.memory_space<vmem>>[vector<16xi32>, vector<16xi32>], vector<16xf32>,
      %sub3A_988 = arith.subf %gather3A_980, %gather3A_984 : vector<16xf32>
      %add3A_989 = arith.addf %sub3A_988, %get3A_12 : vector<16xf32>
      %sub3A_990 = arith.subf %gather3A_981, %gather3A_985 : vector<16xf32>
      %add3A_991 = arith.addf %sub3A_990, %get3A_16 : vector<16xf32>
      %sub3A_992 = arith.subf %gather3A_982, %gather3A_986 : vector<16xf32>
      %add3A_993 = arith.addf %sub3A_992, %get3A_20 : vector<16xf32>
      %sub3A_994 = arith.subf %gather3A_983, %gather3A_987 : vector<16xf32>
      %add3A_995 = arith.addf %sub3A_994, %get3A_24 : vector<16xf32>
      %max3A_996 = arith.maximumf %add3A_989, %add3A_991 : vector<16xf32>
      %max3A_997 = arith.maximumf %add3A_993, %add3A_995 : vector<16xf32>
      %max3A_998 = arith.maximumf %max3A_996, %max3A_997 : vector<16xf32>
      %sub3A_999 = arith.subf %add3A_989, %max3A_998 : vector<16xf32>
      %exp3A_1000 = math.exp %sub3A_999 : vector<16xf32>
      %sub3A_1001 = arith.subf %add3A_991, %max3A_998 : vector<16xf32>
      %exp3A_1002 = math.exp %sub3A_1001 : vector<16xf32>
      %sub3A_1003 = arith.subf %add3A_993, %max3A_998 : vector<16xf32>
      %exp3A_1004 = math.exp %sub3A_1003 : vector<16xf32>
      %sub3A_1005 = arith.subf %add3A_995, %max3A_998 : vector<16xf32>
      %exp3A_1006 = math.exp %sub3A_1005 : vector<16xf32>
      %add3A_1007 = arith.addf %exp3A_1000, %exp3A_1002 : vector<16xf32>
      %add3A_1008 = arith.addf %exp3A_1004, %exp3A_1006 : vector<16xf32>
      %add3A_1009 = arith.addf %add3A_1007, %add3A_1008 : vector<16xf32>
      %div3A_1010 = arith.divf %exp3A_1000, %add3A_1009 : vector<16xf32>
      %div3A_1011 = arith.divf %exp3A_1002, %add3A_1009 : vector<16xf32>
      %div3A_1012 = arith.divf %exp3A_1004, %add3A_1009 : vector<16xf32>
      %div3A_1013 = arith.divf %exp3A_1006, %add3A_1009 : vector<16xf32>
      %broadcast_in_dim3A_1014 = arith.constant 0 : i32
      %broadcast_in_dim3A_1015 = vector.broadcast %broadcast_in_dim3A_1014 : i32 to vector<16xi32>
      %gather3A_1016 = tpu.vector_load_idx %arg11[%add3A_979, %broadcast_in_dim3A_1015] : memref<128x16xf32, #tpu.memory_space<vmem>>[vector<16xi32>, vector<16xi32>], vector<16xf32>,
      %mul3A_1017 = arith.mulf %div3A_1010, %gather3A_1016 : vector<16xf32>
      %broadcast_in_dim3A_1018 = arith.constant 4 : i32
      %broadcast_in_dim3A_1019 = vector.broadcast %broadcast_in_dim3A_1018 : i32 to vector<16xi32>
      %gather3A_1020 = tpu.vector_load_idx %arg11[%add3A_979, %broadcast_in_dim3A_1019] : memref<128x16xf32, #tpu.memory_space<vmem>>[vector<16xi32>, vector<16xi32>], vector<16xf32>,
      %mul3A_1021 = arith.mulf %div3A_1011, %gather3A_1020 : vector<16xf32>
      %add3A_1022 = arith.addf %mul3A_1017, %mul3A_1021 : vector<16xf32>
      %broadcast_in_dim3A_1023 = arith.constant 8 : i32
      %broadcast_in_dim3A_1024 = vector.broadcast %broadcast_in_dim3A_1023 : i32 to vector<16xi32>
      %gather3A_1025 = tpu.vector_load_idx %arg11[%add3A_979, %broadcast_in_dim3A_1024] : memref<128x16xf32, #tpu.memory_space<vmem>>[vector<16xi32>, vector<16xi32>], vector<16xf32>,
      %mul3A_1026 = arith.mulf %div3A_1012, %gather3A_1025 : vector<16xf32>
      %add3A_1027 = arith.addf %add3A_1022, %mul3A_1026 : vector<16xf32>
      %broadcast_in_dim3A_1028 = arith.constant 12 : i32
      %broadcast_in_dim3A_1029 = vector.broadcast %broadcast_in_dim3A_1028 : i32 to vector<16xi32>
      %gather3A_1030 = tpu.vector_load_idx %arg11[%add3A_979, %broadcast_in_dim3A_1029] : memref<128x16xf32, #tpu.memory_space<vmem>>[vector<16xi32>, vector<16xi32>], vector<16xf32>,
      %mul3A_1031 = arith.mulf %div3A_1013, %gather3A_1030 : vector<16xf32>
      %add3A_1032 = arith.addf %add3A_1027, %mul3A_1031 : vector<16xf32>
      %broadcast_in_dim3A_1033 = arith.constant 0 : i32
      %broadcast_in_dim3A_1034 = vector.broadcast %broadcast_in_dim3A_1033 : i32 to vector<16xi32>
      tpu.vector_store_idx %arg13[%add3A_979, %broadcast_in_dim3A_1034], %add3A_1032 : memref<128x8xf32, #tpu.memory_space<vmem>>[vector<16xi32>, vector<16xi32>], vector<16xf32>,
      %broadcast_in_dim3A_1035 = arith.constant 1 : i32
      %broadcast_in_dim3A_1036 = vector.broadcast %broadcast_in_dim3A_1035 : i32 to vector<16xi32>
      %gather3A_1037 = tpu.vector_load_idx %arg11[%add3A_979, %broadcast_in_dim3A_1036] : memref<128x16xf32, #tpu.memory_space<vmem>>[vector<16xi32>, vector<16xi32>], vector<16xf32>,
      %mul3A_1038 = arith.mulf %div3A_1010, %gather3A_1037 : vector<16xf32>
      %broadcast_in_dim3A_1039 = arith.constant 5 : i32
      %broadcast_in_dim3A_1040 = vector.broadcast %broadcast_in_dim3A_1039 : i32 to vector<16xi32>
      %gather3A_1041 = tpu.vector_load_idx %arg11[%add3A_979, %broadcast_in_dim3A_1040] : memref<128x16xf32, #tpu.memory_space<vmem>>[vector<16xi32>, vector<16xi32>], vector<16xf32>,
      %mul3A_1042 = arith.mulf %div3A_1011, %gather3A_1041 : vector<16xf32>
      %add3A_1043 = arith.addf %mul3A_1038, %mul3A_1042 : vector<16xf32>
      %broadcast_in_dim3A_1044 = arith.constant 9 : i32
      %broadcast_in_dim3A_1045 = vector.broadcast %broadcast_in_dim3A_1044 : i32 to vector<16xi32>
      %gather3A_1046 = tpu.vector_load_idx %arg11[%add3A_979, %broadcast_in_dim3A_1045] : memref<128x16xf32, #tpu.memory_space<vmem>>[vector<16xi32>, vector<16xi32>], vector<16xf32>,
      %mul3A_1047 = arith.mulf %div3A_1012, %gather3A_1046 : vector<16xf32>
      %add3A_1048 = arith.addf %add3A_1043, %mul3A_1047 : vector<16xf32>
      %broadcast_in_dim3A_1049 = arith.constant 13 : i32
      %broadcast_in_dim3A_1050 = vector.broadcast %broadcast_in_dim3A_1049 : i32 to vector<16xi32>
      %gather3A_1051 = tpu.vector_load_idx %arg11[%add3A_979, %broadcast_in_dim3A_1050] : memref<128x16xf32, #tpu.memory_space<vmem>>[vector<16xi32>, vector<16xi32>], vector<16xf32>,
      %mul3A_1052 = arith.mulf %div3A_1013, %gather3A_1051 : vector<16xf32>
      %add3A_1053 = arith.addf %add3A_1048, %mul3A_1052 : vector<16xf32>
      %broadcast_in_dim3A_1054 = arith.constant 1 : i32
      %broadcast_in_dim3A_1055 = vector.broadcast %broadcast_in_dim3A_1054 : i32 to vector<16xi32>
      tpu.vector_store_idx %arg13[%add3A_979, %broadcast_in_dim3A_1055], %add3A_1053 : memref<128x8xf32, #tpu.memory_space<vmem>>[vector<16xi32>, vector<16xi32>], vector<16xf32>,
      %broadcast_in_dim3A_1056 = arith.constant 2 : i32
      %broadcast_in_dim3A_1057 = vector.broadcast %broadcast_in_dim3A_1056 : i32 to vector<16xi32>
      %gather3A_1058 = tpu.vector_load_idx %arg11[%add3A_979, %broadcast_in_dim3A_1057] : memref<128x16xf32, #tpu.memory_space<vmem>>[vector<16xi32>, vector<16xi32>], vector<16xf32>,
      %mul3A_1059 = arith.mulf %div3A_1010, %gather3A_1058 : vector<16xf32>
      %broadcast_in_dim3A_1060 = arith.constant 6 : i32
      %broadcast_in_dim3A_1061 = vector.broadcast %broadcast_in_dim3A_1060 : i32 to vector<16xi32>
      %gather3A_1062 = tpu.vector_load_idx %arg11[%add3A_979, %broadcast_in_dim3A_1061] : memref<128x16xf32, #tpu.memory_space<vmem>>[vector<16xi32>, vector<16xi32>], vector<16xf32>,
      %mul3A_1063 = arith.mulf %div3A_1011, %gather3A_1062 : vector<16xf32>
      %add3A_1064 = arith.addf %mul3A_1059, %mul3A_1063 : vector<16xf32>
      %broadcast_in_dim3A_1065 = arith.constant 10 : i32
      %broadcast_in_dim3A_1066 = vector.broadcast %broadcast_in_dim3A_1065 : i32 to vector<16xi32>
      %gather3A_1067 = tpu.vector_load_idx %arg11[%add3A_979, %broadcast_in_dim3A_1066] : memref<128x16xf32, #tpu.memory_space<vmem>>[vector<16xi32>, vector<16xi32>], vector<16xf32>,
      %mul3A_1068 = arith.mulf %div3A_1012, %gather3A_1067 : vector<16xf32>
      %add3A_1069 = arith.addf %add3A_1064, %mul3A_1068 : vector<16xf32>
      %broadcast_in_dim3A_1070 = arith.constant 14 : i32
      %broadcast_in_dim3A_1071 = vector.broadcast %broadcast_in_dim3A_1070 : i32 to vector<16xi32>
      %gather3A_1072 = tpu.vector_load_idx %arg11[%add3A_979, %broadcast_in_dim3A_1071] : memref<128x16xf32, #tpu.memory_space<vmem>>[vector<16xi32>, vector<16xi32>], vector<16xf32>,
      %mul3A_1073 = arith.mulf %div3A_1013, %gather3A_1072 : vector<16xf32>
      %add3A_1074 = arith.addf %add3A_1069, %mul3A_1073 : vector<16xf32>
      %broadcast_in_dim3A_1075 = arith.constant 2 : i32
      %broadcast_in_dim3A_1076 = vector.broadcast %broadcast_in_dim3A_1075 : i32 to vector<16xi32>
      tpu.vector_store_idx %arg13[%add3A_979, %broadcast_in_dim3A_1076], %add3A_1074 : memref<128x8xf32, #tpu.memory_space<vmem>>[vector<16xi32>, vector<16xi32>], vector<16xf32>,
      %broadcast_in_dim3A_1077 = arith.constant 3 : i32
      %broadcast_in_dim3A_1078 = vector.broadcast %broadcast_in_dim3A_1077 : i32 to vector<16xi32>
      %gather3A_1079 = tpu.vector_load_idx %arg11[%add3A_979, %broadcast_in_dim3A_1078] : memref<128x16xf32, #tpu.memory_space<vmem>>[vector<16xi32>, vector<16xi32>], vector<16xf32>,
      %mul3A_1080 = arith.mulf %div3A_1010, %gather3A_1079 : vector<16xf32>
      %broadcast_in_dim3A_1081 = arith.constant 7 : i32
      %broadcast_in_dim3A_1082 = vector.broadcast %broadcast_in_dim3A_1081 : i32 to vector<16xi32>
      %gather3A_1083 = tpu.vector_load_idx %arg11[%add3A_979, %broadcast_in_dim3A_1082] : memref<128x16xf32, #tpu.memory_space<vmem>>[vector<16xi32>, vector<16xi32>], vector<16xf32>,
      %mul3A_1084 = arith.mulf %div3A_1011, %gather3A_1083 : vector<16xf32>
      %add3A_1085 = arith.addf %mul3A_1080, %mul3A_1084 : vector<16xf32>
      %broadcast_in_dim3A_1086 = arith.constant 11 : i32
      %broadcast_in_dim3A_1087 = vector.broadcast %broadcast_in_dim3A_1086 : i32 to vector<16xi32>
      %gather3A_1088 = tpu.vector_load_idx %arg11[%add3A_979, %broadcast_in_dim3A_1087] : memref<128x16xf32, #tpu.memory_space<vmem>>[vector<16xi32>, vector<16xi32>], vector<16xf32>,
      %mul3A_1089 = arith.mulf %div3A_1012, %gather3A_1088 : vector<16xf32>
      %add3A_1090 = arith.addf %add3A_1085, %mul3A_1089 : vector<16xf32>
      %broadcast_in_dim3A_1091 = arith.constant 15 : i32
      %broadcast_in_dim3A_1092 = vector.broadcast %broadcast_in_dim3A_1091 : i32 to vector<16xi32>
      %gather3A_1093 = tpu.vector_load_idx %arg11[%add3A_979, %broadcast_in_dim3A_1092] : memref<128x16xf32, #tpu.memory_space<vmem>>[vector<16xi32>, vector<16xi32>], vector<16xf32>,
      %mul3A_1094 = arith.mulf %div3A_1013, %gather3A_1093 : vector<16xf32>
      %add3A_1095 = arith.addf %add3A_1090, %mul3A_1094 : vector<16xf32>
      %broadcast_in_dim3A_1096 = arith.constant 3 : i32
      %broadcast_in_dim3A_1097 = vector.broadcast %broadcast_in_dim3A_1096 : i32 to vector<16xi32>
      tpu.vector_store_idx %arg13[%add3A_979, %broadcast_in_dim3A_1097], %add3A_1095 : memref<128x8xf32, #tpu.memory_space<vmem>>[vector<16xi32>, vector<16xi32>], vector<16xf32>,
      "tpu.region"() ({
        %run_scoped3A = tpu.sem_alloc : memref<!tpu.dma_semaphore, #tpu.memory_space<semaphore_mem>>
        %dma_start3A_2147 = arith.constant 0 : i32
        %dma_start3A_2148 = arith.constant 0 : i32
        %dma_start3A_2149 = tpu.memref_slice %arg19[%dma_start3A_2147, %dma_start3A_2148] : memref<10016x8xf32, #tpu.memory_space<vmem_shared>> -> memref<10016x8xf32, #tpu.memory_space<vmem_shared>>
        tpu.enqueue_indirect_dma source(%arg13 : memref<128x8xf32, #tpu.memory_space<vmem>>) target(%dma_start3A_2149 : memref<10016x8xf32, #tpu.memory_space<vmem_shared>>) offsets(%arg16 : memref<128xi32, #tpu.memory_space<vmem>>) semaphore(%run_scoped3A : memref<!tpu.dma_semaphore, #tpu.memory_space<semaphore_mem>>) {add = true}
        %dma_wait3A_2150 = arith.constant 0 : i32
        %dma_wait3A_2151 = arith.constant 0 : i32
        %dma_wait3A_2152 = tpu.memref_slice %arg19[%dma_wait3A_2150, %dma_wait3A_2151] : memref<10016x8xf32, #tpu.memory_space<vmem_shared>> -> memref<10016x8xf32, #tpu.memory_space<vmem_shared>>
        tpu.wait_indirect_dma semaphore(%run_scoped3A : memref<!tpu.dma_semaphore, #tpu.memory_space<semaphore_mem>>) src(%arg13 : memref<128x8xf32, #tpu.memory_space<vmem>>) dst(%dma_wait3A_2152 : memref<10016x8xf32, #tpu.memory_space<vmem_shared>>)
        tpu.yield
      }) : () -> ()
      %add3A_1098 = arith.constant 2 : i32
      %add3A_1099 = arith.addi %add3A_84, %add3A_1098 : i32
      %min3A_1100 = arith.constant 81 : i32
      %min3A_1101 = arith.minsi %add3A_1099, %min3A_1100 : i32
      %mul3A_1102 = arith.constant 82 : i32
      %mul3A_1103 = arith.muli %add3A, %mul3A_1102 : i32
      %add3A_1104 = arith.addi %mul3A_1103, %min3A_1101 : i32
      %mul3A_1105 = arith.constant 128 : i32
      %mul3A_1106 = arith.muli %add3A_1104, %mul3A_1105 : i32
      %dma_start3A_1107 = tpu.memref_slice %arg4[%mul3A_1106] : memref<335872xi32, #tpu.memory_space<hbm>> -> memref<128xi32, #tpu.memory_space<hbm>>
      %dma_start3A_1108 = tpu.memref_slice %arg4[%mul3A_1106] : memref<335872xi32, #tpu.memory_space<hbm>> -> memref<128xi32, #tpu.memory_space<hbm>>
      tpu.enqueue_dma source(%dma_start3A_1108 : memref<128xi32, #tpu.memory_space<hbm>>) target(%arg14 : memref<128xi32, #tpu.memory_space<vmem>>) target_semaphore(%arg22 : memref<!tpu.dma_semaphore, #tpu.memory_space<semaphore_mem>>)
      %dma_start3A_1109 = tpu.memref_slice %arg5[%mul3A_1106] : memref<335872xi32, #tpu.memory_space<hbm>> -> memref<128xi32, #tpu.memory_space<hbm>>
      %dma_start3A_1110 = tpu.memref_slice %arg5[%mul3A_1106] : memref<335872xi32, #tpu.memory_space<hbm>> -> memref<128xi32, #tpu.memory_space<hbm>>
      tpu.enqueue_dma source(%dma_start3A_1110 : memref<128xi32, #tpu.memory_space<hbm>>) target(%arg16 : memref<128xi32, #tpu.memory_space<vmem>>) target_semaphore(%arg22 : memref<!tpu.dma_semaphore, #tpu.memory_space<semaphore_mem>>)
      %mul3A_1111 = arith.constant 2 : i32
      %mul3A_1112 = arith.muli %mul3A_1111, %scan3A_80 : i32
      %add3A_1113 = arith.constant 1 : i32
      %add3A_1114 = arith.addi %mul3A_1112, %add3A_1113 : i32
      %add3A_1115 = arith.constant 1 : i32
      %add3A_1116 = arith.addi %add3A_1114, %add3A_1115 : i32
      %min3A_1117 = arith.constant 81 : i32
      %min3A_1118 = arith.minsi %add3A_1116, %min3A_1117 : i32
      %mul3A_1119 = arith.constant 82 : i32
      %mul3A_1120 = arith.muli %add3A, %mul3A_1119 : i32
      %add3A_1121 = arith.addi %mul3A_1120, %min3A_1118 : i32
      %mul3A_1122 = arith.constant 128 : i32
      %mul3A_1123 = arith.muli %add3A_1121, %mul3A_1122 : i32
      %dma_wait3A_1124 = tpu.memref_slice %arg4[%mul3A_1123] : memref<335872xi32, #tpu.memory_space<hbm>> -> memref<128xi32, #tpu.memory_space<hbm>>
      %dma_wait3A_1125 = tpu.memref_slice %arg4[%mul3A_1123] : memref<335872xi32, #tpu.memory_space<hbm>> -> memref<128xi32, #tpu.memory_space<hbm>>
      tpu.wait_dma2 semaphore(%arg22 : memref<!tpu.dma_semaphore, #tpu.memory_space<semaphore_mem>>) src(%dma_wait3A_1125 : memref<128xi32, #tpu.memory_space<hbm>>) dst(%arg14 : memref<128xi32, #tpu.memory_space<vmem>>)
      %dma_wait3A_1126 = tpu.memref_slice %arg5[%mul3A_1123] : memref<335872xi32, #tpu.memory_space<hbm>> -> memref<128xi32, #tpu.memory_space<hbm>>
      %dma_wait3A_1127 = tpu.memref_slice %arg5[%mul3A_1123] : memref<335872xi32, #tpu.memory_space<hbm>> -> memref<128xi32, #tpu.memory_space<hbm>>
      tpu.wait_dma2 semaphore(%arg22 : memref<!tpu.dma_semaphore, #tpu.memory_space<semaphore_mem>>) src(%dma_wait3A_1127 : memref<128xi32, #tpu.memory_space<hbm>>) dst(%arg16 : memref<128xi32, #tpu.memory_space<vmem>>)
      %dma_start3A_1128 = arith.constant 0 : i32
      %dma_start3A_1129 = arith.constant 0 : i32
      %dma_start3A_1130 = tpu.memref_slice %arg3[%dma_start3A_1128, %dma_start3A_1129] : memref<10016x16xf32, #tpu.memory_space<hbm>> -> memref<10016x16xf32, #tpu.memory_space<hbm>>
      tpu.enqueue_indirect_dma source(%dma_start3A_1130 : memref<10016x16xf32, #tpu.memory_space<hbm>>) target(%arg11 : memref<128x16xf32, #tpu.memory_space<vmem>>) offsets(%arg14 : memref<128xi32, #tpu.memory_space<vmem>>) semaphore(%arg20 : memref<!tpu.dma_semaphore, #tpu.memory_space<semaphore_mem>>)
      %dma_wait3A_1131 = arith.constant 0 : i32
      %dma_wait3A_1132 = arith.constant 0 : i32
      %dma_wait3A_1133 = tpu.memref_slice %arg3[%dma_wait3A_1131, %dma_wait3A_1132] : memref<10016x16xf32, #tpu.memory_space<hbm>> -> memref<10016x16xf32, #tpu.memory_space<hbm>>
      tpu.wait_indirect_dma semaphore(%arg21 : memref<!tpu.dma_semaphore, #tpu.memory_space<semaphore_mem>>) src(%dma_wait3A_1133 : memref<10016x16xf32, #tpu.memory_space<hbm>>) dst(%arg12 : memref<128x16xf32, #tpu.memory_space<vmem>>)
      %get3A_1134 = arith.constant 0 : index
      %get3A_1135 = tpu.vector_load %arg15[%get3A_1134] {strides = array<i32>} : memref<128xi32, #tpu.memory_space<vmem>>, vector<16xi32>,
      %get3A_1136 = arith.constant 0 : index
      %get3A_1137 = tpu.vector_load %arg17[%get3A_1136] {strides = array<i32>} : memref<128xi32, #tpu.memory_space<vmem>>, vector<16xi32>,
      %add3A_1138 = arith.constant 0 : i32
      %add3A_1139 = vector.broadcast %add3A_1138 : i32 to vector<16xi32>
      %add3A_1140 = arith.addi %iota3A, %add3A_1139 : vector<16xi32>
      %gather3A_1141 = tpu.vector_load_idx %arg10[%get3A_1135, %broadcast_in_dim3A_3] : memref<10016x4xf32, #tpu.memory_space<vmem>>[vector<16xi32>, vector<16xi32>], vector<16xf32>,
      %gather3A_1142 = tpu.vector_load_idx %arg10[%get3A_1135, %broadcast_in_dim3A_5] : memref<10016x4xf32, #tpu.memory_space<vmem>>[vector<16xi32>, vector<16xi32>], vector<16xf32>,
      %gather3A_1143 = tpu.vector_load_idx %arg10[%get3A_1135, %broadcast_in_dim3A_7] : memref<10016x4xf32, #tpu.memory_space<vmem>>[vector<16xi32>, vector<16xi32>], vector<16xf32>,
      %gather3A_1144 = tpu.vector_load_idx %arg10[%get3A_1135, %broadcast_in_dim3A_9] : memref<10016x4xf32, #tpu.memory_space<vmem>>[vector<16xi32>, vector<16xi32>], vector<16xf32>,
      %gather3A_1145 = tpu.vector_load_idx %arg10[%get3A_1137, %broadcast_in_dim3A_3] : memref<10016x4xf32, #tpu.memory_space<vmem>>[vector<16xi32>, vector<16xi32>], vector<16xf32>,
      %gather3A_1146 = tpu.vector_load_idx %arg10[%get3A_1137, %broadcast_in_dim3A_5] : memref<10016x4xf32, #tpu.memory_space<vmem>>[vector<16xi32>, vector<16xi32>], vector<16xf32>,
      %gather3A_1147 = tpu.vector_load_idx %arg10[%get3A_1137, %broadcast_in_dim3A_7] : memref<10016x4xf32, #tpu.memory_space<vmem>>[vector<16xi32>, vector<16xi32>], vector<16xf32>,
      %gather3A_1148 = tpu.vector_load_idx %arg10[%get3A_1137, %broadcast_in_dim3A_9] : memref<10016x4xf32, #tpu.memory_space<vmem>>[vector<16xi32>, vector<16xi32>], vector<16xf32>,
      %sub3A_1149 = arith.subf %gather3A_1141, %gather3A_1145 : vector<16xf32>
      %add3A_1150 = arith.addf %sub3A_1149, %get3A_12 : vector<16xf32>
      %sub3A_1151 = arith.subf %gather3A_1142, %gather3A_1146 : vector<16xf32>
      %add3A_1152 = arith.addf %sub3A_1151, %get3A_16 : vector<16xf32>
      %sub3A_1153 = arith.subf %gather3A_1143, %gather3A_1147 : vector<16xf32>
      %add3A_1154 = arith.addf %sub3A_1153, %get3A_20 : vector<16xf32>
      %sub3A_1155 = arith.subf %gather3A_1144, %gather3A_1148 : vector<16xf32>
      %add3A_1156 = arith.addf %sub3A_1155, %get3A_24 : vector<16xf32>
      %max3A_1157 = arith.maximumf %add3A_1150, %add3A_1152 : vector<16xf32>
      %max3A_1158 = arith.maximumf %add3A_1154, %add3A_1156 : vector<16xf32>
      %max3A_1159 = arith.maximumf %max3A_1157, %max3A_1158 : vector<16xf32>
      %sub3A_1160 = arith.subf %add3A_1150, %max3A_1159 : vector<16xf32>
      %exp3A_1161 = math.exp %sub3A_1160 : vector<16xf32>
      %sub3A_1162 = arith.subf %add3A_1152, %max3A_1159 : vector<16xf32>
      %exp3A_1163 = math.exp %sub3A_1162 : vector<16xf32>
      %sub3A_1164 = arith.subf %add3A_1154, %max3A_1159 : vector<16xf32>
      %exp3A_1165 = math.exp %sub3A_1164 : vector<16xf32>
      %sub3A_1166 = arith.subf %add3A_1156, %max3A_1159 : vector<16xf32>
      %exp3A_1167 = math.exp %sub3A_1166 : vector<16xf32>
      %add3A_1168 = arith.addf %exp3A_1161, %exp3A_1163 : vector<16xf32>
      %add3A_1169 = arith.addf %exp3A_1165, %exp3A_1167 : vector<16xf32>
      %add3A_1170 = arith.addf %add3A_1168, %add3A_1169 : vector<16xf32>
      %div3A_1171 = arith.divf %exp3A_1161, %add3A_1170 : vector<16xf32>
      %div3A_1172 = arith.divf %exp3A_1163, %add3A_1170 : vector<16xf32>
      %div3A_1173 = arith.divf %exp3A_1165, %add3A_1170 : vector<16xf32>
      %div3A_1174 = arith.divf %exp3A_1167, %add3A_1170 : vector<16xf32>
      %broadcast_in_dim3A_1175 = arith.constant 0 : i32
      %broadcast_in_dim3A_1176 = vector.broadcast %broadcast_in_dim3A_1175 : i32 to vector<16xi32>
      %gather3A_1177 = tpu.vector_load_idx %arg12[%add3A_1140, %broadcast_in_dim3A_1176] : memref<128x16xf32, #tpu.memory_space<vmem>>[vector<16xi32>, vector<16xi32>], vector<16xf32>,
      %mul3A_1178 = arith.mulf %div3A_1171, %gather3A_1177 : vector<16xf32>
      %broadcast_in_dim3A_1179 = arith.constant 4 : i32
      %broadcast_in_dim3A_1180 = vector.broadcast %broadcast_in_dim3A_1179 : i32 to vector<16xi32>
      %gather3A_1181 = tpu.vector_load_idx %arg12[%add3A_1140, %broadcast_in_dim3A_1180] : memref<128x16xf32, #tpu.memory_space<vmem>>[vector<16xi32>, vector<16xi32>], vector<16xf32>,
      %mul3A_1182 = arith.mulf %div3A_1172, %gather3A_1181 : vector<16xf32>
      %add3A_1183 = arith.addf %mul3A_1178, %mul3A_1182 : vector<16xf32>
      %broadcast_in_dim3A_1184 = arith.constant 8 : i32
      %broadcast_in_dim3A_1185 = vector.broadcast %broadcast_in_dim3A_1184 : i32 to vector<16xi32>
      %gather3A_1186 = tpu.vector_load_idx %arg12[%add3A_1140, %broadcast_in_dim3A_1185] : memref<128x16xf32, #tpu.memory_space<vmem>>[vector<16xi32>, vector<16xi32>], vector<16xf32>,
      %mul3A_1187 = arith.mulf %div3A_1173, %gather3A_1186 : vector<16xf32>
      %add3A_1188 = arith.addf %add3A_1183, %mul3A_1187 : vector<16xf32>
      %broadcast_in_dim3A_1189 = arith.constant 12 : i32
      %broadcast_in_dim3A_1190 = vector.broadcast %broadcast_in_dim3A_1189 : i32 to vector<16xi32>
      %gather3A_1191 = tpu.vector_load_idx %arg12[%add3A_1140, %broadcast_in_dim3A_1190] : memref<128x16xf32, #tpu.memory_space<vmem>>[vector<16xi32>, vector<16xi32>], vector<16xf32>,
      %mul3A_1192 = arith.mulf %div3A_1174, %gather3A_1191 : vector<16xf32>
      %add3A_1193 = arith.addf %add3A_1188, %mul3A_1192 : vector<16xf32>
      %broadcast_in_dim3A_1194 = arith.constant 0 : i32
      %broadcast_in_dim3A_1195 = vector.broadcast %broadcast_in_dim3A_1194 : i32 to vector<16xi32>
      tpu.vector_store_idx %arg13[%add3A_1140, %broadcast_in_dim3A_1195], %add3A_1193 : memref<128x8xf32, #tpu.memory_space<vmem>>[vector<16xi32>, vector<16xi32>], vector<16xf32>,
      %broadcast_in_dim3A_1196 = arith.constant 1 : i32
      %broadcast_in_dim3A_1197 = vector.broadcast %broadcast_in_dim3A_1196 : i32 to vector<16xi32>
      %gather3A_1198 = tpu.vector_load_idx %arg12[%add3A_1140, %broadcast_in_dim3A_1197] : memref<128x16xf32, #tpu.memory_space<vmem>>[vector<16xi32>, vector<16xi32>], vector<16xf32>,
      %mul3A_1199 = arith.mulf %div3A_1171, %gather3A_1198 : vector<16xf32>
      %broadcast_in_dim3A_1200 = arith.constant 5 : i32
      %broadcast_in_dim3A_1201 = vector.broadcast %broadcast_in_dim3A_1200 : i32 to vector<16xi32>
      %gather3A_1202 = tpu.vector_load_idx %arg12[%add3A_1140, %broadcast_in_dim3A_1201] : memref<128x16xf32, #tpu.memory_space<vmem>>[vector<16xi32>, vector<16xi32>], vector<16xf32>,
      %mul3A_1203 = arith.mulf %div3A_1172, %gather3A_1202 : vector<16xf32>
      %add3A_1204 = arith.addf %mul3A_1199, %mul3A_1203 : vector<16xf32>
      %broadcast_in_dim3A_1205 = arith.constant 9 : i32
      %broadcast_in_dim3A_1206 = vector.broadcast %broadcast_in_dim3A_1205 : i32 to vector<16xi32>
      %gather3A_1207 = tpu.vector_load_idx %arg12[%add3A_1140, %broadcast_in_dim3A_1206] : memref<128x16xf32, #tpu.memory_space<vmem>>[vector<16xi32>, vector<16xi32>], vector<16xf32>,
      %mul3A_1208 = arith.mulf %div3A_1173, %gather3A_1207 : vector<16xf32>
      %add3A_1209 = arith.addf %add3A_1204, %mul3A_1208 : vector<16xf32>
      %broadcast_in_dim3A_1210 = arith.constant 13 : i32
      %broadcast_in_dim3A_1211 = vector.broadcast %broadcast_in_dim3A_1210 : i32 to vector<16xi32>
      %gather3A_1212 = tpu.vector_load_idx %arg12[%add3A_1140, %broadcast_in_dim3A_1211] : memref<128x16xf32, #tpu.memory_space<vmem>>[vector<16xi32>, vector<16xi32>], vector<16xf32>,
      %mul3A_1213 = arith.mulf %div3A_1174, %gather3A_1212 : vector<16xf32>
      %add3A_1214 = arith.addf %add3A_1209, %mul3A_1213 : vector<16xf32>
      %broadcast_in_dim3A_1215 = arith.constant 1 : i32
      %broadcast_in_dim3A_1216 = vector.broadcast %broadcast_in_dim3A_1215 : i32 to vector<16xi32>
      tpu.vector_store_idx %arg13[%add3A_1140, %broadcast_in_dim3A_1216], %add3A_1214 : memref<128x8xf32, #tpu.memory_space<vmem>>[vector<16xi32>, vector<16xi32>], vector<16xf32>,
      %broadcast_in_dim3A_1217 = arith.constant 2 : i32
      %broadcast_in_dim3A_1218 = vector.broadcast %broadcast_in_dim3A_1217 : i32 to vector<16xi32>
      %gather3A_1219 = tpu.vector_load_idx %arg12[%add3A_1140, %broadcast_in_dim3A_1218] : memref<128x16xf32, #tpu.memory_space<vmem>>[vector<16xi32>, vector<16xi32>], vector<16xf32>,
      %mul3A_1220 = arith.mulf %div3A_1171, %gather3A_1219 : vector<16xf32>
      %broadcast_in_dim3A_1221 = arith.constant 6 : i32
      %broadcast_in_dim3A_1222 = vector.broadcast %broadcast_in_dim3A_1221 : i32 to vector<16xi32>
      %gather3A_1223 = tpu.vector_load_idx %arg12[%add3A_1140, %broadcast_in_dim3A_1222] : memref<128x16xf32, #tpu.memory_space<vmem>>[vector<16xi32>, vector<16xi32>], vector<16xf32>,
      %mul3A_1224 = arith.mulf %div3A_1172, %gather3A_1223 : vector<16xf32>
      %add3A_1225 = arith.addf %mul3A_1220, %mul3A_1224 : vector<16xf32>
      %broadcast_in_dim3A_1226 = arith.constant 10 : i32
      %broadcast_in_dim3A_1227 = vector.broadcast %broadcast_in_dim3A_1226 : i32 to vector<16xi32>
      %gather3A_1228 = tpu.vector_load_idx %arg12[%add3A_1140, %broadcast_in_dim3A_1227] : memref<128x16xf32, #tpu.memory_space<vmem>>[vector<16xi32>, vector<16xi32>], vector<16xf32>,
      %mul3A_1229 = arith.mulf %div3A_1173, %gather3A_1228 : vector<16xf32>
      %add3A_1230 = arith.addf %add3A_1225, %mul3A_1229 : vector<16xf32>
      %broadcast_in_dim3A_1231 = arith.constant 14 : i32
      %broadcast_in_dim3A_1232 = vector.broadcast %broadcast_in_dim3A_1231 : i32 to vector<16xi32>
      %gather3A_1233 = tpu.vector_load_idx %arg12[%add3A_1140, %broadcast_in_dim3A_1232] : memref<128x16xf32, #tpu.memory_space<vmem>>[vector<16xi32>, vector<16xi32>], vector<16xf32>,
      %mul3A_1234 = arith.mulf %div3A_1174, %gather3A_1233 : vector<16xf32>
      %add3A_1235 = arith.addf %add3A_1230, %mul3A_1234 : vector<16xf32>
      %broadcast_in_dim3A_1236 = arith.constant 2 : i32
      %broadcast_in_dim3A_1237 = vector.broadcast %broadcast_in_dim3A_1236 : i32 to vector<16xi32>
      tpu.vector_store_idx %arg13[%add3A_1140, %broadcast_in_dim3A_1237], %add3A_1235 : memref<128x8xf32, #tpu.memory_space<vmem>>[vector<16xi32>, vector<16xi32>], vector<16xf32>,
      %broadcast_in_dim3A_1238 = arith.constant 3 : i32
      %broadcast_in_dim3A_1239 = vector.broadcast %broadcast_in_dim3A_1238 : i32 to vector<16xi32>
      %gather3A_1240 = tpu.vector_load_idx %arg12[%add3A_1140, %broadcast_in_dim3A_1239] : memref<128x16xf32, #tpu.memory_space<vmem>>[vector<16xi32>, vector<16xi32>], vector<16xf32>,
      %mul3A_1241 = arith.mulf %div3A_1171, %gather3A_1240 : vector<16xf32>
      %broadcast_in_dim3A_1242 = arith.constant 7 : i32
      %broadcast_in_dim3A_1243 = vector.broadcast %broadcast_in_dim3A_1242 : i32 to vector<16xi32>
      %gather3A_1244 = tpu.vector_load_idx %arg12[%add3A_1140, %broadcast_in_dim3A_1243] : memref<128x16xf32, #tpu.memory_space<vmem>>[vector<16xi32>, vector<16xi32>], vector<16xf32>,
      %mul3A_1245 = arith.mulf %div3A_1172, %gather3A_1244 : vector<16xf32>
      %add3A_1246 = arith.addf %mul3A_1241, %mul3A_1245 : vector<16xf32>
      %broadcast_in_dim3A_1247 = arith.constant 11 : i32
      %broadcast_in_dim3A_1248 = vector.broadcast %broadcast_in_dim3A_1247 : i32 to vector<16xi32>
      %gather3A_1249 = tpu.vector_load_idx %arg12[%add3A_1140, %broadcast_in_dim3A_1248] : memref<128x16xf32, #tpu.memory_space<vmem>>[vector<16xi32>, vector<16xi32>], vector<16xf32>,
      %mul3A_1250 = arith.mulf %div3A_1173, %gather3A_1249 : vector<16xf32>
      %add3A_1251 = arith.addf %add3A_1246, %mul3A_1250 : vector<16xf32>
      %broadcast_in_dim3A_1252 = arith.constant 15 : i32
      %broadcast_in_dim3A_1253 = vector.broadcast %broadcast_in_dim3A_1252 : i32 to vector<16xi32>
      %gather3A_1254 = tpu.vector_load_idx %arg12[%add3A_1140, %broadcast_in_dim3A_1253] : memref<128x16xf32, #tpu.memory_space<vmem>>[vector<16xi32>, vector<16xi32>], vector<16xf32>,
      %mul3A_1255 = arith.mulf %div3A_1174, %gather3A_1254 : vector<16xf32>
      %add3A_1256 = arith.addf %add3A_1251, %mul3A_1255 : vector<16xf32>
      %broadcast_in_dim3A_1257 = arith.constant 3 : i32
      %broadcast_in_dim3A_1258 = vector.broadcast %broadcast_in_dim3A_1257 : i32 to vector<16xi32>
      tpu.vector_store_idx %arg13[%add3A_1140, %broadcast_in_dim3A_1258], %add3A_1256 : memref<128x8xf32, #tpu.memory_space<vmem>>[vector<16xi32>, vector<16xi32>], vector<16xf32>,
      %get3A_1259 = arith.constant 16 : index
      %get3A_1260 = tpu.vector_load %arg15[%get3A_1259] {strides = array<i32>} : memref<128xi32, #tpu.memory_space<vmem>>, vector<16xi32>,
      %get3A_1261 = arith.constant 16 : index
      %get3A_1262 = tpu.vector_load %arg17[%get3A_1261] {strides = array<i32>} : memref<128xi32, #tpu.memory_space<vmem>>, vector<16xi32>,
      %add3A_1263 = arith.constant 16 : i32
      %add3A_1264 = vector.broadcast %add3A_1263 : i32 to vector<16xi32>
      %add3A_1265 = arith.addi %iota3A, %add3A_1264 : vector<16xi32>
      %gather3A_1266 = tpu.vector_load_idx %arg10[%get3A_1260, %broadcast_in_dim3A_3] : memref<10016x4xf32, #tpu.memory_space<vmem>>[vector<16xi32>, vector<16xi32>], vector<16xf32>,
      %gather3A_1267 = tpu.vector_load_idx %arg10[%get3A_1260, %broadcast_in_dim3A_5] : memref<10016x4xf32, #tpu.memory_space<vmem>>[vector<16xi32>, vector<16xi32>], vector<16xf32>,
      %gather3A_1268 = tpu.vector_load_idx %arg10[%get3A_1260, %broadcast_in_dim3A_7] : memref<10016x4xf32, #tpu.memory_space<vmem>>[vector<16xi32>, vector<16xi32>], vector<16xf32>,
      %gather3A_1269 = tpu.vector_load_idx %arg10[%get3A_1260, %broadcast_in_dim3A_9] : memref<10016x4xf32, #tpu.memory_space<vmem>>[vector<16xi32>, vector<16xi32>], vector<16xf32>,
      %gather3A_1270 = tpu.vector_load_idx %arg10[%get3A_1262, %broadcast_in_dim3A_3] : memref<10016x4xf32, #tpu.memory_space<vmem>>[vector<16xi32>, vector<16xi32>], vector<16xf32>,
      %gather3A_1271 = tpu.vector_load_idx %arg10[%get3A_1262, %broadcast_in_dim3A_5] : memref<10016x4xf32, #tpu.memory_space<vmem>>[vector<16xi32>, vector<16xi32>], vector<16xf32>,
      %gather3A_1272 = tpu.vector_load_idx %arg10[%get3A_1262, %broadcast_in_dim3A_7] : memref<10016x4xf32, #tpu.memory_space<vmem>>[vector<16xi32>, vector<16xi32>], vector<16xf32>,
      %gather3A_1273 = tpu.vector_load_idx %arg10[%get3A_1262, %broadcast_in_dim3A_9] : memref<10016x4xf32, #tpu.memory_space<vmem>>[vector<16xi32>, vector<16xi32>], vector<16xf32>,
      %sub3A_1274 = arith.subf %gather3A_1266, %gather3A_1270 : vector<16xf32>
      %add3A_1275 = arith.addf %sub3A_1274, %get3A_12 : vector<16xf32>
      %sub3A_1276 = arith.subf %gather3A_1267, %gather3A_1271 : vector<16xf32>
      %add3A_1277 = arith.addf %sub3A_1276, %get3A_16 : vector<16xf32>
      %sub3A_1278 = arith.subf %gather3A_1268, %gather3A_1272 : vector<16xf32>
      %add3A_1279 = arith.addf %sub3A_1278, %get3A_20 : vector<16xf32>
      %sub3A_1280 = arith.subf %gather3A_1269, %gather3A_1273 : vector<16xf32>
      %add3A_1281 = arith.addf %sub3A_1280, %get3A_24 : vector<16xf32>
      %max3A_1282 = arith.maximumf %add3A_1275, %add3A_1277 : vector<16xf32>
      %max3A_1283 = arith.maximumf %add3A_1279, %add3A_1281 : vector<16xf32>
      %max3A_1284 = arith.maximumf %max3A_1282, %max3A_1283 : vector<16xf32>
      %sub3A_1285 = arith.subf %add3A_1275, %max3A_1284 : vector<16xf32>
      %exp3A_1286 = math.exp %sub3A_1285 : vector<16xf32>
      %sub3A_1287 = arith.subf %add3A_1277, %max3A_1284 : vector<16xf32>
      %exp3A_1288 = math.exp %sub3A_1287 : vector<16xf32>
      %sub3A_1289 = arith.subf %add3A_1279, %max3A_1284 : vector<16xf32>
      %exp3A_1290 = math.exp %sub3A_1289 : vector<16xf32>
      %sub3A_1291 = arith.subf %add3A_1281, %max3A_1284 : vector<16xf32>
      %exp3A_1292 = math.exp %sub3A_1291 : vector<16xf32>
      %add3A_1293 = arith.addf %exp3A_1286, %exp3A_1288 : vector<16xf32>
      %add3A_1294 = arith.addf %exp3A_1290, %exp3A_1292 : vector<16xf32>
      %add3A_1295 = arith.addf %add3A_1293, %add3A_1294 : vector<16xf32>
      %div3A_1296 = arith.divf %exp3A_1286, %add3A_1295 : vector<16xf32>
      %div3A_1297 = arith.divf %exp3A_1288, %add3A_1295 : vector<16xf32>
      %div3A_1298 = arith.divf %exp3A_1290, %add3A_1295 : vector<16xf32>
      %div3A_1299 = arith.divf %exp3A_1292, %add3A_1295 : vector<16xf32>
      %broadcast_in_dim3A_1300 = arith.constant 0 : i32
      %broadcast_in_dim3A_1301 = vector.broadcast %broadcast_in_dim3A_1300 : i32 to vector<16xi32>
      %gather3A_1302 = tpu.vector_load_idx %arg12[%add3A_1265, %broadcast_in_dim3A_1301] : memref<128x16xf32, #tpu.memory_space<vmem>>[vector<16xi32>, vector<16xi32>], vector<16xf32>,
      %mul3A_1303 = arith.mulf %div3A_1296, %gather3A_1302 : vector<16xf32>
      %broadcast_in_dim3A_1304 = arith.constant 4 : i32
      %broadcast_in_dim3A_1305 = vector.broadcast %broadcast_in_dim3A_1304 : i32 to vector<16xi32>
      %gather3A_1306 = tpu.vector_load_idx %arg12[%add3A_1265, %broadcast_in_dim3A_1305] : memref<128x16xf32, #tpu.memory_space<vmem>>[vector<16xi32>, vector<16xi32>], vector<16xf32>,
      %mul3A_1307 = arith.mulf %div3A_1297, %gather3A_1306 : vector<16xf32>
      %add3A_1308 = arith.addf %mul3A_1303, %mul3A_1307 : vector<16xf32>
      %broadcast_in_dim3A_1309 = arith.constant 8 : i32
      %broadcast_in_dim3A_1310 = vector.broadcast %broadcast_in_dim3A_1309 : i32 to vector<16xi32>
      %gather3A_1311 = tpu.vector_load_idx %arg12[%add3A_1265, %broadcast_in_dim3A_1310] : memref<128x16xf32, #tpu.memory_space<vmem>>[vector<16xi32>, vector<16xi32>], vector<16xf32>,
      %mul3A_1312 = arith.mulf %div3A_1298, %gather3A_1311 : vector<16xf32>
      %add3A_1313 = arith.addf %add3A_1308, %mul3A_1312 : vector<16xf32>
      %broadcast_in_dim3A_1314 = arith.constant 12 : i32
      %broadcast_in_dim3A_1315 = vector.broadcast %broadcast_in_dim3A_1314 : i32 to vector<16xi32>
      %gather3A_1316 = tpu.vector_load_idx %arg12[%add3A_1265, %broadcast_in_dim3A_1315] : memref<128x16xf32, #tpu.memory_space<vmem>>[vector<16xi32>, vector<16xi32>], vector<16xf32>,
      %mul3A_1317 = arith.mulf %div3A_1299, %gather3A_1316 : vector<16xf32>
      %add3A_1318 = arith.addf %add3A_1313, %mul3A_1317 : vector<16xf32>
      %broadcast_in_dim3A_1319 = arith.constant 0 : i32
      %broadcast_in_dim3A_1320 = vector.broadcast %broadcast_in_dim3A_1319 : i32 to vector<16xi32>
      tpu.vector_store_idx %arg13[%add3A_1265, %broadcast_in_dim3A_1320], %add3A_1318 : memref<128x8xf32, #tpu.memory_space<vmem>>[vector<16xi32>, vector<16xi32>], vector<16xf32>,
      %broadcast_in_dim3A_1321 = arith.constant 1 : i32
      %broadcast_in_dim3A_1322 = vector.broadcast %broadcast_in_dim3A_1321 : i32 to vector<16xi32>
      %gather3A_1323 = tpu.vector_load_idx %arg12[%add3A_1265, %broadcast_in_dim3A_1322] : memref<128x16xf32, #tpu.memory_space<vmem>>[vector<16xi32>, vector<16xi32>], vector<16xf32>,
      %mul3A_1324 = arith.mulf %div3A_1296, %gather3A_1323 : vector<16xf32>
      %broadcast_in_dim3A_1325 = arith.constant 5 : i32
      %broadcast_in_dim3A_1326 = vector.broadcast %broadcast_in_dim3A_1325 : i32 to vector<16xi32>
      %gather3A_1327 = tpu.vector_load_idx %arg12[%add3A_1265, %broadcast_in_dim3A_1326] : memref<128x16xf32, #tpu.memory_space<vmem>>[vector<16xi32>, vector<16xi32>], vector<16xf32>,
      %mul3A_1328 = arith.mulf %div3A_1297, %gather3A_1327 : vector<16xf32>
      %add3A_1329 = arith.addf %mul3A_1324, %mul3A_1328 : vector<16xf32>
      %broadcast_in_dim3A_1330 = arith.constant 9 : i32
      %broadcast_in_dim3A_1331 = vector.broadcast %broadcast_in_dim3A_1330 : i32 to vector<16xi32>
      %gather3A_1332 = tpu.vector_load_idx %arg12[%add3A_1265, %broadcast_in_dim3A_1331] : memref<128x16xf32, #tpu.memory_space<vmem>>[vector<16xi32>, vector<16xi32>], vector<16xf32>,
      %mul3A_1333 = arith.mulf %div3A_1298, %gather3A_1332 : vector<16xf32>
      %add3A_1334 = arith.addf %add3A_1329, %mul3A_1333 : vector<16xf32>
      %broadcast_in_dim3A_1335 = arith.constant 13 : i32
      %broadcast_in_dim3A_1336 = vector.broadcast %broadcast_in_dim3A_1335 : i32 to vector<16xi32>
      %gather3A_1337 = tpu.vector_load_idx %arg12[%add3A_1265, %broadcast_in_dim3A_1336] : memref<128x16xf32, #tpu.memory_space<vmem>>[vector<16xi32>, vector<16xi32>], vector<16xf32>,
      %mul3A_1338 = arith.mulf %div3A_1299, %gather3A_1337 : vector<16xf32>
      %add3A_1339 = arith.addf %add3A_1334, %mul3A_1338 : vector<16xf32>
      %broadcast_in_dim3A_1340 = arith.constant 1 : i32
      %broadcast_in_dim3A_1341 = vector.broadcast %broadcast_in_dim3A_1340 : i32 to vector<16xi32>
      tpu.vector_store_idx %arg13[%add3A_1265, %broadcast_in_dim3A_1341], %add3A_1339 : memref<128x8xf32, #tpu.memory_space<vmem>>[vector<16xi32>, vector<16xi32>], vector<16xf32>,
      %broadcast_in_dim3A_1342 = arith.constant 2 : i32
      %broadcast_in_dim3A_1343 = vector.broadcast %broadcast_in_dim3A_1342 : i32 to vector<16xi32>
      %gather3A_1344 = tpu.vector_load_idx %arg12[%add3A_1265, %broadcast_in_dim3A_1343] : memref<128x16xf32, #tpu.memory_space<vmem>>[vector<16xi32>, vector<16xi32>], vector<16xf32>,
      %mul3A_1345 = arith.mulf %div3A_1296, %gather3A_1344 : vector<16xf32>
      %broadcast_in_dim3A_1346 = arith.constant 6 : i32
      %broadcast_in_dim3A_1347 = vector.broadcast %broadcast_in_dim3A_1346 : i32 to vector<16xi32>
      %gather3A_1348 = tpu.vector_load_idx %arg12[%add3A_1265, %broadcast_in_dim3A_1347] : memref<128x16xf32, #tpu.memory_space<vmem>>[vector<16xi32>, vector<16xi32>], vector<16xf32>,
      %mul3A_1349 = arith.mulf %div3A_1297, %gather3A_1348 : vector<16xf32>
      %add3A_1350 = arith.addf %mul3A_1345, %mul3A_1349 : vector<16xf32>
      %broadcast_in_dim3A_1351 = arith.constant 10 : i32
      %broadcast_in_dim3A_1352 = vector.broadcast %broadcast_in_dim3A_1351 : i32 to vector<16xi32>
      %gather3A_1353 = tpu.vector_load_idx %arg12[%add3A_1265, %broadcast_in_dim3A_1352] : memref<128x16xf32, #tpu.memory_space<vmem>>[vector<16xi32>, vector<16xi32>], vector<16xf32>,
      %mul3A_1354 = arith.mulf %div3A_1298, %gather3A_1353 : vector<16xf32>
      %add3A_1355 = arith.addf %add3A_1350, %mul3A_1354 : vector<16xf32>
      %broadcast_in_dim3A_1356 = arith.constant 14 : i32
      %broadcast_in_dim3A_1357 = vector.broadcast %broadcast_in_dim3A_1356 : i32 to vector<16xi32>
      %gather3A_1358 = tpu.vector_load_idx %arg12[%add3A_1265, %broadcast_in_dim3A_1357] : memref<128x16xf32, #tpu.memory_space<vmem>>[vector<16xi32>, vector<16xi32>], vector<16xf32>,
      %mul3A_1359 = arith.mulf %div3A_1299, %gather3A_1358 : vector<16xf32>
      %add3A_1360 = arith.addf %add3A_1355, %mul3A_1359 : vector<16xf32>
      %broadcast_in_dim3A_1361 = arith.constant 2 : i32
      %broadcast_in_dim3A_1362 = vector.broadcast %broadcast_in_dim3A_1361 : i32 to vector<16xi32>
      tpu.vector_store_idx %arg13[%add3A_1265, %broadcast_in_dim3A_1362], %add3A_1360 : memref<128x8xf32, #tpu.memory_space<vmem>>[vector<16xi32>, vector<16xi32>], vector<16xf32>,
      %broadcast_in_dim3A_1363 = arith.constant 3 : i32
      %broadcast_in_dim3A_1364 = vector.broadcast %broadcast_in_dim3A_1363 : i32 to vector<16xi32>
      %gather3A_1365 = tpu.vector_load_idx %arg12[%add3A_1265, %broadcast_in_dim3A_1364] : memref<128x16xf32, #tpu.memory_space<vmem>>[vector<16xi32>, vector<16xi32>], vector<16xf32>,
      %mul3A_1366 = arith.mulf %div3A_1296, %gather3A_1365 : vector<16xf32>
      %broadcast_in_dim3A_1367 = arith.constant 7 : i32
      %broadcast_in_dim3A_1368 = vector.broadcast %broadcast_in_dim3A_1367 : i32 to vector<16xi32>
      %gather3A_1369 = tpu.vector_load_idx %arg12[%add3A_1265, %broadcast_in_dim3A_1368] : memref<128x16xf32, #tpu.memory_space<vmem>>[vector<16xi32>, vector<16xi32>], vector<16xf32>,
      %mul3A_1370 = arith.mulf %div3A_1297, %gather3A_1369 : vector<16xf32>
      %add3A_1371 = arith.addf %mul3A_1366, %mul3A_1370 : vector<16xf32>
      %broadcast_in_dim3A_1372 = arith.constant 11 : i32
      %broadcast_in_dim3A_1373 = vector.broadcast %broadcast_in_dim3A_1372 : i32 to vector<16xi32>
      %gather3A_1374 = tpu.vector_load_idx %arg12[%add3A_1265, %broadcast_in_dim3A_1373] : memref<128x16xf32, #tpu.memory_space<vmem>>[vector<16xi32>, vector<16xi32>], vector<16xf32>,
      %mul3A_1375 = arith.mulf %div3A_1298, %gather3A_1374 : vector<16xf32>
      %add3A_1376 = arith.addf %add3A_1371, %mul3A_1375 : vector<16xf32>
      %broadcast_in_dim3A_1377 = arith.constant 15 : i32
      %broadcast_in_dim3A_1378 = vector.broadcast %broadcast_in_dim3A_1377 : i32 to vector<16xi32>
      %gather3A_1379 = tpu.vector_load_idx %arg12[%add3A_1265, %broadcast_in_dim3A_1378] : memref<128x16xf32, #tpu.memory_space<vmem>>[vector<16xi32>, vector<16xi32>], vector<16xf32>,
      %mul3A_1380 = arith.mulf %div3A_1299, %gather3A_1379 : vector<16xf32>
      %add3A_1381 = arith.addf %add3A_1376, %mul3A_1380 : vector<16xf32>
      %broadcast_in_dim3A_1382 = arith.constant 3 : i32
      %broadcast_in_dim3A_1383 = vector.broadcast %broadcast_in_dim3A_1382 : i32 to vector<16xi32>
      tpu.vector_store_idx %arg13[%add3A_1265, %broadcast_in_dim3A_1383], %add3A_1381 : memref<128x8xf32, #tpu.memory_space<vmem>>[vector<16xi32>, vector<16xi32>], vector<16xf32>,
      %get3A_1384 = arith.constant 32 : index
      %get3A_1385 = tpu.vector_load %arg15[%get3A_1384] {strides = array<i32>} : memref<128xi32, #tpu.memory_space<vmem>>, vector<16xi32>,
      %get3A_1386 = arith.constant 32 : index
      %get3A_1387 = tpu.vector_load %arg17[%get3A_1386] {strides = array<i32>} : memref<128xi32, #tpu.memory_space<vmem>>, vector<16xi32>,
      %add3A_1388 = arith.constant 32 : i32
      %add3A_1389 = vector.broadcast %add3A_1388 : i32 to vector<16xi32>
      %add3A_1390 = arith.addi %iota3A, %add3A_1389 : vector<16xi32>
      %gather3A_1391 = tpu.vector_load_idx %arg10[%get3A_1385, %broadcast_in_dim3A_3] : memref<10016x4xf32, #tpu.memory_space<vmem>>[vector<16xi32>, vector<16xi32>], vector<16xf32>,
      %gather3A_1392 = tpu.vector_load_idx %arg10[%get3A_1385, %broadcast_in_dim3A_5] : memref<10016x4xf32, #tpu.memory_space<vmem>>[vector<16xi32>, vector<16xi32>], vector<16xf32>,
      %gather3A_1393 = tpu.vector_load_idx %arg10[%get3A_1385, %broadcast_in_dim3A_7] : memref<10016x4xf32, #tpu.memory_space<vmem>>[vector<16xi32>, vector<16xi32>], vector<16xf32>,
      %gather3A_1394 = tpu.vector_load_idx %arg10[%get3A_1385, %broadcast_in_dim3A_9] : memref<10016x4xf32, #tpu.memory_space<vmem>>[vector<16xi32>, vector<16xi32>], vector<16xf32>,
      %gather3A_1395 = tpu.vector_load_idx %arg10[%get3A_1387, %broadcast_in_dim3A_3] : memref<10016x4xf32, #tpu.memory_space<vmem>>[vector<16xi32>, vector<16xi32>], vector<16xf32>,
      %gather3A_1396 = tpu.vector_load_idx %arg10[%get3A_1387, %broadcast_in_dim3A_5] : memref<10016x4xf32, #tpu.memory_space<vmem>>[vector<16xi32>, vector<16xi32>], vector<16xf32>,
      %gather3A_1397 = tpu.vector_load_idx %arg10[%get3A_1387, %broadcast_in_dim3A_7] : memref<10016x4xf32, #tpu.memory_space<vmem>>[vector<16xi32>, vector<16xi32>], vector<16xf32>,
      %gather3A_1398 = tpu.vector_load_idx %arg10[%get3A_1387, %broadcast_in_dim3A_9] : memref<10016x4xf32, #tpu.memory_space<vmem>>[vector<16xi32>, vector<16xi32>], vector<16xf32>,
      %sub3A_1399 = arith.subf %gather3A_1391, %gather3A_1395 : vector<16xf32>
      %add3A_1400 = arith.addf %sub3A_1399, %get3A_12 : vector<16xf32>
      %sub3A_1401 = arith.subf %gather3A_1392, %gather3A_1396 : vector<16xf32>
      %add3A_1402 = arith.addf %sub3A_1401, %get3A_16 : vector<16xf32>
      %sub3A_1403 = arith.subf %gather3A_1393, %gather3A_1397 : vector<16xf32>
      %add3A_1404 = arith.addf %sub3A_1403, %get3A_20 : vector<16xf32>
      %sub3A_1405 = arith.subf %gather3A_1394, %gather3A_1398 : vector<16xf32>
      %add3A_1406 = arith.addf %sub3A_1405, %get3A_24 : vector<16xf32>
      %max3A_1407 = arith.maximumf %add3A_1400, %add3A_1402 : vector<16xf32>
      %max3A_1408 = arith.maximumf %add3A_1404, %add3A_1406 : vector<16xf32>
      %max3A_1409 = arith.maximumf %max3A_1407, %max3A_1408 : vector<16xf32>
      %sub3A_1410 = arith.subf %add3A_1400, %max3A_1409 : vector<16xf32>
      %exp3A_1411 = math.exp %sub3A_1410 : vector<16xf32>
      %sub3A_1412 = arith.subf %add3A_1402, %max3A_1409 : vector<16xf32>
      %exp3A_1413 = math.exp %sub3A_1412 : vector<16xf32>
      %sub3A_1414 = arith.subf %add3A_1404, %max3A_1409 : vector<16xf32>
      %exp3A_1415 = math.exp %sub3A_1414 : vector<16xf32>
      %sub3A_1416 = arith.subf %add3A_1406, %max3A_1409 : vector<16xf32>
      %exp3A_1417 = math.exp %sub3A_1416 : vector<16xf32>
      %add3A_1418 = arith.addf %exp3A_1411, %exp3A_1413 : vector<16xf32>
      %add3A_1419 = arith.addf %exp3A_1415, %exp3A_1417 : vector<16xf32>
      %add3A_1420 = arith.addf %add3A_1418, %add3A_1419 : vector<16xf32>
      %div3A_1421 = arith.divf %exp3A_1411, %add3A_1420 : vector<16xf32>
      %div3A_1422 = arith.divf %exp3A_1413, %add3A_1420 : vector<16xf32>
      %div3A_1423 = arith.divf %exp3A_1415, %add3A_1420 : vector<16xf32>
      %div3A_1424 = arith.divf %exp3A_1417, %add3A_1420 : vector<16xf32>
      %broadcast_in_dim3A_1425 = arith.constant 0 : i32
      %broadcast_in_dim3A_1426 = vector.broadcast %broadcast_in_dim3A_1425 : i32 to vector<16xi32>
      %gather3A_1427 = tpu.vector_load_idx %arg12[%add3A_1390, %broadcast_in_dim3A_1426] : memref<128x16xf32, #tpu.memory_space<vmem>>[vector<16xi32>, vector<16xi32>], vector<16xf32>,
      %mul3A_1428 = arith.mulf %div3A_1421, %gather3A_1427 : vector<16xf32>
      %broadcast_in_dim3A_1429 = arith.constant 4 : i32
      %broadcast_in_dim3A_1430 = vector.broadcast %broadcast_in_dim3A_1429 : i32 to vector<16xi32>
      %gather3A_1431 = tpu.vector_load_idx %arg12[%add3A_1390, %broadcast_in_dim3A_1430] : memref<128x16xf32, #tpu.memory_space<vmem>>[vector<16xi32>, vector<16xi32>], vector<16xf32>,
      %mul3A_1432 = arith.mulf %div3A_1422, %gather3A_1431 : vector<16xf32>
      %add3A_1433 = arith.addf %mul3A_1428, %mul3A_1432 : vector<16xf32>
      %broadcast_in_dim3A_1434 = arith.constant 8 : i32
      %broadcast_in_dim3A_1435 = vector.broadcast %broadcast_in_dim3A_1434 : i32 to vector<16xi32>
      %gather3A_1436 = tpu.vector_load_idx %arg12[%add3A_1390, %broadcast_in_dim3A_1435] : memref<128x16xf32, #tpu.memory_space<vmem>>[vector<16xi32>, vector<16xi32>], vector<16xf32>,
      %mul3A_1437 = arith.mulf %div3A_1423, %gather3A_1436 : vector<16xf32>
      %add3A_1438 = arith.addf %add3A_1433, %mul3A_1437 : vector<16xf32>
      %broadcast_in_dim3A_1439 = arith.constant 12 : i32
      %broadcast_in_dim3A_1440 = vector.broadcast %broadcast_in_dim3A_1439 : i32 to vector<16xi32>
      %gather3A_1441 = tpu.vector_load_idx %arg12[%add3A_1390, %broadcast_in_dim3A_1440] : memref<128x16xf32, #tpu.memory_space<vmem>>[vector<16xi32>, vector<16xi32>], vector<16xf32>,
      %mul3A_1442 = arith.mulf %div3A_1424, %gather3A_1441 : vector<16xf32>
      %add3A_1443 = arith.addf %add3A_1438, %mul3A_1442 : vector<16xf32>
      %broadcast_in_dim3A_1444 = arith.constant 0 : i32
      %broadcast_in_dim3A_1445 = vector.broadcast %broadcast_in_dim3A_1444 : i32 to vector<16xi32>
      tpu.vector_store_idx %arg13[%add3A_1390, %broadcast_in_dim3A_1445], %add3A_1443 : memref<128x8xf32, #tpu.memory_space<vmem>>[vector<16xi32>, vector<16xi32>], vector<16xf32>,
      %broadcast_in_dim3A_1446 = arith.constant 1 : i32
      %broadcast_in_dim3A_1447 = vector.broadcast %broadcast_in_dim3A_1446 : i32 to vector<16xi32>
      %gather3A_1448 = tpu.vector_load_idx %arg12[%add3A_1390, %broadcast_in_dim3A_1447] : memref<128x16xf32, #tpu.memory_space<vmem>>[vector<16xi32>, vector<16xi32>], vector<16xf32>,
      %mul3A_1449 = arith.mulf %div3A_1421, %gather3A_1448 : vector<16xf32>
      %broadcast_in_dim3A_1450 = arith.constant 5 : i32
      %broadcast_in_dim3A_1451 = vector.broadcast %broadcast_in_dim3A_1450 : i32 to vector<16xi32>
      %gather3A_1452 = tpu.vector_load_idx %arg12[%add3A_1390, %broadcast_in_dim3A_1451] : memref<128x16xf32, #tpu.memory_space<vmem>>[vector<16xi32>, vector<16xi32>], vector<16xf32>,
      %mul3A_1453 = arith.mulf %div3A_1422, %gather3A_1452 : vector<16xf32>
      %add3A_1454 = arith.addf %mul3A_1449, %mul3A_1453 : vector<16xf32>
      %broadcast_in_dim3A_1455 = arith.constant 9 : i32
      %broadcast_in_dim3A_1456 = vector.broadcast %broadcast_in_dim3A_1455 : i32 to vector<16xi32>
      %gather3A_1457 = tpu.vector_load_idx %arg12[%add3A_1390, %broadcast_in_dim3A_1456] : memref<128x16xf32, #tpu.memory_space<vmem>>[vector<16xi32>, vector<16xi32>], vector<16xf32>,
      %mul3A_1458 = arith.mulf %div3A_1423, %gather3A_1457 : vector<16xf32>
      %add3A_1459 = arith.addf %add3A_1454, %mul3A_1458 : vector<16xf32>
      %broadcast_in_dim3A_1460 = arith.constant 13 : i32
      %broadcast_in_dim3A_1461 = vector.broadcast %broadcast_in_dim3A_1460 : i32 to vector<16xi32>
      %gather3A_1462 = tpu.vector_load_idx %arg12[%add3A_1390, %broadcast_in_dim3A_1461] : memref<128x16xf32, #tpu.memory_space<vmem>>[vector<16xi32>, vector<16xi32>], vector<16xf32>,
      %mul3A_1463 = arith.mulf %div3A_1424, %gather3A_1462 : vector<16xf32>
      %add3A_1464 = arith.addf %add3A_1459, %mul3A_1463 : vector<16xf32>
      %broadcast_in_dim3A_1465 = arith.constant 1 : i32
      %broadcast_in_dim3A_1466 = vector.broadcast %broadcast_in_dim3A_1465 : i32 to vector<16xi32>
      tpu.vector_store_idx %arg13[%add3A_1390, %broadcast_in_dim3A_1466], %add3A_1464 : memref<128x8xf32, #tpu.memory_space<vmem>>[vector<16xi32>, vector<16xi32>], vector<16xf32>,
      %broadcast_in_dim3A_1467 = arith.constant 2 : i32
      %broadcast_in_dim3A_1468 = vector.broadcast %broadcast_in_dim3A_1467 : i32 to vector<16xi32>
      %gather3A_1469 = tpu.vector_load_idx %arg12[%add3A_1390, %broadcast_in_dim3A_1468] : memref<128x16xf32, #tpu.memory_space<vmem>>[vector<16xi32>, vector<16xi32>], vector<16xf32>,
      %mul3A_1470 = arith.mulf %div3A_1421, %gather3A_1469 : vector<16xf32>
      %broadcast_in_dim3A_1471 = arith.constant 6 : i32
      %broadcast_in_dim3A_1472 = vector.broadcast %broadcast_in_dim3A_1471 : i32 to vector<16xi32>
      %gather3A_1473 = tpu.vector_load_idx %arg12[%add3A_1390, %broadcast_in_dim3A_1472] : memref<128x16xf32, #tpu.memory_space<vmem>>[vector<16xi32>, vector<16xi32>], vector<16xf32>,
      %mul3A_1474 = arith.mulf %div3A_1422, %gather3A_1473 : vector<16xf32>
      %add3A_1475 = arith.addf %mul3A_1470, %mul3A_1474 : vector<16xf32>
      %broadcast_in_dim3A_1476 = arith.constant 10 : i32
      %broadcast_in_dim3A_1477 = vector.broadcast %broadcast_in_dim3A_1476 : i32 to vector<16xi32>
      %gather3A_1478 = tpu.vector_load_idx %arg12[%add3A_1390, %broadcast_in_dim3A_1477] : memref<128x16xf32, #tpu.memory_space<vmem>>[vector<16xi32>, vector<16xi32>], vector<16xf32>,
      %mul3A_1479 = arith.mulf %div3A_1423, %gather3A_1478 : vector<16xf32>
      %add3A_1480 = arith.addf %add3A_1475, %mul3A_1479 : vector<16xf32>
      %broadcast_in_dim3A_1481 = arith.constant 14 : i32
      %broadcast_in_dim3A_1482 = vector.broadcast %broadcast_in_dim3A_1481 : i32 to vector<16xi32>
      %gather3A_1483 = tpu.vector_load_idx %arg12[%add3A_1390, %broadcast_in_dim3A_1482] : memref<128x16xf32, #tpu.memory_space<vmem>>[vector<16xi32>, vector<16xi32>], vector<16xf32>,
      %mul3A_1484 = arith.mulf %div3A_1424, %gather3A_1483 : vector<16xf32>
      %add3A_1485 = arith.addf %add3A_1480, %mul3A_1484 : vector<16xf32>
      %broadcast_in_dim3A_1486 = arith.constant 2 : i32
      %broadcast_in_dim3A_1487 = vector.broadcast %broadcast_in_dim3A_1486 : i32 to vector<16xi32>
      tpu.vector_store_idx %arg13[%add3A_1390, %broadcast_in_dim3A_1487], %add3A_1485 : memref<128x8xf32, #tpu.memory_space<vmem>>[vector<16xi32>, vector<16xi32>], vector<16xf32>,
      %broadcast_in_dim3A_1488 = arith.constant 3 : i32
      %broadcast_in_dim3A_1489 = vector.broadcast %broadcast_in_dim3A_1488 : i32 to vector<16xi32>
      %gather3A_1490 = tpu.vector_load_idx %arg12[%add3A_1390, %broadcast_in_dim3A_1489] : memref<128x16xf32, #tpu.memory_space<vmem>>[vector<16xi32>, vector<16xi32>], vector<16xf32>,
      %mul3A_1491 = arith.mulf %div3A_1421, %gather3A_1490 : vector<16xf32>
      %broadcast_in_dim3A_1492 = arith.constant 7 : i32
      %broadcast_in_dim3A_1493 = vector.broadcast %broadcast_in_dim3A_1492 : i32 to vector<16xi32>
      %gather3A_1494 = tpu.vector_load_idx %arg12[%add3A_1390, %broadcast_in_dim3A_1493] : memref<128x16xf32, #tpu.memory_space<vmem>>[vector<16xi32>, vector<16xi32>], vector<16xf32>,
      %mul3A_1495 = arith.mulf %div3A_1422, %gather3A_1494 : vector<16xf32>
      %add3A_1496 = arith.addf %mul3A_1491, %mul3A_1495 : vector<16xf32>
      %broadcast_in_dim3A_1497 = arith.constant 11 : i32
      %broadcast_in_dim3A_1498 = vector.broadcast %broadcast_in_dim3A_1497 : i32 to vector<16xi32>
      %gather3A_1499 = tpu.vector_load_idx %arg12[%add3A_1390, %broadcast_in_dim3A_1498] : memref<128x16xf32, #tpu.memory_space<vmem>>[vector<16xi32>, vector<16xi32>], vector<16xf32>,
      %mul3A_1500 = arith.mulf %div3A_1423, %gather3A_1499 : vector<16xf32>
      %add3A_1501 = arith.addf %add3A_1496, %mul3A_1500 : vector<16xf32>
      %broadcast_in_dim3A_1502 = arith.constant 15 : i32
      %broadcast_in_dim3A_1503 = vector.broadcast %broadcast_in_dim3A_1502 : i32 to vector<16xi32>
      %gather3A_1504 = tpu.vector_load_idx %arg12[%add3A_1390, %broadcast_in_dim3A_1503] : memref<128x16xf32, #tpu.memory_space<vmem>>[vector<16xi32>, vector<16xi32>], vector<16xf32>,
      %mul3A_1505 = arith.mulf %div3A_1424, %gather3A_1504 : vector<16xf32>
      %add3A_1506 = arith.addf %add3A_1501, %mul3A_1505 : vector<16xf32>
      %broadcast_in_dim3A_1507 = arith.constant 3 : i32
      %broadcast_in_dim3A_1508 = vector.broadcast %broadcast_in_dim3A_1507 : i32 to vector<16xi32>
      tpu.vector_store_idx %arg13[%add3A_1390, %broadcast_in_dim3A_1508], %add3A_1506 : memref<128x8xf32, #tpu.memory_space<vmem>>[vector<16xi32>, vector<16xi32>], vector<16xf32>,
      %get3A_1509 = arith.constant 48 : index
      %get3A_1510 = tpu.vector_load %arg15[%get3A_1509] {strides = array<i32>} : memref<128xi32, #tpu.memory_space<vmem>>, vector<16xi32>,
      %get3A_1511 = arith.constant 48 : index
      %get3A_1512 = tpu.vector_load %arg17[%get3A_1511] {strides = array<i32>} : memref<128xi32, #tpu.memory_space<vmem>>, vector<16xi32>,
      %add3A_1513 = arith.constant 48 : i32
      %add3A_1514 = vector.broadcast %add3A_1513 : i32 to vector<16xi32>
      %add3A_1515 = arith.addi %iota3A, %add3A_1514 : vector<16xi32>
      %gather3A_1516 = tpu.vector_load_idx %arg10[%get3A_1510, %broadcast_in_dim3A_3] : memref<10016x4xf32, #tpu.memory_space<vmem>>[vector<16xi32>, vector<16xi32>], vector<16xf32>,
      %gather3A_1517 = tpu.vector_load_idx %arg10[%get3A_1510, %broadcast_in_dim3A_5] : memref<10016x4xf32, #tpu.memory_space<vmem>>[vector<16xi32>, vector<16xi32>], vector<16xf32>,
      %gather3A_1518 = tpu.vector_load_idx %arg10[%get3A_1510, %broadcast_in_dim3A_7] : memref<10016x4xf32, #tpu.memory_space<vmem>>[vector<16xi32>, vector<16xi32>], vector<16xf32>,
      %gather3A_1519 = tpu.vector_load_idx %arg10[%get3A_1510, %broadcast_in_dim3A_9] : memref<10016x4xf32, #tpu.memory_space<vmem>>[vector<16xi32>, vector<16xi32>], vector<16xf32>,
      %gather3A_1520 = tpu.vector_load_idx %arg10[%get3A_1512, %broadcast_in_dim3A_3] : memref<10016x4xf32, #tpu.memory_space<vmem>>[vector<16xi32>, vector<16xi32>], vector<16xf32>,
      %gather3A_1521 = tpu.vector_load_idx %arg10[%get3A_1512, %broadcast_in_dim3A_5] : memref<10016x4xf32, #tpu.memory_space<vmem>>[vector<16xi32>, vector<16xi32>], vector<16xf32>,
      %gather3A_1522 = tpu.vector_load_idx %arg10[%get3A_1512, %broadcast_in_dim3A_7] : memref<10016x4xf32, #tpu.memory_space<vmem>>[vector<16xi32>, vector<16xi32>], vector<16xf32>,
      %gather3A_1523 = tpu.vector_load_idx %arg10[%get3A_1512, %broadcast_in_dim3A_9] : memref<10016x4xf32, #tpu.memory_space<vmem>>[vector<16xi32>, vector<16xi32>], vector<16xf32>,
      %sub3A_1524 = arith.subf %gather3A_1516, %gather3A_1520 : vector<16xf32>
      %add3A_1525 = arith.addf %sub3A_1524, %get3A_12 : vector<16xf32>
      %sub3A_1526 = arith.subf %gather3A_1517, %gather3A_1521 : vector<16xf32>
      %add3A_1527 = arith.addf %sub3A_1526, %get3A_16 : vector<16xf32>
      %sub3A_1528 = arith.subf %gather3A_1518, %gather3A_1522 : vector<16xf32>
      %add3A_1529 = arith.addf %sub3A_1528, %get3A_20 : vector<16xf32>
      %sub3A_1530 = arith.subf %gather3A_1519, %gather3A_1523 : vector<16xf32>
      %add3A_1531 = arith.addf %sub3A_1530, %get3A_24 : vector<16xf32>
      %max3A_1532 = arith.maximumf %add3A_1525, %add3A_1527 : vector<16xf32>
      %max3A_1533 = arith.maximumf %add3A_1529, %add3A_1531 : vector<16xf32>
      %max3A_1534 = arith.maximumf %max3A_1532, %max3A_1533 : vector<16xf32>
      %sub3A_1535 = arith.subf %add3A_1525, %max3A_1534 : vector<16xf32>
      %exp3A_1536 = math.exp %sub3A_1535 : vector<16xf32>
      %sub3A_1537 = arith.subf %add3A_1527, %max3A_1534 : vector<16xf32>
      %exp3A_1538 = math.exp %sub3A_1537 : vector<16xf32>
      %sub3A_1539 = arith.subf %add3A_1529, %max3A_1534 : vector<16xf32>
      %exp3A_1540 = math.exp %sub3A_1539 : vector<16xf32>
      %sub3A_1541 = arith.subf %add3A_1531, %max3A_1534 : vector<16xf32>
      %exp3A_1542 = math.exp %sub3A_1541 : vector<16xf32>
      %add3A_1543 = arith.addf %exp3A_1536, %exp3A_1538 : vector<16xf32>
      %add3A_1544 = arith.addf %exp3A_1540, %exp3A_1542 : vector<16xf32>
      %add3A_1545 = arith.addf %add3A_1543, %add3A_1544 : vector<16xf32>
      %div3A_1546 = arith.divf %exp3A_1536, %add3A_1545 : vector<16xf32>
      %div3A_1547 = arith.divf %exp3A_1538, %add3A_1545 : vector<16xf32>
      %div3A_1548 = arith.divf %exp3A_1540, %add3A_1545 : vector<16xf32>
      %div3A_1549 = arith.divf %exp3A_1542, %add3A_1545 : vector<16xf32>
      %broadcast_in_dim3A_1550 = arith.constant 0 : i32
      %broadcast_in_dim3A_1551 = vector.broadcast %broadcast_in_dim3A_1550 : i32 to vector<16xi32>
      %gather3A_1552 = tpu.vector_load_idx %arg12[%add3A_1515, %broadcast_in_dim3A_1551] : memref<128x16xf32, #tpu.memory_space<vmem>>[vector<16xi32>, vector<16xi32>], vector<16xf32>,
      %mul3A_1553 = arith.mulf %div3A_1546, %gather3A_1552 : vector<16xf32>
      %broadcast_in_dim3A_1554 = arith.constant 4 : i32
      %broadcast_in_dim3A_1555 = vector.broadcast %broadcast_in_dim3A_1554 : i32 to vector<16xi32>
      %gather3A_1556 = tpu.vector_load_idx %arg12[%add3A_1515, %broadcast_in_dim3A_1555] : memref<128x16xf32, #tpu.memory_space<vmem>>[vector<16xi32>, vector<16xi32>], vector<16xf32>,
      %mul3A_1557 = arith.mulf %div3A_1547, %gather3A_1556 : vector<16xf32>
      %add3A_1558 = arith.addf %mul3A_1553, %mul3A_1557 : vector<16xf32>
      %broadcast_in_dim3A_1559 = arith.constant 8 : i32
      %broadcast_in_dim3A_1560 = vector.broadcast %broadcast_in_dim3A_1559 : i32 to vector<16xi32>
      %gather3A_1561 = tpu.vector_load_idx %arg12[%add3A_1515, %broadcast_in_dim3A_1560] : memref<128x16xf32, #tpu.memory_space<vmem>>[vector<16xi32>, vector<16xi32>], vector<16xf32>,
      %mul3A_1562 = arith.mulf %div3A_1548, %gather3A_1561 : vector<16xf32>
      %add3A_1563 = arith.addf %add3A_1558, %mul3A_1562 : vector<16xf32>
      %broadcast_in_dim3A_1564 = arith.constant 12 : i32
      %broadcast_in_dim3A_1565 = vector.broadcast %broadcast_in_dim3A_1564 : i32 to vector<16xi32>
      %gather3A_1566 = tpu.vector_load_idx %arg12[%add3A_1515, %broadcast_in_dim3A_1565] : memref<128x16xf32, #tpu.memory_space<vmem>>[vector<16xi32>, vector<16xi32>], vector<16xf32>,
      %mul3A_1567 = arith.mulf %div3A_1549, %gather3A_1566 : vector<16xf32>
      %add3A_1568 = arith.addf %add3A_1563, %mul3A_1567 : vector<16xf32>
      %broadcast_in_dim3A_1569 = arith.constant 0 : i32
      %broadcast_in_dim3A_1570 = vector.broadcast %broadcast_in_dim3A_1569 : i32 to vector<16xi32>
      tpu.vector_store_idx %arg13[%add3A_1515, %broadcast_in_dim3A_1570], %add3A_1568 : memref<128x8xf32, #tpu.memory_space<vmem>>[vector<16xi32>, vector<16xi32>], vector<16xf32>,
      %broadcast_in_dim3A_1571 = arith.constant 1 : i32
      %broadcast_in_dim3A_1572 = vector.broadcast %broadcast_in_dim3A_1571 : i32 to vector<16xi32>
      %gather3A_1573 = tpu.vector_load_idx %arg12[%add3A_1515, %broadcast_in_dim3A_1572] : memref<128x16xf32, #tpu.memory_space<vmem>>[vector<16xi32>, vector<16xi32>], vector<16xf32>,
      %mul3A_1574 = arith.mulf %div3A_1546, %gather3A_1573 : vector<16xf32>
      %broadcast_in_dim3A_1575 = arith.constant 5 : i32
      %broadcast_in_dim3A_1576 = vector.broadcast %broadcast_in_dim3A_1575 : i32 to vector<16xi32>
      %gather3A_1577 = tpu.vector_load_idx %arg12[%add3A_1515, %broadcast_in_dim3A_1576] : memref<128x16xf32, #tpu.memory_space<vmem>>[vector<16xi32>, vector<16xi32>], vector<16xf32>,
      %mul3A_1578 = arith.mulf %div3A_1547, %gather3A_1577 : vector<16xf32>
      %add3A_1579 = arith.addf %mul3A_1574, %mul3A_1578 : vector<16xf32>
      %broadcast_in_dim3A_1580 = arith.constant 9 : i32
      %broadcast_in_dim3A_1581 = vector.broadcast %broadcast_in_dim3A_1580 : i32 to vector<16xi32>
      %gather3A_1582 = tpu.vector_load_idx %arg12[%add3A_1515, %broadcast_in_dim3A_1581] : memref<128x16xf32, #tpu.memory_space<vmem>>[vector<16xi32>, vector<16xi32>], vector<16xf32>,
      %mul3A_1583 = arith.mulf %div3A_1548, %gather3A_1582 : vector<16xf32>
      %add3A_1584 = arith.addf %add3A_1579, %mul3A_1583 : vector<16xf32>
      %broadcast_in_dim3A_1585 = arith.constant 13 : i32
      %broadcast_in_dim3A_1586 = vector.broadcast %broadcast_in_dim3A_1585 : i32 to vector<16xi32>
      %gather3A_1587 = tpu.vector_load_idx %arg12[%add3A_1515, %broadcast_in_dim3A_1586] : memref<128x16xf32, #tpu.memory_space<vmem>>[vector<16xi32>, vector<16xi32>], vector<16xf32>,
      %mul3A_1588 = arith.mulf %div3A_1549, %gather3A_1587 : vector<16xf32>
      %add3A_1589 = arith.addf %add3A_1584, %mul3A_1588 : vector<16xf32>
      %broadcast_in_dim3A_1590 = arith.constant 1 : i32
      %broadcast_in_dim3A_1591 = vector.broadcast %broadcast_in_dim3A_1590 : i32 to vector<16xi32>
      tpu.vector_store_idx %arg13[%add3A_1515, %broadcast_in_dim3A_1591], %add3A_1589 : memref<128x8xf32, #tpu.memory_space<vmem>>[vector<16xi32>, vector<16xi32>], vector<16xf32>,
      %broadcast_in_dim3A_1592 = arith.constant 2 : i32
      %broadcast_in_dim3A_1593 = vector.broadcast %broadcast_in_dim3A_1592 : i32 to vector<16xi32>
      %gather3A_1594 = tpu.vector_load_idx %arg12[%add3A_1515, %broadcast_in_dim3A_1593] : memref<128x16xf32, #tpu.memory_space<vmem>>[vector<16xi32>, vector<16xi32>], vector<16xf32>,
      %mul3A_1595 = arith.mulf %div3A_1546, %gather3A_1594 : vector<16xf32>
      %broadcast_in_dim3A_1596 = arith.constant 6 : i32
      %broadcast_in_dim3A_1597 = vector.broadcast %broadcast_in_dim3A_1596 : i32 to vector<16xi32>
      %gather3A_1598 = tpu.vector_load_idx %arg12[%add3A_1515, %broadcast_in_dim3A_1597] : memref<128x16xf32, #tpu.memory_space<vmem>>[vector<16xi32>, vector<16xi32>], vector<16xf32>,
      %mul3A_1599 = arith.mulf %div3A_1547, %gather3A_1598 : vector<16xf32>
      %add3A_1600 = arith.addf %mul3A_1595, %mul3A_1599 : vector<16xf32>
      %broadcast_in_dim3A_1601 = arith.constant 10 : i32
      %broadcast_in_dim3A_1602 = vector.broadcast %broadcast_in_dim3A_1601 : i32 to vector<16xi32>
      %gather3A_1603 = tpu.vector_load_idx %arg12[%add3A_1515, %broadcast_in_dim3A_1602] : memref<128x16xf32, #tpu.memory_space<vmem>>[vector<16xi32>, vector<16xi32>], vector<16xf32>,
      %mul3A_1604 = arith.mulf %div3A_1548, %gather3A_1603 : vector<16xf32>
      %add3A_1605 = arith.addf %add3A_1600, %mul3A_1604 : vector<16xf32>
      %broadcast_in_dim3A_1606 = arith.constant 14 : i32
      %broadcast_in_dim3A_1607 = vector.broadcast %broadcast_in_dim3A_1606 : i32 to vector<16xi32>
      %gather3A_1608 = tpu.vector_load_idx %arg12[%add3A_1515, %broadcast_in_dim3A_1607] : memref<128x16xf32, #tpu.memory_space<vmem>>[vector<16xi32>, vector<16xi32>], vector<16xf32>,
      %mul3A_1609 = arith.mulf %div3A_1549, %gather3A_1608 : vector<16xf32>
      %add3A_1610 = arith.addf %add3A_1605, %mul3A_1609 : vector<16xf32>
      %broadcast_in_dim3A_1611 = arith.constant 2 : i32
      %broadcast_in_dim3A_1612 = vector.broadcast %broadcast_in_dim3A_1611 : i32 to vector<16xi32>
      tpu.vector_store_idx %arg13[%add3A_1515, %broadcast_in_dim3A_1612], %add3A_1610 : memref<128x8xf32, #tpu.memory_space<vmem>>[vector<16xi32>, vector<16xi32>], vector<16xf32>,
      %broadcast_in_dim3A_1613 = arith.constant 3 : i32
      %broadcast_in_dim3A_1614 = vector.broadcast %broadcast_in_dim3A_1613 : i32 to vector<16xi32>
      %gather3A_1615 = tpu.vector_load_idx %arg12[%add3A_1515, %broadcast_in_dim3A_1614] : memref<128x16xf32, #tpu.memory_space<vmem>>[vector<16xi32>, vector<16xi32>], vector<16xf32>,
      %mul3A_1616 = arith.mulf %div3A_1546, %gather3A_1615 : vector<16xf32>
      %broadcast_in_dim3A_1617 = arith.constant 7 : i32
      %broadcast_in_dim3A_1618 = vector.broadcast %broadcast_in_dim3A_1617 : i32 to vector<16xi32>
      %gather3A_1619 = tpu.vector_load_idx %arg12[%add3A_1515, %broadcast_in_dim3A_1618] : memref<128x16xf32, #tpu.memory_space<vmem>>[vector<16xi32>, vector<16xi32>], vector<16xf32>,
      %mul3A_1620 = arith.mulf %div3A_1547, %gather3A_1619 : vector<16xf32>
      %add3A_1621 = arith.addf %mul3A_1616, %mul3A_1620 : vector<16xf32>
      %broadcast_in_dim3A_1622 = arith.constant 11 : i32
      %broadcast_in_dim3A_1623 = vector.broadcast %broadcast_in_dim3A_1622 : i32 to vector<16xi32>
      %gather3A_1624 = tpu.vector_load_idx %arg12[%add3A_1515, %broadcast_in_dim3A_1623] : memref<128x16xf32, #tpu.memory_space<vmem>>[vector<16xi32>, vector<16xi32>], vector<16xf32>,
      %mul3A_1625 = arith.mulf %div3A_1548, %gather3A_1624 : vector<16xf32>
      %add3A_1626 = arith.addf %add3A_1621, %mul3A_1625 : vector<16xf32>
      %broadcast_in_dim3A_1627 = arith.constant 15 : i32
      %broadcast_in_dim3A_1628 = vector.broadcast %broadcast_in_dim3A_1627 : i32 to vector<16xi32>
      %gather3A_1629 = tpu.vector_load_idx %arg12[%add3A_1515, %broadcast_in_dim3A_1628] : memref<128x16xf32, #tpu.memory_space<vmem>>[vector<16xi32>, vector<16xi32>], vector<16xf32>,
      %mul3A_1630 = arith.mulf %div3A_1549, %gather3A_1629 : vector<16xf32>
      %add3A_1631 = arith.addf %add3A_1626, %mul3A_1630 : vector<16xf32>
      %broadcast_in_dim3A_1632 = arith.constant 3 : i32
      %broadcast_in_dim3A_1633 = vector.broadcast %broadcast_in_dim3A_1632 : i32 to vector<16xi32>
      tpu.vector_store_idx %arg13[%add3A_1515, %broadcast_in_dim3A_1633], %add3A_1631 : memref<128x8xf32, #tpu.memory_space<vmem>>[vector<16xi32>, vector<16xi32>], vector<16xf32>,
      %get3A_1634 = arith.constant 64 : index
      %get3A_1635 = tpu.vector_load %arg15[%get3A_1634] {strides = array<i32>} : memref<128xi32, #tpu.memory_space<vmem>>, vector<16xi32>,
      %get3A_1636 = arith.constant 64 : index
      %get3A_1637 = tpu.vector_load %arg17[%get3A_1636] {strides = array<i32>} : memref<128xi32, #tpu.memory_space<vmem>>, vector<16xi32>,
      %add3A_1638 = arith.constant 64 : i32
      %add3A_1639 = vector.broadcast %add3A_1638 : i32 to vector<16xi32>
      %add3A_1640 = arith.addi %iota3A, %add3A_1639 : vector<16xi32>
      %gather3A_1641 = tpu.vector_load_idx %arg10[%get3A_1635, %broadcast_in_dim3A_3] : memref<10016x4xf32, #tpu.memory_space<vmem>>[vector<16xi32>, vector<16xi32>], vector<16xf32>,
      %gather3A_1642 = tpu.vector_load_idx %arg10[%get3A_1635, %broadcast_in_dim3A_5] : memref<10016x4xf32, #tpu.memory_space<vmem>>[vector<16xi32>, vector<16xi32>], vector<16xf32>,
      %gather3A_1643 = tpu.vector_load_idx %arg10[%get3A_1635, %broadcast_in_dim3A_7] : memref<10016x4xf32, #tpu.memory_space<vmem>>[vector<16xi32>, vector<16xi32>], vector<16xf32>,
      %gather3A_1644 = tpu.vector_load_idx %arg10[%get3A_1635, %broadcast_in_dim3A_9] : memref<10016x4xf32, #tpu.memory_space<vmem>>[vector<16xi32>, vector<16xi32>], vector<16xf32>,
      %gather3A_1645 = tpu.vector_load_idx %arg10[%get3A_1637, %broadcast_in_dim3A_3] : memref<10016x4xf32, #tpu.memory_space<vmem>>[vector<16xi32>, vector<16xi32>], vector<16xf32>,
      %gather3A_1646 = tpu.vector_load_idx %arg10[%get3A_1637, %broadcast_in_dim3A_5] : memref<10016x4xf32, #tpu.memory_space<vmem>>[vector<16xi32>, vector<16xi32>], vector<16xf32>,
      %gather3A_1647 = tpu.vector_load_idx %arg10[%get3A_1637, %broadcast_in_dim3A_7] : memref<10016x4xf32, #tpu.memory_space<vmem>>[vector<16xi32>, vector<16xi32>], vector<16xf32>,
      %gather3A_1648 = tpu.vector_load_idx %arg10[%get3A_1637, %broadcast_in_dim3A_9] : memref<10016x4xf32, #tpu.memory_space<vmem>>[vector<16xi32>, vector<16xi32>], vector<16xf32>,
      %sub3A_1649 = arith.subf %gather3A_1641, %gather3A_1645 : vector<16xf32>
      %add3A_1650 = arith.addf %sub3A_1649, %get3A_12 : vector<16xf32>
      %sub3A_1651 = arith.subf %gather3A_1642, %gather3A_1646 : vector<16xf32>
      %add3A_1652 = arith.addf %sub3A_1651, %get3A_16 : vector<16xf32>
      %sub3A_1653 = arith.subf %gather3A_1643, %gather3A_1647 : vector<16xf32>
      %add3A_1654 = arith.addf %sub3A_1653, %get3A_20 : vector<16xf32>
      %sub3A_1655 = arith.subf %gather3A_1644, %gather3A_1648 : vector<16xf32>
      %add3A_1656 = arith.addf %sub3A_1655, %get3A_24 : vector<16xf32>
      %max3A_1657 = arith.maximumf %add3A_1650, %add3A_1652 : vector<16xf32>
      %max3A_1658 = arith.maximumf %add3A_1654, %add3A_1656 : vector<16xf32>
      %max3A_1659 = arith.maximumf %max3A_1657, %max3A_1658 : vector<16xf32>
      %sub3A_1660 = arith.subf %add3A_1650, %max3A_1659 : vector<16xf32>
      %exp3A_1661 = math.exp %sub3A_1660 : vector<16xf32>
      %sub3A_1662 = arith.subf %add3A_1652, %max3A_1659 : vector<16xf32>
      %exp3A_1663 = math.exp %sub3A_1662 : vector<16xf32>
      %sub3A_1664 = arith.subf %add3A_1654, %max3A_1659 : vector<16xf32>
      %exp3A_1665 = math.exp %sub3A_1664 : vector<16xf32>
      %sub3A_1666 = arith.subf %add3A_1656, %max3A_1659 : vector<16xf32>
      %exp3A_1667 = math.exp %sub3A_1666 : vector<16xf32>
      %add3A_1668 = arith.addf %exp3A_1661, %exp3A_1663 : vector<16xf32>
      %add3A_1669 = arith.addf %exp3A_1665, %exp3A_1667 : vector<16xf32>
      %add3A_1670 = arith.addf %add3A_1668, %add3A_1669 : vector<16xf32>
      %div3A_1671 = arith.divf %exp3A_1661, %add3A_1670 : vector<16xf32>
      %div3A_1672 = arith.divf %exp3A_1663, %add3A_1670 : vector<16xf32>
      %div3A_1673 = arith.divf %exp3A_1665, %add3A_1670 : vector<16xf32>
      %div3A_1674 = arith.divf %exp3A_1667, %add3A_1670 : vector<16xf32>
      %broadcast_in_dim3A_1675 = arith.constant 0 : i32
      %broadcast_in_dim3A_1676 = vector.broadcast %broadcast_in_dim3A_1675 : i32 to vector<16xi32>
      %gather3A_1677 = tpu.vector_load_idx %arg12[%add3A_1640, %broadcast_in_dim3A_1676] : memref<128x16xf32, #tpu.memory_space<vmem>>[vector<16xi32>, vector<16xi32>], vector<16xf32>,
      %mul3A_1678 = arith.mulf %div3A_1671, %gather3A_1677 : vector<16xf32>
      %broadcast_in_dim3A_1679 = arith.constant 4 : i32
      %broadcast_in_dim3A_1680 = vector.broadcast %broadcast_in_dim3A_1679 : i32 to vector<16xi32>
      %gather3A_1681 = tpu.vector_load_idx %arg12[%add3A_1640, %broadcast_in_dim3A_1680] : memref<128x16xf32, #tpu.memory_space<vmem>>[vector<16xi32>, vector<16xi32>], vector<16xf32>,
      %mul3A_1682 = arith.mulf %div3A_1672, %gather3A_1681 : vector<16xf32>
      %add3A_1683 = arith.addf %mul3A_1678, %mul3A_1682 : vector<16xf32>
      %broadcast_in_dim3A_1684 = arith.constant 8 : i32
      %broadcast_in_dim3A_1685 = vector.broadcast %broadcast_in_dim3A_1684 : i32 to vector<16xi32>
      %gather3A_1686 = tpu.vector_load_idx %arg12[%add3A_1640, %broadcast_in_dim3A_1685] : memref<128x16xf32, #tpu.memory_space<vmem>>[vector<16xi32>, vector<16xi32>], vector<16xf32>,
      %mul3A_1687 = arith.mulf %div3A_1673, %gather3A_1686 : vector<16xf32>
      %add3A_1688 = arith.addf %add3A_1683, %mul3A_1687 : vector<16xf32>
      %broadcast_in_dim3A_1689 = arith.constant 12 : i32
      %broadcast_in_dim3A_1690 = vector.broadcast %broadcast_in_dim3A_1689 : i32 to vector<16xi32>
      %gather3A_1691 = tpu.vector_load_idx %arg12[%add3A_1640, %broadcast_in_dim3A_1690] : memref<128x16xf32, #tpu.memory_space<vmem>>[vector<16xi32>, vector<16xi32>], vector<16xf32>,
      %mul3A_1692 = arith.mulf %div3A_1674, %gather3A_1691 : vector<16xf32>
      %add3A_1693 = arith.addf %add3A_1688, %mul3A_1692 : vector<16xf32>
      %broadcast_in_dim3A_1694 = arith.constant 0 : i32
      %broadcast_in_dim3A_1695 = vector.broadcast %broadcast_in_dim3A_1694 : i32 to vector<16xi32>
      tpu.vector_store_idx %arg13[%add3A_1640, %broadcast_in_dim3A_1695], %add3A_1693 : memref<128x8xf32, #tpu.memory_space<vmem>>[vector<16xi32>, vector<16xi32>], vector<16xf32>,
      %broadcast_in_dim3A_1696 = arith.constant 1 : i32
      %broadcast_in_dim3A_1697 = vector.broadcast %broadcast_in_dim3A_1696 : i32 to vector<16xi32>
      %gather3A_1698 = tpu.vector_load_idx %arg12[%add3A_1640, %broadcast_in_dim3A_1697] : memref<128x16xf32, #tpu.memory_space<vmem>>[vector<16xi32>, vector<16xi32>], vector<16xf32>,
      %mul3A_1699 = arith.mulf %div3A_1671, %gather3A_1698 : vector<16xf32>
      %broadcast_in_dim3A_1700 = arith.constant 5 : i32
      %broadcast_in_dim3A_1701 = vector.broadcast %broadcast_in_dim3A_1700 : i32 to vector<16xi32>
      %gather3A_1702 = tpu.vector_load_idx %arg12[%add3A_1640, %broadcast_in_dim3A_1701] : memref<128x16xf32, #tpu.memory_space<vmem>>[vector<16xi32>, vector<16xi32>], vector<16xf32>,
      %mul3A_1703 = arith.mulf %div3A_1672, %gather3A_1702 : vector<16xf32>
      %add3A_1704 = arith.addf %mul3A_1699, %mul3A_1703 : vector<16xf32>
      %broadcast_in_dim3A_1705 = arith.constant 9 : i32
      %broadcast_in_dim3A_1706 = vector.broadcast %broadcast_in_dim3A_1705 : i32 to vector<16xi32>
      %gather3A_1707 = tpu.vector_load_idx %arg12[%add3A_1640, %broadcast_in_dim3A_1706] : memref<128x16xf32, #tpu.memory_space<vmem>>[vector<16xi32>, vector<16xi32>], vector<16xf32>,
      %mul3A_1708 = arith.mulf %div3A_1673, %gather3A_1707 : vector<16xf32>
      %add3A_1709 = arith.addf %add3A_1704, %mul3A_1708 : vector<16xf32>
      %broadcast_in_dim3A_1710 = arith.constant 13 : i32
      %broadcast_in_dim3A_1711 = vector.broadcast %broadcast_in_dim3A_1710 : i32 to vector<16xi32>
      %gather3A_1712 = tpu.vector_load_idx %arg12[%add3A_1640, %broadcast_in_dim3A_1711] : memref<128x16xf32, #tpu.memory_space<vmem>>[vector<16xi32>, vector<16xi32>], vector<16xf32>,
      %mul3A_1713 = arith.mulf %div3A_1674, %gather3A_1712 : vector<16xf32>
      %add3A_1714 = arith.addf %add3A_1709, %mul3A_1713 : vector<16xf32>
      %broadcast_in_dim3A_1715 = arith.constant 1 : i32
      %broadcast_in_dim3A_1716 = vector.broadcast %broadcast_in_dim3A_1715 : i32 to vector<16xi32>
      tpu.vector_store_idx %arg13[%add3A_1640, %broadcast_in_dim3A_1716], %add3A_1714 : memref<128x8xf32, #tpu.memory_space<vmem>>[vector<16xi32>, vector<16xi32>], vector<16xf32>,
      %broadcast_in_dim3A_1717 = arith.constant 2 : i32
      %broadcast_in_dim3A_1718 = vector.broadcast %broadcast_in_dim3A_1717 : i32 to vector<16xi32>
      %gather3A_1719 = tpu.vector_load_idx %arg12[%add3A_1640, %broadcast_in_dim3A_1718] : memref<128x16xf32, #tpu.memory_space<vmem>>[vector<16xi32>, vector<16xi32>], vector<16xf32>,
      %mul3A_1720 = arith.mulf %div3A_1671, %gather3A_1719 : vector<16xf32>
      %broadcast_in_dim3A_1721 = arith.constant 6 : i32
      %broadcast_in_dim3A_1722 = vector.broadcast %broadcast_in_dim3A_1721 : i32 to vector<16xi32>
      %gather3A_1723 = tpu.vector_load_idx %arg12[%add3A_1640, %broadcast_in_dim3A_1722] : memref<128x16xf32, #tpu.memory_space<vmem>>[vector<16xi32>, vector<16xi32>], vector<16xf32>,
      %mul3A_1724 = arith.mulf %div3A_1672, %gather3A_1723 : vector<16xf32>
      %add3A_1725 = arith.addf %mul3A_1720, %mul3A_1724 : vector<16xf32>
      %broadcast_in_dim3A_1726 = arith.constant 10 : i32
      %broadcast_in_dim3A_1727 = vector.broadcast %broadcast_in_dim3A_1726 : i32 to vector<16xi32>
      %gather3A_1728 = tpu.vector_load_idx %arg12[%add3A_1640, %broadcast_in_dim3A_1727] : memref<128x16xf32, #tpu.memory_space<vmem>>[vector<16xi32>, vector<16xi32>], vector<16xf32>,
      %mul3A_1729 = arith.mulf %div3A_1673, %gather3A_1728 : vector<16xf32>
      %add3A_1730 = arith.addf %add3A_1725, %mul3A_1729 : vector<16xf32>
      %broadcast_in_dim3A_1731 = arith.constant 14 : i32
      %broadcast_in_dim3A_1732 = vector.broadcast %broadcast_in_dim3A_1731 : i32 to vector<16xi32>
      %gather3A_1733 = tpu.vector_load_idx %arg12[%add3A_1640, %broadcast_in_dim3A_1732] : memref<128x16xf32, #tpu.memory_space<vmem>>[vector<16xi32>, vector<16xi32>], vector<16xf32>,
      %mul3A_1734 = arith.mulf %div3A_1674, %gather3A_1733 : vector<16xf32>
      %add3A_1735 = arith.addf %add3A_1730, %mul3A_1734 : vector<16xf32>
      %broadcast_in_dim3A_1736 = arith.constant 2 : i32
      %broadcast_in_dim3A_1737 = vector.broadcast %broadcast_in_dim3A_1736 : i32 to vector<16xi32>
      tpu.vector_store_idx %arg13[%add3A_1640, %broadcast_in_dim3A_1737], %add3A_1735 : memref<128x8xf32, #tpu.memory_space<vmem>>[vector<16xi32>, vector<16xi32>], vector<16xf32>,
      %broadcast_in_dim3A_1738 = arith.constant 3 : i32
      %broadcast_in_dim3A_1739 = vector.broadcast %broadcast_in_dim3A_1738 : i32 to vector<16xi32>
      %gather3A_1740 = tpu.vector_load_idx %arg12[%add3A_1640, %broadcast_in_dim3A_1739] : memref<128x16xf32, #tpu.memory_space<vmem>>[vector<16xi32>, vector<16xi32>], vector<16xf32>,
      %mul3A_1741 = arith.mulf %div3A_1671, %gather3A_1740 : vector<16xf32>
      %broadcast_in_dim3A_1742 = arith.constant 7 : i32
      %broadcast_in_dim3A_1743 = vector.broadcast %broadcast_in_dim3A_1742 : i32 to vector<16xi32>
      %gather3A_1744 = tpu.vector_load_idx %arg12[%add3A_1640, %broadcast_in_dim3A_1743] : memref<128x16xf32, #tpu.memory_space<vmem>>[vector<16xi32>, vector<16xi32>], vector<16xf32>,
      %mul3A_1745 = arith.mulf %div3A_1672, %gather3A_1744 : vector<16xf32>
      %add3A_1746 = arith.addf %mul3A_1741, %mul3A_1745 : vector<16xf32>
      %broadcast_in_dim3A_1747 = arith.constant 11 : i32
      %broadcast_in_dim3A_1748 = vector.broadcast %broadcast_in_dim3A_1747 : i32 to vector<16xi32>
      %gather3A_1749 = tpu.vector_load_idx %arg12[%add3A_1640, %broadcast_in_dim3A_1748] : memref<128x16xf32, #tpu.memory_space<vmem>>[vector<16xi32>, vector<16xi32>], vector<16xf32>,
      %mul3A_1750 = arith.mulf %div3A_1673, %gather3A_1749 : vector<16xf32>
      %add3A_1751 = arith.addf %add3A_1746, %mul3A_1750 : vector<16xf32>
      %broadcast_in_dim3A_1752 = arith.constant 15 : i32
      %broadcast_in_dim3A_1753 = vector.broadcast %broadcast_in_dim3A_1752 : i32 to vector<16xi32>
      %gather3A_1754 = tpu.vector_load_idx %arg12[%add3A_1640, %broadcast_in_dim3A_1753] : memref<128x16xf32, #tpu.memory_space<vmem>>[vector<16xi32>, vector<16xi32>], vector<16xf32>,
      %mul3A_1755 = arith.mulf %div3A_1674, %gather3A_1754 : vector<16xf32>
      %add3A_1756 = arith.addf %add3A_1751, %mul3A_1755 : vector<16xf32>
      %broadcast_in_dim3A_1757 = arith.constant 3 : i32
      %broadcast_in_dim3A_1758 = vector.broadcast %broadcast_in_dim3A_1757 : i32 to vector<16xi32>
      tpu.vector_store_idx %arg13[%add3A_1640, %broadcast_in_dim3A_1758], %add3A_1756 : memref<128x8xf32, #tpu.memory_space<vmem>>[vector<16xi32>, vector<16xi32>], vector<16xf32>,
      %get3A_1759 = arith.constant 80 : index
      %get3A_1760 = tpu.vector_load %arg15[%get3A_1759] {strides = array<i32>} : memref<128xi32, #tpu.memory_space<vmem>>, vector<16xi32>,
      %get3A_1761 = arith.constant 80 : index
      %get3A_1762 = tpu.vector_load %arg17[%get3A_1761] {strides = array<i32>} : memref<128xi32, #tpu.memory_space<vmem>>, vector<16xi32>,
      %add3A_1763 = arith.constant 80 : i32
      %add3A_1764 = vector.broadcast %add3A_1763 : i32 to vector<16xi32>
      %add3A_1765 = arith.addi %iota3A, %add3A_1764 : vector<16xi32>
      %gather3A_1766 = tpu.vector_load_idx %arg10[%get3A_1760, %broadcast_in_dim3A_3] : memref<10016x4xf32, #tpu.memory_space<vmem>>[vector<16xi32>, vector<16xi32>], vector<16xf32>,
      %gather3A_1767 = tpu.vector_load_idx %arg10[%get3A_1760, %broadcast_in_dim3A_5] : memref<10016x4xf32, #tpu.memory_space<vmem>>[vector<16xi32>, vector<16xi32>], vector<16xf32>,
      %gather3A_1768 = tpu.vector_load_idx %arg10[%get3A_1760, %broadcast_in_dim3A_7] : memref<10016x4xf32, #tpu.memory_space<vmem>>[vector<16xi32>, vector<16xi32>], vector<16xf32>,
      %gather3A_1769 = tpu.vector_load_idx %arg10[%get3A_1760, %broadcast_in_dim3A_9] : memref<10016x4xf32, #tpu.memory_space<vmem>>[vector<16xi32>, vector<16xi32>], vector<16xf32>,
      %gather3A_1770 = tpu.vector_load_idx %arg10[%get3A_1762, %broadcast_in_dim3A_3] : memref<10016x4xf32, #tpu.memory_space<vmem>>[vector<16xi32>, vector<16xi32>], vector<16xf32>,
      %gather3A_1771 = tpu.vector_load_idx %arg10[%get3A_1762, %broadcast_in_dim3A_5] : memref<10016x4xf32, #tpu.memory_space<vmem>>[vector<16xi32>, vector<16xi32>], vector<16xf32>,
      %gather3A_1772 = tpu.vector_load_idx %arg10[%get3A_1762, %broadcast_in_dim3A_7] : memref<10016x4xf32, #tpu.memory_space<vmem>>[vector<16xi32>, vector<16xi32>], vector<16xf32>,
      %gather3A_1773 = tpu.vector_load_idx %arg10[%get3A_1762, %broadcast_in_dim3A_9] : memref<10016x4xf32, #tpu.memory_space<vmem>>[vector<16xi32>, vector<16xi32>], vector<16xf32>,
      %sub3A_1774 = arith.subf %gather3A_1766, %gather3A_1770 : vector<16xf32>
      %add3A_1775 = arith.addf %sub3A_1774, %get3A_12 : vector<16xf32>
      %sub3A_1776 = arith.subf %gather3A_1767, %gather3A_1771 : vector<16xf32>
      %add3A_1777 = arith.addf %sub3A_1776, %get3A_16 : vector<16xf32>
      %sub3A_1778 = arith.subf %gather3A_1768, %gather3A_1772 : vector<16xf32>
      %add3A_1779 = arith.addf %sub3A_1778, %get3A_20 : vector<16xf32>
      %sub3A_1780 = arith.subf %gather3A_1769, %gather3A_1773 : vector<16xf32>
      %add3A_1781 = arith.addf %sub3A_1780, %get3A_24 : vector<16xf32>
      %max3A_1782 = arith.maximumf %add3A_1775, %add3A_1777 : vector<16xf32>
      %max3A_1783 = arith.maximumf %add3A_1779, %add3A_1781 : vector<16xf32>
      %max3A_1784 = arith.maximumf %max3A_1782, %max3A_1783 : vector<16xf32>
      %sub3A_1785 = arith.subf %add3A_1775, %max3A_1784 : vector<16xf32>
      %exp3A_1786 = math.exp %sub3A_1785 : vector<16xf32>
      %sub3A_1787 = arith.subf %add3A_1777, %max3A_1784 : vector<16xf32>
      %exp3A_1788 = math.exp %sub3A_1787 : vector<16xf32>
      %sub3A_1789 = arith.subf %add3A_1779, %max3A_1784 : vector<16xf32>
      %exp3A_1790 = math.exp %sub3A_1789 : vector<16xf32>
      %sub3A_1791 = arith.subf %add3A_1781, %max3A_1784 : vector<16xf32>
      %exp3A_1792 = math.exp %sub3A_1791 : vector<16xf32>
      %add3A_1793 = arith.addf %exp3A_1786, %exp3A_1788 : vector<16xf32>
      %add3A_1794 = arith.addf %exp3A_1790, %exp3A_1792 : vector<16xf32>
      %add3A_1795 = arith.addf %add3A_1793, %add3A_1794 : vector<16xf32>
      %div3A_1796 = arith.divf %exp3A_1786, %add3A_1795 : vector<16xf32>
      %div3A_1797 = arith.divf %exp3A_1788, %add3A_1795 : vector<16xf32>
      %div3A_1798 = arith.divf %exp3A_1790, %add3A_1795 : vector<16xf32>
      %div3A_1799 = arith.divf %exp3A_1792, %add3A_1795 : vector<16xf32>
      %broadcast_in_dim3A_1800 = arith.constant 0 : i32
      %broadcast_in_dim3A_1801 = vector.broadcast %broadcast_in_dim3A_1800 : i32 to vector<16xi32>
      %gather3A_1802 = tpu.vector_load_idx %arg12[%add3A_1765, %broadcast_in_dim3A_1801] : memref<128x16xf32, #tpu.memory_space<vmem>>[vector<16xi32>, vector<16xi32>], vector<16xf32>,
      %mul3A_1803 = arith.mulf %div3A_1796, %gather3A_1802 : vector<16xf32>
      %broadcast_in_dim3A_1804 = arith.constant 4 : i32
      %broadcast_in_dim3A_1805 = vector.broadcast %broadcast_in_dim3A_1804 : i32 to vector<16xi32>
      %gather3A_1806 = tpu.vector_load_idx %arg12[%add3A_1765, %broadcast_in_dim3A_1805] : memref<128x16xf32, #tpu.memory_space<vmem>>[vector<16xi32>, vector<16xi32>], vector<16xf32>,
      %mul3A_1807 = arith.mulf %div3A_1797, %gather3A_1806 : vector<16xf32>
      %add3A_1808 = arith.addf %mul3A_1803, %mul3A_1807 : vector<16xf32>
      %broadcast_in_dim3A_1809 = arith.constant 8 : i32
      %broadcast_in_dim3A_1810 = vector.broadcast %broadcast_in_dim3A_1809 : i32 to vector<16xi32>
      %gather3A_1811 = tpu.vector_load_idx %arg12[%add3A_1765, %broadcast_in_dim3A_1810] : memref<128x16xf32, #tpu.memory_space<vmem>>[vector<16xi32>, vector<16xi32>], vector<16xf32>,
      %mul3A_1812 = arith.mulf %div3A_1798, %gather3A_1811 : vector<16xf32>
      %add3A_1813 = arith.addf %add3A_1808, %mul3A_1812 : vector<16xf32>
      %broadcast_in_dim3A_1814 = arith.constant 12 : i32
      %broadcast_in_dim3A_1815 = vector.broadcast %broadcast_in_dim3A_1814 : i32 to vector<16xi32>
      %gather3A_1816 = tpu.vector_load_idx %arg12[%add3A_1765, %broadcast_in_dim3A_1815] : memref<128x16xf32, #tpu.memory_space<vmem>>[vector<16xi32>, vector<16xi32>], vector<16xf32>,
      %mul3A_1817 = arith.mulf %div3A_1799, %gather3A_1816 : vector<16xf32>
      %add3A_1818 = arith.addf %add3A_1813, %mul3A_1817 : vector<16xf32>
      %broadcast_in_dim3A_1819 = arith.constant 0 : i32
      %broadcast_in_dim3A_1820 = vector.broadcast %broadcast_in_dim3A_1819 : i32 to vector<16xi32>
      tpu.vector_store_idx %arg13[%add3A_1765, %broadcast_in_dim3A_1820], %add3A_1818 : memref<128x8xf32, #tpu.memory_space<vmem>>[vector<16xi32>, vector<16xi32>], vector<16xf32>,
      %broadcast_in_dim3A_1821 = arith.constant 1 : i32
      %broadcast_in_dim3A_1822 = vector.broadcast %broadcast_in_dim3A_1821 : i32 to vector<16xi32>
      %gather3A_1823 = tpu.vector_load_idx %arg12[%add3A_1765, %broadcast_in_dim3A_1822] : memref<128x16xf32, #tpu.memory_space<vmem>>[vector<16xi32>, vector<16xi32>], vector<16xf32>,
      %mul3A_1824 = arith.mulf %div3A_1796, %gather3A_1823 : vector<16xf32>
      %broadcast_in_dim3A_1825 = arith.constant 5 : i32
      %broadcast_in_dim3A_1826 = vector.broadcast %broadcast_in_dim3A_1825 : i32 to vector<16xi32>
      %gather3A_1827 = tpu.vector_load_idx %arg12[%add3A_1765, %broadcast_in_dim3A_1826] : memref<128x16xf32, #tpu.memory_space<vmem>>[vector<16xi32>, vector<16xi32>], vector<16xf32>,
      %mul3A_1828 = arith.mulf %div3A_1797, %gather3A_1827 : vector<16xf32>
      %add3A_1829 = arith.addf %mul3A_1824, %mul3A_1828 : vector<16xf32>
      %broadcast_in_dim3A_1830 = arith.constant 9 : i32
      %broadcast_in_dim3A_1831 = vector.broadcast %broadcast_in_dim3A_1830 : i32 to vector<16xi32>
      %gather3A_1832 = tpu.vector_load_idx %arg12[%add3A_1765, %broadcast_in_dim3A_1831] : memref<128x16xf32, #tpu.memory_space<vmem>>[vector<16xi32>, vector<16xi32>], vector<16xf32>,
      %mul3A_1833 = arith.mulf %div3A_1798, %gather3A_1832 : vector<16xf32>
      %add3A_1834 = arith.addf %add3A_1829, %mul3A_1833 : vector<16xf32>
      %broadcast_in_dim3A_1835 = arith.constant 13 : i32
      %broadcast_in_dim3A_1836 = vector.broadcast %broadcast_in_dim3A_1835 : i32 to vector<16xi32>
      %gather3A_1837 = tpu.vector_load_idx %arg12[%add3A_1765, %broadcast_in_dim3A_1836] : memref<128x16xf32, #tpu.memory_space<vmem>>[vector<16xi32>, vector<16xi32>], vector<16xf32>,
      %mul3A_1838 = arith.mulf %div3A_1799, %gather3A_1837 : vector<16xf32>
      %add3A_1839 = arith.addf %add3A_1834, %mul3A_1838 : vector<16xf32>
      %broadcast_in_dim3A_1840 = arith.constant 1 : i32
      %broadcast_in_dim3A_1841 = vector.broadcast %broadcast_in_dim3A_1840 : i32 to vector<16xi32>
      tpu.vector_store_idx %arg13[%add3A_1765, %broadcast_in_dim3A_1841], %add3A_1839 : memref<128x8xf32, #tpu.memory_space<vmem>>[vector<16xi32>, vector<16xi32>], vector<16xf32>,
      %broadcast_in_dim3A_1842 = arith.constant 2 : i32
      %broadcast_in_dim3A_1843 = vector.broadcast %broadcast_in_dim3A_1842 : i32 to vector<16xi32>
      %gather3A_1844 = tpu.vector_load_idx %arg12[%add3A_1765, %broadcast_in_dim3A_1843] : memref<128x16xf32, #tpu.memory_space<vmem>>[vector<16xi32>, vector<16xi32>], vector<16xf32>,
      %mul3A_1845 = arith.mulf %div3A_1796, %gather3A_1844 : vector<16xf32>
      %broadcast_in_dim3A_1846 = arith.constant 6 : i32
      %broadcast_in_dim3A_1847 = vector.broadcast %broadcast_in_dim3A_1846 : i32 to vector<16xi32>
      %gather3A_1848 = tpu.vector_load_idx %arg12[%add3A_1765, %broadcast_in_dim3A_1847] : memref<128x16xf32, #tpu.memory_space<vmem>>[vector<16xi32>, vector<16xi32>], vector<16xf32>,
      %mul3A_1849 = arith.mulf %div3A_1797, %gather3A_1848 : vector<16xf32>
      %add3A_1850 = arith.addf %mul3A_1845, %mul3A_1849 : vector<16xf32>
      %broadcast_in_dim3A_1851 = arith.constant 10 : i32
      %broadcast_in_dim3A_1852 = vector.broadcast %broadcast_in_dim3A_1851 : i32 to vector<16xi32>
      %gather3A_1853 = tpu.vector_load_idx %arg12[%add3A_1765, %broadcast_in_dim3A_1852] : memref<128x16xf32, #tpu.memory_space<vmem>>[vector<16xi32>, vector<16xi32>], vector<16xf32>,
      %mul3A_1854 = arith.mulf %div3A_1798, %gather3A_1853 : vector<16xf32>
      %add3A_1855 = arith.addf %add3A_1850, %mul3A_1854 : vector<16xf32>
      %broadcast_in_dim3A_1856 = arith.constant 14 : i32
      %broadcast_in_dim3A_1857 = vector.broadcast %broadcast_in_dim3A_1856 : i32 to vector<16xi32>
      %gather3A_1858 = tpu.vector_load_idx %arg12[%add3A_1765, %broadcast_in_dim3A_1857] : memref<128x16xf32, #tpu.memory_space<vmem>>[vector<16xi32>, vector<16xi32>], vector<16xf32>,
      %mul3A_1859 = arith.mulf %div3A_1799, %gather3A_1858 : vector<16xf32>
      %add3A_1860 = arith.addf %add3A_1855, %mul3A_1859 : vector<16xf32>
      %broadcast_in_dim3A_1861 = arith.constant 2 : i32
      %broadcast_in_dim3A_1862 = vector.broadcast %broadcast_in_dim3A_1861 : i32 to vector<16xi32>
      tpu.vector_store_idx %arg13[%add3A_1765, %broadcast_in_dim3A_1862], %add3A_1860 : memref<128x8xf32, #tpu.memory_space<vmem>>[vector<16xi32>, vector<16xi32>], vector<16xf32>,
      %broadcast_in_dim3A_1863 = arith.constant 3 : i32
      %broadcast_in_dim3A_1864 = vector.broadcast %broadcast_in_dim3A_1863 : i32 to vector<16xi32>
      %gather3A_1865 = tpu.vector_load_idx %arg12[%add3A_1765, %broadcast_in_dim3A_1864] : memref<128x16xf32, #tpu.memory_space<vmem>>[vector<16xi32>, vector<16xi32>], vector<16xf32>,
      %mul3A_1866 = arith.mulf %div3A_1796, %gather3A_1865 : vector<16xf32>
      %broadcast_in_dim3A_1867 = arith.constant 7 : i32
      %broadcast_in_dim3A_1868 = vector.broadcast %broadcast_in_dim3A_1867 : i32 to vector<16xi32>
      %gather3A_1869 = tpu.vector_load_idx %arg12[%add3A_1765, %broadcast_in_dim3A_1868] : memref<128x16xf32, #tpu.memory_space<vmem>>[vector<16xi32>, vector<16xi32>], vector<16xf32>,
      %mul3A_1870 = arith.mulf %div3A_1797, %gather3A_1869 : vector<16xf32>
      %add3A_1871 = arith.addf %mul3A_1866, %mul3A_1870 : vector<16xf32>
      %broadcast_in_dim3A_1872 = arith.constant 11 : i32
      %broadcast_in_dim3A_1873 = vector.broadcast %broadcast_in_dim3A_1872 : i32 to vector<16xi32>
      %gather3A_1874 = tpu.vector_load_idx %arg12[%add3A_1765, %broadcast_in_dim3A_1873] : memref<128x16xf32, #tpu.memory_space<vmem>>[vector<16xi32>, vector<16xi32>], vector<16xf32>,
      %mul3A_1875 = arith.mulf %div3A_1798, %gather3A_1874 : vector<16xf32>
      %add3A_1876 = arith.addf %add3A_1871, %mul3A_1875 : vector<16xf32>
      %broadcast_in_dim3A_1877 = arith.constant 15 : i32
      %broadcast_in_dim3A_1878 = vector.broadcast %broadcast_in_dim3A_1877 : i32 to vector<16xi32>
      %gather3A_1879 = tpu.vector_load_idx %arg12[%add3A_1765, %broadcast_in_dim3A_1878] : memref<128x16xf32, #tpu.memory_space<vmem>>[vector<16xi32>, vector<16xi32>], vector<16xf32>,
      %mul3A_1880 = arith.mulf %div3A_1799, %gather3A_1879 : vector<16xf32>
      %add3A_1881 = arith.addf %add3A_1876, %mul3A_1880 : vector<16xf32>
      %broadcast_in_dim3A_1882 = arith.constant 3 : i32
      %broadcast_in_dim3A_1883 = vector.broadcast %broadcast_in_dim3A_1882 : i32 to vector<16xi32>
      tpu.vector_store_idx %arg13[%add3A_1765, %broadcast_in_dim3A_1883], %add3A_1881 : memref<128x8xf32, #tpu.memory_space<vmem>>[vector<16xi32>, vector<16xi32>], vector<16xf32>,
      %get3A_1884 = arith.constant 96 : index
      %get3A_1885 = tpu.vector_load %arg15[%get3A_1884] {strides = array<i32>} : memref<128xi32, #tpu.memory_space<vmem>>, vector<16xi32>,
      %get3A_1886 = arith.constant 96 : index
      %get3A_1887 = tpu.vector_load %arg17[%get3A_1886] {strides = array<i32>} : memref<128xi32, #tpu.memory_space<vmem>>, vector<16xi32>,
      %add3A_1888 = arith.constant 96 : i32
      %add3A_1889 = vector.broadcast %add3A_1888 : i32 to vector<16xi32>
      %add3A_1890 = arith.addi %iota3A, %add3A_1889 : vector<16xi32>
      %gather3A_1891 = tpu.vector_load_idx %arg10[%get3A_1885, %broadcast_in_dim3A_3] : memref<10016x4xf32, #tpu.memory_space<vmem>>[vector<16xi32>, vector<16xi32>], vector<16xf32>,
      %gather3A_1892 = tpu.vector_load_idx %arg10[%get3A_1885, %broadcast_in_dim3A_5] : memref<10016x4xf32, #tpu.memory_space<vmem>>[vector<16xi32>, vector<16xi32>], vector<16xf32>,
      %gather3A_1893 = tpu.vector_load_idx %arg10[%get3A_1885, %broadcast_in_dim3A_7] : memref<10016x4xf32, #tpu.memory_space<vmem>>[vector<16xi32>, vector<16xi32>], vector<16xf32>,
      %gather3A_1894 = tpu.vector_load_idx %arg10[%get3A_1885, %broadcast_in_dim3A_9] : memref<10016x4xf32, #tpu.memory_space<vmem>>[vector<16xi32>, vector<16xi32>], vector<16xf32>,
      %gather3A_1895 = tpu.vector_load_idx %arg10[%get3A_1887, %broadcast_in_dim3A_3] : memref<10016x4xf32, #tpu.memory_space<vmem>>[vector<16xi32>, vector<16xi32>], vector<16xf32>,
      %gather3A_1896 = tpu.vector_load_idx %arg10[%get3A_1887, %broadcast_in_dim3A_5] : memref<10016x4xf32, #tpu.memory_space<vmem>>[vector<16xi32>, vector<16xi32>], vector<16xf32>,
      %gather3A_1897 = tpu.vector_load_idx %arg10[%get3A_1887, %broadcast_in_dim3A_7] : memref<10016x4xf32, #tpu.memory_space<vmem>>[vector<16xi32>, vector<16xi32>], vector<16xf32>,
      %gather3A_1898 = tpu.vector_load_idx %arg10[%get3A_1887, %broadcast_in_dim3A_9] : memref<10016x4xf32, #tpu.memory_space<vmem>>[vector<16xi32>, vector<16xi32>], vector<16xf32>,
      %sub3A_1899 = arith.subf %gather3A_1891, %gather3A_1895 : vector<16xf32>
      %add3A_1900 = arith.addf %sub3A_1899, %get3A_12 : vector<16xf32>
      %sub3A_1901 = arith.subf %gather3A_1892, %gather3A_1896 : vector<16xf32>
      %add3A_1902 = arith.addf %sub3A_1901, %get3A_16 : vector<16xf32>
      %sub3A_1903 = arith.subf %gather3A_1893, %gather3A_1897 : vector<16xf32>
      %add3A_1904 = arith.addf %sub3A_1903, %get3A_20 : vector<16xf32>
      %sub3A_1905 = arith.subf %gather3A_1894, %gather3A_1898 : vector<16xf32>
      %add3A_1906 = arith.addf %sub3A_1905, %get3A_24 : vector<16xf32>
      %max3A_1907 = arith.maximumf %add3A_1900, %add3A_1902 : vector<16xf32>
      %max3A_1908 = arith.maximumf %add3A_1904, %add3A_1906 : vector<16xf32>
      %max3A_1909 = arith.maximumf %max3A_1907, %max3A_1908 : vector<16xf32>
      %sub3A_1910 = arith.subf %add3A_1900, %max3A_1909 : vector<16xf32>
      %exp3A_1911 = math.exp %sub3A_1910 : vector<16xf32>
      %sub3A_1912 = arith.subf %add3A_1902, %max3A_1909 : vector<16xf32>
      %exp3A_1913 = math.exp %sub3A_1912 : vector<16xf32>
      %sub3A_1914 = arith.subf %add3A_1904, %max3A_1909 : vector<16xf32>
      %exp3A_1915 = math.exp %sub3A_1914 : vector<16xf32>
      %sub3A_1916 = arith.subf %add3A_1906, %max3A_1909 : vector<16xf32>
      %exp3A_1917 = math.exp %sub3A_1916 : vector<16xf32>
      %add3A_1918 = arith.addf %exp3A_1911, %exp3A_1913 : vector<16xf32>
      %add3A_1919 = arith.addf %exp3A_1915, %exp3A_1917 : vector<16xf32>
      %add3A_1920 = arith.addf %add3A_1918, %add3A_1919 : vector<16xf32>
      %div3A_1921 = arith.divf %exp3A_1911, %add3A_1920 : vector<16xf32>
      %div3A_1922 = arith.divf %exp3A_1913, %add3A_1920 : vector<16xf32>
      %div3A_1923 = arith.divf %exp3A_1915, %add3A_1920 : vector<16xf32>
      %div3A_1924 = arith.divf %exp3A_1917, %add3A_1920 : vector<16xf32>
      %broadcast_in_dim3A_1925 = arith.constant 0 : i32
      %broadcast_in_dim3A_1926 = vector.broadcast %broadcast_in_dim3A_1925 : i32 to vector<16xi32>
      %gather3A_1927 = tpu.vector_load_idx %arg12[%add3A_1890, %broadcast_in_dim3A_1926] : memref<128x16xf32, #tpu.memory_space<vmem>>[vector<16xi32>, vector<16xi32>], vector<16xf32>,
      %mul3A_1928 = arith.mulf %div3A_1921, %gather3A_1927 : vector<16xf32>
      %broadcast_in_dim3A_1929 = arith.constant 4 : i32
      %broadcast_in_dim3A_1930 = vector.broadcast %broadcast_in_dim3A_1929 : i32 to vector<16xi32>
      %gather3A_1931 = tpu.vector_load_idx %arg12[%add3A_1890, %broadcast_in_dim3A_1930] : memref<128x16xf32, #tpu.memory_space<vmem>>[vector<16xi32>, vector<16xi32>], vector<16xf32>,
      %mul3A_1932 = arith.mulf %div3A_1922, %gather3A_1931 : vector<16xf32>
      %add3A_1933 = arith.addf %mul3A_1928, %mul3A_1932 : vector<16xf32>
      %broadcast_in_dim3A_1934 = arith.constant 8 : i32
      %broadcast_in_dim3A_1935 = vector.broadcast %broadcast_in_dim3A_1934 : i32 to vector<16xi32>
      %gather3A_1936 = tpu.vector_load_idx %arg12[%add3A_1890, %broadcast_in_dim3A_1935] : memref<128x16xf32, #tpu.memory_space<vmem>>[vector<16xi32>, vector<16xi32>], vector<16xf32>,
      %mul3A_1937 = arith.mulf %div3A_1923, %gather3A_1936 : vector<16xf32>
      %add3A_1938 = arith.addf %add3A_1933, %mul3A_1937 : vector<16xf32>
      %broadcast_in_dim3A_1939 = arith.constant 12 : i32
      %broadcast_in_dim3A_1940 = vector.broadcast %broadcast_in_dim3A_1939 : i32 to vector<16xi32>
      %gather3A_1941 = tpu.vector_load_idx %arg12[%add3A_1890, %broadcast_in_dim3A_1940] : memref<128x16xf32, #tpu.memory_space<vmem>>[vector<16xi32>, vector<16xi32>], vector<16xf32>,
      %mul3A_1942 = arith.mulf %div3A_1924, %gather3A_1941 : vector<16xf32>
      %add3A_1943 = arith.addf %add3A_1938, %mul3A_1942 : vector<16xf32>
      %broadcast_in_dim3A_1944 = arith.constant 0 : i32
      %broadcast_in_dim3A_1945 = vector.broadcast %broadcast_in_dim3A_1944 : i32 to vector<16xi32>
      tpu.vector_store_idx %arg13[%add3A_1890, %broadcast_in_dim3A_1945], %add3A_1943 : memref<128x8xf32, #tpu.memory_space<vmem>>[vector<16xi32>, vector<16xi32>], vector<16xf32>,
      %broadcast_in_dim3A_1946 = arith.constant 1 : i32
      %broadcast_in_dim3A_1947 = vector.broadcast %broadcast_in_dim3A_1946 : i32 to vector<16xi32>
      %gather3A_1948 = tpu.vector_load_idx %arg12[%add3A_1890, %broadcast_in_dim3A_1947] : memref<128x16xf32, #tpu.memory_space<vmem>>[vector<16xi32>, vector<16xi32>], vector<16xf32>,
      %mul3A_1949 = arith.mulf %div3A_1921, %gather3A_1948 : vector<16xf32>
      %broadcast_in_dim3A_1950 = arith.constant 5 : i32
      %broadcast_in_dim3A_1951 = vector.broadcast %broadcast_in_dim3A_1950 : i32 to vector<16xi32>
      %gather3A_1952 = tpu.vector_load_idx %arg12[%add3A_1890, %broadcast_in_dim3A_1951] : memref<128x16xf32, #tpu.memory_space<vmem>>[vector<16xi32>, vector<16xi32>], vector<16xf32>,
      %mul3A_1953 = arith.mulf %div3A_1922, %gather3A_1952 : vector<16xf32>
      %add3A_1954 = arith.addf %mul3A_1949, %mul3A_1953 : vector<16xf32>
      %broadcast_in_dim3A_1955 = arith.constant 9 : i32
      %broadcast_in_dim3A_1956 = vector.broadcast %broadcast_in_dim3A_1955 : i32 to vector<16xi32>
      %gather3A_1957 = tpu.vector_load_idx %arg12[%add3A_1890, %broadcast_in_dim3A_1956] : memref<128x16xf32, #tpu.memory_space<vmem>>[vector<16xi32>, vector<16xi32>], vector<16xf32>,
      %mul3A_1958 = arith.mulf %div3A_1923, %gather3A_1957 : vector<16xf32>
      %add3A_1959 = arith.addf %add3A_1954, %mul3A_1958 : vector<16xf32>
      %broadcast_in_dim3A_1960 = arith.constant 13 : i32
      %broadcast_in_dim3A_1961 = vector.broadcast %broadcast_in_dim3A_1960 : i32 to vector<16xi32>
      %gather3A_1962 = tpu.vector_load_idx %arg12[%add3A_1890, %broadcast_in_dim3A_1961] : memref<128x16xf32, #tpu.memory_space<vmem>>[vector<16xi32>, vector<16xi32>], vector<16xf32>,
      %mul3A_1963 = arith.mulf %div3A_1924, %gather3A_1962 : vector<16xf32>
      %add3A_1964 = arith.addf %add3A_1959, %mul3A_1963 : vector<16xf32>
      %broadcast_in_dim3A_1965 = arith.constant 1 : i32
      %broadcast_in_dim3A_1966 = vector.broadcast %broadcast_in_dim3A_1965 : i32 to vector<16xi32>
      tpu.vector_store_idx %arg13[%add3A_1890, %broadcast_in_dim3A_1966], %add3A_1964 : memref<128x8xf32, #tpu.memory_space<vmem>>[vector<16xi32>, vector<16xi32>], vector<16xf32>,
      %broadcast_in_dim3A_1967 = arith.constant 2 : i32
      %broadcast_in_dim3A_1968 = vector.broadcast %broadcast_in_dim3A_1967 : i32 to vector<16xi32>
      %gather3A_1969 = tpu.vector_load_idx %arg12[%add3A_1890, %broadcast_in_dim3A_1968] : memref<128x16xf32, #tpu.memory_space<vmem>>[vector<16xi32>, vector<16xi32>], vector<16xf32>,
      %mul3A_1970 = arith.mulf %div3A_1921, %gather3A_1969 : vector<16xf32>
      %broadcast_in_dim3A_1971 = arith.constant 6 : i32
      %broadcast_in_dim3A_1972 = vector.broadcast %broadcast_in_dim3A_1971 : i32 to vector<16xi32>
      %gather3A_1973 = tpu.vector_load_idx %arg12[%add3A_1890, %broadcast_in_dim3A_1972] : memref<128x16xf32, #tpu.memory_space<vmem>>[vector<16xi32>, vector<16xi32>], vector<16xf32>,
      %mul3A_1974 = arith.mulf %div3A_1922, %gather3A_1973 : vector<16xf32>
      %add3A_1975 = arith.addf %mul3A_1970, %mul3A_1974 : vector<16xf32>
      %broadcast_in_dim3A_1976 = arith.constant 10 : i32
      %broadcast_in_dim3A_1977 = vector.broadcast %broadcast_in_dim3A_1976 : i32 to vector<16xi32>
      %gather3A_1978 = tpu.vector_load_idx %arg12[%add3A_1890, %broadcast_in_dim3A_1977] : memref<128x16xf32, #tpu.memory_space<vmem>>[vector<16xi32>, vector<16xi32>], vector<16xf32>,
      %mul3A_1979 = arith.mulf %div3A_1923, %gather3A_1978 : vector<16xf32>
      %add3A_1980 = arith.addf %add3A_1975, %mul3A_1979 : vector<16xf32>
      %broadcast_in_dim3A_1981 = arith.constant 14 : i32
      %broadcast_in_dim3A_1982 = vector.broadcast %broadcast_in_dim3A_1981 : i32 to vector<16xi32>
      %gather3A_1983 = tpu.vector_load_idx %arg12[%add3A_1890, %broadcast_in_dim3A_1982] : memref<128x16xf32, #tpu.memory_space<vmem>>[vector<16xi32>, vector<16xi32>], vector<16xf32>,
      %mul3A_1984 = arith.mulf %div3A_1924, %gather3A_1983 : vector<16xf32>
      %add3A_1985 = arith.addf %add3A_1980, %mul3A_1984 : vector<16xf32>
      %broadcast_in_dim3A_1986 = arith.constant 2 : i32
      %broadcast_in_dim3A_1987 = vector.broadcast %broadcast_in_dim3A_1986 : i32 to vector<16xi32>
      tpu.vector_store_idx %arg13[%add3A_1890, %broadcast_in_dim3A_1987], %add3A_1985 : memref<128x8xf32, #tpu.memory_space<vmem>>[vector<16xi32>, vector<16xi32>], vector<16xf32>,
      %broadcast_in_dim3A_1988 = arith.constant 3 : i32
      %broadcast_in_dim3A_1989 = vector.broadcast %broadcast_in_dim3A_1988 : i32 to vector<16xi32>
      %gather3A_1990 = tpu.vector_load_idx %arg12[%add3A_1890, %broadcast_in_dim3A_1989] : memref<128x16xf32, #tpu.memory_space<vmem>>[vector<16xi32>, vector<16xi32>], vector<16xf32>,
      %mul3A_1991 = arith.mulf %div3A_1921, %gather3A_1990 : vector<16xf32>
      %broadcast_in_dim3A_1992 = arith.constant 7 : i32
      %broadcast_in_dim3A_1993 = vector.broadcast %broadcast_in_dim3A_1992 : i32 to vector<16xi32>
      %gather3A_1994 = tpu.vector_load_idx %arg12[%add3A_1890, %broadcast_in_dim3A_1993] : memref<128x16xf32, #tpu.memory_space<vmem>>[vector<16xi32>, vector<16xi32>], vector<16xf32>,
      %mul3A_1995 = arith.mulf %div3A_1922, %gather3A_1994 : vector<16xf32>
      %add3A_1996 = arith.addf %mul3A_1991, %mul3A_1995 : vector<16xf32>
      %broadcast_in_dim3A_1997 = arith.constant 11 : i32
      %broadcast_in_dim3A_1998 = vector.broadcast %broadcast_in_dim3A_1997 : i32 to vector<16xi32>
      %gather3A_1999 = tpu.vector_load_idx %arg12[%add3A_1890, %broadcast_in_dim3A_1998] : memref<128x16xf32, #tpu.memory_space<vmem>>[vector<16xi32>, vector<16xi32>], vector<16xf32>,
      %mul3A_2000 = arith.mulf %div3A_1923, %gather3A_1999 : vector<16xf32>
      %add3A_2001 = arith.addf %add3A_1996, %mul3A_2000 : vector<16xf32>
      %broadcast_in_dim3A_2002 = arith.constant 15 : i32
      %broadcast_in_dim3A_2003 = vector.broadcast %broadcast_in_dim3A_2002 : i32 to vector<16xi32>
      %gather3A_2004 = tpu.vector_load_idx %arg12[%add3A_1890, %broadcast_in_dim3A_2003] : memref<128x16xf32, #tpu.memory_space<vmem>>[vector<16xi32>, vector<16xi32>], vector<16xf32>,
      %mul3A_2005 = arith.mulf %div3A_1924, %gather3A_2004 : vector<16xf32>
      %add3A_2006 = arith.addf %add3A_2001, %mul3A_2005 : vector<16xf32>
      %broadcast_in_dim3A_2007 = arith.constant 3 : i32
      %broadcast_in_dim3A_2008 = vector.broadcast %broadcast_in_dim3A_2007 : i32 to vector<16xi32>
      tpu.vector_store_idx %arg13[%add3A_1890, %broadcast_in_dim3A_2008], %add3A_2006 : memref<128x8xf32, #tpu.memory_space<vmem>>[vector<16xi32>, vector<16xi32>], vector<16xf32>,
      %get3A_2009 = arith.constant 112 : index
      %get3A_2010 = tpu.vector_load %arg15[%get3A_2009] {strides = array<i32>} : memref<128xi32, #tpu.memory_space<vmem>>, vector<16xi32>,
      %get3A_2011 = arith.constant 112 : index
      %get3A_2012 = tpu.vector_load %arg17[%get3A_2011] {strides = array<i32>} : memref<128xi32, #tpu.memory_space<vmem>>, vector<16xi32>,
      %add3A_2013 = arith.constant 112 : i32
      %add3A_2014 = vector.broadcast %add3A_2013 : i32 to vector<16xi32>
      %add3A_2015 = arith.addi %iota3A, %add3A_2014 : vector<16xi32>
      %gather3A_2016 = tpu.vector_load_idx %arg10[%get3A_2010, %broadcast_in_dim3A_3] : memref<10016x4xf32, #tpu.memory_space<vmem>>[vector<16xi32>, vector<16xi32>], vector<16xf32>,
      %gather3A_2017 = tpu.vector_load_idx %arg10[%get3A_2010, %broadcast_in_dim3A_5] : memref<10016x4xf32, #tpu.memory_space<vmem>>[vector<16xi32>, vector<16xi32>], vector<16xf32>,
      %gather3A_2018 = tpu.vector_load_idx %arg10[%get3A_2010, %broadcast_in_dim3A_7] : memref<10016x4xf32, #tpu.memory_space<vmem>>[vector<16xi32>, vector<16xi32>], vector<16xf32>,
      %gather3A_2019 = tpu.vector_load_idx %arg10[%get3A_2010, %broadcast_in_dim3A_9] : memref<10016x4xf32, #tpu.memory_space<vmem>>[vector<16xi32>, vector<16xi32>], vector<16xf32>,
      %gather3A_2020 = tpu.vector_load_idx %arg10[%get3A_2012, %broadcast_in_dim3A_3] : memref<10016x4xf32, #tpu.memory_space<vmem>>[vector<16xi32>, vector<16xi32>], vector<16xf32>,
      %gather3A_2021 = tpu.vector_load_idx %arg10[%get3A_2012, %broadcast_in_dim3A_5] : memref<10016x4xf32, #tpu.memory_space<vmem>>[vector<16xi32>, vector<16xi32>], vector<16xf32>,
      %gather3A_2022 = tpu.vector_load_idx %arg10[%get3A_2012, %broadcast_in_dim3A_7] : memref<10016x4xf32, #tpu.memory_space<vmem>>[vector<16xi32>, vector<16xi32>], vector<16xf32>,
      %gather3A_2023 = tpu.vector_load_idx %arg10[%get3A_2012, %broadcast_in_dim3A_9] : memref<10016x4xf32, #tpu.memory_space<vmem>>[vector<16xi32>, vector<16xi32>], vector<16xf32>,
      %sub3A_2024 = arith.subf %gather3A_2016, %gather3A_2020 : vector<16xf32>
      %add3A_2025 = arith.addf %sub3A_2024, %get3A_12 : vector<16xf32>
      %sub3A_2026 = arith.subf %gather3A_2017, %gather3A_2021 : vector<16xf32>
      %add3A_2027 = arith.addf %sub3A_2026, %get3A_16 : vector<16xf32>
      %sub3A_2028 = arith.subf %gather3A_2018, %gather3A_2022 : vector<16xf32>
      %add3A_2029 = arith.addf %sub3A_2028, %get3A_20 : vector<16xf32>
      %sub3A_2030 = arith.subf %gather3A_2019, %gather3A_2023 : vector<16xf32>
      %add3A_2031 = arith.addf %sub3A_2030, %get3A_24 : vector<16xf32>
      %max3A_2032 = arith.maximumf %add3A_2025, %add3A_2027 : vector<16xf32>
      %max3A_2033 = arith.maximumf %add3A_2029, %add3A_2031 : vector<16xf32>
      %max3A_2034 = arith.maximumf %max3A_2032, %max3A_2033 : vector<16xf32>
      %sub3A_2035 = arith.subf %add3A_2025, %max3A_2034 : vector<16xf32>
      %exp3A_2036 = math.exp %sub3A_2035 : vector<16xf32>
      %sub3A_2037 = arith.subf %add3A_2027, %max3A_2034 : vector<16xf32>
      %exp3A_2038 = math.exp %sub3A_2037 : vector<16xf32>
      %sub3A_2039 = arith.subf %add3A_2029, %max3A_2034 : vector<16xf32>
      %exp3A_2040 = math.exp %sub3A_2039 : vector<16xf32>
      %sub3A_2041 = arith.subf %add3A_2031, %max3A_2034 : vector<16xf32>
      %exp3A_2042 = math.exp %sub3A_2041 : vector<16xf32>
      %add3A_2043 = arith.addf %exp3A_2036, %exp3A_2038 : vector<16xf32>
      %add3A_2044 = arith.addf %exp3A_2040, %exp3A_2042 : vector<16xf32>
      %add3A_2045 = arith.addf %add3A_2043, %add3A_2044 : vector<16xf32>
      %div3A_2046 = arith.divf %exp3A_2036, %add3A_2045 : vector<16xf32>
      %div3A_2047 = arith.divf %exp3A_2038, %add3A_2045 : vector<16xf32>
      %div3A_2048 = arith.divf %exp3A_2040, %add3A_2045 : vector<16xf32>
      %div3A_2049 = arith.divf %exp3A_2042, %add3A_2045 : vector<16xf32>
      %broadcast_in_dim3A_2050 = arith.constant 0 : i32
      %broadcast_in_dim3A_2051 = vector.broadcast %broadcast_in_dim3A_2050 : i32 to vector<16xi32>
      %gather3A_2052 = tpu.vector_load_idx %arg12[%add3A_2015, %broadcast_in_dim3A_2051] : memref<128x16xf32, #tpu.memory_space<vmem>>[vector<16xi32>, vector<16xi32>], vector<16xf32>,
      %mul3A_2053 = arith.mulf %div3A_2046, %gather3A_2052 : vector<16xf32>
      %broadcast_in_dim3A_2054 = arith.constant 4 : i32
      %broadcast_in_dim3A_2055 = vector.broadcast %broadcast_in_dim3A_2054 : i32 to vector<16xi32>
      %gather3A_2056 = tpu.vector_load_idx %arg12[%add3A_2015, %broadcast_in_dim3A_2055] : memref<128x16xf32, #tpu.memory_space<vmem>>[vector<16xi32>, vector<16xi32>], vector<16xf32>,
      %mul3A_2057 = arith.mulf %div3A_2047, %gather3A_2056 : vector<16xf32>
      %add3A_2058 = arith.addf %mul3A_2053, %mul3A_2057 : vector<16xf32>
      %broadcast_in_dim3A_2059 = arith.constant 8 : i32
      %broadcast_in_dim3A_2060 = vector.broadcast %broadcast_in_dim3A_2059 : i32 to vector<16xi32>
      %gather3A_2061 = tpu.vector_load_idx %arg12[%add3A_2015, %broadcast_in_dim3A_2060] : memref<128x16xf32, #tpu.memory_space<vmem>>[vector<16xi32>, vector<16xi32>], vector<16xf32>,
      %mul3A_2062 = arith.mulf %div3A_2048, %gather3A_2061 : vector<16xf32>
      %add3A_2063 = arith.addf %add3A_2058, %mul3A_2062 : vector<16xf32>
      %broadcast_in_dim3A_2064 = arith.constant 12 : i32
      %broadcast_in_dim3A_2065 = vector.broadcast %broadcast_in_dim3A_2064 : i32 to vector<16xi32>
      %gather3A_2066 = tpu.vector_load_idx %arg12[%add3A_2015, %broadcast_in_dim3A_2065] : memref<128x16xf32, #tpu.memory_space<vmem>>[vector<16xi32>, vector<16xi32>], vector<16xf32>,
      %mul3A_2067 = arith.mulf %div3A_2049, %gather3A_2066 : vector<16xf32>
      %add3A_2068 = arith.addf %add3A_2063, %mul3A_2067 : vector<16xf32>
      %broadcast_in_dim3A_2069 = arith.constant 0 : i32
      %broadcast_in_dim3A_2070 = vector.broadcast %broadcast_in_dim3A_2069 : i32 to vector<16xi32>
      tpu.vector_store_idx %arg13[%add3A_2015, %broadcast_in_dim3A_2070], %add3A_2068 : memref<128x8xf32, #tpu.memory_space<vmem>>[vector<16xi32>, vector<16xi32>], vector<16xf32>,
      %broadcast_in_dim3A_2071 = arith.constant 1 : i32
      %broadcast_in_dim3A_2072 = vector.broadcast %broadcast_in_dim3A_2071 : i32 to vector<16xi32>
      %gather3A_2073 = tpu.vector_load_idx %arg12[%add3A_2015, %broadcast_in_dim3A_2072] : memref<128x16xf32, #tpu.memory_space<vmem>>[vector<16xi32>, vector<16xi32>], vector<16xf32>,
      %mul3A_2074 = arith.mulf %div3A_2046, %gather3A_2073 : vector<16xf32>
      %broadcast_in_dim3A_2075 = arith.constant 5 : i32
      %broadcast_in_dim3A_2076 = vector.broadcast %broadcast_in_dim3A_2075 : i32 to vector<16xi32>
      %gather3A_2077 = tpu.vector_load_idx %arg12[%add3A_2015, %broadcast_in_dim3A_2076] : memref<128x16xf32, #tpu.memory_space<vmem>>[vector<16xi32>, vector<16xi32>], vector<16xf32>,
      %mul3A_2078 = arith.mulf %div3A_2047, %gather3A_2077 : vector<16xf32>
      %add3A_2079 = arith.addf %mul3A_2074, %mul3A_2078 : vector<16xf32>
      %broadcast_in_dim3A_2080 = arith.constant 9 : i32
      %broadcast_in_dim3A_2081 = vector.broadcast %broadcast_in_dim3A_2080 : i32 to vector<16xi32>
      %gather3A_2082 = tpu.vector_load_idx %arg12[%add3A_2015, %broadcast_in_dim3A_2081] : memref<128x16xf32, #tpu.memory_space<vmem>>[vector<16xi32>, vector<16xi32>], vector<16xf32>,
      %mul3A_2083 = arith.mulf %div3A_2048, %gather3A_2082 : vector<16xf32>
      %add3A_2084 = arith.addf %add3A_2079, %mul3A_2083 : vector<16xf32>
      %broadcast_in_dim3A_2085 = arith.constant 13 : i32
      %broadcast_in_dim3A_2086 = vector.broadcast %broadcast_in_dim3A_2085 : i32 to vector<16xi32>
      %gather3A_2087 = tpu.vector_load_idx %arg12[%add3A_2015, %broadcast_in_dim3A_2086] : memref<128x16xf32, #tpu.memory_space<vmem>>[vector<16xi32>, vector<16xi32>], vector<16xf32>,
      %mul3A_2088 = arith.mulf %div3A_2049, %gather3A_2087 : vector<16xf32>
      %add3A_2089 = arith.addf %add3A_2084, %mul3A_2088 : vector<16xf32>
      %broadcast_in_dim3A_2090 = arith.constant 1 : i32
      %broadcast_in_dim3A_2091 = vector.broadcast %broadcast_in_dim3A_2090 : i32 to vector<16xi32>
      tpu.vector_store_idx %arg13[%add3A_2015, %broadcast_in_dim3A_2091], %add3A_2089 : memref<128x8xf32, #tpu.memory_space<vmem>>[vector<16xi32>, vector<16xi32>], vector<16xf32>,
      %broadcast_in_dim3A_2092 = arith.constant 2 : i32
      %broadcast_in_dim3A_2093 = vector.broadcast %broadcast_in_dim3A_2092 : i32 to vector<16xi32>
      %gather3A_2094 = tpu.vector_load_idx %arg12[%add3A_2015, %broadcast_in_dim3A_2093] : memref<128x16xf32, #tpu.memory_space<vmem>>[vector<16xi32>, vector<16xi32>], vector<16xf32>,
      %mul3A_2095 = arith.mulf %div3A_2046, %gather3A_2094 : vector<16xf32>
      %broadcast_in_dim3A_2096 = arith.constant 6 : i32
      %broadcast_in_dim3A_2097 = vector.broadcast %broadcast_in_dim3A_2096 : i32 to vector<16xi32>
      %gather3A_2098 = tpu.vector_load_idx %arg12[%add3A_2015, %broadcast_in_dim3A_2097] : memref<128x16xf32, #tpu.memory_space<vmem>>[vector<16xi32>, vector<16xi32>], vector<16xf32>,
      %mul3A_2099 = arith.mulf %div3A_2047, %gather3A_2098 : vector<16xf32>
      %add3A_2100 = arith.addf %mul3A_2095, %mul3A_2099 : vector<16xf32>
      %broadcast_in_dim3A_2101 = arith.constant 10 : i32
      %broadcast_in_dim3A_2102 = vector.broadcast %broadcast_in_dim3A_2101 : i32 to vector<16xi32>
      %gather3A_2103 = tpu.vector_load_idx %arg12[%add3A_2015, %broadcast_in_dim3A_2102] : memref<128x16xf32, #tpu.memory_space<vmem>>[vector<16xi32>, vector<16xi32>], vector<16xf32>,
      %mul3A_2104 = arith.mulf %div3A_2048, %gather3A_2103 : vector<16xf32>
      %add3A_2105 = arith.addf %add3A_2100, %mul3A_2104 : vector<16xf32>
      %broadcast_in_dim3A_2106 = arith.constant 14 : i32
      %broadcast_in_dim3A_2107 = vector.broadcast %broadcast_in_dim3A_2106 : i32 to vector<16xi32>
      %gather3A_2108 = tpu.vector_load_idx %arg12[%add3A_2015, %broadcast_in_dim3A_2107] : memref<128x16xf32, #tpu.memory_space<vmem>>[vector<16xi32>, vector<16xi32>], vector<16xf32>,
      %mul3A_2109 = arith.mulf %div3A_2049, %gather3A_2108 : vector<16xf32>
      %add3A_2110 = arith.addf %add3A_2105, %mul3A_2109 : vector<16xf32>
      %broadcast_in_dim3A_2111 = arith.constant 2 : i32
      %broadcast_in_dim3A_2112 = vector.broadcast %broadcast_in_dim3A_2111 : i32 to vector<16xi32>
      tpu.vector_store_idx %arg13[%add3A_2015, %broadcast_in_dim3A_2112], %add3A_2110 : memref<128x8xf32, #tpu.memory_space<vmem>>[vector<16xi32>, vector<16xi32>], vector<16xf32>,
      %broadcast_in_dim3A_2113 = arith.constant 3 : i32
      %broadcast_in_dim3A_2114 = vector.broadcast %broadcast_in_dim3A_2113 : i32 to vector<16xi32>
      %gather3A_2115 = tpu.vector_load_idx %arg12[%add3A_2015, %broadcast_in_dim3A_2114] : memref<128x16xf32, #tpu.memory_space<vmem>>[vector<16xi32>, vector<16xi32>], vector<16xf32>,
      %mul3A_2116 = arith.mulf %div3A_2046, %gather3A_2115 : vector<16xf32>
      %broadcast_in_dim3A_2117 = arith.constant 7 : i32
      %broadcast_in_dim3A_2118 = vector.broadcast %broadcast_in_dim3A_2117 : i32 to vector<16xi32>
      %gather3A_2119 = tpu.vector_load_idx %arg12[%add3A_2015, %broadcast_in_dim3A_2118] : memref<128x16xf32, #tpu.memory_space<vmem>>[vector<16xi32>, vector<16xi32>], vector<16xf32>,
      %mul3A_2120 = arith.mulf %div3A_2047, %gather3A_2119 : vector<16xf32>
      %add3A_2121 = arith.addf %mul3A_2116, %mul3A_2120 : vector<16xf32>
      %broadcast_in_dim3A_2122 = arith.constant 11 : i32
      %broadcast_in_dim3A_2123 = vector.broadcast %broadcast_in_dim3A_2122 : i32 to vector<16xi32>
      %gather3A_2124 = tpu.vector_load_idx %arg12[%add3A_2015, %broadcast_in_dim3A_2123] : memref<128x16xf32, #tpu.memory_space<vmem>>[vector<16xi32>, vector<16xi32>], vector<16xf32>,
      %mul3A_2125 = arith.mulf %div3A_2048, %gather3A_2124 : vector<16xf32>
      %add3A_2126 = arith.addf %add3A_2121, %mul3A_2125 : vector<16xf32>
      %broadcast_in_dim3A_2127 = arith.constant 15 : i32
      %broadcast_in_dim3A_2128 = vector.broadcast %broadcast_in_dim3A_2127 : i32 to vector<16xi32>
      %gather3A_2129 = tpu.vector_load_idx %arg12[%add3A_2015, %broadcast_in_dim3A_2128] : memref<128x16xf32, #tpu.memory_space<vmem>>[vector<16xi32>, vector<16xi32>], vector<16xf32>,
      %mul3A_2130 = arith.mulf %div3A_2049, %gather3A_2129 : vector<16xf32>
      %add3A_2131 = arith.addf %add3A_2126, %mul3A_2130 : vector<16xf32>
      %broadcast_in_dim3A_2132 = arith.constant 3 : i32
      %broadcast_in_dim3A_2133 = vector.broadcast %broadcast_in_dim3A_2132 : i32 to vector<16xi32>
      tpu.vector_store_idx %arg13[%add3A_2015, %broadcast_in_dim3A_2133], %add3A_2131 : memref<128x8xf32, #tpu.memory_space<vmem>>[vector<16xi32>, vector<16xi32>], vector<16xf32>,
      "tpu.region"() ({
        %run_scoped3A = tpu.sem_alloc : memref<!tpu.dma_semaphore, #tpu.memory_space<semaphore_mem>>
        %dma_start3A_2147 = arith.constant 0 : i32
        %dma_start3A_2148 = arith.constant 0 : i32
        %dma_start3A_2149 = tpu.memref_slice %arg19[%dma_start3A_2147, %dma_start3A_2148] : memref<10016x8xf32, #tpu.memory_space<vmem_shared>> -> memref<10016x8xf32, #tpu.memory_space<vmem_shared>>
        tpu.enqueue_indirect_dma source(%arg13 : memref<128x8xf32, #tpu.memory_space<vmem>>) target(%dma_start3A_2149 : memref<10016x8xf32, #tpu.memory_space<vmem_shared>>) offsets(%arg17 : memref<128xi32, #tpu.memory_space<vmem>>) semaphore(%run_scoped3A : memref<!tpu.dma_semaphore, #tpu.memory_space<semaphore_mem>>) {add = true}
        %dma_wait3A_2150 = arith.constant 0 : i32
        %dma_wait3A_2151 = arith.constant 0 : i32
        %dma_wait3A_2152 = tpu.memref_slice %arg19[%dma_wait3A_2150, %dma_wait3A_2151] : memref<10016x8xf32, #tpu.memory_space<vmem_shared>> -> memref<10016x8xf32, #tpu.memory_space<vmem_shared>>
        tpu.wait_indirect_dma semaphore(%run_scoped3A : memref<!tpu.dma_semaphore, #tpu.memory_space<semaphore_mem>>) src(%arg13 : memref<128x8xf32, #tpu.memory_space<vmem>>) dst(%dma_wait3A_2152 : memref<10016x8xf32, #tpu.memory_space<vmem_shared>>)
        tpu.yield
      }) : () -> ()
      %add3A_2134 = arith.constant 2 : i32
      %add3A_2135 = arith.addi %add3A_1114, %add3A_2134 : i32
      %min3A_2136 = arith.constant 81 : i32
      %min3A_2137 = arith.minsi %add3A_2135, %min3A_2136 : i32
      %mul3A_2138 = arith.constant 82 : i32
      %mul3A_2139 = arith.muli %add3A, %mul3A_2138 : i32
      %add3A_2140 = arith.addi %mul3A_2139, %min3A_2137 : i32
      %mul3A_2141 = arith.constant 128 : i32
      %mul3A_2142 = arith.muli %add3A_2140, %mul3A_2141 : i32
      %dma_start3A_2143 = tpu.memref_slice %arg4[%mul3A_2142] : memref<335872xi32, #tpu.memory_space<hbm>> -> memref<128xi32, #tpu.memory_space<hbm>>
      %dma_start3A_2144 = tpu.memref_slice %arg4[%mul3A_2142] : memref<335872xi32, #tpu.memory_space<hbm>> -> memref<128xi32, #tpu.memory_space<hbm>>
      tpu.enqueue_dma source(%dma_start3A_2144 : memref<128xi32, #tpu.memory_space<hbm>>) target(%arg15 : memref<128xi32, #tpu.memory_space<vmem>>) target_semaphore(%arg23 : memref<!tpu.dma_semaphore, #tpu.memory_space<semaphore_mem>>)
      %dma_start3A_2145 = tpu.memref_slice %arg5[%mul3A_2142] : memref<335872xi32, #tpu.memory_space<hbm>> -> memref<128xi32, #tpu.memory_space<hbm>>
      %dma_start3A_2146 = tpu.memref_slice %arg5[%mul3A_2142] : memref<335872xi32, #tpu.memory_space<hbm>> -> memref<128xi32, #tpu.memory_space<hbm>>
      tpu.enqueue_dma source(%dma_start3A_2146 : memref<128xi32, #tpu.memory_space<hbm>>) target(%arg17 : memref<128xi32, #tpu.memory_space<vmem>>) target_semaphore(%arg23 : memref<!tpu.dma_semaphore, #tpu.memory_space<semaphore_mem>>)
    }
    %scan3A_60 = arith.constant 41 : i32
    %dma_wait3A_61 = arith.constant 0 : i32
    %dma_wait3A_62 = arith.constant 0 : i32
    %dma_wait3A_63 = tpu.memref_slice %arg3[%dma_wait3A_61, %dma_wait3A_62] : memref<10016x16xf32, #tpu.memory_space<hbm>> -> memref<10016x16xf32, #tpu.memory_space<hbm>>
    tpu.wait_indirect_dma semaphore(%arg20 : memref<!tpu.dma_semaphore, #tpu.memory_space<semaphore_mem>>) src(%dma_wait3A_63 : memref<10016x16xf32, #tpu.memory_space<hbm>>) dst(%arg11 : memref<128x16xf32, #tpu.memory_space<vmem>>)
    %mul3A_64 = arith.constant 82 : i32
    %mul3A_65 = arith.muli %add3A, %mul3A_64 : i32
    %add3A_66 = arith.constant 81 : i32
    %add3A_67 = arith.addi %mul3A_65, %add3A_66 : i32
    %mul3A_68 = arith.constant 128 : i32
    %mul3A_69 = arith.muli %add3A_67, %mul3A_68 : i32
    %dma_wait3A_70 = tpu.memref_slice %arg4[%mul3A_69] : memref<335872xi32, #tpu.memory_space<hbm>> -> memref<128xi32, #tpu.memory_space<hbm>>
    %dma_wait3A_71 = tpu.memref_slice %arg4[%mul3A_69] : memref<335872xi32, #tpu.memory_space<hbm>> -> memref<128xi32, #tpu.memory_space<hbm>>
    tpu.wait_dma2 semaphore(%arg23 : memref<!tpu.dma_semaphore, #tpu.memory_space<semaphore_mem>>) src(%dma_wait3A_71 : memref<128xi32, #tpu.memory_space<hbm>>) dst(%arg15 : memref<128xi32, #tpu.memory_space<vmem>>)
    %dma_wait3A_72 = tpu.memref_slice %arg5[%mul3A_69] : memref<335872xi32, #tpu.memory_space<hbm>> -> memref<128xi32, #tpu.memory_space<hbm>>
    %dma_wait3A_73 = tpu.memref_slice %arg5[%mul3A_69] : memref<335872xi32, #tpu.memory_space<hbm>> -> memref<128xi32, #tpu.memory_space<hbm>>
    tpu.wait_dma2 semaphore(%arg23 : memref<!tpu.dma_semaphore, #tpu.memory_space<semaphore_mem>>) src(%dma_wait3A_73 : memref<128xi32, #tpu.memory_space<hbm>>) dst(%arg17 : memref<128xi32, #tpu.memory_space<vmem>>)
    %barrier3A_74 = arith.constant 0 : index
    tpu.barrier barrier_id(%barrier3A_74)
    %eq3A_75 = arith.constant 0 : i32
    %eq3A_76 = arith.cmpi eq, %arg1, %eq3A_75 : i32
    %convert_element_type3A_77 = arith.extui %eq3A_76 : i1 to i32
    %cond3A_78 = arith.constant 0 : i32
    %cond3A_79 = arith.cmpi ne, %convert_element_type3A_77, %cond3A_78 : i32
    scf.if %cond3A_79 {
      "tpu.region"() ({
        %run_scoped3A = tpu.sem_alloc : memref<!tpu.dma_semaphore, #tpu.memory_space<semaphore_mem>>
        %dma_start3A_80 = arith.constant 0 : i32
        %dma_start3A_81 = arith.constant 0 : i32
        %dma_start3A_82 = tpu.memref_slice %arg9[%arg0, %dma_start3A_80, %dma_start3A_81] : memref<2x10016x8xf32, #tpu.memory_space<hbm>> -> memref<1x10016x8xf32, #tpu.memory_space<hbm>>
        %dma_start3A_83 = tpu.memref_squeeze %dma_start3A_82 : memref<1x10016x8xf32, #tpu.memory_space<hbm>> -> memref<10016x8xf32, #tpu.memory_space<hbm>>
        tpu.enqueue_dma source(%arg19 : memref<10016x8xf32, #tpu.memory_space<vmem_shared>>) target(%dma_start3A_83 : memref<10016x8xf32, #tpu.memory_space<hbm>>) target_semaphore(%run_scoped3A : memref<!tpu.dma_semaphore, #tpu.memory_space<semaphore_mem>>)
        %dma_wait3A_84 = arith.constant 0 : i32
        %dma_wait3A_85 = arith.constant 0 : i32
        %dma_wait3A_86 = tpu.memref_slice %arg9[%arg0, %dma_wait3A_84, %dma_wait3A_85] : memref<2x10016x8xf32, #tpu.memory_space<hbm>> -> memref<1x10016x8xf32, #tpu.memory_space<hbm>>
        %dma_wait3A_87 = tpu.memref_squeeze %dma_wait3A_86 : memref<1x10016x8xf32, #tpu.memory_space<hbm>> -> memref<10016x8xf32, #tpu.memory_space<hbm>>
        tpu.wait_dma2 semaphore(%run_scoped3A : memref<!tpu.dma_semaphore, #tpu.memory_space<semaphore_mem>>) src(%arg19 : memref<10016x8xf32, #tpu.memory_space<vmem_shared>>) dst(%dma_wait3A_87 : memref<10016x8xf32, #tpu.memory_space<hbm>>)
        tpu.yield
      }) : () -> ()
    } else {
    }
    return
  }
}

</mosaic_0001>

<sc_bundles>
// kernel: _edge_pass.3.cloned.1.call-start
scs
__scs_entry_jumppad:
0x0: {  	(pc) =	sbr.rel $0x88, $3  }
0x1: {  	(tag) =	ssettag $0x0;
	lr =	simm.s32 $0x1  }
0x2: {  	[smem:$0x3F9C] =	sst lr;
	_ =	strace $0xD0000000  }
0x3: {  	_ = 	snop  }
0x4: {  	_ = 	snop  }
0x5: {  	_ = 	snop  }
0x6: {  	_ = 	snop  }
0x7: {  	_ = 	snop  }
__scs_overlays_trampoline_lowered:
0x8: {  	[smem:$0x3FAB] =	sst s0  }
0x9: {  	[smem:$0x3FAC] =	sst s1  }
0xa: {  	[smem:$0x3FAD] =	sst s2  }
0xb: {  	[smem:$0x3FAE] =	sst s3  }
0xc: {  	[smem:$0x3FAF] =	sst s4  }
0xd: {  	[smem:$0x3FB0] =	sst s5  }
0xe: {  	[smem:$0x3FB1] =	sst s6  }
0xf: {  	[smem:$0x3FB2] =	sst s7  }
0x10: {  	[smem:$0x3FB3] =	sst s8  }
0x11: {  	[smem:$0x3FB4] =	sst s9;
	s0 =	simm.s32 @!p0 $0x0  }
0x12: {  	s1 =	sld [smem:$0x3F9A];
	s0 =	simm.s32 @p0 $0x1  }
0x13: {  	[smem:$0x3FB5] =	sst s0;
	s0 =	simm.s32 @!p1 $0x0  }
0x14: {  	s2 =	sld [smem:$0x3F99];
	s0 =	simm.s32 @p1 $0x1  }
0x15: {  	[smem:$0x3FB6] =	sst s0;
	s0 =	simm.s32 @!p2 $0x0  }
0x16: {  	s3 =	sld [smem:$0x3FDB];
	s0 =	simm.s32 @p2 $0x1  }
0x17: {  	s4 =	simm.s32 $0x1BF5;
	[smem:$0x3FB8] =	sst s0  }
0x18: {  	s0 =	sld [smem:$0x3F9B];
	_ =	swait.ge [sflag:s4], $0x0  }
0x19: {  	s7 =	sld [smem:$0x3F9C]  }
0x1a: {  	s8 =	sadd.s32 $0xFFFFE003, lr  }
0x1b: {  	s9 =	sadd.s32 $0xFFFFFEF7, lr;
	s5 =	simm.s32 $0xFFFFFFFF;
	p2 =	slt.u32 s8, $0xFFFFF086  }
0x1c: {  	p1 =	slt.u32 s9, $0xF7A;
	s5 =	simm.s32 @!p2 $0x0  }
0x1d: {  	s5 =	simm.s32 @p1 $0x1;
	p0 =	seq.s32 s7, s2  }
0x1e: {  	s7 =	smul.u32 @!p0 $0xF7A, s2;
	p2 =	seq.s32 @!p0 s5, $0x0  }
0x1f: {  	s9 =	smul.u32 $0xF7A, s1;
	s8 =	simm.s32 @!p0 $0x1BF5;
	p2 =	por !p2, p0  }
0x20: {  	[sflag:s8] =	ssyncset.s32 @!p0 $0xFFFFF086;
	s6 =	sadd.s32 @!p0 s3, s7;
	s7 =	simm.s32 @!p0 $0x108  }
0x21: {  	s3 =	sadd.s32 s3, s9;
	s6 =	sadd.s32 @!p0 $0x88, s6;
	s7 =	simm.s32 @p2 $0x1082  }
0x22: {  	[simem:s7], [sflag:s8] =	dma.local @!p0 [hbm:s6], $0xF7A  }
0x23: {  	s9 =	sor.u32 $0xD0000000, s2;
	s6 =	simm.s32 $0x108;
	_ =	swait.ge @!p0 [sflag:s8], $0x0  }
0x24: {  	s3 =	sadd.s32 $0x88, s3;
	s6 =	simm.s32 @!p1 $0x1082;
	[sflag:s4] =	ssyncset.s32 $0xFFFFF086  }
0x25: {  	[simem:s6], [sflag:s4] =	dma.local [hbm:s3], $0xF7A  }
0x26: {  	[smem:$0x3F9C] =	sst s1;
	(tag) =	ssettag s2;
	_ =	strace s9  }
0x27: {  	s1 =	sld [smem:$0x3FAC]  }
0x28: {  	s2 =	sld [smem:$0x3FAD]  }
0x29: {  	s4 =	sld [smem:$0x3FAF]  }
0x2a: {  	p0 =	seq.s32 s5, $0x0;
	s5 =	sld [smem:$0x3FB0]  }
0x2b: {  	s6 =	sld [smem:$0x3FB1]  }
0x2c: {  	s7 =	sld [smem:$0x3FB2]  }
0x2d: {  	s3 =	simm.s32 $0x108;
	s8 =	sld [smem:$0x3FB3]  }
0x2e: {  	s3 =	simm.s32 @!p0 $0x1082;
	s9 =	sld [smem:$0x3FB4]  }
0x2f: {  	lr =	sadd.s32 s0, s3;
	s0 =	sld [smem:$0x3FAB]  }
0x30: {  	s3 =	sld [smem:$0x3FAE]  }
0x31: {  	[smem:$0x3FB7] =	sst s10  }
0x32: {  	s10 =	sld [smem:$0x3FB5];
	_ =	sdelay $0x3  }
0x33: {  	p0 =	seq.s32 s10, $0x1;
	s10 =	sld [smem:$0x3FB7];
	_ =	sdelay $0x3  }
0x34: {  	[smem:$0x3FB7] =	sst s10  }
0x35: {  	s10 =	sld [smem:$0x3FB6];
	_ =	sdelay $0x3  }
0x36: {  	p1 =	seq.s32 s10, $0x1;
	s10 =	sld [smem:$0x3FB7];
	_ =	sdelay $0x3  }
0x37: {  	[smem:$0x3FB7] =	sst s10  }
0x38: {  	s10 =	sld [smem:$0x3FB8]  }
0x39: {  	_ = 	snop;
	(pc) =	sbr.ind lr, $3  }
0x3a: {  	_ = 	snop  }
0x3b: {  	_ = 	snop  }
0x3c: {  	p2 =	seq.s32 s10, $0x1;
	s10 =	sld [smem:$0x3FB7]  }
0x3d: {  	_ =	shalt  }
0x3e: {  	_ =	shalt  }
0x3f: {  	_ =	shalt  }
0x40: {  	_ =	shalt  }
0x41: {  	_ =	shalt  }
0x42: {  	_ =	shalt  }
0x43: {  	_ =	shalt  }
0x44: {  	_ =	shalt  }
0x45: {  	_ =	shalt  }
0x46: {  	_ =	shalt  }
0x47: {  	_ =	shalt  }
0x48: {  	_ =	shalt  }
0x49: {  	_ =	shalt  }
0x4a: {  	_ =	shalt  }
0x4b: {  	_ =	shalt  }
0x4c: {  	_ =	shalt  }
0x4d: {  	_ =	shalt  }
0x4e: {  	_ =	shalt  }
0x4f: {  	_ =	shalt  }
0x50: {  	_ =	shalt  }
0x51: {  	_ =	shalt  }
0x52: {  	_ =	shalt  }
0x53: {  	_ =	shalt  }
0x54: {  	_ =	shalt  }
0x55: {  	_ =	shalt  }
0x56: {  	_ =	shalt  }
0x57: {  	_ =	shalt  }
0x58: {  	_ =	shalt  }
0x59: {  	_ =	shalt  }
0x5a: {  	_ =	shalt  }
0x5b: {  	_ =	shalt  }
0x5c: {  	_ =	shalt  }
0x5d: {  	_ =	shalt  }
0x5e: {  	_ =	shalt  }
0x5f: {  	_ =	shalt  }
0x60: {  	_ =	shalt  }
0x61: {  	_ =	shalt  }
0x62: {  	_ =	shalt  }
0x63: {  	_ =	shalt  }
0x64: {  	_ =	shalt  }
0x65: {  	_ =	shalt  }
0x66: {  	_ =	shalt  }
0x67: {  	_ =	shalt  }
0x68: {  	_ =	shalt  }
0x69: {  	_ =	shalt  }
0x6a: {  	_ =	shalt  }
0x6b: {  	_ =	shalt  }
0x6c: {  	_ =	shalt  }
0x6d: {  	_ =	shalt  }
0x6e: {  	_ =	shalt  }
0x6f: {  	_ =	shalt  }
0x70: {  	_ =	shalt  }
0x71: {  	_ =	shalt  }
0x72: {  	_ =	shalt  }
0x73: {  	_ =	shalt  }
0x74: {  	_ =	shalt  }
0x75: {  	_ =	shalt  }
0x76: {  	_ =	shalt  }
0x77: {  	_ =	shalt  }
0x78: {  	_ =	shalt  }
0x79: {  	_ =	shalt  }
0x7a: {  	_ =	shalt  }
0x7b: {  	_ =	shalt  }
0x7c: {  	_ =	shalt  }
0x7d: {  	_ =	shalt  }
0x7e: {  	_ =	shalt  }
0x7f: {  	_ =	shalt  }
0x80: {  	_ =	shalt  }
0x81: {  	_ =	shalt  }
0x82: {  	_ =	shalt  }
0x83: {  	_ =	shalt  }
0x84: {  	_ =	shalt  }
0x85: {  	_ =	shalt  }
0x86: {  	_ =	shalt  }
0x87: {  	_ =	shalt  }
.Lfunc_end0:
.L_simem_size_0:
called_computation_lowered:
.L_overlay_start_0:
0x88: {  	s2 =	sld [smem:$0x3FD9]  }
0x89: {  	s3 =	sld [smem:$0x3FFE];
	_ =	sdelay $0x1  }
0x8a: {  	s1 =	srdreg.scid  }
0x8b: {  	s0 =	sand.u32 $0x1, s1  }
0x8c: {  	s17 =	sshll.u32 s0, $0xA;
	s2 =	sadd.s32 s3, s2  }
0x8d: {  	s2 =	sadd.s32 s2, s17  }
0x8e: {  	[smem:$0x3FC3] =	sst s2  }
0x8f: {  	_ = 	snop  }
0x90: {  	s2 =	sld [smem:$0x3FC7]  }
0x91: {  	s18 =	sld [smem:$0x3FC6]  }
0x92: {  	s4 =	sld [smem:$0x3FD0];
	(tm) =	ssettm $0x1  }
0x93: {  	s5 =	sld [smem:$0x3FFB];
	_ =	sdelay $0x3  }
0x94: {  	_ =	strace s5  }
0x95: {  	s5 =	sld [smem:$0x3FFC];
	_ =	sdelay $0x3  }
0x96: {  	_ =	strace s5  }
0x97: {  	s5 =	sld [smem:$0x3FFD];
	_ =	sdelay $0x3  }
0x98: {  	_ =	strace s5  }
0x99: {  	_ =	strace $0x8FFFFFFF  }
0x9a: {  	s19 =	sld [smem:$0x3FDB];
	_ =	sdelay $0x1  }
0x9b: {  	s6 =	simm.s32 $_scs_section_size  }
0x9c: {  	s7 =	simm.s32 $_size__tile_overlayer_lowered;
	s8 =	simm.s32 $_tile_overlayer_lowered  }
0x9d: {  	s22 =	simm.s32 $0x1BFF;
	s21 =	sshll.u32 s8, $0x1;
	s5 =	sadd.s32 s6, s19  }
0x9e: {  	s9 =	simm.s32 $0x0;
	s20 =	sshll.u32 s7, $0x1;
	s7 =	sadd.s32 s21, s5  }
0x9f: {  	[timem:s9], [sflag:s22] =	dma.local [hbm:s7], s20  }
0xa0: {  	_ =	swait.ge [sflag:s22], s20  }
0xa1: {  	s6 =	ssub.s32 $0x0, s20;
	[sflag:s22] =	ssyncset.done $0x0  }
0xa2: {  	[sflag:s22] =	ssyncadd.s32 s6;
	_ =	sdelay $0x1  }
0xa3: {  	s23 =	simm.s32 $0x1B8B  }
0xa4: {  	_ =	swait.ge [sflag:s23], $0x1  }
0xa5: {  	[sflag:s23] =	ssyncset.done $0x0  }
0xa6: {  	s25 =	simm.s32 $0x1B8E;
	s24 =	sld [smem:$0x3FFE];
	[sflag:s23] =	ssyncadd.s32 $0xFFFFFFFF  }
0xa7: {  	s26 =	simm.s32 $execute0_lowered;
	[smem:$0x3FD2] =	sst s25  }
0xa8: {  	s7 =	sshll.u32 s26, $0x1;
	_ =	strace $0x80000046;
	[dreg:$0x1] =	wrdreg $0xFFFFFFFF  }
0xa9: {  	s28 =	simm.s32 $_size_execute0_lowered;
	s5 =	sadd.s32 s5, s7;
	[dreg:$0x0] =	wrdreg $0x0  }
0xaa: {  	s7 =	sshll.u32 s28, $0x1;
	[dreg:$0x2] =	wrdreg s5  }
0xab: {  	[dreg:$0x3] =	wrdreg s7  }
0xac: {  	[dreg:$0x4] =	wrdreg $0xC0  }
0xad: {  	_ =	task [dreg:s9], $0x5FFFF  }
0xae: {  	[dreg:$0x1] =	wrdreg $0xFFFFFFFF  }
0xaf: {  	[dreg:$0x0] =	wrdreg $0x60  }
0xb0: {  	[dreg:$0x2] =	wrdreg s24  }
0xb1: {  	[dreg:$0x3] =	wrdreg s4  }
0xb2: {  	[dreg:$0x4] =	wrdreg s2  }
0xb3: {  	[dreg:$0x5] =	wrdreg s18  }
0xb4: {  	[dreg:$0x6] =	wrdreg $0x14F400  }
0xb5: {  	[dreg:$0x7] =	wrdreg $0x9  }
0xb6: {  	_ =	task.clear_ibuf [dreg:s9], $0x8FFFF;
	_ =	strace $0x90000046  }
0xb7: {  	s29 =	simm.s32 $0x9;
	_ =	strace $0x80000048  }
0xb8: {  	_ =	swait.ge [sflag:s29], $0x1  }
0xb9: {  	[sflag:s29] =	ssyncadd.s32 $0xFFFFFFFF  }
0xba: {  	_ =	strace $0x90000048  }
0xbb: {  	_ =	sfence  }
0xbc: {  	s30 =	sld [smem:$0x0];
	_ =	sdelay $0x2  }
0xbd: {  	s31 =	sshll.u32 s1, $0xD;
	s1 =	sshrl.u32 s1, $0x2  }
0xbe: {  	s3 =	sand.u32 $0x4000, s31;
	s1 =	sadd.s32 s1, s30  }
0xbf: {  	s0 =	sor.u32 s3, s0;
	s1 =	sshll.u32 s1, $0x11  }
0xc0: {  	s0 =	sor.u32 s1, s0  }
0xc1: {  	s0 =	sadd.s32 $0x8F2B, s0  }
0xc2: {  	[sflag:s0] =	ssyncadd.remote.s32 $0x1  }
0xc3: {  	_ =	sfence.sel $0xFFFF  }
0xc4: {  	[dreg:$0x0] =	wrdreg $0xFFFFFFFF;
	(pc) =	sbr.abs _section_cstart, $3  }
0xc5: {  	[dreg:$0x1] =	wrdreg $0xFFFFFFFF  }
0xc6: {  	_ =	task.clear_ibuf [dreg:s9], $0x2FFFF;
	_ =	strace $0x9FFFFFFF  }
0xc7: {  	(tm) =	ssettm $0x7FFFFFFF  }
tec
execute0_lowered:
.L_overlay_start_1:
0x0: {  	(tag) =	ssettag $0x1  }
0x1: {  	s3 =	rddreg [dreg:$0x0]  }
0x2: {  	v1 =	vlaneseq.u32;
	s0 =	rddreg [dreg:$0x1]  }
0x3: {  	s1 =	rddreg [dreg:$0x2];
	v0 =	vmul.u32 $0x10, v1  }
0x4: {  	s2 =	rddreg [dreg:$0x3];
	s5 =	simm.s32 $0x0  }
0x5: {  	v4 =	vmul.u32 $0x8, v1;
	[smem:$0x7FF] =	sst s5;
	v1 =	vor.u32 $0x20A, v0  }
0x6: {  	s4 =	rddreg [dreg:$0x4];
	_ =	strace $0x80000047;
	v10 =	vor.u32 $0x8, v0;
	[tilespmem:$0x1FD90] =	vst v1  }
0x7: {  	v18 =	vor.u32 $0x6, v0;
	[tilespmem:$0x1FE00] =	vst v10  }
0x8: {  	v19 =	vor.u32 $0xA, v0;
	[tilespmem:$0x1FE10] =	vst v18  }
0x9: {  	v20 =	vor.u32 $0xE, v0;
	[tilespmem:$0x1FE20] =	vst v19  }
0xa: {  	v21 =	vor.u32 $0x2, v4;
	[tilespmem:$0x1FE30] =	vst v20  }
0xb: {  	v22 =	vor.u32 $0x3, v0;
	[tilespmem:$0x1FE40] =	vst v21  }
0xc: {  	v23 =	vor.u32 $0x7, v0;
	[tilespmem:$0x1FE50] =	vst v22  }
0xd: {  	v24 =	vor.u32 $0xB, v0;
	[tilespmem:$0x1FE60] =	vst v23  }
0xe: {  	v25 =	vor.u32 $0xF, v0;
	[tilespmem:$0x1FE70] =	vst v24  }
0xf: {  	v26 =	vor.u32 $0x3, v4;
	[tilespmem:$0x1FE80] =	vst v25  }
0x10: {  	v27 =	vor.u32 $0x100, v0;
	[tilespmem:$0x1FE90] =	vst v26  }
0x11: {  	v28 =	vor.u32 $0x104, v0;
	[tilespmem:$0x1FEA0] =	vst v27  }
0x12: {  	v29 =	vor.u32 $0x108, v0;
	[tilespmem:$0x1FEB0] =	vst v28  }
0x13: {  	v30 =	vor.u32 $0x10C, v0;
	[tilespmem:$0x1FEC0] =	vst v29  }
0x14: {  	v31 =	vor.u32 $0x80, v4;
	[tilespmem:$0x1FED0] =	vst v30  }
0x15: {  	v32 =	vor.u32 $0x101, v0;
	[tilespmem:$0x1FEE0] =	vst v31  }
0x16: {  	v14 =	vor.u32 $0x9, v0;
	[tilespmem:$0x1FEF0] =	vst v32  }
0x17: {  	v34 =	vor.u32 $0x109, v0;
	[tilespmem:$0x1FF00] =	vst v14  }
0x18: {  	v35 =	vor.u32 $0x10D, v0;
	[tilespmem:$0x1FF10] =	vst v34  }
0x19: {  	v36 =	vor.u32 $0x81, v4;
	[tilespmem:$0x1FF20] =	vst v35  }
0x1a: {  	v15 =	vor.u32 $0xD, v0;
	[tilespmem:$0x1FF30] =	vst v36  }
0x1b: {  	v38 =	vor.u32 $0x106, v0;
	[tilespmem:$0x1FF40] =	vst v15  }
0x1c: {  	v39 =	vor.u32 $0x10A, v0;
	[tilespmem:$0x1FF50] =	vst v38  }
0x1d: {  	v40 =	vor.u32 $0x10E, v0;
	[tilespmem:$0x1FF60] =	vst v39  }
0x1e: {  	s23 =	srdreg.scid;
	s7 =	stileid.u32;
	s18 =	simm.s32 $0x5;
	v41 =	vor.u32 $0x82, v4;
	[tilespmem:$0x1FF70] =	vst v40  }
0x1f: {  	s20 =	simm.s32 $0x14900;
	s22 =	simm.s32 $0x14D00;
	s28 =	simm.s32 $0x14D80;
	v42 =	vor.u32 $0x103, v0;
	[tilespmem:$0x1FF80] =	vst v41  }
0x20: {  	s29 =	simm.s32 $0x14E80;
	s30 =	simm.s32 $0x4;
	s6 =	sadd.s32 $0xA00, s3;
	v43 =	vor.u32 $0x107, v0;
	[tilespmem:$0x1FF90] =	vst v42  }
0x21: {  	s31 =	simm.s32 $0x14100;
	s8 =	sadd.s32 $0x600, s3;
	[dreg:$0x6] =	wrdreg s6;
	v44 =	vor.u32 $0x10B, v0;
	[tilespmem:$0x1FFA0] =	vst v43  }
0x22: {  	s19 =	simm.s32 $0x2;
	s25 =	sadd.s32 $0x3200, s3;
	[dreg:$0x7] =	wrdreg s8;
	v16 =	vor.u32 $0x1, v4;
	[tilespmem:$0x1FFB0] =	vst v44  }
0x23: {  	s24 =	sshll.u32 s7, $0x1;
	s26 =	sadd.s32 $0x800, s3;
	[dreg:$0x8] =	wrdreg s25;
	v12 =	vor.u32 $0x1, v0;
	[tilespmem:$0x1FFC0] =	vst v16  }
0x24: {  	p0 =	sne.s32 s7, $0x0;
	s6 =	sand.u32 $0x1, s23;
	[dreg:$0x9] =	wrdreg s26;
	v51 =	vor.u32 $0x4, v0;
	v11 =	vor.u32 $0xC, v0;
	[tilespmem:$0x1FFD0] =	vst v12  }
0x25: {  	s21 =	sshrl.u32 @!p0 s4, $0x3;
	s23 =	simm.s32 $0x14E00;
	s25 =	simm.s32 $0x80;
	v13 =	vor.u32 $0x5, v0;
	v17 =	vor.u32 $0x2, v0;
	v53 =	vor.u32 $0x100, v4;
	[tilespmem:$0x1FFE0] =	vst v11  }
0x26: {  	s10 =	smul.u32 $0x2720, s6;
	s11 =	ssub.s32 $0x2, s6;
	s6 =	sor.u32 s6, s24;
	v33 =	vor.u32 $0x105, v0;
	v37 =	vor.u32 $0x102, v0;
	v1 =	vor.u32 $0x20E, v0;
	[tilespmem:$0x1FFF0] =	vst v53  }
0x27: {  	s26 =	simm.s32 $0x13900;
	v45 =	vor.u32 $0x10F, v0;
	v46 =	vor.u32 $0x83, v4;
	s24 =	simm.s32 $0x3;
	s13 =	smul.u32 $0x520, s6;
	[tilespmem:$0x1FDA0] =	vst v1;
	v1 =	vor.u32 $0x102, v4  }
0x28: {  	v47 =	vor.u32 $0x200, v0;
	v48 =	vor.u32 $0x204, v0;
	s12 =	sshrl.u32 s11, $0x1;
	s6 =	smul.u32 $0x52, s6;
	s3 =	sadd.s32 s10, s3;
	[tilespmem:$0x1FDB0] =	vst v1;
	v1 =	vor.u32 $0x203, v0  }
0x29: {  	v49 =	vor.u32 $0x208, v0;
	v50 =	vor.u32 $0x20C, v0;
	s17 =	ssub.s32 s11, s12;
	s10 =	sadd.s32 s1, s13;
	s14 =	sor.u32 $0x10, s13;
	[tilespmem:$0x1FDC0] =	vst v1;
	v1 =	vor.u32 $0x207, v0  }
0x2a: {  	v54 =	vor.u32 $0x201, v0;
	v55 =	vor.u32 $0x205, v0;
	s11 =	sadd.s32 s2, s13;
	s15 =	sadd.s32 $0x3, s6;
	s16 =	sadd.s32 $0x5A00, s3;
	[tilespmem:$0x1FDD0] =	vst v1;
	v1 =	vor.u32 $0x20B, v0  }
0x2b: {  	v56 =	vor.u32 $0x209, v0;
	v57 =	vor.u32 $0x20D, v0;
	s17 =	smax.u32 s17, $0x1;
	s3 =	simm.s32 $0x1;
	s12 =	sadd.s32 s1, s14;
	[tilespmem:$0x1FDE0] =	vst v1;
	v1 =	vor.u32 $0x20F, v0  }
0x2c: {  	v58 =	vor.u32 $0x101, v4;
	v59 =	vor.u32 $0x202, v0;
	v63 =	vor.u32 $0x206, v0;
	s13 =	sadd.s32 s2, s14;
	s14 =	sadd.s32 $0x2, s6;
	s6 =	simm.s32 $0x0;
	[tilespmem:$0x1FDF0] =	vst v1  }
.LBB2_1:
0x2d: {  	s7 =	rddreg [dreg:$0x6]  }
0x2e: {  	[tilespmem:s5], [sflag:$0x5] =	stream.linear.gather [hbm4b:s7+s5], $0x13900, $0x38;
	[tilespmem:$0x162D0] =	vst v63  }
0x2f: {  	_ =	swait.ge [sflag:s18], $0x13900  }
0x30: {  	[sflag:s18] =	ssyncset.done $0x0  }
0x31: {  	s8 =	simm.s32 $0x14F00;
	s9 =	rddreg [dreg:$0x7];
	[sflag:s18] =	ssyncadd.s32 $0xFFFEC700  }
0x32: {  	[tilespmem:s8], [sflag:$0x5] =	stream.linear.gather [hbm4b:s9+s5], $0x40, $0x38;
	[tilespmem:$0x162D0] =	vst v63  }
0x33: {  	_ =	swait.ge [sflag:s18], $0x40  }
0x34: {  	[sflag:s18] =	ssyncset.done $0x0  }
0x35: {  	s9 =	rddreg [dreg:$0x9];
	[sflag:s18] =	ssyncadd.s32 $0xFFFFFFC0  }
0x36: {  	[tilespmem:s20], [sflag:$0x5] =	stream.linear.gather [hbm4b:s9+s5], $0x400, $0x38;
	[tilespmem:$0x162D0] =	vst v63  }
0x37: {  	_ =	swait.ge [sflag:s18], $0x400  }
0x38: {  	[sflag:s18] =	ssyncset.done $0x0  }
0x39: {  	s7 =	simm.s32 @!p0 $0x1C05;
	s8 =	rddreg [dreg:$0x8];
	[sflag:s18] =	ssyncadd.s32 $0xFFFFFC00  }
0x3a: {  	[spmem:s21], [sflag:s7] =	dma.local @!p0 [hbm:s8], $0x2720  }
0x3b: {  	s7 =	simm.s32 @!p0 $0x5  }
0x3c: {  	_ =	swait.ge @!p0 [sflag:s7], $0x2720  }
0x3d: {  	[sflag:s7] =	ssyncset.done @!p0 $0x0  }
0x3e: {  	[sflag:s7] =	ssyncadd.s32 @!p0 $0xFFFFD8E0  }
0x3f: {  	[bflag:$0x0] =	sbarrier.arrive $0xFFFF  }
0x40: {  	v52 =	vld [tilespmem:$0x14F00]  }
0x41: {  	v60 =	vld [tilespmem:$0x14F10]  }
0x42: {  	v61 =	vld [tilespmem:$0x14F20]  }
0x43: {  	v62 =	vld [tilespmem:$0x14F30];
	[tilespmem:s22], [sflag:$0x3] =	stream.linear.gather [hbm4b:s10+s5], $0x80, $0x38  }
0x44: {  	_ = 	snop  }
0x45: {  	[tilespmem:s23], [sflag:$0x3] =	stream.linear.gather [hbm4b:s11+s5], $0x80, $0x38;
	[tilespmem:$0x162D0] =	vst v63  }
0x46: {  	_ =	swait.ge [sflag:s24], $0x80  }
0x47: {  	[sflag:s24] =	ssyncset.done $0x0  }
0x48: {  	[sflag:s24] =	ssyncadd.s32 $0xFFFFFF80  }
0x49: {  	_ =	swait.ge [sflag:s24], $0x80  }
0x4a: {  	[sflag:s24] =	ssyncset.done $0x0  }
0x4b: {  	[sflag:s24] =	ssyncadd.s32 $0xFFFFFF80  }
0x4c: {  	[tilespmem:s26], [sflag:$0x1] =	stream.indirect.gather [hbm4b:s0+s25], $0x10, s22, s25, $0xb8;
	[tilespmem:$0x162D0] =	vst v63  }
0x4d: {  	_ = 	snop  }
0x4e: {  	[tilespmem:s28], [sflag:$0x4] =	stream.linear.gather [hbm4b:s12+s5], $0x80, $0x38;
	[tilespmem:$0x162D0] =	vst v63  }
0x4f: {  	s7 =	simm.s32 $0x0  }
0x50: {  	[tilespmem:s29], [sflag:$0x4] =	stream.linear.gather [hbm4b:s13+s5], $0x80, $0x38;
	[tilespmem:$0x162D0] =	vst v63  }
.LBB2_2:
0x51: {  	_ =	swait.ge [sflag:s30], $0x80  }
0x52: {  	[sflag:s30] =	ssyncset.done $0x0  }
0x53: {  	[sflag:s30] =	ssyncadd.s32 $0xFFFFFF80  }
0x54: {  	_ =	swait.ge [sflag:s30], $0x80  }
0x55: {  	[sflag:s30] =	ssyncset.done $0x0  }
0x56: {  	[sflag:s30] =	ssyncadd.s32 $0xFFFFFF80  }
0x57: {  	[tilespmem:s31], [sflag:$0x2] =	stream.indirect.gather [hbm4b:s0+s25], $0x10, s28, s25, $0xb8;
	[tilespmem:$0x162D0] =	vst v63  }
0x58: {  	_ =	swait.ge [sflag:s3], $0x800  }
0x59: {  	[sflag:s3] =	ssyncset.done $0x0  }
0x5a: {  	[sflag:s3] =	ssyncadd.s32 $0xFFFFF800  }
0x5b: {  	v1 =	vld [tilespmem:$0x14D00]  }
0x5c: {  	v2 =	vld [tilespmem:$0x14E00];
	_ =	sdelay $0x3  }
0x5d: {  	v1 =	vshll.u32 v1, $0x3  }
0x5e: {  	v2 =	vshll.u32 v2, $0x3  }
0x5f: {  	v3 =	vor.u32 $0x1, v1  }
0x60: {  	v5 =	vor.u32 $0x2, v1  }
0x61: {  	v6 =	vor.u32 $0x3, v1  }
0x62: {  	v7 =	vor.u32 $0x1, v2;
	v1 =	vld.idx.msk [tilespmem:v1+s5+$0x0], $0xffff  }
0x63: {  	v8 =	vor.u32 $0x2, v2;
	v9 =	vor.u32 $0x3, v2;
	v2 =	vld.idx.msk [tilespmem:v2+s5+$0x0], $0xffff  }
0x64: {  	v3 =	vld.idx.msk [tilespmem:v3+s5+$0x0], $0xffff  }
0x65: {  	v5 =	vld.idx.msk [tilespmem:v5+s5+$0x0], $0xffff  }
0x66: {  	v6 =	vld.idx.msk [tilespmem:v6+s5+$0x0], $0xffff  }
0x67: {  	v7 =	vld.idx.msk [tilespmem:v7+s5+$0x0], $0xffff  }
0x68: {  	v8 =	vld.idx.msk [tilespmem:v8+s5+$0x0], $0xffff  }
0x69: {  	v9 =	vld.idx.msk [tilespmem:v9+s5+$0x0], $0xffff;
	_ =	sdelay $0x3  }
0x6a: {  	v1 =	vsub.f32 v1, v2;
	v2 =	vsub.f32 v3, v7  }
0x6b: {  	v3 =	vsub.f32 v5, v8;
	v5 =	vsub.f32 v6, v9  }
0x6c: {  	v1 =	vadd.f32 v1, v52;
	v2 =	vadd.f32 v2, v60  }
0x6d: {  	v3 =	vadd.f32 v3, v61;
	v5 =	vadd.f32 v5, v62;
	_ =	sdelay $0x1  }
0x6e: {  	v6 =	vmax.f32 v1, v2;
	v7 =	vmax.f32 v3, v5  }
0x6f: {  	v6 =	vmax.f32 v6, v7  }
0x70: {  	v1 =	vsub.f32 v1, v6  }
0x71: {  	v2 =	vsub.f32 v2, v6  }
0x72: {  	v3 =	vsub.f32 v3, v6;
	v1 =	vmul.f32 $1.442695020e+00, v1  }
0x73: {  	v5 =	vsub.f32 v5, v6;
	v2 =	vmul.f32 $1.442695020e+00, v2  }
0x74: {  	(erf) = vpow2.f32 v1;
	v1 =	vmul.f32 $1.442695020e+00, v3  }
0x75: {  	(erf) = vpow2.f32 v2;
	v2 =	vmul.f32 $1.442695020e+00, v5  }
0x76: {  	(erf) = vpow2.f32 v1  }
0x77: {  	(erf) = vpow2.f32 v2;
	_ =	sdelay $0x5  }
0x78: {  	v1 =	vpop (erf)  }
0x79: {  	v2 =	vpop (erf)  }
0x7a: {  	v3 =	vpop (erf)  }
0x7b: {  	v5 =	vpop (erf)  }
0x7c: {  	v6 =	vadd.f32 v2, v1;
	v7 =	vadd.f32 v5, v3;
	_ =	sdelay $0x1  }
0x7d: {  	v6 =	vadd.f32 v7, v6;
	_ =	sdelay $0x1  }
0x7e: {  	(erf) = vrcp.f32 v6;
	_ =	sdelay $0x5  }
0x7f: {  	v7 =	vld.idx.msk [tilespmem:v51+s26+$0x0], $0xffff  }
0x80: {  	v6 =	vld.idx.msk [tilespmem:v0+s26+$0x0], $0xffff;
	_ =	sdelay $0x1  }
0x81: {  	v9 =	vld.idx.msk [tilespmem:v10+s26+$0x0], $0xffff;
	v8 =	vpop (erf)  }
0x82: {  	v1 =	vmul.f32 v8, v1;
	v2 =	vmul.f32 v8, v2  }
0x83: {  	v10 =	vld.idx.msk [tilespmem:v11+s26+$0x0], $0xffff;
	v3 =	vmul.f32 v8, v3  }
0x84: {  	v6 =	vmul.f32 v1, v6;
	v7 =	vmul.f32 v2, v7;
	_ =	sdelay $0x1  }
0x85: {  	v5 =	vmul.f32 v8, v5;
	v6 =	vadd.f32 v7, v6;
	v7 =	vmul.f32 v3, v9;
	_ =	sdelay $0x1  }
0x86: {  	v6 =	vadd.f32 v6, v7;
	v7 =	vmul.f32 v5, v10;
	_ =	sdelay $0x1  }
0x87: {  	v6 =	vadd.f32 v6, v7;
	_ =	sdelay $0x1  }
0x88: {  	[tilespmem:v4+s20+$0x0] =	vst.idx.msk $0xffff, v6  }
0x89: {  	v6 =	vld.idx.msk [tilespmem:v12+s26+$0x0], $0xffff  }
0x8a: {  	v7 =	vld.idx.msk [tilespmem:v13+s26+$0x0], $0xffff;
	_ =	sdelay $0x1  }
0x8b: {  	v8 =	vld.idx.msk [tilespmem:v14+s26+$0x0], $0xffff;
	_ =	sdelay $0x1  }
0x8c: {  	v9 =	vld.idx.msk [tilespmem:v15+s26+$0x0], $0xffff  }
0x8d: {  	v6 =	vmul.f32 v1, v6;
	v7 =	vmul.f32 v2, v7;
	_ =	sdelay $0x1  }
0x8e: {  	v6 =	vadd.f32 v7, v6;
	v7 =	vmul.f32 v3, v8;
	_ =	sdelay $0x1  }
0x8f: {  	v6 =	vadd.f32 v6, v7;
	v7 =	vmul.f32 v5, v9;
	_ =	sdelay $0x1  }
0x90: {  	v6 =	vadd.f32 v6, v7;
	_ =	sdelay $0x1  }
0x91: {  	[tilespmem:v16+s20+$0x0] =	vst.idx.msk $0xffff, v6  }
0x92: {  	v6 =	vld.idx.msk [tilespmem:v17+s26+$0x0], $0xffff  }
0x93: {  	v7 =	vld.idx.msk [tilespmem:v18+s26+$0x0], $0xffff;
	_ =	sdelay $0x1  }
0x94: {  	v8 =	vld.idx.msk [tilespmem:v19+s26+$0x0], $0xffff;
	_ =	sdelay $0x1  }
0x95: {  	v9 =	vld.idx.msk [tilespmem:v20+s26+$0x0], $0xffff  }
0x96: {  	v6 =	vmul.f32 v6, v1;
	v7 =	vmul.f32 v7, v2;
	_ =	sdelay $0x1  }
0x97: {  	v6 =	vadd.f32 v7, v6;
	v7 =	vmul.f32 v8, v3;
	_ =	sdelay $0x1  }
0x98: {  	v6 =	vadd.f32 v7, v6;
	v7 =	vmul.f32 v9, v5;
	_ =	sdelay $0x1  }
0x99: {  	v6 =	vadd.f32 v7, v6;
	_ =	sdelay $0x1  }
0x9a: {  	[tilespmem:v21+s20+$0x0] =	vst.idx.msk $0xffff, v6  }
0x9b: {  	v6 =	vld.idx.msk [tilespmem:v22+s26+$0x0], $0xffff  }
0x9c: {  	v7 =	vld.idx.msk [tilespmem:v23+s26+$0x0], $0xffff;
	_ =	sdelay $0x1  }
0x9d: {  	v8 =	vld.idx.msk [tilespmem:v24+s26+$0x0], $0xffff;
	_ =	sdelay $0x1  }
0x9e: {  	v9 =	vld.idx.msk [tilespmem:v25+s26+$0x0], $0xffff  }
0x9f: {  	v1 =	vmul.f32 v6, v1;
	v2 =	vmul.f32 v7, v2;
	_ =	sdelay $0x1  }
0xa0: {  	v1 =	vadd.f32 v2, v1;
	v2 =	vmul.f32 v8, v3;
	_ =	sdelay $0x1  }
0xa1: {  	v1 =	vadd.f32 v2, v1;
	v2 =	vmul.f32 v9, v5;
	_ =	sdelay $0x1  }
0xa2: {  	v1 =	vadd.f32 v2, v1;
	_ =	sdelay $0x1  }
0xa3: {  	[tilespmem:v26+s20+$0x0] =	vst.idx.msk $0xffff, v1  }
0xa4: {  	v1 =	vld [tilespmem:$0x14D10]  }
0xa5: {  	v2 =	vld [tilespmem:$0x14E10];
	_ =	sdelay $0x3  }
0xa6: {  	v1 =	vshll.u32 v1, $0x3  }
0xa7: {  	v2 =	vshll.u32 v2, $0x3  }
0xa8: {  	v3 =	vor.u32 $0x1, v1  }
0xa9: {  	v5 =	vor.u32 $0x2, v1  }
0xaa: {  	v6 =	vor.u32 $0x3, v1  }
0xab: {  	v7 =	vor.u32 $0x1, v2;
	v1 =	vld.idx.msk [tilespmem:v1+s5+$0x0], $0xffff  }
0xac: {  	v8 =	vor.u32 $0x2, v2;
	v9 =	vor.u32 $0x3, v2;
	v2 =	vld.idx.msk [tilespmem:v2+s5+$0x0], $0xffff  }
0xad: {  	v3 =	vld.idx.msk [tilespmem:v3+s5+$0x0], $0xffff  }
0xae: {  	v5 =	vld.idx.msk [tilespmem:v5+s5+$0x0], $0xffff  }
0xaf: {  	v6 =	vld.idx.msk [tilespmem:v6+s5+$0x0], $0xffff  }
0xb0: {  	v7 =	vld.idx.msk [tilespmem:v7+s5+$0x0], $0xffff  }
0xb1: {  	v8 =	vld.idx.msk [tilespmem:v8+s5+$0x0], $0xffff  }
0xb2: {  	v9 =	vld.idx.msk [tilespmem:v9+s5+$0x0], $0xffff;
	_ =	sdelay $0x3  }
0xb3: {  	v1 =	vsub.f32 v1, v2;
	v2 =	vsub.f32 v3, v7  }
0xb4: {  	v3 =	vsub.f32 v5, v8;
	v5 =	vsub.f32 v6, v9  }
0xb5: {  	v1 =	vadd.f32 v1, v52;
	v2 =	vadd.f32 v2, v60  }
0xb6: {  	v3 =	vadd.f32 v3, v61;
	v5 =	vadd.f32 v5, v62;
	_ =	sdelay $0x1  }
0xb7: {  	v6 =	vmax.f32 v1, v2;
	v7 =	vmax.f32 v3, v5  }
0xb8: {  	v6 =	vmax.f32 v6, v7  }
0xb9: {  	v1 =	vsub.f32 v1, v6  }
0xba: {  	v2 =	vsub.f32 v2, v6  }
0xbb: {  	v3 =	vsub.f32 v3, v6;
	v1 =	vmul.f32 $1.442695020e+00, v1  }
0xbc: {  	v5 =	vsub.f32 v5, v6;
	v2 =	vmul.f32 $1.442695020e+00, v2  }
0xbd: {  	(erf) = vpow2.f32 v1;
	v1 =	vmul.f32 $1.442695020e+00, v3  }
0xbe: {  	(erf) = vpow2.f32 v2;
	v2 =	vmul.f32 $1.442695020e+00, v5  }
0xbf: {  	(erf) = vpow2.f32 v1  }
0xc0: {  	(erf) = vpow2.f32 v2;
	_ =	sdelay $0x5  }
0xc1: {  	v1 =	vpop (erf)  }
0xc2: {  	v2 =	vpop (erf)  }
0xc3: {  	v3 =	vpop (erf)  }
0xc4: {  	v5 =	vpop (erf)  }
0xc5: {  	v6 =	vadd.f32 v2, v1;
	v7 =	vadd.f32 v5, v3;
	_ =	sdelay $0x1  }
0xc6: {  	v6 =	vadd.f32 v7, v6;
	_ =	sdelay $0x1  }
0xc7: {  	(erf) = vrcp.f32 v6;
	_ =	sdelay $0x5  }
0xc8: {  	v7 =	vld.idx.msk [tilespmem:v28+s26+$0x0], $0xffff  }
0xc9: {  	v6 =	vld.idx.msk [tilespmem:v27+s26+$0x0], $0xffff;
	_ =	sdelay $0x1  }
0xca: {  	v9 =	vld.idx.msk [tilespmem:v29+s26+$0x0], $0xffff;
	v8 =	vpop (erf)  }
0xcb: {  	v1 =	vmul.f32 v8, v1;
	v2 =	vmul.f32 v8, v2  }
0xcc: {  	v10 =	vld.idx.msk [tilespmem:v30+s26+$0x0], $0xffff;
	v3 =	vmul.f32 v8, v3  }
0xcd: {  	v6 =	vmul.f32 v1, v6;
	v7 =	vmul.f32 v2, v7;
	_ =	sdelay $0x1  }
0xce: {  	v5 =	vmul.f32 v8, v5;
	v6 =	vadd.f32 v7, v6;
	v7 =	vmul.f32 v3, v9;
	_ =	sdelay $0x1  }
0xcf: {  	v6 =	vadd.f32 v6, v7;
	v7 =	vmul.f32 v5, v10;
	_ =	sdelay $0x1  }
0xd0: {  	v6 =	vadd.f32 v6, v7;
	_ =	sdelay $0x1  }
0xd1: {  	[tilespmem:v31+s20+$0x0] =	vst.idx.msk $0xffff, v6  }
0xd2: {  	v6 =	vld.idx.msk [tilespmem:v32+s26+$0x0], $0xffff  }
0xd3: {  	v7 =	vld.idx.msk [tilespmem:v33+s26+$0x0], $0xffff;
	_ =	sdelay $0x1  }
0xd4: {  	v8 =	vld.idx.msk [tilespmem:v34+s26+$0x0], $0xffff;
	_ =	sdelay $0x1  }
0xd5: {  	v9 =	vld.idx.msk [tilespmem:v35+s26+$0x0], $0xffff  }
0xd6: {  	v6 =	vmul.f32 v1, v6;
	v7 =	vmul.f32 v2, v7;
	_ =	sdelay $0x1  }
0xd7: {  	v6 =	vadd.f32 v7, v6;
	v7 =	vmul.f32 v3, v8;
	_ =	sdelay $0x1  }
0xd8: {  	v6 =	vadd.f32 v6, v7;
	v7 =	vmul.f32 v5, v9;
	_ =	sdelay $0x1  }
0xd9: {  	v6 =	vadd.f32 v6, v7;
	_ =	sdelay $0x1  }
0xda: {  	[tilespmem:v36+s20+$0x0] =	vst.idx.msk $0xffff, v6  }
0xdb: {  	v6 =	vld.idx.msk [tilespmem:v37+s26+$0x0], $0xffff  }
0xdc: {  	v7 =	vld.idx.msk [tilespmem:v38+s26+$0x0], $0xffff;
	_ =	sdelay $0x1  }
0xdd: {  	v8 =	vld.idx.msk [tilespmem:v39+s26+$0x0], $0xffff;
	_ =	sdelay $0x1  }
0xde: {  	v9 =	vld.idx.msk [tilespmem:v40+s26+$0x0], $0xffff  }
0xdf: {  	v6 =	vmul.f32 v6, v1;
	v7 =	vmul.f32 v7, v2;
	_ =	sdelay $0x1  }
0xe0: {  	v6 =	vadd.f32 v7, v6;
	v7 =	vmul.f32 v8, v3;
	_ =	sdelay $0x1  }
0xe1: {  	v6 =	vadd.f32 v7, v6;
	v7 =	vmul.f32 v9, v5;
	_ =	sdelay $0x1  }
0xe2: {  	v6 =	vadd.f32 v7, v6;
	_ =	sdelay $0x1  }
0xe3: {  	[tilespmem:v41+s20+$0x0] =	vst.idx.msk $0xffff, v6  }
0xe4: {  	v6 =	vld.idx.msk [tilespmem:v42+s26+$0x0], $0xffff  }
0xe5: {  	v7 =	vld.idx.msk [tilespmem:v43+s26+$0x0], $0xffff;
	_ =	sdelay $0x1  }
0xe6: {  	v8 =	vld.idx.msk [tilespmem:v44+s26+$0x0], $0xffff;
	_ =	sdelay $0x1  }
0xe7: {  	v9 =	vld.idx.msk [tilespmem:v45+s26+$0x0], $0xffff  }
0xe8: {  	v1 =	vmul.f32 v6, v1;
	v2 =	vmul.f32 v7, v2;
	_ =	sdelay $0x1  }
0xe9: {  	v1 =	vadd.f32 v2, v1;
	v2 =	vmul.f32 v8, v3;
	_ =	sdelay $0x1  }
0xea: {  	v1 =	vadd.f32 v2, v1;
	v2 =	vmul.f32 v9, v5;
	_ =	sdelay $0x1  }
0xeb: {  	v1 =	vadd.f32 v2, v1;
	_ =	sdelay $0x1  }
0xec: {  	[tilespmem:v46+s20+$0x0] =	vst.idx.msk $0xffff, v1  }
0xed: {  	v1 =	vld [tilespmem:$0x14D20]  }
0xee: {  	v2 =	vld [tilespmem:$0x14E20];
	_ =	sdelay $0x3  }
0xef: {  	v1 =	vshll.u32 v1, $0x3  }
0xf0: {  	v2 =	vshll.u32 v2, $0x3  }
0xf1: {  	v3 =	vor.u32 $0x1, v1  }
0xf2: {  	v5 =	vor.u32 $0x2, v1  }
0xf3: {  	v6 =	vor.u32 $0x3, v1  }
0xf4: {  	v7 =	vor.u32 $0x1, v2;
	v1 =	vld.idx.msk [tilespmem:v1+s5+$0x0], $0xffff  }
0xf5: {  	v8 =	vor.u32 $0x2, v2;
	v9 =	vor.u32 $0x3, v2;
	v2 =	vld.idx.msk [tilespmem:v2+s5+$0x0], $0xffff  }
0xf6: {  	v3 =	vld.idx.msk [tilespmem:v3+s5+$0x0], $0xffff  }
0xf7: {  	v5 =	vld.idx.msk [tilespmem:v5+s5+$0x0], $0xffff  }
0xf8: {  	v6 =	vld.idx.msk [tilespmem:v6+s5+$0x0], $0xffff  }
0xf9: {  	v7 =	vld.idx.msk [tilespmem:v7+s5+$0x0], $0xffff  }
0xfa: {  	v8 =	vld.idx.msk [tilespmem:v8+s5+$0x0], $0xffff  }
0xfb: {  	v9 =	vld.idx.msk [tilespmem:v9+s5+$0x0], $0xffff;
	_ =	sdelay $0x3  }
0xfc: {  	v1 =	vsub.f32 v1, v2;
	v2 =	vsub.f32 v3, v7  }
0xfd: {  	v3 =	vsub.f32 v5, v8;
	v5 =	vsub.f32 v6, v9  }
0xfe: {  	v1 =	vadd.f32 v1, v52;
	v2 =	vadd.f32 v2, v60  }
0xff: {  	v3 =	vadd.f32 v3, v61;
	v5 =	vadd.f32 v5, v62;
	_ =	sdelay $0x1  }
0x100: {  	v6 =	vmax.f32 v1, v2;
	v7 =	vmax.f32 v3, v5  }
0x101: {  	v6 =	vmax.f32 v6, v7  }
0x102: {  	v1 =	vsub.f32 v1, v6  }
0x103: {  	v2 =	vsub.f32 v2, v6  }
0x104: {  	v3 =	vsub.f32 v3, v6;
	v1 =	vmul.f32 $1.442695020e+00, v1  }
0x105: {  	v5 =	vsub.f32 v5, v6;
	v2 =	vmul.f32 $1.442695020e+00, v2  }
0x106: {  	(erf) = vpow2.f32 v1;
	v1 =	vmul.f32 $1.442695020e+00, v3  }
0x107: {  	(erf) = vpow2.f32 v2;
	v2 =	vmul.f32 $1.442695020e+00, v5  }
0x108: {  	(erf) = vpow2.f32 v1  }
0x109: {  	(erf) = vpow2.f32 v2;
	_ =	sdelay $0x5  }
0x10a: {  	v1 =	vpop (erf)  }
0x10b: {  	v2 =	vpop (erf)  }
0x10c: {  	v3 =	vpop (erf)  }
0x10d: {  	v5 =	vpop (erf)  }
0x10e: {  	v6 =	vadd.f32 v2, v1;
	v7 =	vadd.f32 v5, v3;
	_ =	sdelay $0x1  }
0x10f: {  	v6 =	vadd.f32 v7, v6;
	_ =	sdelay $0x1  }
0x110: {  	(erf) = vrcp.f32 v6;
	_ =	sdelay $0x5  }
0x111: {  	v7 =	vld.idx.msk [tilespmem:v48+s26+$0x0], $0xffff  }
0x112: {  	v6 =	vld.idx.msk [tilespmem:v47+s26+$0x0], $0xffff;
	_ =	sdelay $0x1  }
0x113: {  	v9 =	vld.idx.msk [tilespmem:v49+s26+$0x0], $0xffff;
	v8 =	vpop (erf)  }
0x114: {  	v1 =	vmul.f32 v8, v1;
	v2 =	vmul.f32 v8, v2  }
0x115: {  	v10 =	vld.idx.msk [tilespmem:v50+s26+$0x0], $0xffff;
	v3 =	vmul.f32 v8, v3  }
0x116: {  	v6 =	vmul.f32 v1, v6;
	v7 =	vmul.f32 v2, v7;
	_ =	sdelay $0x1  }
0x117: {  	v5 =	vmul.f32 v8, v5;
	v6 =	vadd.f32 v7, v6;
	v7 =	vmul.f32 v3, v9;
	_ =	sdelay $0x1  }
0x118: {  	v6 =	vadd.f32 v6, v7;
	v7 =	vmul.f32 v5, v10;
	_ =	sdelay $0x1  }
0x119: {  	v6 =	vadd.f32 v6, v7;
	_ =	sdelay $0x1  }
0x11a: {  	[tilespmem:v53+s20+$0x0] =	vst.idx.msk $0xffff, v6  }
0x11b: {  	v6 =	vld.idx.msk [tilespmem:v54+s26+$0x0], $0xffff  }
0x11c: {  	v7 =	vld.idx.msk [tilespmem:v55+s26+$0x0], $0xffff;
	_ =	sdelay $0x1  }
0x11d: {  	v8 =	vld.idx.msk [tilespmem:v56+s26+$0x0], $0xffff;
	_ =	sdelay $0x1  }
0x11e: {  	v9 =	vld.idx.msk [tilespmem:v57+s26+$0x0], $0xffff  }
0x11f: {  	v6 =	vmul.f32 v1, v6;
	v7 =	vmul.f32 v2, v7;
	_ =	sdelay $0x1  }
0x120: {  	v6 =	vadd.f32 v7, v6;
	v7 =	vmul.f32 v3, v8;
	_ =	sdelay $0x1  }
0x121: {  	v8 =	vld [tilespmem:$0x1FD90];
	v6 =	vadd.f32 v6, v7;
	v7 =	vmul.f32 v5, v9;
	_ =	sdelay $0x1  }
0x122: {  	v9 =	vld [tilespmem:$0x1FDA0];
	v6 =	vadd.f32 v6, v7;
	_ =	sdelay $0x1  }
0x123: {  	[tilespmem:v58+s20+$0x0] =	vst.idx.msk $0xffff, v6  }
0x124: {  	v6 =	vld.idx.msk [tilespmem:v59+s26+$0x0], $0xffff  }
0x125: {  	v7 =	vld.idx.msk [tilespmem:v63+s26+$0x0], $0xffff;
	_ =	sdelay $0x1  }
0x126: {  	v8 =	vld.idx.msk [tilespmem:v8+s26+$0x0], $0xffff;
	_ =	sdelay $0x1  }
0x127: {  	v9 =	vld.idx.msk [tilespmem:v9+s26+$0x0], $0xffff  }
0x128: {  	v6 =	vmul.f32 v6, v1;
	v7 =	vmul.f32 v7, v2;
	_ =	sdelay $0x1  }
0x129: {  	v6 =	vadd.f32 v7, v6;
	v7 =	vmul.f32 v8, v3;
	_ =	sdelay $0x1  }
0x12a: {  	v6 =	vadd.f32 v7, v6;
	v7 =	vmul.f32 v9, v5;
	_ =	sdelay $0x1  }
0x12b: {  	v6 =	vadd.f32 v7, v6;
	v7 =	vld [tilespmem:$0x1FDB0];
	_ =	sdelay $0x7  }
0x12c: {  	[tilespmem:v7+s20+$0x0] =	vst.idx.msk $0xffff, v6;
	v6 =	vld [tilespmem:$0x1FDC0]  }
0x12d: {  	v7 =	vld [tilespmem:$0x1FDD0];
	_ =	sdelay $0x1  }
0x12e: {  	v8 =	vld [tilespmem:$0x1FDE0];
	_ =	sdelay $0x1  }
0x12f: {  	v9 =	vld [tilespmem:$0x1FDF0];
	_ =	sdelay $0x2  }
0x130: {  	v6 =	vld.idx.msk [tilespmem:v6+s26+$0x0], $0xffff  }
0x131: {  	v7 =	vld.idx.msk [tilespmem:v7+s26+$0x0], $0xffff;
	_ =	sdelay $0x1  }
0x132: {  	v8 =	vld.idx.msk [tilespmem:v8+s26+$0x0], $0xffff;
	_ =	sdelay $0x1  }
0x133: {  	v9 =	vld.idx.msk [tilespmem:v9+s26+$0x0], $0xffff  }
0x134: {  	v1 =	vmul.f32 v6, v1;
	v2 =	vmul.f32 v7, v2;
	_ =	sdelay $0x1  }
0x135: {  	v1 =	vadd.f32 v2, v1;
	v2 =	vmul.f32 v8, v3  }
0x136: {  	v3 =	vor.u32 $0x103, v4  }
0x137: {  	v1 =	vadd.f32 v2, v1;
	v2 =	vmul.f32 v9, v5;
	_ =	sdelay $0x1  }
0x138: {  	v1 =	vadd.f32 v2, v1;
	_ =	sdelay $0x1  }
0x139: {  	[tilespmem:v3+s20+$0x0] =	vst.idx.msk $0xffff, v1  }
0x13a: {  	v1 =	vld [tilespmem:$0x14D30]  }
0x13b: {  	v2 =	vld [tilespmem:$0x14E30];
	_ =	sdelay $0x3  }
0x13c: {  	v1 =	vshll.u32 v1, $0x3  }
0x13d: {  	v2 =	vshll.u32 v2, $0x3  }
0x13e: {  	[tilespmem:$0x1F910] =	vst v3;
	v3 =	vor.u32 $0x1, v1  }
0x13f: {  	v5 =	vor.u32 $0x2, v1  }
0x140: {  	v6 =	vor.u32 $0x3, v1  }
0x141: {  	v7 =	vor.u32 $0x1, v2;
	v1 =	vld.idx.msk [tilespmem:v1+s5+$0x0], $0xffff  }
0x142: {  	v8 =	vor.u32 $0x2, v2;
	v9 =	vor.u32 $0x3, v2;
	v2 =	vld.idx.msk [tilespmem:v2+s5+$0x0], $0xffff  }
0x143: {  	v3 =	vld.idx.msk [tilespmem:v3+s5+$0x0], $0xffff  }
0x144: {  	v5 =	vld.idx.msk [tilespmem:v5+s5+$0x0], $0xffff  }
0x145: {  	v6 =	vld.idx.msk [tilespmem:v6+s5+$0x0], $0xffff  }
0x146: {  	v7 =	vld.idx.msk [tilespmem:v7+s5+$0x0], $0xffff  }
0x147: {  	v8 =	vld.idx.msk [tilespmem:v8+s5+$0x0], $0xffff  }
0x148: {  	v9 =	vld.idx.msk [tilespmem:v9+s5+$0x0], $0xffff;
	_ =	sdelay $0x3  }
0x149: {  	v1 =	vsub.f32 v1, v2;
	v2 =	vsub.f32 v3, v7  }
0x14a: {  	v3 =	vsub.f32 v5, v8;
	v5 =	vsub.f32 v6, v9  }
0x14b: {  	v1 =	vadd.f32 v1, v52;
	v2 =	vadd.f32 v2, v60  }
0x14c: {  	v3 =	vadd.f32 v3, v61;
	v5 =	vadd.f32 v5, v62;
	_ =	sdelay $0x1  }
0x14d: {  	v6 =	vmax.f32 v1, v2;
	v7 =	vmax.f32 v3, v5  }
0x14e: {  	v6 =	vmax.f32 v6, v7  }
0x14f: {  	v1 =	vsub.f32 v1, v6  }
0x150: {  	v2 =	vsub.f32 v2, v6  }
0x151: {  	v3 =	vsub.f32 v3, v6;
	v1 =	vmul.f32 $1.442695020e+00, v1  }
0x152: {  	v5 =	vsub.f32 v5, v6;
	v2 =	vmul.f32 $1.442695020e+00, v2  }
0x153: {  	(erf) = vpow2.f32 v1;
	v1 =	vmul.f32 $1.442695020e+00, v3  }
0x154: {  	(erf) = vpow2.f32 v2;
	v2 =	vmul.f32 $1.442695020e+00, v5  }
0x155: {  	(erf) = vpow2.f32 v1  }
0x156: {  	(erf) = vpow2.f32 v2;
	_ =	sdelay $0x5  }
0x157: {  	v1 =	vpop (erf)  }
0x158: {  	v2 =	vpop (erf)  }
0x159: {  	v3 =	vpop (erf)  }
0x15a: {  	v5 =	vpop (erf)  }
0x15b: {  	v6 =	vadd.f32 v2, v1;
	v7 =	vadd.f32 v5, v3;
	_ =	sdelay $0x1  }
0x15c: {  	v6 =	vadd.f32 v7, v6;
	_ =	sdelay $0x1  }
0x15d: {  	(erf) = vrcp.f32 v6  }
0x15e: {  	v7 =	vor.u32 $0x304, v0  }
0x15f: {  	v6 =	vor.u32 $0x300, v0;
	_ =	sdelay $0x1  }
0x160: {  	v9 =	vor.u32 $0x308, v0;
	_ =	sdelay $0x1  }
0x161: {  	v11 =	vor.u32 $0x30C, v0;
	[tilespmem:$0x1F930] =	vst v7;
	v7 =	vld.idx.msk [tilespmem:v7+s26+$0x0], $0xffff  }
0x162: {  	[tilespmem:$0x1F920] =	vst v6;
	v6 =	vld.idx.msk [tilespmem:v6+s26+$0x0], $0xffff;
	_ =	sdelay $0x1  }
0x163: {  	[tilespmem:$0x1F940] =	vst v9;
	v9 =	vld.idx.msk [tilespmem:v9+s26+$0x0], $0xffff;
	v8 =	vpop (erf)  }
0x164: {  	v1 =	vmul.f32 v8, v1;
	v2 =	vmul.f32 v8, v2  }
0x165: {  	v10 =	vld.idx.msk [tilespmem:v11+s26+$0x0], $0xffff;
	v3 =	vmul.f32 v8, v3  }
0x166: {  	v6 =	vmul.f32 v1, v6;
	v7 =	vmul.f32 v2, v7;
	_ =	sdelay $0x1  }
0x167: {  	v5 =	vmul.f32 v8, v5;
	v6 =	vadd.f32 v7, v6;
	v7 =	vmul.f32 v3, v9  }
0x168: {  	v8 =	vor.u32 $0x180, v4  }
0x169: {  	v9 =	vor.u32 $0x301, v0;
	v6 =	vadd.f32 v6, v7;
	v7 =	vmul.f32 v5, v10  }
0x16a: {  	v10 =	vor.u32 $0x305, v0  }
0x16b: {  	v6 =	vadd.f32 v6, v7  }
0x16c: {  	[tilespmem:$0x1F950] =	vst v11;
	v11 =	vor.u32 $0x309, v0  }
0x16d: {  	[tilespmem:v8+s20+$0x0] =	vst.idx.msk $0xffff, v6  }
0x16e: {  	[tilespmem:$0x1F970] =	vst v9;
	v6 =	vld.idx.msk [tilespmem:v9+s26+$0x0], $0xffff;
	v9 =	vor.u32 $0x30D, v0  }
0x16f: {  	v7 =	vld.idx.msk [tilespmem:v10+s26+$0x0], $0xffff;
	_ =	sdelay $0x1  }
0x170: {  	[tilespmem:$0x1F960] =	vst v8;
	v8 =	vld.idx.msk [tilespmem:v11+s26+$0x0], $0xffff;
	_ =	sdelay $0x1  }
0x171: {  	[tilespmem:$0x1F9A0] =	vst v9;
	v9 =	vld.idx.msk [tilespmem:v9+s26+$0x0], $0xffff  }
0x172: {  	v6 =	vmul.f32 v1, v6;
	v7 =	vmul.f32 v2, v7;
	_ =	sdelay $0x1  }
0x173: {  	v6 =	vadd.f32 v7, v6;
	v7 =	vmul.f32 v3, v8  }
0x174: {  	v8 =	vor.u32 $0x181, v4  }
0x175: {  	v6 =	vadd.f32 v6, v7;
	v7 =	vmul.f32 v5, v9;
	v9 =	vor.u32 $0x302, v0  }
0x176: {  	[tilespmem:$0x1F980] =	vst v10;
	v10 =	vor.u32 $0x306, v0  }
0x177: {  	v6 =	vadd.f32 v6, v7  }
0x178: {  	[tilespmem:$0x1F990] =	vst v11;
	v11 =	vor.u32 $0x30A, v0  }
0x179: {  	[tilespmem:v8+s20+$0x0] =	vst.idx.msk $0xffff, v6  }
0x17a: {  	[tilespmem:$0x1F9C0] =	vst v9;
	v6 =	vld.idx.msk [tilespmem:v9+s26+$0x0], $0xffff;
	v9 =	vor.u32 $0x30E, v0  }
0x17b: {  	v7 =	vld.idx.msk [tilespmem:v10+s26+$0x0], $0xffff;
	_ =	sdelay $0x1  }
0x17c: {  	[tilespmem:$0x1F9B0] =	vst v8;
	v8 =	vld.idx.msk [tilespmem:v11+s26+$0x0], $0xffff;
	_ =	sdelay $0x1  }
0x17d: {  	[tilespmem:$0x1F9F0] =	vst v9;
	v9 =	vld.idx.msk [tilespmem:v9+s26+$0x0], $0xffff  }
0x17e: {  	v6 =	vmul.f32 v6, v1;
	v7 =	vmul.f32 v7, v2;
	_ =	sdelay $0x1  }
0x17f: {  	v6 =	vadd.f32 v7, v6;
	v7 =	vmul.f32 v8, v3  }
0x180: {  	v8 =	vor.u32 $0x182, v4  }
0x181: {  	v6 =	vadd.f32 v7, v6;
	v7 =	vmul.f32 v9, v5;
	v9 =	vor.u32 $0x303, v0  }
0x182: {  	[tilespmem:$0x1F9D0] =	vst v10;
	v10 =	vor.u32 $0x307, v0  }
0x183: {  	v6 =	vadd.f32 v7, v6  }
0x184: {  	[tilespmem:$0x1F9E0] =	vst v11;
	v11 =	vor.u32 $0x30B, v0  }
0x185: {  	[tilespmem:v8+s20+$0x0] =	vst.idx.msk $0xffff, v6  }
0x186: {  	[tilespmem:$0x1FA10] =	vst v9;
	v6 =	vld.idx.msk [tilespmem:v9+s26+$0x0], $0xffff;
	v9 =	vor.u32 $0x30F, v0  }
0x187: {  	v7 =	vld.idx.msk [tilespmem:v10+s26+$0x0], $0xffff;
	_ =	sdelay $0x1  }
0x188: {  	[tilespmem:$0x1FA00] =	vst v8;
	v8 =	vld.idx.msk [tilespmem:v11+s26+$0x0], $0xffff;
	_ =	sdelay $0x1  }
0x189: {  	[tilespmem:$0x1FA40] =	vst v9;
	v9 =	vld.idx.msk [tilespmem:v9+s26+$0x0], $0xffff  }
0x18a: {  	v1 =	vmul.f32 v6, v1;
	v2 =	vmul.f32 v7, v2;
	_ =	sdelay $0x1  }
0x18b: {  	v1 =	vadd.f32 v2, v1;
	v2 =	vmul.f32 v8, v3  }
0x18c: {  	v3 =	vor.u32 $0x183, v4  }
0x18d: {  	v1 =	vadd.f32 v2, v1;
	v2 =	vmul.f32 v9, v5;
	_ =	sdelay $0x1  }
0x18e: {  	v1 =	vadd.f32 v2, v1;
	_ =	sdelay $0x1  }
0x18f: {  	[tilespmem:v3+s20+$0x0] =	vst.idx.msk $0xffff, v1  }
0x190: {  	v1 =	vld [tilespmem:$0x14D40]  }
0x191: {  	v2 =	vld [tilespmem:$0x14E40];
	_ =	sdelay $0x3  }
0x192: {  	v1 =	vshll.u32 v1, $0x3  }
0x193: {  	v2 =	vshll.u32 v2, $0x3  }
0x194: {  	[tilespmem:$0x1FA50] =	vst v3;
	v3 =	vor.u32 $0x1, v1  }
0x195: {  	v5 =	vor.u32 $0x2, v1  }
0x196: {  	v6 =	vor.u32 $0x3, v1  }
0x197: {  	v7 =	vor.u32 $0x1, v2;
	v1 =	vld.idx.msk [tilespmem:v1+s5+$0x0], $0xffff  }
0x198: {  	v8 =	vor.u32 $0x2, v2;
	v9 =	vor.u32 $0x3, v2;
	v2 =	vld.idx.msk [tilespmem:v2+s5+$0x0], $0xffff  }
0x199: {  	v3 =	vld.idx.msk [tilespmem:v3+s5+$0x0], $0xffff  }
0x19a: {  	v5 =	vld.idx.msk [tilespmem:v5+s5+$0x0], $0xffff  }
0x19b: {  	v6 =	vld.idx.msk [tilespmem:v6+s5+$0x0], $0xffff  }
0x19c: {  	v7 =	vld.idx.msk [tilespmem:v7+s5+$0x0], $0xffff  }
0x19d: {  	v8 =	vld.idx.msk [tilespmem:v8+s5+$0x0], $0xffff  }
0x19e: {  	v9 =	vld.idx.msk [tilespmem:v9+s5+$0x0], $0xffff;
	_ =	sdelay $0x3  }
0x19f: {  	v1 =	vsub.f32 v1, v2;
	v2 =	vsub.f32 v3, v7  }
0x1a0: {  	v3 =	vsub.f32 v5, v8;
	v5 =	vsub.f32 v6, v9  }
0x1a1: {  	v1 =	vadd.f32 v1, v52;
	v2 =	vadd.f32 v2, v60  }
0x1a2: {  	v3 =	vadd.f32 v3, v61;
	v5 =	vadd.f32 v5, v62;
	_ =	sdelay $0x1  }
0x1a3: {  	v6 =	vmax.f32 v1, v2;
	v7 =	vmax.f32 v3, v5  }
0x1a4: {  	v6 =	vmax.f32 v6, v7  }
0x1a5: {  	v1 =	vsub.f32 v1, v6  }
0x1a6: {  	v2 =	vsub.f32 v2, v6  }
0x1a7: {  	v3 =	vsub.f32 v3, v6;
	v1 =	vmul.f32 $1.442695020e+00, v1  }
0x1a8: {  	v5 =	vsub.f32 v5, v6;
	v2 =	vmul.f32 $1.442695020e+00, v2  }
0x1a9: {  	(erf) = vpow2.f32 v1;
	v1 =	vmul.f32 $1.442695020e+00, v3  }
0x1aa: {  	(erf) = vpow2.f32 v2;
	v2 =	vmul.f32 $1.442695020e+00, v5  }
0x1ab: {  	(erf) = vpow2.f32 v1  }
0x1ac: {  	(erf) = vpow2.f32 v2;
	_ =	sdelay $0x5  }
0x1ad: {  	v1 =	vpop (erf)  }
0x1ae: {  	v2 =	vpop (erf)  }
0x1af: {  	v3 =	vpop (erf)  }
0x1b0: {  	v5 =	vpop (erf)  }
0x1b1: {  	v6 =	vadd.f32 v2, v1;
	v7 =	vadd.f32 v5, v3;
	_ =	sdelay $0x1  }
0x1b2: {  	v6 =	vadd.f32 v7, v6;
	_ =	sdelay $0x1  }
0x1b3: {  	(erf) = vrcp.f32 v6  }
0x1b4: {  	v7 =	vor.u32 $0x404, v0  }
0x1b5: {  	v6 =	vor.u32 $0x400, v0;
	_ =	sdelay $0x1  }
0x1b6: {  	v9 =	vor.u32 $0x408, v0  }
0x1b7: {  	[tilespmem:$0x1FA30] =	vst v11  }
0x1b8: {  	v11 =	vor.u32 $0x40C, v0;
	[tilespmem:$0x1FA70] =	vst v7;
	v7 =	vld.idx.msk [tilespmem:v7+s26+$0x0], $0xffff  }
0x1b9: {  	[tilespmem:$0x1FA60] =	vst v6;
	v6 =	vld.idx.msk [tilespmem:v6+s26+$0x0], $0xffff;
	_ =	sdelay $0x1  }
0x1ba: {  	[tilespmem:$0x1FA80] =	vst v9;
	v9 =	vld.idx.msk [tilespmem:v9+s26+$0x0], $0xffff;
	v8 =	vpop (erf)  }
0x1bb: {  	v1 =	vmul.f32 v8, v1;
	v2 =	vmul.f32 v8, v2  }
0x1bc: {  	[tilespmem:$0x1FA20] =	vst v10;
	v10 =	vld.idx.msk [tilespmem:v11+s26+$0x0], $0xffff;
	v3 =	vmul.f32 v8, v3  }
0x1bd: {  	v6 =	vmul.f32 v1, v6;
	v7 =	vmul.f32 v2, v7;
	_ =	sdelay $0x1  }
0x1be: {  	v5 =	vmul.f32 v8, v5;
	v6 =	vadd.f32 v7, v6;
	v7 =	vmul.f32 v3, v9  }
0x1bf: {  	v8 =	vor.u32 $0x200, v4  }
0x1c0: {  	v9 =	vor.u32 $0x401, v0;
	v6 =	vadd.f32 v6, v7;
	v7 =	vmul.f32 v5, v10  }
0x1c1: {  	v10 =	vor.u32 $0x405, v0  }
0x1c2: {  	v6 =	vadd.f32 v6, v7  }
0x1c3: {  	[tilespmem:$0x1FA90] =	vst v11;
	v11 =	vor.u32 $0x409, v0  }
0x1c4: {  	[tilespmem:v8+s20+$0x0] =	vst.idx.msk $0xffff, v6  }
0x1c5: {  	[tilespmem:$0x1FAB0] =	vst v9;
	v6 =	vld.idx.msk [tilespmem:v9+s26+$0x0], $0xffff;
	v9 =	vor.u32 $0x40D, v0  }
0x1c6: {  	v7 =	vld.idx.msk [tilespmem:v10+s26+$0x0], $0xffff;
	_ =	sdelay $0x1  }
0x1c7: {  	[tilespmem:$0x1FAA0] =	vst v8;
	v8 =	vld.idx.msk [tilespmem:v11+s26+$0x0], $0xffff;
	_ =	sdelay $0x1  }
0x1c8: {  	[tilespmem:$0x1FAE0] =	vst v9;
	v9 =	vld.idx.msk [tilespmem:v9+s26+$0x0], $0xffff  }
0x1c9: {  	v6 =	vmul.f32 v1, v6;
	v7 =	vmul.f32 v2, v7;
	_ =	sdelay $0x1  }
0x1ca: {  	v6 =	vadd.f32 v7, v6;
	v7 =	vmul.f32 v3, v8  }
0x1cb: {  	v8 =	vor.u32 $0x201, v4  }
0x1cc: {  	v6 =	vadd.f32 v6, v7;
	v7 =	vmul.f32 v5, v9;
	v9 =	vor.u32 $0x402, v0  }
0x1cd: {  	[tilespmem:$0x1FAC0] =	vst v10;
	v10 =	vor.u32 $0x406, v0  }
0x1ce: {  	v6 =	vadd.f32 v6, v7  }
0x1cf: {  	[tilespmem:$0x1FAD0] =	vst v11;
	v11 =	vor.u32 $0x40A, v0  }
0x1d0: {  	[tilespmem:v8+s20+$0x0] =	vst.idx.msk $0xffff, v6  }
0x1d1: {  	[tilespmem:$0x1FB00] =	vst v9;
	v6 =	vld.idx.msk [tilespmem:v9+s26+$0x0], $0xffff;
	v9 =	vor.u32 $0x40E, v0  }
0x1d2: {  	v7 =	vld.idx.msk [tilespmem:v10+s26+$0x0], $0xffff;
	_ =	sdelay $0x1  }
0x1d3: {  	[tilespmem:$0x1FAF0] =	vst v8;
	v8 =	vld.idx.msk [tilespmem:v11+s26+$0x0], $0xffff;
	_ =	sdelay $0x1  }
0x1d4: {  	[tilespmem:$0x1FB30] =	vst v9;
	v9 =	vld.idx.msk [tilespmem:v9+s26+$0x0], $0xffff  }
0x1d5: {  	v6 =	vmul.f32 v6, v1;
	v7 =	vmul.f32 v7, v2;
	_ =	sdelay $0x1  }
0x1d6: {  	v6 =	vadd.f32 v7, v6;
	v7 =	vmul.f32 v8, v3  }
0x1d7: {  	v8 =	vor.u32 $0x202, v4  }
0x1d8: {  	v6 =	vadd.f32 v7, v6;
	v7 =	vmul.f32 v9, v5;
	v9 =	vor.u32 $0x403, v0  }
0x1d9: {  	[tilespmem:$0x1FB10] =	vst v10;
	v10 =	vor.u32 $0x407, v0  }
0x1da: {  	v6 =	vadd.f32 v7, v6  }
0x1db: {  	[tilespmem:$0x1FB20] =	vst v11;
	v11 =	vor.u32 $0x40B, v0  }
0x1dc: {  	[tilespmem:v8+s20+$0x0] =	vst.idx.msk $0xffff, v6  }
0x1dd: {  	[tilespmem:$0x1FB50] =	vst v9;
	v6 =	vld.idx.msk [tilespmem:v9+s26+$0x0], $0xffff;
	v9 =	vor.u32 $0x40F, v0  }
0x1de: {  	v7 =	vld.idx.msk [tilespmem:v10+s26+$0x0], $0xffff;
	_ =	sdelay $0x1  }
0x1df: {  	[tilespmem:$0x1FB40] =	vst v8;
	v8 =	vld.idx.msk [tilespmem:v11+s26+$0x0], $0xffff;
	_ =	sdelay $0x1  }
0x1e0: {  	[tilespmem:$0x1FB80] =	vst v9;
	v9 =	vld.idx.msk [tilespmem:v9+s26+$0x0], $0xffff  }
0x1e1: {  	v1 =	vmul.f32 v6, v1;
	v2 =	vmul.f32 v7, v2;
	_ =	sdelay $0x1  }
0x1e2: {  	v1 =	vadd.f32 v2, v1;
	v2 =	vmul.f32 v8, v3  }
0x1e3: {  	v3 =	vor.u32 $0x203, v4  }
0x1e4: {  	v1 =	vadd.f32 v2, v1;
	v2 =	vmul.f32 v9, v5;
	_ =	sdelay $0x1  }
0x1e5: {  	v1 =	vadd.f32 v2, v1;
	_ =	sdelay $0x1  }
0x1e6: {  	[tilespmem:v3+s20+$0x0] =	vst.idx.msk $0xffff, v1  }
0x1e7: {  	v1 =	vld [tilespmem:$0x14D50]  }
0x1e8: {  	v2 =	vld [tilespmem:$0x14E50];
	_ =	sdelay $0x3  }
0x1e9: {  	v1 =	vshll.u32 v1, $0x3  }
0x1ea: {  	v2 =	vshll.u32 v2, $0x3  }
0x1eb: {  	[tilespmem:$0x1FB90] =	vst v3;
	v3 =	vor.u32 $0x1, v1  }
0x1ec: {  	v5 =	vor.u32 $0x2, v1  }
0x1ed: {  	v6 =	vor.u32 $0x3, v1  }
0x1ee: {  	v7 =	vor.u32 $0x1, v2;
	v1 =	vld.idx.msk [tilespmem:v1+s5+$0x0], $0xffff  }
0x1ef: {  	v8 =	vor.u32 $0x2, v2;
	v9 =	vor.u32 $0x3, v2;
	v2 =	vld.idx.msk [tilespmem:v2+s5+$0x0], $0xffff  }
0x1f0: {  	v3 =	vld.idx.msk [tilespmem:v3+s5+$0x0], $0xffff  }
0x1f1: {  	v5 =	vld.idx.msk [tilespmem:v5+s5+$0x0], $0xffff  }
0x1f2: {  	v6 =	vld.idx.msk [tilespmem:v6+s5+$0x0], $0xffff  }
0x1f3: {  	v7 =	vld.idx.msk [tilespmem:v7+s5+$0x0], $0xffff  }
0x1f4: {  	v8 =	vld.idx.msk [tilespmem:v8+s5+$0x0], $0xffff  }
0x1f5: {  	v9 =	vld.idx.msk [tilespmem:v9+s5+$0x0], $0xffff;
	_ =	sdelay $0x3  }
0x1f6: {  	v1 =	vsub.f32 v1, v2;
	v2 =	vsub.f32 v3, v7  }
0x1f7: {  	v3 =	vsub.f32 v5, v8;
	v5 =	vsub.f32 v6, v9  }
0x1f8: {  	v1 =	vadd.f32 v1, v52;
	v2 =	vadd.f32 v2, v60  }
0x1f9: {  	v3 =	vadd.f32 v3, v61;
	v5 =	vadd.f32 v5, v62;
	_ =	sdelay $0x1  }
0x1fa: {  	v6 =	vmax.f32 v1, v2;
	v7 =	vmax.f32 v3, v5  }
0x1fb: {  	v6 =	vmax.f32 v6, v7  }
0x1fc: {  	v1 =	vsub.f32 v1, v6  }
0x1fd: {  	v2 =	vsub.f32 v2, v6  }
0x1fe: {  	v3 =	vsub.f32 v3, v6;
	v1 =	vmul.f32 $1.442695020e+00, v1  }
0x1ff: {  	v5 =	vsub.f32 v5, v6;
	v2 =	vmul.f32 $1.442695020e+00, v2  }
0x200: {  	(erf) = vpow2.f32 v1;
	v1 =	vmul.f32 $1.442695020e+00, v3  }
0x201: {  	(erf) = vpow2.f32 v2;
	v2 =	vmul.f32 $1.442695020e+00, v5  }
0x202: {  	(erf) = vpow2.f32 v1  }
0x203: {  	(erf) = vpow2.f32 v2;
	_ =	sdelay $0x5  }
0x204: {  	v1 =	vpop (erf)  }
0x205: {  	v2 =	vpop (erf)  }
0x206: {  	v3 =	vpop (erf)  }
0x207: {  	v5 =	vpop (erf)  }
0x208: {  	v6 =	vadd.f32 v2, v1;
	v7 =	vadd.f32 v5, v3;
	_ =	sdelay $0x1  }
0x209: {  	v6 =	vadd.f32 v7, v6;
	_ =	sdelay $0x1  }
0x20a: {  	(erf) = vrcp.f32 v6  }
0x20b: {  	v7 =	vor.u32 $0x504, v0  }
0x20c: {  	v6 =	vor.u32 $0x500, v0;
	_ =	sdelay $0x1  }
0x20d: {  	v9 =	vor.u32 $0x508, v0  }
0x20e: {  	[tilespmem:$0x1FB70] =	vst v11  }
0x20f: {  	v11 =	vor.u32 $0x50C, v0;
	[tilespmem:$0x1FBB0] =	vst v7;
	v7 =	vld.idx.msk [tilespmem:v7+s26+$0x0], $0xffff  }
0x210: {  	[tilespmem:$0x1FBA0] =	vst v6;
	v6 =	vld.idx.msk [tilespmem:v6+s26+$0x0], $0xffff;
	_ =	sdelay $0x1  }
0x211: {  	[tilespmem:$0x1FBC0] =	vst v9;
	v9 =	vld.idx.msk [tilespmem:v9+s26+$0x0], $0xffff;
	v8 =	vpop (erf)  }
0x212: {  	v1 =	vmul.f32 v8, v1;
	v2 =	vmul.f32 v8, v2  }
0x213: {  	[tilespmem:$0x1FB60] =	vst v10;
	v10 =	vld.idx.msk [tilespmem:v11+s26+$0x0], $0xffff;
	v3 =	vmul.f32 v8, v3  }
0x214: {  	v6 =	vmul.f32 v1, v6;
	v7 =	vmul.f32 v2, v7;
	_ =	sdelay $0x1  }
0x215: {  	v5 =	vmul.f32 v8, v5;
	v6 =	vadd.f32 v7, v6;
	v7 =	vmul.f32 v3, v9  }
0x216: {  	v8 =	vor.u32 $0x280, v4  }
0x217: {  	v9 =	vor.u32 $0x501, v0;
	v6 =	vadd.f32 v6, v7;
	v7 =	vmul.f32 v5, v10  }
0x218: {  	v10 =	vor.u32 $0x505, v0  }
0x219: {  	v6 =	vadd.f32 v6, v7  }
0x21a: {  	[tilespmem:$0x1FBD0] =	vst v11;
	v11 =	vor.u32 $0x509, v0  }
0x21b: {  	[tilespmem:v8+s20+$0x0] =	vst.idx.msk $0xffff, v6  }
0x21c: {  	[tilespmem:$0x1FBF0] =	vst v9;
	v6 =	vld.idx.msk [tilespmem:v9+s26+$0x0], $0xffff;
	v9 =	vor.u32 $0x50D, v0  }
0x21d: {  	v7 =	vld.idx.msk [tilespmem:v10+s26+$0x0], $0xffff;
	_ =	sdelay $0x1  }
0x21e: {  	[tilespmem:$0x1FBE0] =	vst v8;
	v8 =	vld.idx.msk [tilespmem:v11+s26+$0x0], $0xffff;
	_ =	sdelay $0x1  }
0x21f: {  	[tilespmem:$0x1FC20] =	vst v9;
	v9 =	vld.idx.msk [tilespmem:v9+s26+$0x0], $0xffff  }
0x220: {  	v6 =	vmul.f32 v1, v6;
	v7 =	vmul.f32 v2, v7;
	_ =	sdelay $0x1  }
0x221: {  	v6 =	vadd.f32 v7, v6;
	v7 =	vmul.f32 v3, v8  }
0x222: {  	v8 =	vor.u32 $0x281, v4  }
0x223: {  	v6 =	vadd.f32 v6, v7;
	v7 =	vmul.f32 v5, v9;
	v9 =	vor.u32 $0x502, v0  }
0x224: {  	[tilespmem:$0x1FC00] =	vst v10;
	v10 =	vor.u32 $0x506, v0  }
0x225: {  	v6 =	vadd.f32 v6, v7  }
0x226: {  	[tilespmem:$0x1FC10] =	vst v11;
	v11 =	vor.u32 $0x50A, v0  }
0x227: {  	[tilespmem:v8+s20+$0x0] =	vst.idx.msk $0xffff, v6  }
0x228: {  	v53 =	vor.u32 $0x50E, v0;
	v6 =	vld.idx.msk [tilespmem:v9+s26+$0x0], $0xffff  }
0x229: {  	v7 =	vld.idx.msk [tilespmem:v10+s26+$0x0], $0xffff;
	_ =	sdelay $0x1  }
0x22a: {  	[tilespmem:$0x1FC30] =	vst v8;
	v8 =	vld.idx.msk [tilespmem:v11+s26+$0x0], $0xffff;
	_ =	sdelay $0x1  }
0x22b: {  	[tilespmem:$0x1FC40] =	vst v9;
	v9 =	vld.idx.msk [tilespmem:v53+s26+$0x0], $0xffff  }
0x22c: {  	v6 =	vmul.f32 v6, v1;
	v7 =	vmul.f32 v7, v2;
	_ =	sdelay $0x1  }
0x22d: {  	v6 =	vadd.f32 v7, v6;
	v7 =	vmul.f32 v8, v3  }
0x22e: {  	v8 =	vor.u32 $0x282, v4  }
0x22f: {  	v6 =	vadd.f32 v7, v6;
	v7 =	vmul.f32 v9, v5;
	v9 =	vor.u32 $0x503, v0  }
0x230: {  	[tilespmem:$0x1FC50] =	vst v10;
	v10 =	vor.u32 $0x507, v0  }
0x231: {  	v6 =	vadd.f32 v7, v6  }
0x232: {  	v44 =	vor.u32 $0x50B, v0  }
0x233: {  	[tilespmem:v8+s20+$0x0] =	vst.idx.msk $0xffff, v6  }
0x234: {  	v42 =	vor.u32 $0x50F, v0;
	v6 =	vld.idx.msk [tilespmem:v9+s26+$0x0], $0xffff  }
0x235: {  	v7 =	vld.idx.msk [tilespmem:v10+s26+$0x0], $0xffff;
	_ =	sdelay $0x1  }
0x236: {  	[tilespmem:$0x1FC70] =	vst v8;
	v8 =	vld.idx.msk [tilespmem:v44+s26+$0x0], $0xffff;
	_ =	sdelay $0x1  }
0x237: {  	[tilespmem:$0x1FC80] =	vst v9;
	v9 =	vld.idx.msk [tilespmem:v42+s26+$0x0], $0xffff  }
0x238: {  	v1 =	vmul.f32 v6, v1;
	v2 =	vmul.f32 v7, v2;
	_ =	sdelay $0x1  }
0x239: {  	v1 =	vadd.f32 v2, v1;
	v2 =	vmul.f32 v8, v3  }
0x23a: {  	v43 =	vor.u32 $0x283, v4  }
0x23b: {  	v1 =	vadd.f32 v2, v1;
	v2 =	vmul.f32 v9, v5;
	_ =	sdelay $0x1  }
0x23c: {  	v1 =	vadd.f32 v2, v1;
	_ =	sdelay $0x1  }
0x23d: {  	[tilespmem:v43+s20+$0x0] =	vst.idx.msk $0xffff, v1  }
0x23e: {  	v1 =	vld [tilespmem:$0x14D60]  }
0x23f: {  	v2 =	vld [tilespmem:$0x14E60];
	_ =	sdelay $0x3  }
0x240: {  	v1 =	vshll.u32 v1, $0x3  }
0x241: {  	v2 =	vshll.u32 v2, $0x3  }
0x242: {  	v3 =	vor.u32 $0x1, v1  }
0x243: {  	v5 =	vor.u32 $0x2, v1  }
0x244: {  	v6 =	vor.u32 $0x3, v1  }
0x245: {  	v7 =	vor.u32 $0x1, v2;
	v1 =	vld.idx.msk [tilespmem:v1+s5+$0x0], $0xffff  }
0x246: {  	v8 =	vor.u32 $0x2, v2;
	v9 =	vor.u32 $0x3, v2;
	v2 =	vld.idx.msk [tilespmem:v2+s5+$0x0], $0xffff  }
0x247: {  	v3 =	vld.idx.msk [tilespmem:v3+s5+$0x0], $0xffff  }
0x248: {  	v5 =	vld.idx.msk [tilespmem:v5+s5+$0x0], $0xffff  }
0x249: {  	v6 =	vld.idx.msk [tilespmem:v6+s5+$0x0], $0xffff  }
0x24a: {  	v7 =	vld.idx.msk [tilespmem:v7+s5+$0x0], $0xffff  }
0x24b: {  	v8 =	vld.idx.msk [tilespmem:v8+s5+$0x0], $0xffff  }
0x24c: {  	v9 =	vld.idx.msk [tilespmem:v9+s5+$0x0], $0xffff;
	_ =	sdelay $0x3  }
0x24d: {  	v1 =	vsub.f32 v1, v2;
	v2 =	vsub.f32 v3, v7  }
0x24e: {  	v3 =	vsub.f32 v5, v8;
	v5 =	vsub.f32 v6, v9  }
0x24f: {  	v1 =	vadd.f32 v1, v52;
	v2 =	vadd.f32 v2, v60  }
0x250: {  	v3 =	vadd.f32 v3, v61;
	v5 =	vadd.f32 v5, v62;
	_ =	sdelay $0x1  }
0x251: {  	v6 =	vmax.f32 v1, v2;
	v7 =	vmax.f32 v3, v5  }
0x252: {  	v6 =	vmax.f32 v6, v7  }
0x253: {  	v1 =	vsub.f32 v1, v6  }
0x254: {  	v2 =	vsub.f32 v2, v6  }
0x255: {  	v3 =	vsub.f32 v3, v6;
	v1 =	vmul.f32 $1.442695020e+00, v1  }
0x256: {  	v5 =	vsub.f32 v5, v6;
	v2 =	vmul.f32 $1.442695020e+00, v2  }
0x257: {  	(erf) = vpow2.f32 v1;
	v1 =	vmul.f32 $1.442695020e+00, v3  }
0x258: {  	(erf) = vpow2.f32 v2;
	v2 =	vmul.f32 $1.442695020e+00, v5  }
0x259: {  	(erf) = vpow2.f32 v1  }
0x25a: {  	(erf) = vpow2.f32 v2;
	_ =	sdelay $0x5  }
0x25b: {  	v1 =	vpop (erf)  }
0x25c: {  	v2 =	vpop (erf)  }
0x25d: {  	v3 =	vpop (erf)  }
0x25e: {  	v5 =	vpop (erf)  }
0x25f: {  	v6 =	vadd.f32 v2, v1;
	v7 =	vadd.f32 v5, v3;
	_ =	sdelay $0x1  }
0x260: {  	v6 =	vadd.f32 v7, v6;
	_ =	sdelay $0x1  }
0x261: {  	(erf) = vrcp.f32 v6  }
0x262: {  	v39 =	vor.u32 $0x604, v0  }
0x263: {  	v38 =	vor.u32 $0x600, v0;
	_ =	sdelay $0x1  }
0x264: {  	v40 =	vor.u32 $0x608, v0;
	_ =	sdelay $0x1  }
0x265: {  	v41 =	vor.u32 $0x60C, v0;
	v7 =	vld.idx.msk [tilespmem:v39+s26+$0x0], $0xffff  }
0x266: {  	v6 =	vld.idx.msk [tilespmem:v38+s26+$0x0], $0xffff;
	_ =	sdelay $0x1  }
0x267: {  	v9 =	vld.idx.msk [tilespmem:v40+s26+$0x0], $0xffff;
	v8 =	vpop (erf)  }
0x268: {  	v1 =	vmul.f32 v8, v1;
	v2 =	vmul.f32 v8, v2  }
0x269: {  	[tilespmem:$0x1FC90] =	vst v10;
	v10 =	vld.idx.msk [tilespmem:v41+s26+$0x0], $0xffff;
	v3 =	vmul.f32 v8, v3  }
0x26a: {  	v6 =	vmul.f32 v1, v6;
	v7 =	vmul.f32 v2, v7;
	_ =	sdelay $0x1  }
0x26b: {  	v5 =	vmul.f32 v8, v5;
	v6 =	vadd.f32 v7, v6;
	v7 =	vmul.f32 v3, v9  }
0x26c: {  	v8 =	vor.u32 $0x300, v4  }
0x26d: {  	v36 =	vor.u32 $0x601, v0;
	v6 =	vadd.f32 v6, v7;
	v7 =	vmul.f32 v5, v10  }
0x26e: {  	v35 =	vor.u32 $0x605, v0  }
0x26f: {  	v6 =	vadd.f32 v6, v7  }
0x270: {  	v34 =	vor.u32 $0x609, v0  }
0x271: {  	[tilespmem:v8+s20+$0x0] =	vst.idx.msk $0xffff, v6  }
0x272: {  	v32 =	vor.u32 $0x60D, v0;
	v6 =	vld.idx.msk [tilespmem:v36+s26+$0x0], $0xffff  }
0x273: {  	v7 =	vld.idx.msk [tilespmem:v35+s26+$0x0], $0xffff;
	_ =	sdelay $0x1  }
0x274: {  	[tilespmem:$0x1FCA0] =	vst v8;
	v8 =	vld.idx.msk [tilespmem:v34+s26+$0x0], $0xffff;
	_ =	sdelay $0x1  }
0x275: {  	v9 =	vld.idx.msk [tilespmem:v32+s26+$0x0], $0xffff  }
0x276: {  	v6 =	vmul.f32 v1, v6;
	v7 =	vmul.f32 v2, v7;
	_ =	sdelay $0x1  }
0x277: {  	v6 =	vadd.f32 v7, v6;
	v7 =	vmul.f32 v3, v8  }
0x278: {  	v8 =	vor.u32 $0x301, v4  }
0x279: {  	v30 =	vor.u32 $0x602, v0;
	v6 =	vadd.f32 v6, v7;
	v7 =	vmul.f32 v5, v9  }
0x27a: {  	v31 =	vor.u32 $0x606, v0  }
0x27b: {  	v6 =	vadd.f32 v6, v7  }
0x27c: {  	v29 =	vor.u32 $0x60A, v0  }
0x27d: {  	[tilespmem:v8+s20+$0x0] =	vst.idx.msk $0xffff, v6  }
0x27e: {  	v28 =	vor.u32 $0x60E, v0;
	v6 =	vld.idx.msk [tilespmem:v30+s26+$0x0], $0xffff  }
0x27f: {  	v7 =	vld.idx.msk [tilespmem:v31+s26+$0x0], $0xffff;
	_ =	sdelay $0x1  }
0x280: {  	[tilespmem:$0x1FCB0] =	vst v8;
	v8 =	vld.idx.msk [tilespmem:v29+s26+$0x0], $0xffff;
	_ =	sdelay $0x1  }
0x281: {  	v9 =	vld.idx.msk [tilespmem:v28+s26+$0x0], $0xffff  }
0x282: {  	v6 =	vmul.f32 v6, v1;
	v7 =	vmul.f32 v7, v2;
	_ =	sdelay $0x1  }
0x283: {  	v6 =	vadd.f32 v7, v6;
	v7 =	vmul.f32 v8, v3  }
0x284: {  	v27 =	vor.u32 $0x302, v4  }
0x285: {  	v26 =	vor.u32 $0x603, v0;
	v6 =	vadd.f32 v7, v6;
	v7 =	vmul.f32 v9, v5  }
0x286: {  	v25 =	vor.u32 $0x607, v0  }
0x287: {  	v6 =	vadd.f32 v7, v6  }
0x288: {  	v24 =	vor.u32 $0x60B, v0  }
0x289: {  	[tilespmem:v27+s20+$0x0] =	vst.idx.msk $0xffff, v6  }
0x28a: {  	v22 =	vor.u32 $0x60F, v0;
	v6 =	vld.idx.msk [tilespmem:v26+s26+$0x0], $0xffff  }
0x28b: {  	v7 =	vld.idx.msk [tilespmem:v25+s26+$0x0], $0xffff;
	_ =	sdelay $0x1  }
0x28c: {  	v8 =	vld.idx.msk [tilespmem:v24+s26+$0x0], $0xffff;
	_ =	sdelay $0x1  }
0x28d: {  	v9 =	vld.idx.msk [tilespmem:v22+s26+$0x0], $0xffff  }
0x28e: {  	v1 =	vmul.f32 v6, v1;
	v2 =	vmul.f32 v7, v2;
	_ =	sdelay $0x1  }
0x28f: {  	v1 =	vadd.f32 v2, v1;
	v2 =	vmul.f32 v8, v3  }
0x290: {  	v23 =	vor.u32 $0x303, v4  }
0x291: {  	v1 =	vadd.f32 v2, v1;
	v2 =	vmul.f32 v9, v5;
	_ =	sdelay $0x1  }
0x292: {  	v1 =	vadd.f32 v2, v1;
	_ =	sdelay $0x1  }
0x293: {  	[tilespmem:v23+s20+$0x0] =	vst.idx.msk $0xffff, v1  }
0x294: {  	v1 =	vld [tilespmem:$0x14D70]  }
0x295: {  	v2 =	vld [tilespmem:$0x14E70];
	_ =	sdelay $0x3  }
0x296: {  	v1 =	vshll.u32 v1, $0x3  }
0x297: {  	v2 =	vshll.u32 v2, $0x3  }
0x298: {  	v3 =	vor.u32 $0x1, v1  }
0x299: {  	v5 =	vor.u32 $0x2, v1  }
0x29a: {  	v6 =	vor.u32 $0x3, v1  }
0x29b: {  	v7 =	vor.u32 $0x1, v2;
	v1 =	vld.idx.msk [tilespmem:v1+s5+$0x0], $0xffff  }
0x29c: {  	v8 =	vor.u32 $0x2, v2;
	v9 =	vor.u32 $0x3, v2;
	v2 =	vld.idx.msk [tilespmem:v2+s5+$0x0], $0xffff  }
0x29d: {  	v3 =	vld.idx.msk [tilespmem:v3+s5+$0x0], $0xffff  }
0x29e: {  	v5 =	vld.idx.msk [tilespmem:v5+s5+$0x0], $0xffff  }
0x29f: {  	v6 =	vld.idx.msk [tilespmem:v6+s5+$0x0], $0xffff  }
0x2a0: {  	v7 =	vld.idx.msk [tilespmem:v7+s5+$0x0], $0xffff  }
0x2a1: {  	v8 =	vld.idx.msk [tilespmem:v8+s5+$0x0], $0xffff  }
0x2a2: {  	v9 =	vld.idx.msk [tilespmem:v9+s5+$0x0], $0xffff;
	_ =	sdelay $0x3  }
0x2a3: {  	v1 =	vsub.f32 v1, v2;
	v2 =	vsub.f32 v3, v7  }
0x2a4: {  	v3 =	vsub.f32 v5, v8;
	v5 =	vsub.f32 v6, v9  }
0x2a5: {  	v1 =	vadd.f32 v1, v52;
	v2 =	vadd.f32 v2, v60  }
0x2a6: {  	v3 =	vadd.f32 v3, v61;
	v5 =	vadd.f32 v5, v62;
	_ =	sdelay $0x1  }
0x2a7: {  	v6 =	vmax.f32 v1, v2;
	v7 =	vmax.f32 v3, v5  }
0x2a8: {  	v6 =	vmax.f32 v6, v7  }
0x2a9: {  	v1 =	vsub.f32 v1, v6  }
0x2aa: {  	v2 =	vsub.f32 v2, v6  }
0x2ab: {  	v3 =	vsub.f32 v3, v6;
	v1 =	vmul.f32 $1.442695020e+00, v1  }
0x2ac: {  	v5 =	vsub.f32 v5, v6;
	v2 =	vmul.f32 $1.442695020e+00, v2  }
0x2ad: {  	(erf) = vpow2.f32 v1;
	v1 =	vmul.f32 $1.442695020e+00, v3  }
0x2ae: {  	(erf) = vpow2.f32 v2;
	v2 =	vmul.f32 $1.442695020e+00, v5  }
0x2af: {  	(erf) = vpow2.f32 v1  }
0x2b0: {  	(erf) = vpow2.f32 v2;
	_ =	sdelay $0x5  }
0x2b1: {  	v1 =	vpop (erf)  }
0x2b2: {  	v2 =	vpop (erf)  }
0x2b3: {  	v3 =	vpop (erf)  }
0x2b4: {  	v5 =	vpop (erf)  }
0x2b5: {  	v6 =	vadd.f32 v2, v1;
	v7 =	vadd.f32 v5, v3;
	_ =	sdelay $0x1  }
0x2b6: {  	v6 =	vadd.f32 v7, v6;
	_ =	sdelay $0x1  }
0x2b7: {  	(erf) = vrcp.f32 v6  }
0x2b8: {  	v19 =	vor.u32 $0x704, v0  }
0x2b9: {  	v18 =	vor.u32 $0x700, v0;
	_ =	sdelay $0x1  }
0x2ba: {  	v20 =	vor.u32 $0x708, v0;
	_ =	sdelay $0x1  }
0x2bb: {  	v21 =	vor.u32 $0x70C, v0;
	v7 =	vld.idx.msk [tilespmem:v19+s26+$0x0], $0xffff  }
0x2bc: {  	v6 =	vld.idx.msk [tilespmem:v18+s26+$0x0], $0xffff;
	_ =	sdelay $0x1  }
0x2bd: {  	v9 =	vld.idx.msk [tilespmem:v20+s26+$0x0], $0xffff;
	v8 =	vpop (erf)  }
0x2be: {  	v10 =	vmov v59;
	v59 =	vmul.f32 v8, v1;
	v2 =	vmul.f32 v8, v2  }
0x2bf: {  	[tilespmem:$0x1FC60] =	vst v11;
	v11 =	vmov v45;
	v45 =	vmul.f32 v8, v3;
	v1 =	vld.idx.msk [tilespmem:v21+s26+$0x0], $0xffff  }
0x2c0: {  	v3 =	vmul.f32 v59, v6;
	v6 =	vmul.f32 v2, v7;
	_ =	sdelay $0x1  }
0x2c1: {  	v7 =	vmovc v63;
	v63 =	vmul.f32 v8, v5;
	v5 =	vmul.f32 v45, v9;
	v3 =	vadd.f32 v6, v3  }
0x2c2: {  	v6 =	vor.u32 $0x380, v4  }
0x2c3: {  	v16 =	vor.u32 $0x701, v0;
	v1 =	vmul.f32 v63, v1;
	v3 =	vadd.f32 v3, v5  }
0x2c4: {  	v15 =	vor.u32 $0x705, v0  }
0x2c5: {  	v1 =	vadd.f32 v3, v1  }
0x2c6: {  	v5 =	vor.u32 $0x709, v0  }
0x2c7: {  	[tilespmem:v6+s20+$0x0] =	vst.idx.msk $0xffff, v1  }
0x2c8: {  	[tilespmem:$0x1FCC0] =	vst v6;
	v6 =	vor.u32 $0x70D, v0;
	v1 =	vld.idx.msk [tilespmem:v16+s26+$0x0], $0xffff  }
0x2c9: {  	v3 =	vld.idx.msk [tilespmem:v15+s26+$0x0], $0xffff;
	_ =	sdelay $0x1  }
0x2ca: {  	[tilespmem:$0x1FCD0] =	vst v5;
	v5 =	vld.idx.msk [tilespmem:v5+s26+$0x0], $0xffff;
	_ =	sdelay $0x1  }
0x2cb: {  	[tilespmem:$0x1FCE0] =	vst v6;
	v6 =	vld.idx.msk [tilespmem:v6+s26+$0x0], $0xffff  }
0x2cc: {  	v1 =	vmul.f32 v59, v1;
	v3 =	vmul.f32 v2, v3;
	_ =	sdelay $0x1  }
0x2cd: {  	v1 =	vadd.f32 v3, v1;
	v3 =	vmul.f32 v45, v5  }
0x2ce: {  	v5 =	vor.u32 $0x381, v4  }
0x2cf: {  	v1 =	vadd.f32 v1, v3;
	v3 =	vmul.f32 v63, v6;
	v6 =	vor.u32 $0x702, v0  }
0x2d0: {  	v8 =	vor.u32 $0x706, v0  }
0x2d1: {  	[tilespmem:$0x1FCF0] =	vst v5;
	v1 =	vadd.f32 v1, v3  }
0x2d2: {  	v9 =	vor.u32 $0x70A, v0;
	[tilespmem:$0x1FD00] =	vst v6  }
0x2d3: {  	[tilespmem:v5+s20+$0x0] =	vst.idx.msk $0xffff, v1  }
0x2d4: {  	v1 =	vld.idx.msk [tilespmem:v6+s26+$0x0], $0xffff;
	v6 =	vor.u32 $0x70E, v0  }
0x2d5: {  	v3 =	vld.idx.msk [tilespmem:v8+s26+$0x0], $0xffff;
	_ =	sdelay $0x1  }
0x2d6: {  	v5 =	vld.idx.msk [tilespmem:v9+s26+$0x0], $0xffff;
	_ =	sdelay $0x1  }
0x2d7: {  	[tilespmem:$0x1FD20] =	vst v6;
	v6 =	vld.idx.msk [tilespmem:v6+s26+$0x0], $0xffff  }
0x2d8: {  	v1 =	vmul.f32 v1, v59;
	v3 =	vmul.f32 v3, v2;
	_ =	sdelay $0x1  }
0x2d9: {  	v1 =	vadd.f32 v3, v1;
	v3 =	vmul.f32 v5, v45  }
0x2da: {  	v5 =	vor.u32 $0x382, v4  }
0x2db: {  	v1 =	vadd.f32 v3, v1;
	v3 =	vmul.f32 v6, v63;
	v6 =	vor.u32 $0x703, v0  }
0x2dc: {  	v14 =	vmov v50;
	v50 =	vor.u32 $0x707, v0  }
0x2dd: {  	v1 =	vadd.f32 v3, v1  }
0x2de: {  	v12 =	vmov v49;
	v49 =	vor.u32 $0x70B, v0  }
0x2df: {  	[tilespmem:v5+s20+$0x0] =	vst.idx.msk $0xffff, v1  }
0x2e0: {  	[tilespmem:$0x1FD10] =	vst v8;
	v8 =	vmov v46;
	v1 =	vor.u32 $0x70F, v0;
	v46 =	vld.idx.msk [tilespmem:v6+s26+$0x0], $0xffff  }
0x2e1: {  	[tilespmem:$0x1FD40] =	vst v6;
	v6 =	vmov v47;
	v47 =	vld.idx.msk [tilespmem:v50+s26+$0x0], $0xffff;
	_ =	sdelay $0x1  }
0x2e2: {  	v3 =	vmov v48;
	v48 =	vld.idx.msk [tilespmem:v49+s26+$0x0], $0xffff;
	_ =	sdelay $0x1  }
0x2e3: {  	[tilespmem:$0x1FD60] =	vst v49;
	v49 =	vld.idx.msk [tilespmem:v1+s26+$0x0], $0xffff  }
0x2e4: {  	v46 =	vmul.f32 v46, v59;
	v2 =	vmul.f32 v47, v2;
	_ =	sdelay $0x1  }
0x2e5: {  	v45 =	vmul.f32 v48, v45;
	v46 =	vadd.f32 v2, v46  }
0x2e6: {  	[tilespmem:$0x1FD70] =	vst v1;
	v1 =	vor.u32 $0x383, v4  }
0x2e7: {  	v45 =	vadd.f32 v45, v46;
	v49 =	vmul.f32 v49, v63  }
0x2e8: {  	[tilespmem:$0x1FD50] =	vst v50  }
0x2e9: {  	[tilespmem:$0x1FD30] =	vst v5;
	v45 =	vadd.f32 v49, v45  }
0x2ea: {  	[tilespmem:$0x1FD80] =	vst v1  }
0x2eb: {  	s8 =	smin.u32 s7, $0x4F;
	[tilespmem:v1+s20+$0x0] =	vst.idx.msk $0xffff, v45  }
0x2ec: {  	[spmem:s4] =	stream.indirect.scatter.add.f32 [tilespmem:s20], [sflag:$0x5], $0x8, s23, s25, $0xb8;
	[tilespmem:$0x162D0] =	vst v63  }
0x2ed: {  	s8 =	sadd.s32 s8, s14;
	_ =	swait.ge [sflag:s18], $0x400  }
0x2ee: {  	s8 =	sshll.u32 s8, $0x4;
	[sflag:s18] =	ssyncset.done $0x0  }
0x2ef: {  	s9 =	sadd.s32 s1, s8;
	[sflag:s18] =	ssyncadd.s32 $0xFFFFFC00  }
0x2f0: {  	[tilespmem:s22], [sflag:$0x3] =	stream.linear.gather [hbm4b:s9+s5], $0x80, $0x38;
	[tilespmem:$0x162D0] =	vst v63  }
0x2f1: {  	s8 =	sadd.s32 s2, s8  }
0x2f2: {  	[tilespmem:s23], [sflag:$0x3] =	stream.linear.gather [hbm4b:s8+s5], $0x80, $0x38;
	[tilespmem:$0x162D0] =	vst v63  }
0x2f3: {  	_ =	swait.ge [sflag:s24], $0x80  }
0x2f4: {  	[sflag:s24] =	ssyncset.done $0x0  }
0x2f5: {  	[sflag:s24] =	ssyncadd.s32 $0xFFFFFF80  }
0x2f6: {  	_ =	swait.ge [sflag:s24], $0x80  }
0x2f7: {  	[sflag:s24] =	ssyncset.done $0x0  }
0x2f8: {  	[sflag:s24] =	ssyncadd.s32 $0xFFFFFF80  }
0x2f9: {  	[tilespmem:s26], [sflag:$0x1] =	stream.indirect.gather [hbm4b:s0+s25], $0x10, s22, s25, $0xb8;
	[tilespmem:$0x162D0] =	vst v63  }
0x2fa: {  	_ =	swait.ge [sflag:s19], $0x800  }
0x2fb: {  	[sflag:s19] =	ssyncset.done $0x0  }
0x2fc: {  	[sflag:s19] =	ssyncadd.s32 $0xFFFFF800  }
0x2fd: {  	v50 =	vld [tilespmem:$0x14D80];
	_ =	sdelay $0x3  }
0x2fe: {  	v59 =	vld [tilespmem:$0x14E80]  }
0x2ff: {  	v45 =	vshll.u32 v50, $0x3  }
0x300: {  	v63 =	vor.u32 $0x1, v45  }
0x301: {  	v48 =	vor.u32 $0x2, v45  }
0x302: {  	v49 =	vor.u32 $0x3, v45  }
0x303: {  	v46 =	vshll.u32 v59, $0x3  }
0x304: {  	v59 =	vor.u32 $0x1, v46;
	v45 =	vld.idx.msk [tilespmem:v45+s5+$0x0], $0xffff  }
0x305: {  	v50 =	vor.u32 $0x3, v46;
	v47 =	vld.idx.msk [tilespmem:v63+s5+$0x0], $0xffff  }
0x306: {  	v63 =	vor.u32 $0x2, v46;
	v48 =	vld.idx.msk [tilespmem:v48+s5+$0x0], $0xffff  }
0x307: {  	v49 =	vld.idx.msk [tilespmem:v49+s5+$0x0], $0xffff  }
0x308: {  	v46 =	vld.idx.msk [tilespmem:v46+s5+$0x0], $0xffff  }
0x309: {  	v59 =	vld.idx.msk [tilespmem:v59+s5+$0x0], $0xffff  }
0x30a: {  	v50 =	vld.idx.msk [tilespmem:v50+s5+$0x0], $0xffff  }
0x30b: {  	v63 =	vld.idx.msk [tilespmem:v63+s5+$0x0], $0xffff;
	_ =	sdelay $0x3  }
0x30c: {  	v45 =	vsub.f32 v45, v46;
	v46 =	vsub.f32 v47, v59  }
0x30d: {  	v59 =	vsub.f32 v48, v63;
	v63 =	vsub.f32 v49, v50  }
0x30e: {  	v45 =	vadd.f32 v45, v52;
	v46 =	vadd.f32 v46, v60  }
0x30f: {  	v47 =	vadd.f32 v59, v61;
	v48 =	vadd.f32 v63, v62;
	_ =	sdelay $0x1  }
0x310: {  	v59 =	vmax.f32 v45, v46;
	v63 =	vmax.f32 v47, v48  }
0x311: {  	v49 =	vmax.f32 v59, v63  }
0x312: {  	v45 =	vsub.f32 v45, v49  }
0x313: {  	v46 =	vsub.f32 v46, v49  }
0x314: {  	v47 =	vsub.f32 v47, v49;
	v45 =	vmul.f32 $1.442695020e+00, v45  }
0x315: {  	v48 =	vsub.f32 v48, v49;
	v46 =	vmul.f32 $1.442695020e+00, v46  }
0x316: {  	v50 =	vmul.f32 $1.442695020e+00, v47;
	(erf) = vpow2.f32 v45  }
0x317: {  	v59 =	vmul.f32 $1.442695020e+00, v48;
	(erf) = vpow2.f32 v46  }
0x318: {  	(erf) = vpow2.f32 v50  }
0x319: {  	(erf) = vpow2.f32 v59;
	_ =	sdelay $0x5  }
0x31a: {  	v45 =	vpop (erf)  }
0x31b: {  	v46 =	vpop (erf)  }
0x31c: {  	v47 =	vpop (erf)  }
0x31d: {  	v48 =	vpop (erf)  }
0x31e: {  	v63 =	vadd.f32 v46, v45;
	v59 =	vadd.f32 v48, v47  }
0x31f: {  	v1 =	vld [tilespmem:$0x1FE00]  }
0x320: {  	v49 =	vadd.f32 v59, v63;
	_ =	sdelay $0x1  }
0x321: {  	(erf) = vrcp.f32 v49;
	_ =	sdelay $0x3  }
0x322: {  	v50 =	vld.idx.msk [tilespmem:v51+s31+$0x0], $0xffff  }
0x323: {  	v63 =	vld.idx.msk [tilespmem:v1+s31+$0x0], $0xffff  }
0x324: {  	v1 =	vmov v51;
	v51 =	vld [tilespmem:$0x1FFE0]  }
0x325: {  	v49 =	vld.idx.msk [tilespmem:v0+s31+$0x0], $0xffff;
	_ =	sdelay $0x1  }
0x326: {  	v59 =	vpop (erf)  }
0x327: {  	v45 =	vmul.f32 v59, v45;
	v46 =	vmul.f32 v59, v46  }
0x328: {  	v47 =	vmul.f32 v59, v47  }
0x329: {  	v49 =	vmul.f32 v45, v49;
	v50 =	vmul.f32 v46, v50;
	_ =	sdelay $0x1  }
0x32a: {  	v51 =	vld.idx.msk [tilespmem:v51+s31+$0x0], $0xffff;
	v63 =	vmul.f32 v47, v63;
	v49 =	vadd.f32 v50, v49;
	_ =	sdelay $0x1  }
0x32b: {  	v49 =	vadd.f32 v49, v63;
	v63 =	vld [tilespmem:$0x1FFD0]  }
0x32c: {  	v48 =	vmul.f32 v59, v48;
	_ =	sdelay $0x1  }
0x32d: {  	v59 =	vmul.f32 v48, v51;
	_ =	sdelay $0x1  }
0x32e: {  	v49 =	vadd.f32 v49, v59;
	_ =	sdelay $0x1  }
0x32f: {  	v59 =	vld [tilespmem:$0x1FF00];
	[tilespmem:v4+s20+$0x0] =	vst.idx.msk $0xffff, v49  }
0x330: {  	v49 =	vld.idx.msk [tilespmem:v63+s31+$0x0], $0xffff  }
0x331: {  	v63 =	vld [tilespmem:$0x1FF40];
	_ =	sdelay $0x3  }
0x332: {  	v50 =	vld.idx.msk [tilespmem:v13+s31+$0x0], $0xffff;
	_ =	sdelay $0x1  }
0x333: {  	v51 =	vld.idx.msk [tilespmem:v59+s31+$0x0], $0xffff;
	_ =	sdelay $0x1  }
0x334: {  	v59 =	vld.idx.msk [tilespmem:v63+s31+$0x0], $0xffff  }
0x335: {  	v50 =	vmul.f32 v46, v50;
	v49 =	vmul.f32 v45, v49;
	_ =	sdelay $0x1  }
0x336: {  	v49 =	vadd.f32 v50, v49;
	v63 =	vmul.f32 v47, v51;
	_ =	sdelay $0x1  }
0x337: {  	v49 =	vadd.f32 v49, v63;
	v63 =	vmul.f32 v48, v59;
	v59 =	vld [tilespmem:$0x1FFC0];
	_ =	sdelay $0x3  }
0x338: {  	v49 =	vadd.f32 v49, v63;
	v63 =	vld [tilespmem:$0x1FE10];
	_ =	sdelay $0x3  }
0x339: {  	[tilespmem:v59+s20+$0x0] =	vst.idx.msk $0xffff, v49;
	v59 =	vld [tilespmem:$0x1FE20];
	_ =	sdelay $0x3  }
0x33a: {  	v50 =	vld.idx.msk [tilespmem:v63+s31+$0x0], $0xffff  }
0x33b: {  	v63 =	vld [tilespmem:$0x1FE30]  }
0x33c: {  	v49 =	vld.idx.msk [tilespmem:v17+s31+$0x0], $0xffff;
	_ =	sdelay $0x1  }
0x33d: {  	v51 =	vld.idx.msk [tilespmem:v59+s31+$0x0], $0xffff;
	_ =	sdelay $0x2  }
0x33e: {  	v49 =	vmul.f32 v49, v45;
	v50 =	vmul.f32 v50, v46;
	_ =	sdelay $0x1  }
0x33f: {  	v49 =	vadd.f32 v50, v49;
	v59 =	vld.idx.msk [tilespmem:v63+s31+$0x0], $0xffff;
	v63 =	vmul.f32 v51, v47;
	_ =	sdelay $0x1  }
0x340: {  	v49 =	vadd.f32 v63, v49;
	v63 =	vld [tilespmem:$0x1FE40];
	_ =	sdelay $0x3  }
0x341: {  	v59 =	vmul.f32 v59, v48;
	_ =	sdelay $0x1  }
0x342: {  	v49 =	vadd.f32 v59, v49;
	v59 =	vld [tilespmem:$0x1FE50];
	_ =	sdelay $0x1  }
0x343: {  	[tilespmem:v63+s20+$0x0] =	vst.idx.msk $0xffff, v49;
	v63 =	vld [tilespmem:$0x1FE60];
	_ =	sdelay $0x5  }
0x344: {  	v49 =	vld.idx.msk [tilespmem:v59+s31+$0x0], $0xffff  }
0x345: {  	v59 =	vld [tilespmem:$0x1FE70]  }
0x346: {  	v50 =	vld.idx.msk [tilespmem:v63+s31+$0x0], $0xffff  }
0x347: {  	v63 =	vld [tilespmem:$0x1FE80];
	_ =	sdelay $0x6  }
0x348: {  	v51 =	vld.idx.msk [tilespmem:v59+s31+$0x0], $0xffff  }
0x349: {  	v59 =	vld.idx.msk [tilespmem:v63+s31+$0x0], $0xffff;
	_ =	sdelay $0x3  }
0x34a: {  	v45 =	vmul.f32 v49, v45;
	v46 =	vmul.f32 v50, v46  }
0x34b: {  	v50 =	vmul.f32 v51, v47;
	v51 =	vmul.f32 v59, v48;
	v59 =	vld [tilespmem:$0x1FE90];
	_ =	sdelay $0x1  }
0x34c: {  	v45 =	vadd.f32 v46, v45;
	_ =	sdelay $0x1  }
0x34d: {  	v45 =	vadd.f32 v50, v45;
	_ =	sdelay $0x1  }
0x34e: {  	v45 =	vadd.f32 v51, v45;
	_ =	sdelay $0x1  }
0x34f: {  	[tilespmem:v59+s20+$0x0] =	vst.idx.msk $0xffff, v45  }
0x350: {  	v45 =	vld [tilespmem:$0x14D90];
	_ =	sdelay $0x3  }
0x351: {  	v46 =	vld [tilespmem:$0x14E90]  }
0x352: {  	v45 =	vshll.u32 v45, $0x3  }
0x353: {  	v63 =	vor.u32 $0x1, v45  }
0x354: {  	v59 =	vor.u32 $0x2, v45  }
0x355: {  	v49 =	vor.u32 $0x3, v45  }
0x356: {  	v46 =	vshll.u32 v46, $0x3  }
0x357: {  	v50 =	vor.u32 $0x1, v46;
	v45 =	vld.idx.msk [tilespmem:v45+s5+$0x0], $0xffff  }
0x358: {  	v51 =	vor.u32 $0x2, v46;
	v47 =	vld.idx.msk [tilespmem:v63+s5+$0x0], $0xffff  }
0x359: {  	v48 =	vld.idx.msk [tilespmem:v59+s5+$0x0], $0xffff;
	v63 =	vor.u32 $0x3, v46  }
0x35a: {  	v49 =	vld.idx.msk [tilespmem:v49+s5+$0x0], $0xffff  }
0x35b: {  	v46 =	vld.idx.msk [tilespmem:v46+s5+$0x0], $0xffff  }
0x35c: {  	v50 =	vld.idx.msk [tilespmem:v50+s5+$0x0], $0xffff  }
0x35d: {  	v51 =	vld.idx.msk [tilespmem:v51+s5+$0x0], $0xffff  }
0x35e: {  	v59 =	vld.idx.msk [tilespmem:v63+s5+$0x0], $0xffff;
	_ =	sdelay $0x3  }
0x35f: {  	v45 =	vsub.f32 v45, v46;
	v46 =	vsub.f32 v47, v50  }
0x360: {  	v47 =	vsub.f32 v48, v51;
	v63 =	vsub.f32 v49, v59  }
0x361: {  	v45 =	vadd.f32 v45, v52;
	v46 =	vadd.f32 v46, v60  }
0x362: {  	v47 =	vadd.f32 v47, v61;
	v48 =	vadd.f32 v63, v62;
	_ =	sdelay $0x1  }
0x363: {  	v59 =	vmax.f32 v45, v46;
	v63 =	vmax.f32 v47, v48  }
0x364: {  	v49 =	vmax.f32 v59, v63  }
0x365: {  	v45 =	vsub.f32 v45, v49  }
0x366: {  	v46 =	vsub.f32 v46, v49  }
0x367: {  	v47 =	vsub.f32 v47, v49;
	v45 =	vmul.f32 $1.442695020e+00, v45  }
0x368: {  	v48 =	vsub.f32 v48, v49;
	v46 =	vmul.f32 $1.442695020e+00, v46  }
0x369: {  	v51 =	vmul.f32 $1.442695020e+00, v47;
	(erf) = vpow2.f32 v45  }
0x36a: {  	v59 =	vmul.f32 $1.442695020e+00, v48;
	(erf) = vpow2.f32 v46  }
0x36b: {  	(erf) = vpow2.f32 v51  }
0x36c: {  	(erf) = vpow2.f32 v59;
	_ =	sdelay $0x5  }
0x36d: {  	v45 =	vpop (erf)  }
0x36e: {  	v46 =	vpop (erf)  }
0x36f: {  	v47 =	vpop (erf)  }
0x370: {  	v48 =	vpop (erf)  }
0x371: {  	v63 =	vadd.f32 v46, v45;
	v59 =	vadd.f32 v48, v47;
	_ =	sdelay $0x1  }
0x372: {  	v49 =	vadd.f32 v59, v63;
	v63 =	vld [tilespmem:$0x1FEA0];
	_ =	sdelay $0x6  }
0x373: {  	v59 =	vld [tilespmem:$0x1FEB0]  }
0x374: {  	(erf) = vrcp.f32 v49;
	v49 =	vld.idx.msk [tilespmem:v63+s31+$0x0], $0xffff  }
0x375: {  	v63 =	vld [tilespmem:$0x1FEC0];
	_ =	sdelay $0x6  }
0x376: {  	v50 =	vld.idx.msk [tilespmem:v59+s31+$0x0], $0xffff  }
0x377: {  	v59 =	vld.idx.msk [tilespmem:v63+s31+$0x0], $0xffff  }
0x378: {  	v63 =	vld [tilespmem:$0x1FED0];
	_ =	sdelay $0x5  }
0x379: {  	v51 =	vpop (erf)  }
0x37a: {  	v45 =	vmul.f32 v51, v45;
	v46 =	vmul.f32 v51, v46  }
0x37b: {  	v47 =	vmul.f32 v51, v47;
	v63 =	vld.idx.msk [tilespmem:v63+s31+$0x0], $0xffff  }
0x37c: {  	v49 =	vmul.f32 v45, v49;
	v50 =	vmul.f32 v46, v50;
	_ =	sdelay $0x1  }
0x37d: {  	v48 =	vmul.f32 v51, v48;
	v49 =	vadd.f32 v50, v49;
	v59 =	vmul.f32 v47, v59;
	_ =	sdelay $0x1  }
0x37e: {  	v49 =	vadd.f32 v49, v59;
	v63 =	vmul.f32 v48, v63  }
0x37f: {  	v59 =	vld [tilespmem:$0x1FEE0]  }
0x380: {  	v49 =	vadd.f32 v49, v63;
	v63 =	vld [tilespmem:$0x1FEF0];
	_ =	sdelay $0x6  }
0x381: {  	[tilespmem:v59+s20+$0x0] =	vst.idx.msk $0xffff, v49;
	v59 =	vld [tilespmem:$0x1FF10]  }
0x382: {  	v49 =	vld.idx.msk [tilespmem:v63+s31+$0x0], $0xffff  }
0x383: {  	v63 =	vld [tilespmem:$0x1FF20];
	_ =	sdelay $0x3  }
0x384: {  	v50 =	vld.idx.msk [tilespmem:v33+s31+$0x0], $0xffff;
	_ =	sdelay $0x1  }
0x385: {  	v51 =	vld.idx.msk [tilespmem:v59+s31+$0x0], $0xffff;
	_ =	sdelay $0x1  }
0x386: {  	v59 =	vld.idx.msk [tilespmem:v63+s31+$0x0], $0xffff  }
0x387: {  	v50 =	vmul.f32 v46, v50;
	v49 =	vmul.f32 v45, v49;
	_ =	sdelay $0x1  }
0x388: {  	v49 =	vadd.f32 v50, v49;
	v63 =	vmul.f32 v47, v51;
	_ =	sdelay $0x1  }
0x389: {  	v49 =	vadd.f32 v49, v63;
	v63 =	vmul.f32 v48, v59  }
0x38a: {  	v59 =	vld [tilespmem:$0x1FF30]  }
0x38b: {  	v49 =	vadd.f32 v49, v63;
	v63 =	vld [tilespmem:$0x1FF50];
	_ =	sdelay $0x6  }
0x38c: {  	[tilespmem:v59+s20+$0x0] =	vst.idx.msk $0xffff, v49;
	v59 =	vld [tilespmem:$0x1FF60]  }
0x38d: {  	v50 =	vld.idx.msk [tilespmem:v63+s31+$0x0], $0xffff  }
0x38e: {  	v63 =	vld [tilespmem:$0x1FF70];
	_ =	sdelay $0x3  }
0x38f: {  	v49 =	vld.idx.msk [tilespmem:v37+s31+$0x0], $0xffff;
	_ =	sdelay $0x1  }
0x390: {  	v51 =	vld.idx.msk [tilespmem:v59+s31+$0x0], $0xffff;
	_ =	sdelay $0x1  }
0x391: {  	v59 =	vld.idx.msk [tilespmem:v63+s31+$0x0], $0xffff  }
0x392: {  	v49 =	vmul.f32 v49, v45;
	v50 =	vmul.f32 v50, v46;
	_ =	sdelay $0x1  }
0x393: {  	v49 =	vadd.f32 v50, v49;
	v63 =	vmul.f32 v51, v47;
	_ =	sdelay $0x1  }
0x394: {  	v49 =	vadd.f32 v63, v49;
	v59 =	vmul.f32 v59, v48  }
0x395: {  	v63 =	vld [tilespmem:$0x1FF80]  }
0x396: {  	v49 =	vadd.f32 v59, v49;
	v59 =	vld [tilespmem:$0x1FF90];
	_ =	sdelay $0x6  }
0x397: {  	[tilespmem:v63+s20+$0x0] =	vst.idx.msk $0xffff, v49;
	v63 =	vld [tilespmem:$0x1FFA0]  }
0x398: {  	v49 =	vld.idx.msk [tilespmem:v59+s31+$0x0], $0xffff  }
0x399: {  	v59 =	vld [tilespmem:$0x1FFB0];
	_ =	sdelay $0x5  }
0x39a: {  	v50 =	vld.idx.msk [tilespmem:v63+s31+$0x0], $0xffff;
	_ =	sdelay $0x1  }
0x39b: {  	v51 =	vld.idx.msk [tilespmem:v59+s31+$0x0], $0xffff;
	_ =	sdelay $0x1  }
0x39c: {  	v63 =	vld.idx.msk [tilespmem:v11+s31+$0x0], $0xffff  }
0x39d: {  	v45 =	vmul.f32 v49, v45;
	v46 =	vmul.f32 v50, v46;
	_ =	sdelay $0x1  }
0x39e: {  	v45 =	vadd.f32 v46, v45;
	v51 =	vmul.f32 v51, v47;
	_ =	sdelay $0x1  }
0x39f: {  	v59 =	vmul.f32 v63, v48;
	v45 =	vadd.f32 v51, v45;
	_ =	sdelay $0x1  }
0x3a0: {  	v45 =	vadd.f32 v59, v45;
	_ =	sdelay $0x1  }
0x3a1: {  	[tilespmem:v8+s20+$0x0] =	vst.idx.msk $0xffff, v45  }
0x3a2: {  	v45 =	vld [tilespmem:$0x14DA0];
	_ =	sdelay $0x3  }
0x3a3: {  	v46 =	vld [tilespmem:$0x14EA0]  }
0x3a4: {  	v45 =	vshll.u32 v45, $0x3  }
0x3a5: {  	v63 =	vor.u32 $0x1, v45  }
0x3a6: {  	v59 =	vor.u32 $0x2, v45  }
0x3a7: {  	v49 =	vor.u32 $0x3, v45  }
0x3a8: {  	v46 =	vshll.u32 v46, $0x3  }
0x3a9: {  	v50 =	vor.u32 $0x1, v46;
	v45 =	vld.idx.msk [tilespmem:v45+s5+$0x0], $0xffff  }
0x3aa: {  	v51 =	vor.u32 $0x2, v46;
	v47 =	vld.idx.msk [tilespmem:v63+s5+$0x0], $0xffff  }
0x3ab: {  	v48 =	vld.idx.msk [tilespmem:v59+s5+$0x0], $0xffff;
	v63 =	vor.u32 $0x3, v46  }
0x3ac: {  	v49 =	vld.idx.msk [tilespmem:v49+s5+$0x0], $0xffff  }
0x3ad: {  	v46 =	vld.idx.msk [tilespmem:v46+s5+$0x0], $0xffff  }
0x3ae: {  	v50 =	vld.idx.msk [tilespmem:v50+s5+$0x0], $0xffff  }
0x3af: {  	v51 =	vld.idx.msk [tilespmem:v51+s5+$0x0], $0xffff  }
0x3b0: {  	v59 =	vld.idx.msk [tilespmem:v63+s5+$0x0], $0xffff;
	_ =	sdelay $0x3  }
0x3b1: {  	v45 =	vsub.f32 v45, v46;
	v46 =	vsub.f32 v47, v50  }
0x3b2: {  	v47 =	vsub.f32 v48, v51;
	v63 =	vsub.f32 v49, v59  }
0x3b3: {  	v45 =	vadd.f32 v45, v52;
	v46 =	vadd.f32 v46, v60  }
0x3b4: {  	v47 =	vadd.f32 v47, v61;
	v48 =	vadd.f32 v63, v62;
	_ =	sdelay $0x1  }
0x3b5: {  	v59 =	vmax.f32 v45, v46;
	v63 =	vmax.f32 v47, v48  }
0x3b6: {  	v49 =	vmax.f32 v59, v63  }
0x3b7: {  	v45 =	vsub.f32 v45, v49  }
0x3b8: {  	v46 =	vsub.f32 v46, v49  }
0x3b9: {  	v47 =	vsub.f32 v47, v49;
	v45 =	vmul.f32 $1.442695020e+00, v45  }
0x3ba: {  	v48 =	vsub.f32 v48, v49;
	v46 =	vmul.f32 $1.442695020e+00, v46  }
0x3bb: {  	v50 =	vmul.f32 $1.442695020e+00, v47;
	(erf) = vpow2.f32 v45  }
0x3bc: {  	v51 =	vmul.f32 $1.442695020e+00, v48;
	(erf) = vpow2.f32 v46  }
0x3bd: {  	(erf) = vpow2.f32 v50  }
0x3be: {  	(erf) = vpow2.f32 v51;
	_ =	sdelay $0x5  }
0x3bf: {  	v45 =	vpop (erf)  }
0x3c0: {  	v46 =	vpop (erf)  }
0x3c1: {  	v47 =	vpop (erf)  }
0x3c2: {  	v48 =	vpop (erf)  }
0x3c3: {  	v59 =	vadd.f32 v46, v45;
	v63 =	vadd.f32 v48, v47;
	_ =	sdelay $0x1  }
0x3c4: {  	v49 =	vadd.f32 v63, v59;
	_ =	sdelay $0x1  }
0x3c5: {  	(erf) = vrcp.f32 v49;
	_ =	sdelay $0x5  }
0x3c6: {  	v50 =	vld.idx.msk [tilespmem:v3+s31+$0x0], $0xffff  }
0x3c7: {  	v49 =	vld.idx.msk [tilespmem:v6+s31+$0x0], $0xffff;
	_ =	sdelay $0x1  }
0x3c8: {  	v59 =	vld.idx.msk [tilespmem:v12+s31+$0x0], $0xffff;
	v51 =	vpop (erf)  }
0x3c9: {  	v45 =	vmul.f32 v51, v45;
	v46 =	vmul.f32 v51, v46  }
0x3ca: {  	v47 =	vmul.f32 v51, v47  }
0x3cb: {  	v49 =	vmul.f32 v45, v49;
	v50 =	vmul.f32 v46, v50;
	_ =	sdelay $0x1  }
0x3cc: {  	v59 =	vmul.f32 v47, v59;
	v49 =	vadd.f32 v50, v49  }
0x3cd: {  	v63 =	vld.idx.msk [tilespmem:v14+s31+$0x0], $0xffff  }
0x3ce: {  	v49 =	vadd.f32 v49, v59;
	v59 =	vld [tilespmem:$0x1FFF0];
	_ =	sdelay $0x1  }
0x3cf: {  	v48 =	vmul.f32 v51, v48;
	_ =	sdelay $0x1  }
0x3d0: {  	v63 =	vmul.f32 v48, v63;
	_ =	sdelay $0x1  }
0x3d1: {  	v49 =	vadd.f32 v49, v63;
	_ =	sdelay $0x1  }
0x3d2: {  	[tilespmem:v59+s20+$0x0] =	vst.idx.msk $0xffff, v49  }
0x3d3: {  	v49 =	vld.idx.msk [tilespmem:v54+s31+$0x0], $0xffff  }
0x3d4: {  	v50 =	vld.idx.msk [tilespmem:v55+s31+$0x0], $0xffff;
	_ =	sdelay $0x1  }
0x3d5: {  	v63 =	vld.idx.msk [tilespmem:v56+s31+$0x0], $0xffff;
	_ =	sdelay $0x1  }
0x3d6: {  	v59 =	vld.idx.msk [tilespmem:v57+s31+$0x0], $0xffff  }
0x3d7: {  	v49 =	vmul.f32 v45, v49;
	v50 =	vmul.f32 v46, v50;
	_ =	sdelay $0x1  }
0x3d8: {  	v63 =	vmul.f32 v47, v63;
	v49 =	vadd.f32 v50, v49;
	_ =	sdelay $0x1  }
0x3d9: {  	v49 =	vadd.f32 v49, v63;
	v63 =	vmul.f32 v48, v59;
	v59 =	vld [tilespmem:$0x1FD90];
	_ =	sdelay $0x1  }
0x3da: {  	v49 =	vadd.f32 v49, v63;
	_ =	sdelay $0x1  }
0x3db: {  	v63 =	vld [tilespmem:$0x1FDA0];
	[tilespmem:v58+s20+$0x0] =	vst.idx.msk $0xffff, v49  }
0x3dc: {  	v49 =	vld.idx.msk [tilespmem:v10+s31+$0x0], $0xffff  }
0x3dd: {  	v50 =	vld.idx.msk [tilespmem:v7+s31+$0x0], $0xffff;
	_ =	sdelay $0x1  }
0x3de: {  	v51 =	vld.idx.msk [tilespmem:v59+s31+$0x0], $0xffff;
	_ =	sdelay $0x2  }
0x3df: {  	v49 =	vmul.f32 v49, v45;
	v50 =	vmul.f32 v50, v46;
	_ =	sdelay $0x1  }
0x3e0: {  	v59 =	vld.idx.msk [tilespmem:v63+s31+$0x0], $0xffff;
	v49 =	vadd.f32 v50, v49;
	v63 =	vmul.f32 v51, v47;
	_ =	sdelay $0x1  }
0x3e1: {  	v49 =	vadd.f32 v63, v49;
	v63 =	vld [tilespmem:$0x1FDB0];
	_ =	sdelay $0x3  }
0x3e2: {  	v59 =	vmul.f32 v59, v48;
	_ =	sdelay $0x1  }
0x3e3: {  	v49 =	vadd.f32 v59, v49;
	v59 =	vld [tilespmem:$0x1FDC0];
	_ =	sdelay $0x1  }
0x3e4: {  	[tilespmem:v63+s20+$0x0] =	vst.idx.msk $0xffff, v49;
	v63 =	vld [tilespmem:$0x1FDD0];
	_ =	sdelay $0x5  }
0x3e5: {  	v49 =	vld.idx.msk [tilespmem:v59+s31+$0x0], $0xffff  }
0x3e6: {  	v59 =	vld [tilespmem:$0x1FDE0]  }
0x3e7: {  	v50 =	vld.idx.msk [tilespmem:v63+s31+$0x0], $0xffff  }
0x3e8: {  	v63 =	vld [tilespmem:$0x1FDF0];
	_ =	sdelay $0x6  }
0x3e9: {  	v51 =	vld.idx.msk [tilespmem:v59+s31+$0x0], $0xffff  }
0x3ea: {  	v59 =	vld.idx.msk [tilespmem:v63+s31+$0x0], $0xffff;
	_ =	sdelay $0x3  }
0x3eb: {  	v45 =	vmul.f32 v49, v45;
	v46 =	vmul.f32 v50, v46  }
0x3ec: {  	v50 =	vmul.f32 v51, v47;
	v51 =	vmul.f32 v59, v48;
	v59 =	vld [tilespmem:$0x1F910];
	_ =	sdelay $0x1  }
0x3ed: {  	v45 =	vadd.f32 v46, v45;
	_ =	sdelay $0x1  }
0x3ee: {  	v45 =	vadd.f32 v50, v45;
	_ =	sdelay $0x1  }
0x3ef: {  	v45 =	vadd.f32 v51, v45;
	_ =	sdelay $0x1  }
0x3f0: {  	[tilespmem:v59+s20+$0x0] =	vst.idx.msk $0xffff, v45  }
0x3f1: {  	v45 =	vld [tilespmem:$0x14DB0];
	_ =	sdelay $0x3  }
0x3f2: {  	v46 =	vld [tilespmem:$0x14EB0]  }
0x3f3: {  	v45 =	vshll.u32 v45, $0x3  }
0x3f4: {  	v63 =	vor.u32 $0x1, v45  }
0x3f5: {  	v59 =	vor.u32 $0x2, v45  }
0x3f6: {  	v49 =	vor.u32 $0x3, v45  }
0x3f7: {  	v46 =	vshll.u32 v46, $0x3  }
0x3f8: {  	v50 =	vor.u32 $0x1, v46;
	v45 =	vld.idx.msk [tilespmem:v45+s5+$0x0], $0xffff  }
0x3f9: {  	v51 =	vor.u32 $0x2, v46;
	v47 =	vld.idx.msk [tilespmem:v63+s5+$0x0], $0xffff  }
0x3fa: {  	v48 =	vld.idx.msk [tilespmem:v59+s5+$0x0], $0xffff;
	v63 =	vor.u32 $0x3, v46  }
0x3fb: {  	v49 =	vld.idx.msk [tilespmem:v49+s5+$0x0], $0xffff  }
0x3fc: {  	v46 =	vld.idx.msk [tilespmem:v46+s5+$0x0], $0xffff  }
0x3fd: {  	v50 =	vld.idx.msk [tilespmem:v50+s5+$0x0], $0xffff  }
0x3fe: {  	v51 =	vld.idx.msk [tilespmem:v51+s5+$0x0], $0xffff  }
0x3ff: {  	v59 =	vld.idx.msk [tilespmem:v63+s5+$0x0], $0xffff;
	_ =	sdelay $0x3  }
0x400: {  	v45 =	vsub.f32 v45, v46;
	v46 =	vsub.f32 v47, v50  }
0x401: {  	v47 =	vsub.f32 v48, v51;
	v63 =	vsub.f32 v49, v59  }
0x402: {  	v45 =	vadd.f32 v45, v52;
	v46 =	vadd.f32 v46, v60  }
0x403: {  	v47 =	vadd.f32 v47, v61;
	v48 =	vadd.f32 v63, v62;
	_ =	sdelay $0x1  }
0x404: {  	v59 =	vmax.f32 v45, v46;
	v63 =	vmax.f32 v47, v48  }
0x405: {  	v49 =	vmax.f32 v59, v63  }
0x406: {  	v45 =	vsub.f32 v45, v49  }
0x407: {  	v46 =	vsub.f32 v46, v49  }
0x408: {  	v47 =	vsub.f32 v47, v49;
	v45 =	vmul.f32 $1.442695020e+00, v45  }
0x409: {  	v48 =	vsub.f32 v48, v49;
	v46 =	vmul.f32 $1.442695020e+00, v46  }
0x40a: {  	v51 =	vmul.f32 $1.442695020e+00, v47;
	(erf) = vpow2.f32 v45  }
0x40b: {  	v59 =	vmul.f32 $1.442695020e+00, v48;
	(erf) = vpow2.f32 v46  }
0x40c: {  	(erf) = vpow2.f32 v51  }
0x40d: {  	(erf) = vpow2.f32 v59;
	_ =	sdelay $0x5  }
0x40e: {  	v45 =	vpop (erf)  }
0x40f: {  	v46 =	vpop (erf)  }
0x410: {  	v47 =	vpop (erf)  }
0x411: {  	v48 =	vpop (erf)  }
0x412: {  	v63 =	vadd.f32 v46, v45;
	v59 =	vadd.f32 v48, v47;
	_ =	sdelay $0x1  }
0x413: {  	v49 =	vadd.f32 v59, v63;
	v63 =	vld [tilespmem:$0x1F920];
	_ =	sdelay $0x7  }
0x414: {  	(erf) = vrcp.f32 v49;
	v49 =	vld.idx.msk [tilespmem:v63+s31+$0x0], $0xffff  }
0x415: {  	v63 =	vld [tilespmem:$0x1F940];
	_ =	sdelay $0x4  }
0x416: {  	v59 =	vld [tilespmem:$0x1F930];
	_ =	sdelay $0x2  }
0x417: {  	v51 =	vld.idx.msk [tilespmem:v63+s31+$0x0], $0xffff  }
0x418: {  	v63 =	vld [tilespmem:$0x1F950];
	_ =	sdelay $0x3  }
0x419: {  	v50 =	vld.idx.msk [tilespmem:v59+s31+$0x0], $0xffff;
	_ =	sdelay $0x1  }
0x41a: {  	v59 =	vpop (erf)  }
0x41b: {  	v45 =	vmul.f32 v59, v45;
	v46 =	vmul.f32 v59, v46  }
0x41c: {  	v47 =	vmul.f32 v59, v47;
	v63 =	vld.idx.msk [tilespmem:v63+s31+$0x0], $0xffff  }
0x41d: {  	v49 =	vmul.f32 v45, v49;
	v50 =	vmul.f32 v46, v50;
	_ =	sdelay $0x1  }
0x41e: {  	v48 =	vmul.f32 v59, v48;
	v49 =	vadd.f32 v50, v49;
	v59 =	vmul.f32 v47, v51;
	_ =	sdelay $0x1  }
0x41f: {  	v49 =	vadd.f32 v49, v59;
	v59 =	vmul.f32 v48, v63;
	v63 =	vld [tilespmem:$0x1F960];
	_ =	sdelay $0x4  }
0x420: {  	v49 =	vadd.f32 v49, v59;
	v59 =	vld [tilespmem:$0x1F970];
	_ =	sdelay $0x2  }
0x421: {  	[tilespmem:v63+s20+$0x0] =	vst.idx.msk $0xffff, v49;
	v63 =	vld [tilespmem:$0x1F980];
	_ =	sdelay $0x4  }
0x422: {  	v49 =	vld.idx.msk [tilespmem:v59+s31+$0x0], $0xffff  }
0x423: {  	v59 =	vld [tilespmem:$0x1F990];
	_ =	sdelay $0x1  }
0x424: {  	v50 =	vld.idx.msk [tilespmem:v63+s31+$0x0], $0xffff  }
0x425: {  	v63 =	vld [tilespmem:$0x1F9A0];
	_ =	sdelay $0x4  }
0x426: {  	v51 =	vld.idx.msk [tilespmem:v59+s31+$0x0], $0xffff;
	_ =	sdelay $0x2  }
0x427: {  	v49 =	vmul.f32 v45, v49;
	v50 =	vmul.f32 v46, v50;
	v59 =	vld.idx.msk [tilespmem:v63+s31+$0x0], $0xffff;
	_ =	sdelay $0x1  }
0x428: {  	v49 =	vadd.f32 v50, v49;
	v63 =	vmul.f32 v47, v51;
	_ =	sdelay $0x1  }
0x429: {  	v49 =	vadd.f32 v49, v63;
	v63 =	vld [tilespmem:$0x1F9B0]  }
0x42a: {  	v59 =	vmul.f32 v48, v59;
	_ =	sdelay $0x1  }
0x42b: {  	v49 =	vadd.f32 v49, v59;
	v59 =	vld [tilespmem:$0x1F9C0];
	_ =	sdelay $0x4  }
0x42c: {  	[tilespmem:v63+s20+$0x0] =	vst.idx.msk $0xffff, v49;
	v63 =	vld [tilespmem:$0x1F9D0];
	_ =	sdelay $0x2  }
0x42d: {  	v49 =	vld.idx.msk [tilespmem:v59+s31+$0x0], $0xffff  }
0x42e: {  	v59 =	vld [tilespmem:$0x1F9E0];
	_ =	sdelay $0x3  }
0x42f: {  	v50 =	vld.idx.msk [tilespmem:v63+s31+$0x0], $0xffff  }
0x430: {  	v63 =	vld [tilespmem:$0x1F9F0];
	_ =	sdelay $0x2  }
0x431: {  	v51 =	vld.idx.msk [tilespmem:v59+s31+$0x0], $0xffff;
	_ =	sdelay $0x2  }
0x432: {  	v49 =	vmul.f32 v49, v45;
	v50 =	vmul.f32 v50, v46;
	_ =	sdelay $0x1  }
0x433: {  	v49 =	vadd.f32 v50, v49;
	v59 =	vld.idx.msk [tilespmem:v63+s31+$0x0], $0xffff;
	v63 =	vmul.f32 v51, v47;
	_ =	sdelay $0x1  }
0x434: {  	v49 =	vadd.f32 v63, v49;
	v63 =	vld [tilespmem:$0x1FA00];
	_ =	sdelay $0x3  }
0x435: {  	v59 =	vmul.f32 v59, v48;
	_ =	sdelay $0x1  }
0x436: {  	v49 =	vadd.f32 v59, v49;
	v59 =	vld [tilespmem:$0x1FA10];
	_ =	sdelay $0x1  }
0x437: {  	[tilespmem:v63+s20+$0x0] =	vst.idx.msk $0xffff, v49;
	v63 =	vld [tilespmem:$0x1FA20];
	_ =	sdelay $0x5  }
0x438: {  	v49 =	vld.idx.msk [tilespmem:v59+s31+$0x0], $0xffff  }
0x439: {  	v59 =	vld [tilespmem:$0x1FA30]  }
0x43a: {  	v50 =	vld.idx.msk [tilespmem:v63+s31+$0x0], $0xffff  }
0x43b: {  	v63 =	vld [tilespmem:$0x1FA40];
	_ =	sdelay $0x6  }
0x43c: {  	v51 =	vld.idx.msk [tilespmem:v59+s31+$0x0], $0xffff  }
0x43d: {  	v59 =	vld.idx.msk [tilespmem:v63+s31+$0x0], $0xffff;
	_ =	sdelay $0x3  }
0x43e: {  	v45 =	vmul.f32 v49, v45;
	v46 =	vmul.f32 v50, v46  }
0x43f: {  	v50 =	vmul.f32 v51, v47;
	v51 =	vmul.f32 v59, v48;
	v59 =	vld [tilespmem:$0x1FA50];
	_ =	sdelay $0x1  }
0x440: {  	v45 =	vadd.f32 v46, v45;
	_ =	sdelay $0x1  }
0x441: {  	v45 =	vadd.f32 v50, v45;
	_ =	sdelay $0x1  }
0x442: {  	v45 =	vadd.f32 v51, v45;
	_ =	sdelay $0x1  }
0x443: {  	[tilespmem:v59+s20+$0x0] =	vst.idx.msk $0xffff, v45  }
0x444: {  	v45 =	vld [tilespmem:$0x14DC0];
	_ =	sdelay $0x3  }
0x445: {  	v46 =	vld [tilespmem:$0x14EC0]  }
0x446: {  	v45 =	vshll.u32 v45, $0x3  }
0x447: {  	v63 =	vor.u32 $0x1, v45  }
0x448: {  	v59 =	vor.u32 $0x2, v45  }
0x449: {  	v49 =	vor.u32 $0x3, v45  }
0x44a: {  	v46 =	vshll.u32 v46, $0x3  }
0x44b: {  	v50 =	vor.u32 $0x1, v46;
	v45 =	vld.idx.msk [tilespmem:v45+s5+$0x0], $0xffff  }
0x44c: {  	v51 =	vor.u32 $0x2, v46;
	v47 =	vld.idx.msk [tilespmem:v63+s5+$0x0], $0xffff  }
0x44d: {  	v48 =	vld.idx.msk [tilespmem:v59+s5+$0x0], $0xffff;
	v63 =	vor.u32 $0x3, v46  }
0x44e: {  	v49 =	vld.idx.msk [tilespmem:v49+s5+$0x0], $0xffff  }
0x44f: {  	v46 =	vld.idx.msk [tilespmem:v46+s5+$0x0], $0xffff  }
0x450: {  	v50 =	vld.idx.msk [tilespmem:v50+s5+$0x0], $0xffff  }
0x451: {  	v51 =	vld.idx.msk [tilespmem:v51+s5+$0x0], $0xffff  }
0x452: {  	v59 =	vld.idx.msk [tilespmem:v63+s5+$0x0], $0xffff;
	_ =	sdelay $0x3  }
0x453: {  	v45 =	vsub.f32 v45, v46;
	v46 =	vsub.f32 v47, v50  }
0x454: {  	v47 =	vsub.f32 v48, v51;
	v63 =	vsub.f32 v49, v59  }
0x455: {  	v45 =	vadd.f32 v45, v52;
	v46 =	vadd.f32 v46, v60  }
0x456: {  	v47 =	vadd.f32 v47, v61;
	v48 =	vadd.f32 v63, v62;
	_ =	sdelay $0x1  }
0x457: {  	v59 =	vmax.f32 v45, v46;
	v63 =	vmax.f32 v47, v48  }
0x458: {  	v49 =	vmax.f32 v59, v63  }
0x459: {  	v45 =	vsub.f32 v45, v49  }
0x45a: {  	v46 =	vsub.f32 v46, v49  }
0x45b: {  	v47 =	vsub.f32 v47, v49;
	v45 =	vmul.f32 $1.442695020e+00, v45  }
0x45c: {  	v48 =	vsub.f32 v48, v49;
	v46 =	vmul.f32 $1.442695020e+00, v46  }
0x45d: {  	v51 =	vmul.f32 $1.442695020e+00, v47;
	(erf) = vpow2.f32 v45  }
0x45e: {  	v59 =	vmul.f32 $1.442695020e+00, v48;
	(erf) = vpow2.f32 v46  }
0x45f: {  	(erf) = vpow2.f32 v51  }
0x460: {  	(erf) = vpow2.f32 v59;
	_ =	sdelay $0x5  }
0x461: {  	v45 =	vpop (erf)  }
0x462: {  	v46 =	vpop (erf)  }
0x463: {  	v47 =	vpop (erf)  }
0x464: {  	v48 =	vpop (erf)  }
0x465: {  	v63 =	vadd.f32 v46, v45;
	v59 =	vadd.f32 v48, v47;
	_ =	sdelay $0x1  }
0x466: {  	v49 =	vadd.f32 v59, v63;
	v63 =	vld [tilespmem:$0x1FA60];
	_ =	sdelay $0x7  }
0x467: {  	(erf) = vrcp.f32 v49;
	v49 =	vld.idx.msk [tilespmem:v63+s31+$0x0], $0xffff  }
0x468: {  	v63 =	vld [tilespmem:$0x1FA80];
	_ =	sdelay $0x4  }
0x469: {  	v59 =	vld [tilespmem:$0x1FA70];
	_ =	sdelay $0x2  }
0x46a: {  	v51 =	vld.idx.msk [tilespmem:v63+s31+$0x0], $0xffff  }
0x46b: {  	v63 =	vld [tilespmem:$0x1FA90];
	_ =	sdelay $0x3  }
0x46c: {  	v50 =	vld.idx.msk [tilespmem:v59+s31+$0x0], $0xffff;
	_ =	sdelay $0x1  }
0x46d: {  	v59 =	vpop (erf)  }
0x46e: {  	v45 =	vmul.f32 v59, v45;
	v46 =	vmul.f32 v59, v46  }
0x46f: {  	v47 =	vmul.f32 v59, v47;
	v63 =	vld.idx.msk [tilespmem:v63+s31+$0x0], $0xffff  }
0x470: {  	v49 =	vmul.f32 v45, v49;
	v50 =	vmul.f32 v46, v50;
	_ =	sdelay $0x1  }
0x471: {  	v48 =	vmul.f32 v59, v48;
	v49 =	vadd.f32 v50, v49;
	v59 =	vmul.f32 v47, v51;
	_ =	sdelay $0x1  }
0x472: {  	v49 =	vadd.f32 v49, v59;
	v59 =	vmul.f32 v48, v63;
	v63 =	vld [tilespmem:$0x1FAA0];
	_ =	sdelay $0x4  }
0x473: {  	v49 =	vadd.f32 v49, v59;
	v59 =	vld [tilespmem:$0x1FAB0];
	_ =	sdelay $0x2  }
0x474: {  	[tilespmem:v63+s20+$0x0] =	vst.idx.msk $0xffff, v49;
	v63 =	vld [tilespmem:$0x1FAC0];
	_ =	sdelay $0x4  }
0x475: {  	v49 =	vld.idx.msk [tilespmem:v59+s31+$0x0], $0xffff  }
0x476: {  	v59 =	vld [tilespmem:$0x1FAD0];
	_ =	sdelay $0x1  }
0x477: {  	v50 =	vld.idx.msk [tilespmem:v63+s31+$0x0], $0xffff  }
0x478: {  	v63 =	vld [tilespmem:$0x1FAE0];
	_ =	sdelay $0x4  }
0x479: {  	v51 =	vld.idx.msk [tilespmem:v59+s31+$0x0], $0xffff;
	_ =	sdelay $0x2  }
0x47a: {  	v49 =	vmul.f32 v45, v49;
	v50 =	vmul.f32 v46, v50;
	v59 =	vld.idx.msk [tilespmem:v63+s31+$0x0], $0xffff;
	_ =	sdelay $0x1  }
0x47b: {  	v49 =	vadd.f32 v50, v49;
	v63 =	vmul.f32 v47, v51;
	_ =	sdelay $0x1  }
0x47c: {  	v49 =	vadd.f32 v49, v63;
	v63 =	vld [tilespmem:$0x1FAF0]  }
0x47d: {  	v59 =	vmul.f32 v48, v59;
	_ =	sdelay $0x1  }
0x47e: {  	v49 =	vadd.f32 v49, v59;
	v59 =	vld [tilespmem:$0x1FB00];
	_ =	sdelay $0x4  }
0x47f: {  	[tilespmem:v63+s20+$0x0] =	vst.idx.msk $0xffff, v49;
	v63 =	vld [tilespmem:$0x1FB10];
	_ =	sdelay $0x2  }
0x480: {  	v49 =	vld.idx.msk [tilespmem:v59+s31+$0x0], $0xffff  }
0x481: {  	v59 =	vld [tilespmem:$0x1FB20];
	_ =	sdelay $0x3  }
0x482: {  	v50 =	vld.idx.msk [tilespmem:v63+s31+$0x0], $0xffff  }
0x483: {  	v63 =	vld [tilespmem:$0x1FB30];
	_ =	sdelay $0x2  }
0x484: {  	v51 =	vld.idx.msk [tilespmem:v59+s31+$0x0], $0xffff;
	_ =	sdelay $0x2  }
0x485: {  	v49 =	vmul.f32 v49, v45;
	v50 =	vmul.f32 v50, v46;
	_ =	sdelay $0x1  }
0x486: {  	v49 =	vadd.f32 v50, v49;
	v59 =	vld.idx.msk [tilespmem:v63+s31+$0x0], $0xffff;
	v63 =	vmul.f32 v51, v47;
	_ =	sdelay $0x1  }
0x487: {  	v49 =	vadd.f32 v63, v49;
	v63 =	vld [tilespmem:$0x1FB40];
	_ =	sdelay $0x3  }
0x488: {  	v59 =	vmul.f32 v59, v48;
	_ =	sdelay $0x1  }
0x489: {  	v49 =	vadd.f32 v59, v49;
	v59 =	vld [tilespmem:$0x1FB50];
	_ =	sdelay $0x1  }
0x48a: {  	[tilespmem:v63+s20+$0x0] =	vst.idx.msk $0xffff, v49;
	v63 =	vld [tilespmem:$0x1FB60];
	_ =	sdelay $0x5  }
0x48b: {  	v49 =	vld.idx.msk [tilespmem:v59+s31+$0x0], $0xffff  }
0x48c: {  	v59 =	vld [tilespmem:$0x1FB70]  }
0x48d: {  	v50 =	vld.idx.msk [tilespmem:v63+s31+$0x0], $0xffff  }
0x48e: {  	v63 =	vld [tilespmem:$0x1FB80];
	_ =	sdelay $0x6  }
0x48f: {  	v51 =	vld.idx.msk [tilespmem:v59+s31+$0x0], $0xffff  }
0x490: {  	v59 =	vld.idx.msk [tilespmem:v63+s31+$0x0], $0xffff;
	_ =	sdelay $0x3  }
0x491: {  	v45 =	vmul.f32 v49, v45;
	v46 =	vmul.f32 v50, v46  }
0x492: {  	v50 =	vmul.f32 v51, v47;
	v51 =	vmul.f32 v59, v48;
	v59 =	vld [tilespmem:$0x1FB90];
	_ =	sdelay $0x1  }
0x493: {  	v45 =	vadd.f32 v46, v45;
	_ =	sdelay $0x1  }
0x494: {  	v45 =	vadd.f32 v50, v45;
	_ =	sdelay $0x1  }
0x495: {  	v45 =	vadd.f32 v51, v45;
	_ =	sdelay $0x1  }
0x496: {  	[tilespmem:v59+s20+$0x0] =	vst.idx.msk $0xffff, v45  }
0x497: {  	v45 =	vld [tilespmem:$0x14DD0];
	_ =	sdelay $0x3  }
0x498: {  	v46 =	vld [tilespmem:$0x14ED0]  }
0x499: {  	v45 =	vshll.u32 v45, $0x3  }
0x49a: {  	v63 =	vor.u32 $0x1, v45  }
0x49b: {  	v59 =	vor.u32 $0x2, v45  }
0x49c: {  	v49 =	vor.u32 $0x3, v45  }
0x49d: {  	v46 =	vshll.u32 v46, $0x3  }
0x49e: {  	v50 =	vor.u32 $0x1, v46;
	v45 =	vld.idx.msk [tilespmem:v45+s5+$0x0], $0xffff  }
0x49f: {  	v51 =	vor.u32 $0x2, v46;
	v47 =	vld.idx.msk [tilespmem:v63+s5+$0x0], $0xffff  }
0x4a0: {  	v48 =	vld.idx.msk [tilespmem:v59+s5+$0x0], $0xffff;
	v63 =	vor.u32 $0x3, v46  }
0x4a1: {  	v49 =	vld.idx.msk [tilespmem:v49+s5+$0x0], $0xffff  }
0x4a2: {  	v46 =	vld.idx.msk [tilespmem:v46+s5+$0x0], $0xffff  }
0x4a3: {  	v50 =	vld.idx.msk [tilespmem:v50+s5+$0x0], $0xffff  }
0x4a4: {  	v51 =	vld.idx.msk [tilespmem:v51+s5+$0x0], $0xffff  }
0x4a5: {  	v59 =	vld.idx.msk [tilespmem:v63+s5+$0x0], $0xffff;
	_ =	sdelay $0x3  }
0x4a6: {  	v45 =	vsub.f32 v45, v46;
	v46 =	vsub.f32 v47, v50  }
0x4a7: {  	v47 =	vsub.f32 v48, v51;
	v63 =	vsub.f32 v49, v59  }
0x4a8: {  	v45 =	vadd.f32 v45, v52;
	v46 =	vadd.f32 v46, v60  }
0x4a9: {  	v47 =	vadd.f32 v47, v61;
	v48 =	vadd.f32 v63, v62;
	_ =	sdelay $0x1  }
0x4aa: {  	v59 =	vmax.f32 v45, v46;
	v63 =	vmax.f32 v47, v48  }
0x4ab: {  	v49 =	vmax.f32 v59, v63  }
0x4ac: {  	v45 =	vsub.f32 v45, v49  }
0x4ad: {  	v46 =	vsub.f32 v46, v49  }
0x4ae: {  	v47 =	vsub.f32 v47, v49;
	v45 =	vmul.f32 $1.442695020e+00, v45  }
0x4af: {  	v48 =	vsub.f32 v48, v49;
	v46 =	vmul.f32 $1.442695020e+00, v46  }
0x4b0: {  	v51 =	vmul.f32 $1.442695020e+00, v47;
	(erf) = vpow2.f32 v45  }
0x4b1: {  	v59 =	vmul.f32 $1.442695020e+00, v48;
	(erf) = vpow2.f32 v46  }
0x4b2: {  	(erf) = vpow2.f32 v51  }
0x4b3: {  	(erf) = vpow2.f32 v59;
	_ =	sdelay $0x5  }
0x4b4: {  	v45 =	vpop (erf)  }
0x4b5: {  	v46 =	vpop (erf)  }
0x4b6: {  	v47 =	vpop (erf)  }
0x4b7: {  	v48 =	vpop (erf)  }
0x4b8: {  	v63 =	vadd.f32 v46, v45;
	v59 =	vadd.f32 v48, v47;
	_ =	sdelay $0x1  }
0x4b9: {  	v49 =	vadd.f32 v59, v63;
	v63 =	vld [tilespmem:$0x1FBA0];
	_ =	sdelay $0x7  }
0x4ba: {  	(erf) = vrcp.f32 v49;
	v49 =	vld.idx.msk [tilespmem:v63+s31+$0x0], $0xffff  }
0x4bb: {  	v63 =	vld [tilespmem:$0x1FBC0];
	_ =	sdelay $0x4  }
0x4bc: {  	v59 =	vld [tilespmem:$0x1FBB0];
	_ =	sdelay $0x2  }
0x4bd: {  	v51 =	vld.idx.msk [tilespmem:v63+s31+$0x0], $0xffff  }
0x4be: {  	v63 =	vld [tilespmem:$0x1FBD0];
	_ =	sdelay $0x3  }
0x4bf: {  	v50 =	vld.idx.msk [tilespmem:v59+s31+$0x0], $0xffff;
	_ =	sdelay $0x1  }
0x4c0: {  	v59 =	vpop (erf)  }
0x4c1: {  	v45 =	vmul.f32 v59, v45;
	v46 =	vmul.f32 v59, v46  }
0x4c2: {  	v47 =	vmul.f32 v59, v47;
	v63 =	vld.idx.msk [tilespmem:v63+s31+$0x0], $0xffff  }
0x4c3: {  	v49 =	vmul.f32 v45, v49;
	v50 =	vmul.f32 v46, v50;
	_ =	sdelay $0x1  }
0x4c4: {  	v48 =	vmul.f32 v59, v48;
	v49 =	vadd.f32 v50, v49;
	v59 =	vmul.f32 v47, v51;
	_ =	sdelay $0x1  }
0x4c5: {  	v49 =	vadd.f32 v49, v59;
	v59 =	vmul.f32 v48, v63;
	v63 =	vmov v7;
	v7 =	vld [tilespmem:$0x1FBE0];
	_ =	sdelay $0x5  }
0x4c6: {  	v49 =	vadd.f32 v49, v59;
	_ =	sdelay $0x1  }
0x4c7: {  	[tilespmem:v7+s20+$0x0] =	vst.idx.msk $0xffff, v49;
	v7 =	vld [tilespmem:$0x1FBF0];
	_ =	sdelay $0x7  }
0x4c8: {  	v49 =	vld.idx.msk [tilespmem:v7+s31+$0x0], $0xffff  }
0x4c9: {  	v7 =	vld [tilespmem:$0x1FC00];
	_ =	sdelay $0x7  }
0x4ca: {  	v50 =	vld.idx.msk [tilespmem:v7+s31+$0x0], $0xffff  }
0x4cb: {  	v7 =	vld [tilespmem:$0x1FC10];
	_ =	sdelay $0x7  }
0x4cc: {  	v51 =	vld.idx.msk [tilespmem:v7+s31+$0x0], $0xffff  }
0x4cd: {  	v7 =	vld [tilespmem:$0x1FC20];
	_ =	sdelay $0x7  }
0x4ce: {  	v59 =	vld.idx.msk [tilespmem:v7+s31+$0x0], $0xffff  }
0x4cf: {  	v49 =	vmul.f32 v45, v49;
	v50 =	vmul.f32 v46, v50;
	v7 =	vld [tilespmem:$0x1FC30];
	_ =	sdelay $0x1  }
0x4d0: {  	v49 =	vadd.f32 v50, v49;
	v50 =	vmul.f32 v47, v51;
	_ =	sdelay $0x1  }
0x4d1: {  	v49 =	vadd.f32 v49, v50;
	v50 =	vmul.f32 v48, v59;
	_ =	sdelay $0x1  }
0x4d2: {  	v49 =	vadd.f32 v49, v50;
	_ =	sdelay $0x1  }
0x4d3: {  	[tilespmem:v7+s20+$0x0] =	vst.idx.msk $0xffff, v49;
	v7 =	vld [tilespmem:$0x1FC40];
	_ =	sdelay $0x7  }
0x4d4: {  	v49 =	vld.idx.msk [tilespmem:v7+s31+$0x0], $0xffff  }
0x4d5: {  	v7 =	vld [tilespmem:$0x1FC50];
	_ =	sdelay $0x7  }
0x4d6: {  	v50 =	vld.idx.msk [tilespmem:v7+s31+$0x0], $0xffff  }
0x4d7: {  	v7 =	vld [tilespmem:$0x1FC60];
	_ =	sdelay $0x7  }
0x4d8: {  	v51 =	vld.idx.msk [tilespmem:v7+s31+$0x0], $0xffff;
	_ =	sdelay $0x2  }
0x4d9: {  	v49 =	vmul.f32 v49, v45;
	v50 =	vmul.f32 v50, v46  }
0x4da: {  	v53 =	vld.idx.msk [tilespmem:v53+s31+$0x0], $0xffff  }
0x4db: {  	v49 =	vadd.f32 v50, v49;
	v50 =	vmul.f32 v51, v47;
	v51 =	vmov v1;
	v1 =	vld [tilespmem:$0x1FC70];
	_ =	sdelay $0x3  }
0x4dc: {  	v49 =	vadd.f32 v50, v49;
	v50 =	vmul.f32 v53, v48;
	_ =	sdelay $0x1  }
0x4dd: {  	v49 =	vadd.f32 v50, v49;
	_ =	sdelay $0x1  }
0x4de: {  	[tilespmem:v1+s20+$0x0] =	vst.idx.msk $0xffff, v49;
	v1 =	vld [tilespmem:$0x1FC80];
	_ =	sdelay $0x7  }
0x4df: {  	v49 =	vld.idx.msk [tilespmem:v1+s31+$0x0], $0xffff  }
0x4e0: {  	v1 =	vld [tilespmem:$0x1FC90];
	_ =	sdelay $0x7  }
0x4e1: {  	v50 =	vld.idx.msk [tilespmem:v1+s31+$0x0], $0xffff;
	_ =	sdelay $0x1  }
0x4e2: {  	v44 =	vld.idx.msk [tilespmem:v44+s31+$0x0], $0xffff;
	_ =	sdelay $0x1  }
0x4e3: {  	v42 =	vld.idx.msk [tilespmem:v42+s31+$0x0], $0xffff  }
0x4e4: {  	v45 =	vmul.f32 v49, v45;
	v46 =	vmul.f32 v50, v46;
	_ =	sdelay $0x1  }
0x4e5: {  	v44 =	vmul.f32 v44, v47;
	v45 =	vadd.f32 v46, v45;
	_ =	sdelay $0x1  }
0x4e6: {  	v42 =	vmul.f32 v42, v48;
	v44 =	vadd.f32 v44, v45;
	_ =	sdelay $0x1  }
0x4e7: {  	v42 =	vadd.f32 v42, v44;
	_ =	sdelay $0x1  }
0x4e8: {  	[tilespmem:v43+s20+$0x0] =	vst.idx.msk $0xffff, v42  }
0x4e9: {  	v42 =	vld [tilespmem:$0x14DE0];
	_ =	sdelay $0x3  }
0x4ea: {  	v43 =	vld [tilespmem:$0x14EE0]  }
0x4eb: {  	v42 =	vshll.u32 v42, $0x3  }
0x4ec: {  	v49 =	vor.u32 $0x1, v42  }
0x4ed: {  	v45 =	vor.u32 $0x2, v42  }
0x4ee: {  	v46 =	vor.u32 $0x3, v42  }
0x4ef: {  	v43 =	vshll.u32 v43, $0x3  }
0x4f0: {  	v47 =	vor.u32 $0x1, v43;
	v42 =	vld.idx.msk [tilespmem:v42+s5+$0x0], $0xffff  }
0x4f1: {  	v48 =	vor.u32 $0x2, v43;
	v44 =	vld.idx.msk [tilespmem:v49+s5+$0x0], $0xffff  }
0x4f2: {  	v45 =	vld.idx.msk [tilespmem:v45+s5+$0x0], $0xffff;
	v49 =	vor.u32 $0x3, v43  }
0x4f3: {  	v46 =	vld.idx.msk [tilespmem:v46+s5+$0x0], $0xffff  }
0x4f4: {  	v43 =	vld.idx.msk [tilespmem:v43+s5+$0x0], $0xffff  }
0x4f5: {  	v47 =	vld.idx.msk [tilespmem:v47+s5+$0x0], $0xffff  }
0x4f6: {  	v48 =	vld.idx.msk [tilespmem:v48+s5+$0x0], $0xffff  }
0x4f7: {  	v49 =	vld.idx.msk [tilespmem:v49+s5+$0x0], $0xffff;
	_ =	sdelay $0x3  }
0x4f8: {  	v42 =	vsub.f32 v42, v43;
	v43 =	vsub.f32 v44, v47  }
0x4f9: {  	v44 =	vsub.f32 v45, v48;
	v45 =	vsub.f32 v46, v49  }
0x4fa: {  	v42 =	vadd.f32 v42, v52;
	v43 =	vadd.f32 v43, v60  }
0x4fb: {  	v44 =	vadd.f32 v44, v61;
	v45 =	vadd.f32 v45, v62;
	_ =	sdelay $0x1  }
0x4fc: {  	v46 =	vmax.f32 v42, v43;
	v47 =	vmax.f32 v44, v45  }
0x4fd: {  	v46 =	vmax.f32 v46, v47  }
0x4fe: {  	v42 =	vsub.f32 v42, v46  }
0x4ff: {  	v43 =	vsub.f32 v43, v46  }
0x500: {  	v44 =	vsub.f32 v44, v46;
	v42 =	vmul.f32 $1.442695020e+00, v42  }
0x501: {  	v45 =	vsub.f32 v45, v46;
	v43 =	vmul.f32 $1.442695020e+00, v43  }
0x502: {  	v46 =	vmul.f32 $1.442695020e+00, v44;
	(erf) = vpow2.f32 v42  }
0x503: {  	v47 =	vmul.f32 $1.442695020e+00, v45;
	(erf) = vpow2.f32 v43  }
0x504: {  	(erf) = vpow2.f32 v46  }
0x505: {  	(erf) = vpow2.f32 v47;
	_ =	sdelay $0x5  }
0x506: {  	v42 =	vpop (erf)  }
0x507: {  	v43 =	vpop (erf)  }
0x508: {  	v44 =	vpop (erf)  }
0x509: {  	v45 =	vpop (erf)  }
0x50a: {  	v46 =	vadd.f32 v43, v42;
	v47 =	vadd.f32 v45, v44;
	_ =	sdelay $0x1  }
0x50b: {  	v46 =	vadd.f32 v47, v46;
	_ =	sdelay $0x1  }
0x50c: {  	(erf) = vrcp.f32 v46;
	_ =	sdelay $0x5  }
0x50d: {  	v38 =	vld.idx.msk [tilespmem:v38+s31+$0x0], $0xffff  }
0x50e: {  	v39 =	vld.idx.msk [tilespmem:v39+s31+$0x0], $0xffff;
	_ =	sdelay $0x1  }
0x50f: {  	v40 =	vld.idx.msk [tilespmem:v40+s31+$0x0], $0xffff;
	v46 =	vpop (erf)  }
0x510: {  	v42 =	vmul.f32 v46, v42;
	v43 =	vmul.f32 v46, v43  }
0x511: {  	v41 =	vld.idx.msk [tilespmem:v41+s31+$0x0], $0xffff;
	v44 =	vmul.f32 v46, v44  }
0x512: {  	v1 =	vld [tilespmem:$0x1FCA0];
	v38 =	vmul.f32 v42, v38;
	v39 =	vmul.f32 v43, v39;
	_ =	sdelay $0x1  }
0x513: {  	v45 =	vmul.f32 v46, v45;
	v38 =	vadd.f32 v39, v38;
	v39 =	vmul.f32 v44, v40;
	_ =	sdelay $0x1  }
0x514: {  	v38 =	vadd.f32 v38, v39;
	v39 =	vmul.f32 v45, v41;
	_ =	sdelay $0x1  }
0x515: {  	v38 =	vadd.f32 v38, v39;
	_ =	sdelay $0x1  }
0x516: {  	[tilespmem:v1+s20+$0x0] =	vst.idx.msk $0xffff, v38  }
0x517: {  	v36 =	vld.idx.msk [tilespmem:v36+s31+$0x0], $0xffff  }
0x518: {  	v35 =	vld.idx.msk [tilespmem:v35+s31+$0x0], $0xffff;
	_ =	sdelay $0x1  }
0x519: {  	v34 =	vld.idx.msk [tilespmem:v34+s31+$0x0], $0xffff;
	_ =	sdelay $0x1  }
0x51a: {  	v32 =	vld.idx.msk [tilespmem:v32+s31+$0x0], $0xffff  }
0x51b: {  	v1 =	vld [tilespmem:$0x1FCB0];
	v36 =	vmul.f32 v42, v36;
	v35 =	vmul.f32 v43, v35;
	_ =	sdelay $0x1  }
0x51c: {  	v34 =	vmul.f32 v44, v34;
	v35 =	vadd.f32 v35, v36;
	_ =	sdelay $0x1  }
0x51d: {  	v32 =	vmul.f32 v45, v32;
	v34 =	vadd.f32 v35, v34;
	_ =	sdelay $0x1  }
0x51e: {  	v32 =	vadd.f32 v34, v32;
	_ =	sdelay $0x1  }
0x51f: {  	[tilespmem:v1+s20+$0x0] =	vst.idx.msk $0xffff, v32  }
0x520: {  	v30 =	vld.idx.msk [tilespmem:v30+s31+$0x0], $0xffff  }
0x521: {  	v31 =	vld.idx.msk [tilespmem:v31+s31+$0x0], $0xffff;
	_ =	sdelay $0x1  }
0x522: {  	v29 =	vld.idx.msk [tilespmem:v29+s31+$0x0], $0xffff;
	_ =	sdelay $0x1  }
0x523: {  	v28 =	vld.idx.msk [tilespmem:v28+s31+$0x0], $0xffff  }
0x524: {  	v30 =	vmul.f32 v30, v42;
	v31 =	vmul.f32 v31, v43;
	_ =	sdelay $0x1  }
0x525: {  	v29 =	vmul.f32 v29, v44;
	v30 =	vadd.f32 v31, v30;
	_ =	sdelay $0x1  }
0x526: {  	v28 =	vmul.f32 v28, v45;
	v29 =	vadd.f32 v29, v30;
	_ =	sdelay $0x1  }
0x527: {  	v28 =	vadd.f32 v28, v29;
	_ =	sdelay $0x1  }
0x528: {  	[tilespmem:v27+s20+$0x0] =	vst.idx.msk $0xffff, v28  }
0x529: {  	v26 =	vld.idx.msk [tilespmem:v26+s31+$0x0], $0xffff  }
0x52a: {  	v25 =	vld.idx.msk [tilespmem:v25+s31+$0x0], $0xffff;
	_ =	sdelay $0x1  }
0x52b: {  	v24 =	vld.idx.msk [tilespmem:v24+s31+$0x0], $0xffff;
	_ =	sdelay $0x1  }
0x52c: {  	v22 =	vld.idx.msk [tilespmem:v22+s31+$0x0], $0xffff  }
0x52d: {  	v26 =	vmul.f32 v26, v42;
	v25 =	vmul.f32 v25, v43;
	_ =	sdelay $0x1  }
0x52e: {  	v24 =	vmul.f32 v24, v44;
	v25 =	vadd.f32 v25, v26;
	_ =	sdelay $0x1  }
0x52f: {  	v22 =	vmul.f32 v22, v45;
	v24 =	vadd.f32 v24, v25;
	_ =	sdelay $0x1  }
0x530: {  	v22 =	vadd.f32 v22, v24;
	_ =	sdelay $0x1  }
0x531: {  	[tilespmem:v23+s20+$0x0] =	vst.idx.msk $0xffff, v22  }
0x532: {  	v22 =	vld [tilespmem:$0x14DF0]  }
0x533: {  	v23 =	vld [tilespmem:$0x14EF0];
	_ =	sdelay $0x3  }
0x534: {  	v22 =	vshll.u32 v22, $0x3  }
0x535: {  	v23 =	vshll.u32 v23, $0x3  }
0x536: {  	v24 =	vor.u32 $0x1, v22  }
0x537: {  	v25 =	vor.u32 $0x2, v22  }
0x538: {  	v26 =	vor.u32 $0x3, v22  }
0x539: {  	v27 =	vor.u32 $0x1, v23;
	v22 =	vld.idx.msk [tilespmem:v22+s5+$0x0], $0xffff  }
0x53a: {  	v28 =	vor.u32 $0x2, v23;
	v29 =	vor.u32 $0x3, v23;
	v23 =	vld.idx.msk [tilespmem:v23+s5+$0x0], $0xffff  }
0x53b: {  	v24 =	vld.idx.msk [tilespmem:v24+s5+$0x0], $0xffff  }
0x53c: {  	v25 =	vld.idx.msk [tilespmem:v25+s5+$0x0], $0xffff  }
0x53d: {  	v26 =	vld.idx.msk [tilespmem:v26+s5+$0x0], $0xffff  }
0x53e: {  	v27 =	vld.idx.msk [tilespmem:v27+s5+$0x0], $0xffff  }
0x53f: {  	v28 =	vld.idx.msk [tilespmem:v28+s5+$0x0], $0xffff  }
0x540: {  	v29 =	vld.idx.msk [tilespmem:v29+s5+$0x0], $0xffff;
	_ =	sdelay $0x3  }
0x541: {  	v22 =	vsub.f32 v22, v23;
	v23 =	vsub.f32 v24, v27  }
0x542: {  	v24 =	vsub.f32 v25, v28;
	v25 =	vsub.f32 v26, v29  }
0x543: {  	v22 =	vadd.f32 v22, v52;
	v23 =	vadd.f32 v23, v60  }
0x544: {  	v24 =	vadd.f32 v24, v61;
	v25 =	vadd.f32 v25, v62;
	_ =	sdelay $0x1  }
0x545: {  	v26 =	vmax.f32 v22, v23;
	v27 =	vmax.f32 v24, v25  }
0x546: {  	v26 =	vmax.f32 v26, v27  }
0x547: {  	v22 =	vsub.f32 v22, v26  }
0x548: {  	v23 =	vsub.f32 v23, v26  }
0x549: {  	v24 =	vsub.f32 v24, v26;
	v22 =	vmul.f32 $1.442695020e+00, v22  }
0x54a: {  	v25 =	vsub.f32 v25, v26;
	v23 =	vmul.f32 $1.442695020e+00, v23  }
0x54b: {  	(erf) = vpow2.f32 v22;
	v22 =	vmul.f32 $1.442695020e+00, v24  }
0x54c: {  	(erf) = vpow2.f32 v23;
	v23 =	vmul.f32 $1.442695020e+00, v25  }
0x54d: {  	(erf) = vpow2.f32 v22  }
0x54e: {  	(erf) = vpow2.f32 v23;
	_ =	sdelay $0x5  }
0x54f: {  	v22 =	vpop (erf)  }
0x550: {  	v23 =	vpop (erf)  }
0x551: {  	v24 =	vpop (erf)  }
0x552: {  	v25 =	vpop (erf)  }
0x553: {  	v26 =	vadd.f32 v23, v22;
	v27 =	vadd.f32 v25, v24;
	_ =	sdelay $0x1  }
0x554: {  	v26 =	vadd.f32 v27, v26;
	_ =	sdelay $0x1  }
0x555: {  	(erf) = vrcp.f32 v26;
	_ =	sdelay $0x5  }
0x556: {  	v18 =	vld.idx.msk [tilespmem:v18+s31+$0x0], $0xffff  }
0x557: {  	v19 =	vld.idx.msk [tilespmem:v19+s31+$0x0], $0xffff;
	_ =	sdelay $0x1  }
0x558: {  	v20 =	vld.idx.msk [tilespmem:v20+s31+$0x0], $0xffff;
	v26 =	vpop (erf)  }
0x559: {  	v22 =	vmul.f32 v26, v22;
	v23 =	vmul.f32 v26, v23  }
0x55a: {  	v21 =	vld.idx.msk [tilespmem:v21+s31+$0x0], $0xffff;
	v24 =	vmul.f32 v26, v24  }
0x55b: {  	v1 =	vld [tilespmem:$0x1FCC0];
	v18 =	vmul.f32 v22, v18;
	v19 =	vmul.f32 v23, v19;
	_ =	sdelay $0x1  }
0x55c: {  	v25 =	vmul.f32 v26, v25;
	v18 =	vadd.f32 v19, v18;
	v19 =	vmul.f32 v24, v20;
	_ =	sdelay $0x1  }
0x55d: {  	v18 =	vadd.f32 v18, v19;
	v19 =	vmul.f32 v25, v21;
	_ =	sdelay $0x1  }
0x55e: {  	v18 =	vadd.f32 v18, v19;
	_ =	sdelay $0x1  }
0x55f: {  	[tilespmem:v1+s20+$0x0] =	vst.idx.msk $0xffff, v18;
	v1 =	vld [tilespmem:$0x1FCD0];
	_ =	sdelay $0x7  }
0x560: {  	v50 =	vmov v14;
	v14 =	vld.idx.msk [tilespmem:v1+s31+$0x0], $0xffff  }
0x561: {  	v1 =	vld [tilespmem:$0x1FCE0];
	_ =	sdelay $0x2  }
0x562: {  	v16 =	vld.idx.msk [tilespmem:v16+s31+$0x0], $0xffff  }
0x563: {  	v15 =	vld.idx.msk [tilespmem:v15+s31+$0x0], $0xffff;
	_ =	sdelay $0x3  }
0x564: {  	v49 =	vmov v12;
	v12 =	vld.idx.msk [tilespmem:v1+s31+$0x0], $0xffff  }
0x565: {  	v16 =	vmul.f32 v22, v16;
	v15 =	vmul.f32 v23, v15;
	v1 =	vld [tilespmem:$0x1FCF0];
	_ =	sdelay $0x1  }
0x566: {  	v15 =	vadd.f32 v15, v16;
	v14 =	vmul.f32 v24, v14;
	_ =	sdelay $0x1  }
0x567: {  	v14 =	vadd.f32 v15, v14;
	v12 =	vmul.f32 v25, v12;
	_ =	sdelay $0x1  }
0x568: {  	v12 =	vadd.f32 v14, v12;
	_ =	sdelay $0x1  }
0x569: {  	[tilespmem:v1+s20+$0x0] =	vst.idx.msk $0xffff, v12;
	v1 =	vld [tilespmem:$0x1FD00];
	_ =	sdelay $0x7  }
0x56a: {  	v59 =	vmov v10;
	v10 =	vld.idx.msk [tilespmem:v1+s31+$0x0], $0xffff  }
0x56b: {  	v1 =	vld [tilespmem:$0x1FD10];
	_ =	sdelay $0x7  }
0x56c: {  	v45 =	vmov v11;
	v11 =	vld.idx.msk [tilespmem:v1+s31+$0x0], $0xffff  }
0x56d: {  	v1 =	vld [tilespmem:$0x1FD20];
	_ =	sdelay $0x5  }
0x56e: {  	v9 =	vld.idx.msk [tilespmem:v9+s31+$0x0], $0xffff;
	_ =	sdelay $0x1  }
0x56f: {  	v46 =	vmov v8;
	v8 =	vld.idx.msk [tilespmem:v1+s31+$0x0], $0xffff  }
0x570: {  	v10 =	vmul.f32 v10, v22;
	v11 =	vmul.f32 v11, v23;
	v1 =	vld [tilespmem:$0x1FD30];
	_ =	sdelay $0x1  }
0x571: {  	v9 =	vmul.f32 v9, v24;
	v10 =	vadd.f32 v11, v10;
	_ =	sdelay $0x1  }
0x572: {  	v9 =	vadd.f32 v9, v10;
	v8 =	vmul.f32 v8, v25;
	_ =	sdelay $0x1  }
0x573: {  	v8 =	vadd.f32 v8, v9;
	_ =	sdelay $0x1  }
0x574: {  	[tilespmem:v1+s20+$0x0] =	vst.idx.msk $0xffff, v8;
	v1 =	vld [tilespmem:$0x1FD40];
	_ =	sdelay $0x6  }
0x575: {  	v2 =	vld [tilespmem:$0x1FD80]  }
0x576: {  	v47 =	vmov v6;
	v6 =	vld.idx.msk [tilespmem:v1+s31+$0x0], $0xffff  }
0x577: {  	v1 =	vld [tilespmem:$0x1FD50]  }
0x578: {  	v53 =	vld [tilespmem:$0x1FFF0]  }
0x579: {  	v40 =	vld [tilespmem:$0x1FF70]  }
0x57a: {  	v41 =	vld [tilespmem:$0x1FF80]  }
0x57b: {  	v39 =	vld [tilespmem:$0x1FF60]  }
0x57c: {  	v38 =	vld [tilespmem:$0x1FF50]  }
0x57d: {  	v36 =	vld [tilespmem:$0x1FF30]  }
0x57e: {  	v35 =	vld [tilespmem:$0x1FF20]  }
0x57f: {  	v5 =	vld.idx.msk [tilespmem:v1+s31+$0x0], $0xffff  }
0x580: {  	v1 =	vld [tilespmem:$0x1FD60]  }
0x581: {  	v34 =	vld [tilespmem:$0x1FF10]  }
0x582: {  	v32 =	vld [tilespmem:$0x1FEF0]  }
0x583: {  	v31 =	vld [tilespmem:$0x1FEE0]  }
0x584: {  	v30 =	vld [tilespmem:$0x1FED0]  }
0x585: {  	v42 =	vld [tilespmem:$0x1FF90]  }
0x586: {  	v43 =	vld [tilespmem:$0x1FFA0]  }
0x587: {  	v44 =	vld [tilespmem:$0x1FFB0]  }
0x588: {  	v48 =	vmov v3;
	v3 =	vld.idx.msk [tilespmem:v1+s31+$0x0], $0xffff  }
0x589: {  	v1 =	vld [tilespmem:$0x1FD70]  }
0x58a: {  	v28 =	vld [tilespmem:$0x1FEB0]  }
0x58b: {  	v29 =	vld [tilespmem:$0x1FEC0]  }
0x58c: {  	v27 =	vld [tilespmem:$0x1FEA0]  }
0x58d: {  	v26 =	vld [tilespmem:$0x1FE90]  }
0x58e: {  	v20 =	vld [tilespmem:$0x1FE30]  }
0x58f: {  	v21 =	vld [tilespmem:$0x1FE40]  }
0x590: {  	v19 =	vld [tilespmem:$0x1FE20]  }
0x591: {  	v1 =	vld.idx.msk [tilespmem:v1+s31+$0x0], $0xffff  }
0x592: {  	v18 =	vld [tilespmem:$0x1FE10];
	v6 =	vmul.f32 v6, v22;
	v5 =	vmul.f32 v5, v23  }
0x593: {  	v16 =	vld [tilespmem:$0x1FFC0]  }
0x594: {  	v15 =	vld [tilespmem:$0x1FF40];
	v5 =	vadd.f32 v5, v6;
	v3 =	vmul.f32 v3, v24  }
0x595: {  	v14 =	vld [tilespmem:$0x1FF00]  }
0x596: {  	v12 =	vld [tilespmem:$0x1FFD0];
	v3 =	vadd.f32 v3, v5;
	v1 =	vmul.f32 v1, v25  }
0x597: {  	v11 =	vld [tilespmem:$0x1FFE0]  }
0x598: {  	v10 =	vld [tilespmem:$0x1FE00];
	v1 =	vadd.f32 v1, v3  }
0x599: {  	v22 =	vld [tilespmem:$0x1FE50]  }
0x59a: {  	s9 =	smin.u32 s7, $0x4E;
	v23 =	vld [tilespmem:$0x1FE60];
	[tilespmem:v2+s20+$0x0] =	vst.idx.msk $0xffff, v1  }
0x59b: {  	v24 =	vld [tilespmem:$0x1FE70];
	[spmem:s4] =	stream.indirect.scatter.add.f32 [tilespmem:s20], [sflag:$0x5], $0x8, s29, s25, $0xb8  }
0x59c: {  	p1 =	sne.s32 s7, $0x50;
	s8 =	sadd.s32 s9, s15;
	v25 =	vld [tilespmem:$0x1FE80];
	_ =	swait.ge [sflag:s18], $0x400  }
.Ltmp0:
0x59d: {  	s8 =	sshll.u32 s8, $0x4;
	[sflag:s18] =	ssyncset.done $0x0;
	(pc) =	sbr.rel @p1 .LBB2_2-.Ltmp0, $4  }
0x59e: {  	s9 =	sadd.s32 s1, s8;
	[sflag:s18] =	ssyncadd.s32 $0xFFFFFC00  }
0x59f: {  	[tilespmem:s28], [sflag:$0x4] =	stream.linear.gather [hbm4b:s9+s5], $0x80, $0x38;
	[tilespmem:$0x162D0] =	vst v63  }
0x5a0: {  	s7 =	sadd.s32 $0x2, s7;
	s8 =	sadd.s32 s2, s8  }
0x5a1: {  	[tilespmem:s29], [sflag:$0x4] =	stream.linear.gather [hbm4b:s8+s5], $0x80, $0x38;
	[tilespmem:$0x162D0] =	vst v63  }
0x5a2: {  	_ =	swait.ge [sflag:s3], $0x800  }
0x5a3: {  	[sflag:s3] =	ssyncset.done $0x0  }
0x5a4: {  	[sflag:s3] =	ssyncadd.s32 $0xFFFFF800  }
0x5a5: {  	_ =	swait.ge [sflag:s30], $0x80  }
0x5a6: {  	[sflag:s30] =	ssyncset.done $0x0  }
0x5a7: {  	[sflag:s30] =	ssyncadd.s32 $0xFFFFFF80  }
0x5a8: {  	_ =	swait.ge [sflag:s30], $0x80  }
0x5a9: {  	[sflag:s30] =	ssyncset.done $0x0  }
0x5aa: {  	s6 =	sadd.s32 $0x1, s6;
	[sflag:s30] =	ssyncadd.s32 $0xFFFFFF80  }
0x5ab: {  	s7 =	simm.s32 @!p0 $0x1C05;
	p1 =	sne.s32 s6, s17;
	[bflag:$0x0] =	sbarrier.arrive $0xFFFF  }
0x5ac: {  	[hbm:s16], [sflag:s7] =	dma.local @!p0 [spmem:s21], $0x2720  }
.Ltmp1:
0x5ad: {  	_ = 	snop;
	(pc) =	sbr.rel @p1 .LBB2_1-.Ltmp1, $4  }
0x5ae: {  	s7 =	simm.s32 @!p0 $0x5  }
0x5af: {  	_ =	swait.ge @!p0 [sflag:s7], $0x2720  }
0x5b0: {  	[sflag:s7] =	ssyncset.done @!p0 $0x0  }
0x5b1: {  	[sflag:s7] =	ssyncadd.s32 @!p0 $0xFFFFD8E0  }
0x5b2: {  	_ =	sfence.sel $0x180000  }
0x5b3: {  	[bflag:$0x0] =	sbarrier.arrive $0xFFFF  }
0x5b4: {  	_ =	strace $0x90000047  }
0x5b5: {  	[bflag:$0x2] =	sbarrier.arrive $0xFFFF  }
0x5b6: {  	s0 =	rddreg [dreg:$0x5]  }
0x5b7: {  	s0 =	sadd.s32 @!p0 $0x100000, s0  }
0x5b8: {  	[sflag:s0] =	ssyncadd.tile.s32 @!p0 $0x1;
	_ =	shalt  }
.Lfunc_end2:
_tile_overlayer_lowered:
.L_overlay_start_2:
0x5b9: {  	(tag) =	ssettag $0x2  }
0x5ba: {  	s0 =	rddreg [dreg:$0x0];
	s2 =	stileid.u32  }
0x5bb: {  	s1 =	rddreg [dreg:$0x1];
	p0 =	sne.s32 s2, $0x0  }
0x5bc: {  	s3 =	rddreg [dreg:$0x2];
	[bflag:$0x3] =	sbarrier.arrive $0xFFFF;
	s2 =	simm.s32 @!p0 $0x1C05  }
0x5bd: {  	[timem:s3], [sflag:s2] =	dma.local @!p0 [hbm:s0], s1  }
0x5be: {  	s0 =	simm.s32 @!p0 $0x5  }
0x5bf: {  	_ =	swait.ge @!p0 [sflag:s0], s1  }
0x5c0: {  	s1 =	ssub.s32 @!p0 $0x0, s1;
	[sflag:s0] =	ssyncset.done @!p0 $0x0  }
0x5c1: {  	[sflag:s0] =	ssyncadd.s32 @!p0 s1  }
0x5c2: {  	[bflag:$0x3] =	sbarrier.arrive $0xFFFF  }
0x5c3: {  	_ =	shalt  }

</sc_bundles>
